<compile_context>
chip_gen: v7x
topology: tpu7x:2x2x1
jax: 0.10.2.dev20260603
libtpu: 0.0.44.dev20260713+nightly
codegen_flags: <defaults>
</compile_context>

<pallas_src>
import functools

import jax
import jax.numpy as jnp
from jax import lax
from jax.experimental import pallas as pl
from jax.experimental.pallas import tpu as pltpu
from jax.experimental.pallas import tpu_sc as plsc

RHO = 0.5
GAMMA = 0.9

_B = 16384
_N = 128
_D = 1000000
_NS = 16
_CH = _B // _NS
_NK = _CH // 128
_ROUNDS = 2
_DUMMY = _D
_ZW = 4096
_NZCH = _D // _ZW
_ZTAIL = _D - _NZCH * _ZW
_BM = 4096


def _tc_body(x_ref, nu_ref, loss_ref):
    x = x_ref[...]
    e = jnp.exp(x)
    t = e / (1.0 + RHO * e)
    m = jnp.mean(t, axis=-1, keepdims=True)
    nu_ref[...] = jnp.log(m)[:, 0]
    part = jnp.sum(jnp.log(1.0 + RHO * (e / m)))

    @pl.when(pl.program_id(0) == 0)
    def _():
        loss_ref[0, 0] = 0.0

    loss_ref[0, 0] += part


def _tc_dense(logits):
    grid = logits.shape[0] // _BM
    return pl.pallas_call(
        _tc_body,
        grid=(grid,),
        in_specs=[pl.BlockSpec((_BM, _N), lambda i: (i, 0))],
        out_specs=[
            pl.BlockSpec((_BM,), lambda i: (i,)),
            pl.BlockSpec((1, 1), lambda i: (0, 0),
                         memory_space=pltpu.SMEM),
        ],
        out_shape=[
            jax.ShapeDtypeStruct((logits.shape[0],), jnp.float32),
            jax.ShapeDtypeStruct((1, 1), jnp.float32),
        ],
    )(logits)


def _iota16():
    return lax.iota(jnp.int32, 16)


def _sc_winners_build():
    mesh = plsc.VectorSubcoreMesh(core_axis_name="c", subcore_axis_name="s")

    @functools.partial(
        pl.kernel,
        mesh=mesh,
        out_type=jax.ShapeDtypeStruct((_B,), jnp.int32),
        scratch_types=[
            pltpu.VMEM((_NK, 128), jnp.int32),
            pltpu.VMEM((_NK, 128), jnp.int32),
            pltpu.VMEM((_CH,), jnp.int32),
            pltpu.VMEM((_NK, 128), jnp.int32),
            pltpu.VMEM_SHARED((_D + 16,), jnp.int32),
            pltpu.SemaphoreType.DMA,
        ],
    )
    def sc_winners(idx_hbm, w_hbm,
                   idx_c, pos_c, pbuf, idx_eff, P, sem):
        c = lax.axis_index("c")
        s = lax.axis_index("s")
        on0 = c == 0
        base = s * _CH

        def fire_drain(copies):
            for cp in [cp() for cp in copies]:
                cp.wait()

        for j in range(_CH // 16):
            pos_c[j // 8, pl.ds((j % 8) * 16, 16)] = base + j * 16 + _iota16()

        @pl.when(on0)
        def _stage():
            fire_drain(
                [lambda k=k: pltpu.async_copy(
                    idx_hbm.at[pl.ds(base + 128 * k, 128)], idx_c.at[k], sem)
                 for k in range(_NK)])
            fire_drain([lambda k=k: pltpu.async_copy(
                pos_c.at[k], P.at[idx_c.at[k]], sem) for k in range(_NK)])

        plsc.subcore_barrier()

        def one_round(_r, carry):
            @pl.when(on0)
            def _():
                fire_drain([lambda k=k: pltpu.async_copy(
                    P.at[idx_c.at[k]], pbuf.at[pl.ds(128 * k, 128)], sem)
                    for k in range(_NK)])

            for j in range(_CH // 16):
                k, o = j // 8, (j % 8) * 16
                win = pos_c[k, pl.ds(o, 16)] > pbuf[pl.ds(j * 16, 16)]
                idx_eff[k, pl.ds(o, 16)] = jnp.where(
                    win, idx_c[k, pl.ds(o, 16)], _DUMMY + _iota16())

            @pl.when(on0)
            def _():
                fire_drain([lambda k=k: pltpu.async_copy(
                    pos_c.at[k], P.at[idx_eff.at[k]], sem)
                    for k in range(_NK)])

            plsc.subcore_barrier()
            return carry

        lax.fori_loop(0, _ROUNDS, one_round, None)

        @pl.when(on0)
        def _publish():
            fire_drain([lambda k=k: pltpu.async_copy(
                P.at[idx_c.at[k]], pbuf.at[pl.ds(128 * k, 128)], sem)
                for k in range(_NK)])
            pltpu.async_copy(pbuf, w_hbm.at[pl.ds(base, _CH)], sem).wait()

    return sc_winners


def _sc_finish_build():
    mesh = plsc.VectorSubcoreMesh(core_axis_name="c", subcore_axis_name="s")
    CHF = _B // 32
    NKF = CHF // 128

    @functools.partial(
        pl.kernel,
        mesh=mesh,
        out_type=(),
        scratch_types=[
            pltpu.VMEM((NKF, 128), jnp.int32),
            pltpu.VMEM((CHF,), jnp.int32),
            pltpu.VMEM((NKF, 128), jnp.float32),
            pltpu.SemaphoreType.DMA,
            pltpu.SemaphoreType.DMA,
            pltpu.SemaphoreType.DMA,
            pltpu.SemaphoreType.DMA,
        ],
    )
    def sc_finish(idx_hbm, w_hbm, nu_hbm, tbl_hbm,
                  idx_c, wbuf, val_c, sem_i, sem_w, sem_g, sem_s):
        c = lax.axis_index("c")
        s = lax.axis_index("s")
        base = (c * _NS + s) * CHF

        icps = [pltpu.async_copy(
            idx_hbm.at[pl.ds(base + 128 * k, 128)], idx_c.at[k], sem_i)
            for k in range(NKF)]
        wcp = pltpu.async_copy(w_hbm.at[pl.ds(base, CHF)], wbuf, sem_w)

        wcp.wait()
        gcps = [pltpu.async_copy(
            nu_hbm.at[wbuf.at[pl.ds(128 * k, 128)]], val_c.at[k], sem_g)
            for k in range(NKF)]
        for cp in icps:
            cp.wait()
        scps = []
        for k in range(NKF):
            gcps[k].wait()
            scps.append(pltpu.async_copy(
                val_c.at[k], tbl_hbm.at[idx_c.at[k]], sem_s))
        for cp in scps:
            cp.wait()

    return sc_finish


_SC_WINNERS = None
_SC_FINISH = None


def kernel(logits, indices, nu_table):
    global _SC_WINNERS, _SC_FINISH
    if _SC_WINNERS is None:
        _SC_WINNERS = _sc_winners_build()
        _SC_FINISH = _sc_finish_build()
    B, N = logits.shape
    D = nu_table.shape[0]
    idx32 = indices.astype(jnp.int32)
    winners = _SC_WINNERS(idx32)
    nu2, lsum = _tc_dense(logits)
    loss = lsum[0, 0] * (1.0 / (B * N * RHO))
    tref = jax.new_ref(jnp.zeros((D,), jnp.float32))
    _SC_FINISH(idx32, winners, nu2, tref)
    table = tref[...]
    g = jnp.float32(GAMMA)
    return (loss, table.reshape(D, 1), g, g)

# --- scband reference (transcript-rebuilt; emitter-appended) ---
"""Pipeline reference for scband-soft-plus-loss-52527450030583 (READ-ONLY COPY).

The authoritative reference and input builder live on the scoring server;
editing this copy changes nothing except your own understanding.
"""

import jax, jax.numpy as jnp
import numpy as np

DATA_SIZE = 1000000
GAMMA = 0.9
RHO = 0.5
BATCH = 16384
N_NEG = 128


def setup_inputs(seed: int = 0) -> dict:
    key = jax.random.key(seed)
    k1, k2 = jax.random.split(key)
    logits = jax.random.normal(k1, (BATCH, N_NEG), dtype=jnp.float32)
    indices = jax.random.randint(k2, (BATCH,), 0, DATA_SIZE)
    nu_table = jnp.zeros((DATA_SIZE, 1), dtype=jnp.float32)
    return {"logits": logits, "indices": indices, "nu_table": nu_table}


def reference(logits, indices, nu_table):
    gamma = GAMma if False else GAMMA
    rho = RHO
    # gather per-sample dual variable nu from the memory table
    nu = jnp.take(nu_table, indices, axis=0)  # [B, 1]
    bad = (nu == 0.0)  # rows never initialized
    # detached (stop-gradient) exponentials
    exp_logits_nu = jax.lax.stop_gradient(jnp.exp(logits - nu))
    exp_logits_mean = jnp.mean(exp_logits_nu / (1.0 + rho * exp_logits_nu), axis=-1, keepdims=True)  # [B, 1]
    grad_nu = 1.0 - exp_logits_mean
    nu_updated = nu - gamma * grad_nu
    # rows with uninitialized nu get a warm start
    nu_updated = jnp.where(bad, jnp.log(exp_logits_mean), nu_updated)
    nu_for_grad = jnp.where(bad, nu_updated, nu)
    # scatter-overwrite the updated duals back into the memory table
    new_nu_table = nu_table.at[indices].set(nu_updated)
    loss = jnp.mean(jnp.log(1.0 + rho * jnp.exp(logits - nu_for_grad))) / rho
    gamma_mean = jnp.asarray(gamma, dtype=jnp.float32)
    gamma_median = jnp.asarray(gamma, dtype=jnp.float32)
    return (loss, new_nu_table, gamma_mean, gamma_median)

if __name__ == "__main__":
    import jax
    _d = setup_inputs()
    print(jax.jit(kernel)(*tuple(_d.values())))

</pallas_src>

<mosaic_0001>
#map = affine_map<(d0, d1) -> (0)>
module attributes {stable_mosaic.version = 14 : i64} {
  func.func @sc_winners(%arg0: i32, %arg1: i32, %arg2: memref<16384xi32, #tpu.memory_space<hbm>>, %arg3: memref<16384xi32, #tpu.memory_space<hbm>>, %arg4: memref<8x128xi32, #tpu.memory_space<vmem>>, %arg5: memref<8x128xi32, #tpu.memory_space<vmem>>, %arg6: memref<1024xi32, #tpu.memory_space<vmem>>, %arg7: memref<8x128xi32, #tpu.memory_space<vmem>>, %arg8: memref<1000016xi32, #tpu.memory_space<vmem_shared>>, %arg9: memref<!tpu.dma_semaphore, #tpu.memory_space<semaphore_mem>>) attributes {dimension_semantics = [#tpu.dimension_semantics<core_parallel>, #tpu.dimension_semantics<subcore_parallel>], iteration_bounds = array<i64: 2, 16>, scalar_prefetch = 0 : i64, scratch_operands = 6 : i64, tpu.core_type = #tpu.core_type<sc_vector_subcore>, window_params = [{transform_indices = #map}, {transform_indices = #map}]} {
    %eq3A = arith.constant 0 : i32
    %eq3A_0 = arith.cmpi eq, %arg0, %eq3A : i32
    %mul3A = arith.constant 1024 : i32
    %mul3A_1 = arith.muli %arg1, %mul3A : i32
    %add3A = arith.constant 0 : i32
    %add3A_2 = arith.addi %mul3A_1, %add3A : i32
    %iota3A = tpu.iota {dimensions = array<i32: 0>} : vector<16xi32>
    %add3A_3 = vector.broadcast %add3A_2 : i32 to vector<16xi32>
    %add3A_4 = arith.addi %add3A_3, %iota3A : vector<16xi32>
    %swap3A = arith.constant 0 : i32
    %swap3A_5 = arith.index_cast %swap3A : i32 to index
    %swap3A_6 = arith.constant 0 : index
    %swap3A_7 = tpu.vector_load %arg5[%swap3A_5, %swap3A_6] {strides = array<i32>} : memref<8x128xi32, #tpu.memory_space<vmem>>, vector<1x16xi32>,
    %swap3A_8 = vector.shape_cast %swap3A_7 : vector<1x16xi32> to vector<16xi32>
    %swap3A_9 = vector.shape_cast %add3A_4 : vector<16xi32> to vector<1x16xi32>
    tpu.vector_store %arg5[%swap3A_5, %swap3A_6], %swap3A_9 {strides = array<i32>} : memref<8x128xi32, #tpu.memory_space<vmem>>, vector<1x16xi32>,
    %add3A_10 = arith.constant 16 : i32
    %add3A_11 = arith.addi %mul3A_1, %add3A_10 : i32
    %iota3A_12 = tpu.iota {dimensions = array<i32: 0>} : vector<16xi32>
    %add3A_13 = vector.broadcast %add3A_11 : i32 to vector<16xi32>
    %add3A_14 = arith.addi %add3A_13, %iota3A_12 : vector<16xi32>
    %swap3A_15 = arith.constant 0 : i32
    %swap3A_16 = arith.index_cast %swap3A_15 : i32 to index
    %swap3A_17 = arith.constant 16 : index
    %swap3A_18 = tpu.vector_load %arg5[%swap3A_16, %swap3A_17] {strides = array<i32>} : memref<8x128xi32, #tpu.memory_space<vmem>>, vector<1x16xi32>,
    %swap3A_19 = vector.shape_cast %swap3A_18 : vector<1x16xi32> to vector<16xi32>
    %swap3A_20 = vector.shape_cast %add3A_14 : vector<16xi32> to vector<1x16xi32>
    tpu.vector_store %arg5[%swap3A_16, %swap3A_17], %swap3A_20 {strides = array<i32>} : memref<8x128xi32, #tpu.memory_space<vmem>>, vector<1x16xi32>,
    %add3A_21 = arith.constant 32 : i32
    %add3A_22 = arith.addi %mul3A_1, %add3A_21 : i32
    %iota3A_23 = tpu.iota {dimensions = array<i32: 0>} : vector<16xi32>
    %add3A_24 = vector.broadcast %add3A_22 : i32 to vector<16xi32>
    %add3A_25 = arith.addi %add3A_24, %iota3A_23 : vector<16xi32>
    %swap3A_26 = arith.constant 0 : i32
    %swap3A_27 = arith.index_cast %swap3A_26 : i32 to index
    %swap3A_28 = arith.constant 32 : index
    %swap3A_29 = tpu.vector_load %arg5[%swap3A_27, %swap3A_28] {strides = array<i32>} : memref<8x128xi32, #tpu.memory_space<vmem>>, vector<1x16xi32>,
    %swap3A_30 = vector.shape_cast %swap3A_29 : vector<1x16xi32> to vector<16xi32>
    %swap3A_31 = vector.shape_cast %add3A_25 : vector<16xi32> to vector<1x16xi32>
    tpu.vector_store %arg5[%swap3A_27, %swap3A_28], %swap3A_31 {strides = array<i32>} : memref<8x128xi32, #tpu.memory_space<vmem>>, vector<1x16xi32>,
    %add3A_32 = arith.constant 48 : i32
    %add3A_33 = arith.addi %mul3A_1, %add3A_32 : i32
    %iota3A_34 = tpu.iota {dimensions = array<i32: 0>} : vector<16xi32>
    %add3A_35 = vector.broadcast %add3A_33 : i32 to vector<16xi32>
    %add3A_36 = arith.addi %add3A_35, %iota3A_34 : vector<16xi32>
    %swap3A_37 = arith.constant 0 : i32
    %swap3A_38 = arith.index_cast %swap3A_37 : i32 to index
    %swap3A_39 = arith.constant 48 : index
    %swap3A_40 = tpu.vector_load %arg5[%swap3A_38, %swap3A_39] {strides = array<i32>} : memref<8x128xi32, #tpu.memory_space<vmem>>, vector<1x16xi32>,
    %swap3A_41 = vector.shape_cast %swap3A_40 : vector<1x16xi32> to vector<16xi32>
    %swap3A_42 = vector.shape_cast %add3A_36 : vector<16xi32> to vector<1x16xi32>
    tpu.vector_store %arg5[%swap3A_38, %swap3A_39], %swap3A_42 {strides = array<i32>} : memref<8x128xi32, #tpu.memory_space<vmem>>, vector<1x16xi32>,
    %add3A_43 = arith.constant 64 : i32
    %add3A_44 = arith.addi %mul3A_1, %add3A_43 : i32
    %iota3A_45 = tpu.iota {dimensions = array<i32: 0>} : vector<16xi32>
    %add3A_46 = vector.broadcast %add3A_44 : i32 to vector<16xi32>
    %add3A_47 = arith.addi %add3A_46, %iota3A_45 : vector<16xi32>
    %swap3A_48 = arith.constant 0 : i32
    %swap3A_49 = arith.index_cast %swap3A_48 : i32 to index
    %swap3A_50 = arith.constant 64 : index
    %swap3A_51 = tpu.vector_load %arg5[%swap3A_49, %swap3A_50] {strides = array<i32>} : memref<8x128xi32, #tpu.memory_space<vmem>>, vector<1x16xi32>,
    %swap3A_52 = vector.shape_cast %swap3A_51 : vector<1x16xi32> to vector<16xi32>
    %swap3A_53 = vector.shape_cast %add3A_47 : vector<16xi32> to vector<1x16xi32>
    tpu.vector_store %arg5[%swap3A_49, %swap3A_50], %swap3A_53 {strides = array<i32>} : memref<8x128xi32, #tpu.memory_space<vmem>>, vector<1x16xi32>,
    %add3A_54 = arith.constant 80 : i32
    %add3A_55 = arith.addi %mul3A_1, %add3A_54 : i32
    %iota3A_56 = tpu.iota {dimensions = array<i32: 0>} : vector<16xi32>
    %add3A_57 = vector.broadcast %add3A_55 : i32 to vector<16xi32>
    %add3A_58 = arith.addi %add3A_57, %iota3A_56 : vector<16xi32>
    %swap3A_59 = arith.constant 0 : i32
    %swap3A_60 = arith.index_cast %swap3A_59 : i32 to index
    %swap3A_61 = arith.constant 80 : index
    %swap3A_62 = tpu.vector_load %arg5[%swap3A_60, %swap3A_61] {strides = array<i32>} : memref<8x128xi32, #tpu.memory_space<vmem>>, vector<1x16xi32>,
    %swap3A_63 = vector.shape_cast %swap3A_62 : vector<1x16xi32> to vector<16xi32>
    %swap3A_64 = vector.shape_cast %add3A_58 : vector<16xi32> to vector<1x16xi32>
    tpu.vector_store %arg5[%swap3A_60, %swap3A_61], %swap3A_64 {strides = array<i32>} : memref<8x128xi32, #tpu.memory_space<vmem>>, vector<1x16xi32>,
    %add3A_65 = arith.constant 96 : i32
    %add3A_66 = arith.addi %mul3A_1, %add3A_65 : i32
    %iota3A_67 = tpu.iota {dimensions = array<i32: 0>} : vector<16xi32>
    %add3A_68 = vector.broadcast %add3A_66 : i32 to vector<16xi32>
    %add3A_69 = arith.addi %add3A_68, %iota3A_67 : vector<16xi32>
    %swap3A_70 = arith.constant 0 : i32
    %swap3A_71 = arith.index_cast %swap3A_70 : i32 to index
    %swap3A_72 = arith.constant 96 : index
    %swap3A_73 = tpu.vector_load %arg5[%swap3A_71, %swap3A_72] {strides = array<i32>} : memref<8x128xi32, #tpu.memory_space<vmem>>, vector<1x16xi32>,
    %swap3A_74 = vector.shape_cast %swap3A_73 : vector<1x16xi32> to vector<16xi32>
    %swap3A_75 = vector.shape_cast %add3A_69 : vector<16xi32> to vector<1x16xi32>
    tpu.vector_store %arg5[%swap3A_71, %swap3A_72], %swap3A_75 {strides = array<i32>} : memref<8x128xi32, #tpu.memory_space<vmem>>, vector<1x16xi32>,
    %add3A_76 = arith.constant 112 : i32
    %add3A_77 = arith.addi %mul3A_1, %add3A_76 : i32
    %iota3A_78 = tpu.iota {dimensions = array<i32: 0>} : vector<16xi32>
    %add3A_79 = vector.broadcast %add3A_77 : i32 to vector<16xi32>
    %add3A_80 = arith.addi %add3A_79, %iota3A_78 : vector<16xi32>
    %swap3A_81 = arith.constant 0 : i32
    %swap3A_82 = arith.index_cast %swap3A_81 : i32 to index
    %swap3A_83 = arith.constant 112 : index
    %swap3A_84 = tpu.vector_load %arg5[%swap3A_82, %swap3A_83] {strides = array<i32>} : memref<8x128xi32, #tpu.memory_space<vmem>>, vector<1x16xi32>,
    %swap3A_85 = vector.shape_cast %swap3A_84 : vector<1x16xi32> to vector<16xi32>
    %swap3A_86 = vector.shape_cast %add3A_80 : vector<16xi32> to vector<1x16xi32>
    tpu.vector_store %arg5[%swap3A_82, %swap3A_83], %swap3A_86 {strides = array<i32>} : memref<8x128xi32, #tpu.memory_space<vmem>>, vector<1x16xi32>,
    %add3A_87 = arith.constant 128 : i32
    %add3A_88 = arith.addi %mul3A_1, %add3A_87 : i32
    %iota3A_89 = tpu.iota {dimensions = array<i32: 0>} : vector<16xi32>
    %add3A_90 = vector.broadcast %add3A_88 : i32 to vector<16xi32>
    %add3A_91 = arith.addi %add3A_90, %iota3A_89 : vector<16xi32>
    %swap3A_92 = arith.constant 1 : i32
    %swap3A_93 = arith.index_cast %swap3A_92 : i32 to index
    %swap3A_94 = arith.constant 0 : index
    %swap3A_95 = tpu.vector_load %arg5[%swap3A_93, %swap3A_94] {strides = array<i32>} : memref<8x128xi32, #tpu.memory_space<vmem>>, vector<1x16xi32>,
    %swap3A_96 = vector.shape_cast %swap3A_95 : vector<1x16xi32> to vector<16xi32>
    %swap3A_97 = vector.shape_cast %add3A_91 : vector<16xi32> to vector<1x16xi32>
    tpu.vector_store %arg5[%swap3A_93, %swap3A_94], %swap3A_97 {strides = array<i32>} : memref<8x128xi32, #tpu.memory_space<vmem>>, vector<1x16xi32>,
    %add3A_98 = arith.constant 144 : i32
    %add3A_99 = arith.addi %mul3A_1, %add3A_98 : i32
    %iota3A_100 = tpu.iota {dimensions = array<i32: 0>} : vector<16xi32>
    %add3A_101 = vector.broadcast %add3A_99 : i32 to vector<16xi32>
    %add3A_102 = arith.addi %add3A_101, %iota3A_100 : vector<16xi32>
    %swap3A_103 = arith.constant 1 : i32
    %swap3A_104 = arith.index_cast %swap3A_103 : i32 to index
    %swap3A_105 = arith.constant 16 : index
    %swap3A_106 = tpu.vector_load %arg5[%swap3A_104, %swap3A_105] {strides = array<i32>} : memref<8x128xi32, #tpu.memory_space<vmem>>, vector<1x16xi32>,
    %swap3A_107 = vector.shape_cast %swap3A_106 : vector<1x16xi32> to vector<16xi32>
    %swap3A_108 = vector.shape_cast %add3A_102 : vector<16xi32> to vector<1x16xi32>
    tpu.vector_store %arg5[%swap3A_104, %swap3A_105], %swap3A_108 {strides = array<i32>} : memref<8x128xi32, #tpu.memory_space<vmem>>, vector<1x16xi32>,
    %add3A_109 = arith.constant 160 : i32
    %add3A_110 = arith.addi %mul3A_1, %add3A_109 : i32
    %iota3A_111 = tpu.iota {dimensions = array<i32: 0>} : vector<16xi32>
    %add3A_112 = vector.broadcast %add3A_110 : i32 to vector<16xi32>
    %add3A_113 = arith.addi %add3A_112, %iota3A_111 : vector<16xi32>
    %swap3A_114 = arith.constant 1 : i32
    %swap3A_115 = arith.index_cast %swap3A_114 : i32 to index
    %swap3A_116 = arith.constant 32 : index
    %swap3A_117 = tpu.vector_load %arg5[%swap3A_115, %swap3A_116] {strides = array<i32>} : memref<8x128xi32, #tpu.memory_space<vmem>>, vector<1x16xi32>,
    %swap3A_118 = vector.shape_cast %swap3A_117 : vector<1x16xi32> to vector<16xi32>
    %swap3A_119 = vector.shape_cast %add3A_113 : vector<16xi32> to vector<1x16xi32>
    tpu.vector_store %arg5[%swap3A_115, %swap3A_116], %swap3A_119 {strides = array<i32>} : memref<8x128xi32, #tpu.memory_space<vmem>>, vector<1x16xi32>,
    %add3A_120 = arith.constant 176 : i32
    %add3A_121 = arith.addi %mul3A_1, %add3A_120 : i32
    %iota3A_122 = tpu.iota {dimensions = array<i32: 0>} : vector<16xi32>
    %add3A_123 = vector.broadcast %add3A_121 : i32 to vector<16xi32>
    %add3A_124 = arith.addi %add3A_123, %iota3A_122 : vector<16xi32>
    %swap3A_125 = arith.constant 1 : i32
    %swap3A_126 = arith.index_cast %swap3A_125 : i32 to index
    %swap3A_127 = arith.constant 48 : index
    %swap3A_128 = tpu.vector_load %arg5[%swap3A_126, %swap3A_127] {strides = array<i32>} : memref<8x128xi32, #tpu.memory_space<vmem>>, vector<1x16xi32>,
    %swap3A_129 = vector.shape_cast %swap3A_128 : vector<1x16xi32> to vector<16xi32>
    %swap3A_130 = vector.shape_cast %add3A_124 : vector<16xi32> to vector<1x16xi32>
    tpu.vector_store %arg5[%swap3A_126, %swap3A_127], %swap3A_130 {strides = array<i32>} : memref<8x128xi32, #tpu.memory_space<vmem>>, vector<1x16xi32>,
    %add3A_131 = arith.constant 192 : i32
    %add3A_132 = arith.addi %mul3A_1, %add3A_131 : i32
    %iota3A_133 = tpu.iota {dimensions = array<i32: 0>} : vector<16xi32>
    %add3A_134 = vector.broadcast %add3A_132 : i32 to vector<16xi32>
    %add3A_135 = arith.addi %add3A_134, %iota3A_133 : vector<16xi32>
    %swap3A_136 = arith.constant 1 : i32
    %swap3A_137 = arith.index_cast %swap3A_136 : i32 to index
    %swap3A_138 = arith.constant 64 : index
    %swap3A_139 = tpu.vector_load %arg5[%swap3A_137, %swap3A_138] {strides = array<i32>} : memref<8x128xi32, #tpu.memory_space<vmem>>, vector<1x16xi32>,
    %swap3A_140 = vector.shape_cast %swap3A_139 : vector<1x16xi32> to vector<16xi32>
    %swap3A_141 = vector.shape_cast %add3A_135 : vector<16xi32> to vector<1x16xi32>
    tpu.vector_store %arg5[%swap3A_137, %swap3A_138], %swap3A_141 {strides = array<i32>} : memref<8x128xi32, #tpu.memory_space<vmem>>, vector<1x16xi32>,
    %add3A_142 = arith.constant 208 : i32
    %add3A_143 = arith.addi %mul3A_1, %add3A_142 : i32
    %iota3A_144 = tpu.iota {dimensions = array<i32: 0>} : vector<16xi32>
    %add3A_145 = vector.broadcast %add3A_143 : i32 to vector<16xi32>
    %add3A_146 = arith.addi %add3A_145, %iota3A_144 : vector<16xi32>
    %swap3A_147 = arith.constant 1 : i32
    %swap3A_148 = arith.index_cast %swap3A_147 : i32 to index
    %swap3A_149 = arith.constant 80 : index
    %swap3A_150 = tpu.vector_load %arg5[%swap3A_148, %swap3A_149] {strides = array<i32>} : memref<8x128xi32, #tpu.memory_space<vmem>>, vector<1x16xi32>,
    %swap3A_151 = vector.shape_cast %swap3A_150 : vector<1x16xi32> to vector<16xi32>
    %swap3A_152 = vector.shape_cast %add3A_146 : vector<16xi32> to vector<1x16xi32>
    tpu.vector_store %arg5[%swap3A_148, %swap3A_149], %swap3A_152 {strides = array<i32>} : memref<8x128xi32, #tpu.memory_space<vmem>>, vector<1x16xi32>,
    %add3A_153 = arith.constant 224 : i32
    %add3A_154 = arith.addi %mul3A_1, %add3A_153 : i32
    %iota3A_155 = tpu.iota {dimensions = array<i32: 0>} : vector<16xi32>
    %add3A_156 = vector.broadcast %add3A_154 : i32 to vector<16xi32>
    %add3A_157 = arith.addi %add3A_156, %iota3A_155 : vector<16xi32>
    %swap3A_158 = arith.constant 1 : i32
    %swap3A_159 = arith.index_cast %swap3A_158 : i32 to index
    %swap3A_160 = arith.constant 96 : index
    %swap3A_161 = tpu.vector_load %arg5[%swap3A_159, %swap3A_160] {strides = array<i32>} : memref<8x128xi32, #tpu.memory_space<vmem>>, vector<1x16xi32>,
    %swap3A_162 = vector.shape_cast %swap3A_161 : vector<1x16xi32> to vector<16xi32>
    %swap3A_163 = vector.shape_cast %add3A_157 : vector<16xi32> to vector<1x16xi32>
    tpu.vector_store %arg5[%swap3A_159, %swap3A_160], %swap3A_163 {strides = array<i32>} : memref<8x128xi32, #tpu.memory_space<vmem>>, vector<1x16xi32>,
    %add3A_164 = arith.constant 240 : i32
    %add3A_165 = arith.addi %mul3A_1, %add3A_164 : i32
    %iota3A_166 = tpu.iota {dimensions = array<i32: 0>} : vector<16xi32>
    %add3A_167 = vector.broadcast %add3A_165 : i32 to vector<16xi32>
    %add3A_168 = arith.addi %add3A_167, %iota3A_166 : vector<16xi32>
    %swap3A_169 = arith.constant 1 : i32
    %swap3A_170 = arith.index_cast %swap3A_169 : i32 to index
    %swap3A_171 = arith.constant 112 : index
    %swap3A_172 = tpu.vector_load %arg5[%swap3A_170, %swap3A_171] {strides = array<i32>} : memref<8x128xi32, #tpu.memory_space<vmem>>, vector<1x16xi32>,
    %swap3A_173 = vector.shape_cast %swap3A_172 : vector<1x16xi32> to vector<16xi32>
    %swap3A_174 = vector.shape_cast %add3A_168 : vector<16xi32> to vector<1x16xi32>
    tpu.vector_store %arg5[%swap3A_170, %swap3A_171], %swap3A_174 {strides = array<i32>} : memref<8x128xi32, #tpu.memory_space<vmem>>, vector<1x16xi32>,
    %add3A_175 = arith.constant 256 : i32
    %add3A_176 = arith.addi %mul3A_1, %add3A_175 : i32
    %iota3A_177 = tpu.iota {dimensions = array<i32: 0>} : vector<16xi32>
    %add3A_178 = vector.broadcast %add3A_176 : i32 to vector<16xi32>
    %add3A_179 = arith.addi %add3A_178, %iota3A_177 : vector<16xi32>
    %swap3A_180 = arith.constant 2 : i32
    %swap3A_181 = arith.index_cast %swap3A_180 : i32 to index
    %swap3A_182 = arith.constant 0 : index
    %swap3A_183 = tpu.vector_load %arg5[%swap3A_181, %swap3A_182] {strides = array<i32>} : memref<8x128xi32, #tpu.memory_space<vmem>>, vector<1x16xi32>,
    %swap3A_184 = vector.shape_cast %swap3A_183 : vector<1x16xi32> to vector<16xi32>
    %swap3A_185 = vector.shape_cast %add3A_179 : vector<16xi32> to vector<1x16xi32>
    tpu.vector_store %arg5[%swap3A_181, %swap3A_182], %swap3A_185 {strides = array<i32>} : memref<8x128xi32, #tpu.memory_space<vmem>>, vector<1x16xi32>,
    %add3A_186 = arith.constant 272 : i32
    %add3A_187 = arith.addi %mul3A_1, %add3A_186 : i32
    %iota3A_188 = tpu.iota {dimensions = array<i32: 0>} : vector<16xi32>
    %add3A_189 = vector.broadcast %add3A_187 : i32 to vector<16xi32>
    %add3A_190 = arith.addi %add3A_189, %iota3A_188 : vector<16xi32>
    %swap3A_191 = arith.constant 2 : i32
    %swap3A_192 = arith.index_cast %swap3A_191 : i32 to index
    %swap3A_193 = arith.constant 16 : index
    %swap3A_194 = tpu.vector_load %arg5[%swap3A_192, %swap3A_193] {strides = array<i32>} : memref<8x128xi32, #tpu.memory_space<vmem>>, vector<1x16xi32>,
    %swap3A_195 = vector.shape_cast %swap3A_194 : vector<1x16xi32> to vector<16xi32>
    %swap3A_196 = vector.shape_cast %add3A_190 : vector<16xi32> to vector<1x16xi32>
    tpu.vector_store %arg5[%swap3A_192, %swap3A_193], %swap3A_196 {strides = array<i32>} : memref<8x128xi32, #tpu.memory_space<vmem>>, vector<1x16xi32>,
    %add3A_197 = arith.constant 288 : i32
    %add3A_198 = arith.addi %mul3A_1, %add3A_197 : i32
    %iota3A_199 = tpu.iota {dimensions = array<i32: 0>} : vector<16xi32>
    %add3A_200 = vector.broadcast %add3A_198 : i32 to vector<16xi32>
    %add3A_201 = arith.addi %add3A_200, %iota3A_199 : vector<16xi32>
    %swap3A_202 = arith.constant 2 : i32
    %swap3A_203 = arith.index_cast %swap3A_202 : i32 to index
    %swap3A_204 = arith.constant 32 : index
    %swap3A_205 = tpu.vector_load %arg5[%swap3A_203, %swap3A_204] {strides = array<i32>} : memref<8x128xi32, #tpu.memory_space<vmem>>, vector<1x16xi32>,
    %swap3A_206 = vector.shape_cast %swap3A_205 : vector<1x16xi32> to vector<16xi32>
    %swap3A_207 = vector.shape_cast %add3A_201 : vector<16xi32> to vector<1x16xi32>
    tpu.vector_store %arg5[%swap3A_203, %swap3A_204], %swap3A_207 {strides = array<i32>} : memref<8x128xi32, #tpu.memory_space<vmem>>, vector<1x16xi32>,
    %add3A_208 = arith.constant 304 : i32
    %add3A_209 = arith.addi %mul3A_1, %add3A_208 : i32
    %iota3A_210 = tpu.iota {dimensions = array<i32: 0>} : vector<16xi32>
    %add3A_211 = vector.broadcast %add3A_209 : i32 to vector<16xi32>
    %add3A_212 = arith.addi %add3A_211, %iota3A_210 : vector<16xi32>
    %swap3A_213 = arith.constant 2 : i32
    %swap3A_214 = arith.index_cast %swap3A_213 : i32 to index
    %swap3A_215 = arith.constant 48 : index
    %swap3A_216 = tpu.vector_load %arg5[%swap3A_214, %swap3A_215] {strides = array<i32>} : memref<8x128xi32, #tpu.memory_space<vmem>>, vector<1x16xi32>,
    %swap3A_217 = vector.shape_cast %swap3A_216 : vector<1x16xi32> to vector<16xi32>
    %swap3A_218 = vector.shape_cast %add3A_212 : vector<16xi32> to vector<1x16xi32>
    tpu.vector_store %arg5[%swap3A_214, %swap3A_215], %swap3A_218 {strides = array<i32>} : memref<8x128xi32, #tpu.memory_space<vmem>>, vector<1x16xi32>,
    %add3A_219 = arith.constant 320 : i32
    %add3A_220 = arith.addi %mul3A_1, %add3A_219 : i32
    %iota3A_221 = tpu.iota {dimensions = array<i32: 0>} : vector<16xi32>
    %add3A_222 = vector.broadcast %add3A_220 : i32 to vector<16xi32>
    %add3A_223 = arith.addi %add3A_222, %iota3A_221 : vector<16xi32>
    %swap3A_224 = arith.constant 2 : i32
    %swap3A_225 = arith.index_cast %swap3A_224 : i32 to index
    %swap3A_226 = arith.constant 64 : index
    %swap3A_227 = tpu.vector_load %arg5[%swap3A_225, %swap3A_226] {strides = array<i32>} : memref<8x128xi32, #tpu.memory_space<vmem>>, vector<1x16xi32>,
    %swap3A_228 = vector.shape_cast %swap3A_227 : vector<1x16xi32> to vector<16xi32>
    %swap3A_229 = vector.shape_cast %add3A_223 : vector<16xi32> to vector<1x16xi32>
    tpu.vector_store %arg5[%swap3A_225, %swap3A_226], %swap3A_229 {strides = array<i32>} : memref<8x128xi32, #tpu.memory_space<vmem>>, vector<1x16xi32>,
    %add3A_230 = arith.constant 336 : i32
    %add3A_231 = arith.addi %mul3A_1, %add3A_230 : i32
    %iota3A_232 = tpu.iota {dimensions = array<i32: 0>} : vector<16xi32>
    %add3A_233 = vector.broadcast %add3A_231 : i32 to vector<16xi32>
    %add3A_234 = arith.addi %add3A_233, %iota3A_232 : vector<16xi32>
    %swap3A_235 = arith.constant 2 : i32
    %swap3A_236 = arith.index_cast %swap3A_235 : i32 to index
    %swap3A_237 = arith.constant 80 : index
    %swap3A_238 = tpu.vector_load %arg5[%swap3A_236, %swap3A_237] {strides = array<i32>} : memref<8x128xi32, #tpu.memory_space<vmem>>, vector<1x16xi32>,
    %swap3A_239 = vector.shape_cast %swap3A_238 : vector<1x16xi32> to vector<16xi32>
    %swap3A_240 = vector.shape_cast %add3A_234 : vector<16xi32> to vector<1x16xi32>
    tpu.vector_store %arg5[%swap3A_236, %swap3A_237], %swap3A_240 {strides = array<i32>} : memref<8x128xi32, #tpu.memory_space<vmem>>, vector<1x16xi32>,
    %add3A_241 = arith.constant 352 : i32
    %add3A_242 = arith.addi %mul3A_1, %add3A_241 : i32
    %iota3A_243 = tpu.iota {dimensions = array<i32: 0>} : vector<16xi32>
    %add3A_244 = vector.broadcast %add3A_242 : i32 to vector<16xi32>
    %add3A_245 = arith.addi %add3A_244, %iota3A_243 : vector<16xi32>
    %swap3A_246 = arith.constant 2 : i32
    %swap3A_247 = arith.index_cast %swap3A_246 : i32 to index
    %swap3A_248 = arith.constant 96 : index
    %swap3A_249 = tpu.vector_load %arg5[%swap3A_247, %swap3A_248] {strides = array<i32>} : memref<8x128xi32, #tpu.memory_space<vmem>>, vector<1x16xi32>,
    %swap3A_250 = vector.shape_cast %swap3A_249 : vector<1x16xi32> to vector<16xi32>
    %swap3A_251 = vector.shape_cast %add3A_245 : vector<16xi32> to vector<1x16xi32>
    tpu.vector_store %arg5[%swap3A_247, %swap3A_248], %swap3A_251 {strides = array<i32>} : memref<8x128xi32, #tpu.memory_space<vmem>>, vector<1x16xi32>,
    %add3A_252 = arith.constant 368 : i32
    %add3A_253 = arith.addi %mul3A_1, %add3A_252 : i32
    %iota3A_254 = tpu.iota {dimensions = array<i32: 0>} : vector<16xi32>
    %add3A_255 = vector.broadcast %add3A_253 : i32 to vector<16xi32>
    %add3A_256 = arith.addi %add3A_255, %iota3A_254 : vector<16xi32>
    %swap3A_257 = arith.constant 2 : i32
    %swap3A_258 = arith.index_cast %swap3A_257 : i32 to index
    %swap3A_259 = arith.constant 112 : index
    %swap3A_260 = tpu.vector_load %arg5[%swap3A_258, %swap3A_259] {strides = array<i32>} : memref<8x128xi32, #tpu.memory_space<vmem>>, vector<1x16xi32>,
    %swap3A_261 = vector.shape_cast %swap3A_260 : vector<1x16xi32> to vector<16xi32>
    %swap3A_262 = vector.shape_cast %add3A_256 : vector<16xi32> to vector<1x16xi32>
    tpu.vector_store %arg5[%swap3A_258, %swap3A_259], %swap3A_262 {strides = array<i32>} : memref<8x128xi32, #tpu.memory_space<vmem>>, vector<1x16xi32>,
    %add3A_263 = arith.constant 384 : i32
    %add3A_264 = arith.addi %mul3A_1, %add3A_263 : i32
    %iota3A_265 = tpu.iota {dimensions = array<i32: 0>} : vector<16xi32>
    %add3A_266 = vector.broadcast %add3A_264 : i32 to vector<16xi32>
    %add3A_267 = arith.addi %add3A_266, %iota3A_265 : vector<16xi32>
    %swap3A_268 = arith.constant 3 : i32
    %swap3A_269 = arith.index_cast %swap3A_268 : i32 to index
    %swap3A_270 = arith.constant 0 : index
    %swap3A_271 = tpu.vector_load %arg5[%swap3A_269, %swap3A_270] {strides = array<i32>} : memref<8x128xi32, #tpu.memory_space<vmem>>, vector<1x16xi32>,
    %swap3A_272 = vector.shape_cast %swap3A_271 : vector<1x16xi32> to vector<16xi32>
    %swap3A_273 = vector.shape_cast %add3A_267 : vector<16xi32> to vector<1x16xi32>
    tpu.vector_store %arg5[%swap3A_269, %swap3A_270], %swap3A_273 {strides = array<i32>} : memref<8x128xi32, #tpu.memory_space<vmem>>, vector<1x16xi32>,
    %add3A_274 = arith.constant 400 : i32
    %add3A_275 = arith.addi %mul3A_1, %add3A_274 : i32
    %iota3A_276 = tpu.iota {dimensions = array<i32: 0>} : vector<16xi32>
    %add3A_277 = vector.broadcast %add3A_275 : i32 to vector<16xi32>
    %add3A_278 = arith.addi %add3A_277, %iota3A_276 : vector<16xi32>
    %swap3A_279 = arith.constant 3 : i32
    %swap3A_280 = arith.index_cast %swap3A_279 : i32 to index
    %swap3A_281 = arith.constant 16 : index
    %swap3A_282 = tpu.vector_load %arg5[%swap3A_280, %swap3A_281] {strides = array<i32>} : memref<8x128xi32, #tpu.memory_space<vmem>>, vector<1x16xi32>,
    %swap3A_283 = vector.shape_cast %swap3A_282 : vector<1x16xi32> to vector<16xi32>
    %swap3A_284 = vector.shape_cast %add3A_278 : vector<16xi32> to vector<1x16xi32>
    tpu.vector_store %arg5[%swap3A_280, %swap3A_281], %swap3A_284 {strides = array<i32>} : memref<8x128xi32, #tpu.memory_space<vmem>>, vector<1x16xi32>,
    %add3A_285 = arith.constant 416 : i32
    %add3A_286 = arith.addi %mul3A_1, %add3A_285 : i32
    %iota3A_287 = tpu.iota {dimensions = array<i32: 0>} : vector<16xi32>
    %add3A_288 = vector.broadcast %add3A_286 : i32 to vector<16xi32>
    %add3A_289 = arith.addi %add3A_288, %iota3A_287 : vector<16xi32>
    %swap3A_290 = arith.constant 3 : i32
    %swap3A_291 = arith.index_cast %swap3A_290 : i32 to index
    %swap3A_292 = arith.constant 32 : index
    %swap3A_293 = tpu.vector_load %arg5[%swap3A_291, %swap3A_292] {strides = array<i32>} : memref<8x128xi32, #tpu.memory_space<vmem>>, vector<1x16xi32>,
    %swap3A_294 = vector.shape_cast %swap3A_293 : vector<1x16xi32> to vector<16xi32>
    %swap3A_295 = vector.shape_cast %add3A_289 : vector<16xi32> to vector<1x16xi32>
    tpu.vector_store %arg5[%swap3A_291, %swap3A_292], %swap3A_295 {strides = array<i32>} : memref<8x128xi32, #tpu.memory_space<vmem>>, vector<1x16xi32>,
    %add3A_296 = arith.constant 432 : i32
    %add3A_297 = arith.addi %mul3A_1, %add3A_296 : i32
    %iota3A_298 = tpu.iota {dimensions = array<i32: 0>} : vector<16xi32>
    %add3A_299 = vector.broadcast %add3A_297 : i32 to vector<16xi32>
    %add3A_300 = arith.addi %add3A_299, %iota3A_298 : vector<16xi32>
    %swap3A_301 = arith.constant 3 : i32
    %swap3A_302 = arith.index_cast %swap3A_301 : i32 to index
    %swap3A_303 = arith.constant 48 : index
    %swap3A_304 = tpu.vector_load %arg5[%swap3A_302, %swap3A_303] {strides = array<i32>} : memref<8x128xi32, #tpu.memory_space<vmem>>, vector<1x16xi32>,
    %swap3A_305 = vector.shape_cast %swap3A_304 : vector<1x16xi32> to vector<16xi32>
    %swap3A_306 = vector.shape_cast %add3A_300 : vector<16xi32> to vector<1x16xi32>
    tpu.vector_store %arg5[%swap3A_302, %swap3A_303], %swap3A_306 {strides = array<i32>} : memref<8x128xi32, #tpu.memory_space<vmem>>, vector<1x16xi32>,
    %add3A_307 = arith.constant 448 : i32
    %add3A_308 = arith.addi %mul3A_1, %add3A_307 : i32
    %iota3A_309 = tpu.iota {dimensions = array<i32: 0>} : vector<16xi32>
    %add3A_310 = vector.broadcast %add3A_308 : i32 to vector<16xi32>
    %add3A_311 = arith.addi %add3A_310, %iota3A_309 : vector<16xi32>
    %swap3A_312 = arith.constant 3 : i32
    %swap3A_313 = arith.index_cast %swap3A_312 : i32 to index
    %swap3A_314 = arith.constant 64 : index
    %swap3A_315 = tpu.vector_load %arg5[%swap3A_313, %swap3A_314] {strides = array<i32>} : memref<8x128xi32, #tpu.memory_space<vmem>>, vector<1x16xi32>,
    %swap3A_316 = vector.shape_cast %swap3A_315 : vector<1x16xi32> to vector<16xi32>
    %swap3A_317 = vector.shape_cast %add3A_311 : vector<16xi32> to vector<1x16xi32>
    tpu.vector_store %arg5[%swap3A_313, %swap3A_314], %swap3A_317 {strides = array<i32>} : memref<8x128xi32, #tpu.memory_space<vmem>>, vector<1x16xi32>,
    %add3A_318 = arith.constant 464 : i32
    %add3A_319 = arith.addi %mul3A_1, %add3A_318 : i32
    %iota3A_320 = tpu.iota {dimensions = array<i32: 0>} : vector<16xi32>
    %add3A_321 = vector.broadcast %add3A_319 : i32 to vector<16xi32>
    %add3A_322 = arith.addi %add3A_321, %iota3A_320 : vector<16xi32>
    %swap3A_323 = arith.constant 3 : i32
    %swap3A_324 = arith.index_cast %swap3A_323 : i32 to index
    %swap3A_325 = arith.constant 80 : index
    %swap3A_326 = tpu.vector_load %arg5[%swap3A_324, %swap3A_325] {strides = array<i32>} : memref<8x128xi32, #tpu.memory_space<vmem>>, vector<1x16xi32>,
    %swap3A_327 = vector.shape_cast %swap3A_326 : vector<1x16xi32> to vector<16xi32>
    %swap3A_328 = vector.shape_cast %add3A_322 : vector<16xi32> to vector<1x16xi32>
    tpu.vector_store %arg5[%swap3A_324, %swap3A_325], %swap3A_328 {strides = array<i32>} : memref<8x128xi32, #tpu.memory_space<vmem>>, vector<1x16xi32>,
    %add3A_329 = arith.constant 480 : i32
    %add3A_330 = arith.addi %mul3A_1, %add3A_329 : i32
    %iota3A_331 = tpu.iota {dimensions = array<i32: 0>} : vector<16xi32>
    %add3A_332 = vector.broadcast %add3A_330 : i32 to vector<16xi32>
    %add3A_333 = arith.addi %add3A_332, %iota3A_331 : vector<16xi32>
    %swap3A_334 = arith.constant 3 : i32
    %swap3A_335 = arith.index_cast %swap3A_334 : i32 to index
    %swap3A_336 = arith.constant 96 : index
    %swap3A_337 = tpu.vector_load %arg5[%swap3A_335, %swap3A_336] {strides = array<i32>} : memref<8x128xi32, #tpu.memory_space<vmem>>, vector<1x16xi32>,
    %swap3A_338 = vector.shape_cast %swap3A_337 : vector<1x16xi32> to vector<16xi32>
    %swap3A_339 = vector.shape_cast %add3A_333 : vector<16xi32> to vector<1x16xi32>
    tpu.vector_store %arg5[%swap3A_335, %swap3A_336], %swap3A_339 {strides = array<i32>} : memref<8x128xi32, #tpu.memory_space<vmem>>, vector<1x16xi32>,
    %add3A_340 = arith.constant 496 : i32
    %add3A_341 = arith.addi %mul3A_1, %add3A_340 : i32
    %iota3A_342 = tpu.iota {dimensions = array<i32: 0>} : vector<16xi32>
    %add3A_343 = vector.broadcast %add3A_341 : i32 to vector<16xi32>
    %add3A_344 = arith.addi %add3A_343, %iota3A_342 : vector<16xi32>
    %swap3A_345 = arith.constant 3 : i32
    %swap3A_346 = arith.index_cast %swap3A_345 : i32 to index
    %swap3A_347 = arith.constant 112 : index
    %swap3A_348 = tpu.vector_load %arg5[%swap3A_346, %swap3A_347] {strides = array<i32>} : memref<8x128xi32, #tpu.memory_space<vmem>>, vector<1x16xi32>,
    %swap3A_349 = vector.shape_cast %swap3A_348 : vector<1x16xi32> to vector<16xi32>
    %swap3A_350 = vector.shape_cast %add3A_344 : vector<16xi32> to vector<1x16xi32>
    tpu.vector_store %arg5[%swap3A_346, %swap3A_347], %swap3A_350 {strides = array<i32>} : memref<8x128xi32, #tpu.memory_space<vmem>>, vector<1x16xi32>,
    %add3A_351 = arith.constant 512 : i32
    %add3A_352 = arith.addi %mul3A_1, %add3A_351 : i32
    %iota3A_353 = tpu.iota {dimensions = array<i32: 0>} : vector<16xi32>
    %add3A_354 = vector.broadcast %add3A_352 : i32 to vector<16xi32>
    %add3A_355 = arith.addi %add3A_354, %iota3A_353 : vector<16xi32>
    %swap3A_356 = arith.constant 4 : i32
    %swap3A_357 = arith.index_cast %swap3A_356 : i32 to index
    %swap3A_358 = arith.constant 0 : index
    %swap3A_359 = tpu.vector_load %arg5[%swap3A_357, %swap3A_358] {strides = array<i32>} : memref<8x128xi32, #tpu.memory_space<vmem>>, vector<1x16xi32>,
    %swap3A_360 = vector.shape_cast %swap3A_359 : vector<1x16xi32> to vector<16xi32>
    %swap3A_361 = vector.shape_cast %add3A_355 : vector<16xi32> to vector<1x16xi32>
    tpu.vector_store %arg5[%swap3A_357, %swap3A_358], %swap3A_361 {strides = array<i32>} : memref<8x128xi32, #tpu.memory_space<vmem>>, vector<1x16xi32>,
    %add3A_362 = arith.constant 528 : i32
    %add3A_363 = arith.addi %mul3A_1, %add3A_362 : i32
    %iota3A_364 = tpu.iota {dimensions = array<i32: 0>} : vector<16xi32>
    %add3A_365 = vector.broadcast %add3A_363 : i32 to vector<16xi32>
    %add3A_366 = arith.addi %add3A_365, %iota3A_364 : vector<16xi32>
    %swap3A_367 = arith.constant 4 : i32
    %swap3A_368 = arith.index_cast %swap3A_367 : i32 to index
    %swap3A_369 = arith.constant 16 : index
    %swap3A_370 = tpu.vector_load %arg5[%swap3A_368, %swap3A_369] {strides = array<i32>} : memref<8x128xi32, #tpu.memory_space<vmem>>, vector<1x16xi32>,
    %swap3A_371 = vector.shape_cast %swap3A_370 : vector<1x16xi32> to vector<16xi32>
    %swap3A_372 = vector.shape_cast %add3A_366 : vector<16xi32> to vector<1x16xi32>
    tpu.vector_store %arg5[%swap3A_368, %swap3A_369], %swap3A_372 {strides = array<i32>} : memref<8x128xi32, #tpu.memory_space<vmem>>, vector<1x16xi32>,
    %add3A_373 = arith.constant 544 : i32
    %add3A_374 = arith.addi %mul3A_1, %add3A_373 : i32
    %iota3A_375 = tpu.iota {dimensions = array<i32: 0>} : vector<16xi32>
    %add3A_376 = vector.broadcast %add3A_374 : i32 to vector<16xi32>
    %add3A_377 = arith.addi %add3A_376, %iota3A_375 : vector<16xi32>
    %swap3A_378 = arith.constant 4 : i32
    %swap3A_379 = arith.index_cast %swap3A_378 : i32 to index
    %swap3A_380 = arith.constant 32 : index
    %swap3A_381 = tpu.vector_load %arg5[%swap3A_379, %swap3A_380] {strides = array<i32>} : memref<8x128xi32, #tpu.memory_space<vmem>>, vector<1x16xi32>,
    %swap3A_382 = vector.shape_cast %swap3A_381 : vector<1x16xi32> to vector<16xi32>
    %swap3A_383 = vector.shape_cast %add3A_377 : vector<16xi32> to vector<1x16xi32>
    tpu.vector_store %arg5[%swap3A_379, %swap3A_380], %swap3A_383 {strides = array<i32>} : memref<8x128xi32, #tpu.memory_space<vmem>>, vector<1x16xi32>,
    %add3A_384 = arith.constant 560 : i32
    %add3A_385 = arith.addi %mul3A_1, %add3A_384 : i32
    %iota3A_386 = tpu.iota {dimensions = array<i32: 0>} : vector<16xi32>
    %add3A_387 = vector.broadcast %add3A_385 : i32 to vector<16xi32>
    %add3A_388 = arith.addi %add3A_387, %iota3A_386 : vector<16xi32>
    %swap3A_389 = arith.constant 4 : i32
    %swap3A_390 = arith.index_cast %swap3A_389 : i32 to index
    %swap3A_391 = arith.constant 48 : index
    %swap3A_392 = tpu.vector_load %arg5[%swap3A_390, %swap3A_391] {strides = array<i32>} : memref<8x128xi32, #tpu.memory_space<vmem>>, vector<1x16xi32>,
    %swap3A_393 = vector.shape_cast %swap3A_392 : vector<1x16xi32> to vector<16xi32>
    %swap3A_394 = vector.shape_cast %add3A_388 : vector<16xi32> to vector<1x16xi32>
    tpu.vector_store %arg5[%swap3A_390, %swap3A_391], %swap3A_394 {strides = array<i32>} : memref<8x128xi32, #tpu.memory_space<vmem>>, vector<1x16xi32>,
    %add3A_395 = arith.constant 576 : i32
    %add3A_396 = arith.addi %mul3A_1, %add3A_395 : i32
    %iota3A_397 = tpu.iota {dimensions = array<i32: 0>} : vector<16xi32>
    %add3A_398 = vector.broadcast %add3A_396 : i32 to vector<16xi32>
    %add3A_399 = arith.addi %add3A_398, %iota3A_397 : vector<16xi32>
    %swap3A_400 = arith.constant 4 : i32
    %swap3A_401 = arith.index_cast %swap3A_400 : i32 to index
    %swap3A_402 = arith.constant 64 : index
    %swap3A_403 = tpu.vector_load %arg5[%swap3A_401, %swap3A_402] {strides = array<i32>} : memref<8x128xi32, #tpu.memory_space<vmem>>, vector<1x16xi32>,
    %swap3A_404 = vector.shape_cast %swap3A_403 : vector<1x16xi32> to vector<16xi32>
    %swap3A_405 = vector.shape_cast %add3A_399 : vector<16xi32> to vector<1x16xi32>
    tpu.vector_store %arg5[%swap3A_401, %swap3A_402], %swap3A_405 {strides = array<i32>} : memref<8x128xi32, #tpu.memory_space<vmem>>, vector<1x16xi32>,
    %add3A_406 = arith.constant 592 : i32
    %add3A_407 = arith.addi %mul3A_1, %add3A_406 : i32
    %iota3A_408 = tpu.iota {dimensions = array<i32: 0>} : vector<16xi32>
    %add3A_409 = vector.broadcast %add3A_407 : i32 to vector<16xi32>
    %add3A_410 = arith.addi %add3A_409, %iota3A_408 : vector<16xi32>
    %swap3A_411 = arith.constant 4 : i32
    %swap3A_412 = arith.index_cast %swap3A_411 : i32 to index
    %swap3A_413 = arith.constant 80 : index
    %swap3A_414 = tpu.vector_load %arg5[%swap3A_412, %swap3A_413] {strides = array<i32>} : memref<8x128xi32, #tpu.memory_space<vmem>>, vector<1x16xi32>,
    %swap3A_415 = vector.shape_cast %swap3A_414 : vector<1x16xi32> to vector<16xi32>
    %swap3A_416 = vector.shape_cast %add3A_410 : vector<16xi32> to vector<1x16xi32>
    tpu.vector_store %arg5[%swap3A_412, %swap3A_413], %swap3A_416 {strides = array<i32>} : memref<8x128xi32, #tpu.memory_space<vmem>>, vector<1x16xi32>,
    %add3A_417 = arith.constant 608 : i32
    %add3A_418 = arith.addi %mul3A_1, %add3A_417 : i32
    %iota3A_419 = tpu.iota {dimensions = array<i32: 0>} : vector<16xi32>
    %add3A_420 = vector.broadcast %add3A_418 : i32 to vector<16xi32>
    %add3A_421 = arith.addi %add3A_420, %iota3A_419 : vector<16xi32>
    %swap3A_422 = arith.constant 4 : i32
    %swap3A_423 = arith.index_cast %swap3A_422 : i32 to index
    %swap3A_424 = arith.constant 96 : index
    %swap3A_425 = tpu.vector_load %arg5[%swap3A_423, %swap3A_424] {strides = array<i32>} : memref<8x128xi32, #tpu.memory_space<vmem>>, vector<1x16xi32>,
    %swap3A_426 = vector.shape_cast %swap3A_425 : vector<1x16xi32> to vector<16xi32>
    %swap3A_427 = vector.shape_cast %add3A_421 : vector<16xi32> to vector<1x16xi32>
    tpu.vector_store %arg5[%swap3A_423, %swap3A_424], %swap3A_427 {strides = array<i32>} : memref<8x128xi32, #tpu.memory_space<vmem>>, vector<1x16xi32>,
    %add3A_428 = arith.constant 624 : i32
    %add3A_429 = arith.addi %mul3A_1, %add3A_428 : i32
    %iota3A_430 = tpu.iota {dimensions = array<i32: 0>} : vector<16xi32>
    %add3A_431 = vector.broadcast %add3A_429 : i32 to vector<16xi32>
    %add3A_432 = arith.addi %add3A_431, %iota3A_430 : vector<16xi32>
    %swap3A_433 = arith.constant 4 : i32
    %swap3A_434 = arith.index_cast %swap3A_433 : i32 to index
    %swap3A_435 = arith.constant 112 : index
    %swap3A_436 = tpu.vector_load %arg5[%swap3A_434, %swap3A_435] {strides = array<i32>} : memref<8x128xi32, #tpu.memory_space<vmem>>, vector<1x16xi32>,
    %swap3A_437 = vector.shape_cast %swap3A_436 : vector<1x16xi32> to vector<16xi32>
    %swap3A_438 = vector.shape_cast %add3A_432 : vector<16xi32> to vector<1x16xi32>
    tpu.vector_store %arg5[%swap3A_434, %swap3A_435], %swap3A_438 {strides = array<i32>} : memref<8x128xi32, #tpu.memory_space<vmem>>, vector<1x16xi32>,
    %add3A_439 = arith.constant 640 : i32
    %add3A_440 = arith.addi %mul3A_1, %add3A_439 : i32
    %iota3A_441 = tpu.iota {dimensions = array<i32: 0>} : vector<16xi32>
    %add3A_442 = vector.broadcast %add3A_440 : i32 to vector<16xi32>
    %add3A_443 = arith.addi %add3A_442, %iota3A_441 : vector<16xi32>
    %swap3A_444 = arith.constant 5 : i32
    %swap3A_445 = arith.index_cast %swap3A_444 : i32 to index
    %swap3A_446 = arith.constant 0 : index
    %swap3A_447 = tpu.vector_load %arg5[%swap3A_445, %swap3A_446] {strides = array<i32>} : memref<8x128xi32, #tpu.memory_space<vmem>>, vector<1x16xi32>,
    %swap3A_448 = vector.shape_cast %swap3A_447 : vector<1x16xi32> to vector<16xi32>
    %swap3A_449 = vector.shape_cast %add3A_443 : vector<16xi32> to vector<1x16xi32>
    tpu.vector_store %arg5[%swap3A_445, %swap3A_446], %swap3A_449 {strides = array<i32>} : memref<8x128xi32, #tpu.memory_space<vmem>>, vector<1x16xi32>,
    %add3A_450 = arith.constant 656 : i32
    %add3A_451 = arith.addi %mul3A_1, %add3A_450 : i32
    %iota3A_452 = tpu.iota {dimensions = array<i32: 0>} : vector<16xi32>
    %add3A_453 = vector.broadcast %add3A_451 : i32 to vector<16xi32>
    %add3A_454 = arith.addi %add3A_453, %iota3A_452 : vector<16xi32>
    %swap3A_455 = arith.constant 5 : i32
    %swap3A_456 = arith.index_cast %swap3A_455 : i32 to index
    %swap3A_457 = arith.constant 16 : index
    %swap3A_458 = tpu.vector_load %arg5[%swap3A_456, %swap3A_457] {strides = array<i32>} : memref<8x128xi32, #tpu.memory_space<vmem>>, vector<1x16xi32>,
    %swap3A_459 = vector.shape_cast %swap3A_458 : vector<1x16xi32> to vector<16xi32>
    %swap3A_460 = vector.shape_cast %add3A_454 : vector<16xi32> to vector<1x16xi32>
    tpu.vector_store %arg5[%swap3A_456, %swap3A_457], %swap3A_460 {strides = array<i32>} : memref<8x128xi32, #tpu.memory_space<vmem>>, vector<1x16xi32>,
    %add3A_461 = arith.constant 672 : i32
    %add3A_462 = arith.addi %mul3A_1, %add3A_461 : i32
    %iota3A_463 = tpu.iota {dimensions = array<i32: 0>} : vector<16xi32>
    %add3A_464 = vector.broadcast %add3A_462 : i32 to vector<16xi32>
    %add3A_465 = arith.addi %add3A_464, %iota3A_463 : vector<16xi32>
    %swap3A_466 = arith.constant 5 : i32
    %swap3A_467 = arith.index_cast %swap3A_466 : i32 to index
    %swap3A_468 = arith.constant 32 : index
    %swap3A_469 = tpu.vector_load %arg5[%swap3A_467, %swap3A_468] {strides = array<i32>} : memref<8x128xi32, #tpu.memory_space<vmem>>, vector<1x16xi32>,
    %swap3A_470 = vector.shape_cast %swap3A_469 : vector<1x16xi32> to vector<16xi32>
    %swap3A_471 = vector.shape_cast %add3A_465 : vector<16xi32> to vector<1x16xi32>
    tpu.vector_store %arg5[%swap3A_467, %swap3A_468], %swap3A_471 {strides = array<i32>} : memref<8x128xi32, #tpu.memory_space<vmem>>, vector<1x16xi32>,
    %add3A_472 = arith.constant 688 : i32
    %add3A_473 = arith.addi %mul3A_1, %add3A_472 : i32
    %iota3A_474 = tpu.iota {dimensions = array<i32: 0>} : vector<16xi32>
    %add3A_475 = vector.broadcast %add3A_473 : i32 to vector<16xi32>
    %add3A_476 = arith.addi %add3A_475, %iota3A_474 : vector<16xi32>
    %swap3A_477 = arith.constant 5 : i32
    %swap3A_478 = arith.index_cast %swap3A_477 : i32 to index
    %swap3A_479 = arith.constant 48 : index
    %swap3A_480 = tpu.vector_load %arg5[%swap3A_478, %swap3A_479] {strides = array<i32>} : memref<8x128xi32, #tpu.memory_space<vmem>>, vector<1x16xi32>,
    %swap3A_481 = vector.shape_cast %swap3A_480 : vector<1x16xi32> to vector<16xi32>
    %swap3A_482 = vector.shape_cast %add3A_476 : vector<16xi32> to vector<1x16xi32>
    tpu.vector_store %arg5[%swap3A_478, %swap3A_479], %swap3A_482 {strides = array<i32>} : memref<8x128xi32, #tpu.memory_space<vmem>>, vector<1x16xi32>,
    %add3A_483 = arith.constant 704 : i32
    %add3A_484 = arith.addi %mul3A_1, %add3A_483 : i32
    %iota3A_485 = tpu.iota {dimensions = array<i32: 0>} : vector<16xi32>
    %add3A_486 = vector.broadcast %add3A_484 : i32 to vector<16xi32>
    %add3A_487 = arith.addi %add3A_486, %iota3A_485 : vector<16xi32>
    %swap3A_488 = arith.constant 5 : i32
    %swap3A_489 = arith.index_cast %swap3A_488 : i32 to index
    %swap3A_490 = arith.constant 64 : index
    %swap3A_491 = tpu.vector_load %arg5[%swap3A_489, %swap3A_490] {strides = array<i32>} : memref<8x128xi32, #tpu.memory_space<vmem>>, vector<1x16xi32>,
    %swap3A_492 = vector.shape_cast %swap3A_491 : vector<1x16xi32> to vector<16xi32>
    %swap3A_493 = vector.shape_cast %add3A_487 : vector<16xi32> to vector<1x16xi32>
    tpu.vector_store %arg5[%swap3A_489, %swap3A_490], %swap3A_493 {strides = array<i32>} : memref<8x128xi32, #tpu.memory_space<vmem>>, vector<1x16xi32>,
    %add3A_494 = arith.constant 720 : i32
    %add3A_495 = arith.addi %mul3A_1, %add3A_494 : i32
    %iota3A_496 = tpu.iota {dimensions = array<i32: 0>} : vector<16xi32>
    %add3A_497 = vector.broadcast %add3A_495 : i32 to vector<16xi32>
    %add3A_498 = arith.addi %add3A_497, %iota3A_496 : vector<16xi32>
    %swap3A_499 = arith.constant 5 : i32
    %swap3A_500 = arith.index_cast %swap3A_499 : i32 to index
    %swap3A_501 = arith.constant 80 : index
    %swap3A_502 = tpu.vector_load %arg5[%swap3A_500, %swap3A_501] {strides = array<i32>} : memref<8x128xi32, #tpu.memory_space<vmem>>, vector<1x16xi32>,
    %swap3A_503 = vector.shape_cast %swap3A_502 : vector<1x16xi32> to vector<16xi32>
    %swap3A_504 = vector.shape_cast %add3A_498 : vector<16xi32> to vector<1x16xi32>
    tpu.vector_store %arg5[%swap3A_500, %swap3A_501], %swap3A_504 {strides = array<i32>} : memref<8x128xi32, #tpu.memory_space<vmem>>, vector<1x16xi32>,
    %add3A_505 = arith.constant 736 : i32
    %add3A_506 = arith.addi %mul3A_1, %add3A_505 : i32
    %iota3A_507 = tpu.iota {dimensions = array<i32: 0>} : vector<16xi32>
    %add3A_508 = vector.broadcast %add3A_506 : i32 to vector<16xi32>
    %add3A_509 = arith.addi %add3A_508, %iota3A_507 : vector<16xi32>
    %swap3A_510 = arith.constant 5 : i32
    %swap3A_511 = arith.index_cast %swap3A_510 : i32 to index
    %swap3A_512 = arith.constant 96 : index
    %swap3A_513 = tpu.vector_load %arg5[%swap3A_511, %swap3A_512] {strides = array<i32>} : memref<8x128xi32, #tpu.memory_space<vmem>>, vector<1x16xi32>,
    %swap3A_514 = vector.shape_cast %swap3A_513 : vector<1x16xi32> to vector<16xi32>
    %swap3A_515 = vector.shape_cast %add3A_509 : vector<16xi32> to vector<1x16xi32>
    tpu.vector_store %arg5[%swap3A_511, %swap3A_512], %swap3A_515 {strides = array<i32>} : memref<8x128xi32, #tpu.memory_space<vmem>>, vector<1x16xi32>,
    %add3A_516 = arith.constant 752 : i32
    %add3A_517 = arith.addi %mul3A_1, %add3A_516 : i32
    %iota3A_518 = tpu.iota {dimensions = array<i32: 0>} : vector<16xi32>
    %add3A_519 = vector.broadcast %add3A_517 : i32 to vector<16xi32>
    %add3A_520 = arith.addi %add3A_519, %iota3A_518 : vector<16xi32>
    %swap3A_521 = arith.constant 5 : i32
    %swap3A_522 = arith.index_cast %swap3A_521 : i32 to index
    %swap3A_523 = arith.constant 112 : index
    %swap3A_524 = tpu.vector_load %arg5[%swap3A_522, %swap3A_523] {strides = array<i32>} : memref<8x128xi32, #tpu.memory_space<vmem>>, vector<1x16xi32>,
    %swap3A_525 = vector.shape_cast %swap3A_524 : vector<1x16xi32> to vector<16xi32>
    %swap3A_526 = vector.shape_cast %add3A_520 : vector<16xi32> to vector<1x16xi32>
    tpu.vector_store %arg5[%swap3A_522, %swap3A_523], %swap3A_526 {strides = array<i32>} : memref<8x128xi32, #tpu.memory_space<vmem>>, vector<1x16xi32>,
    %add3A_527 = arith.constant 768 : i32
    %add3A_528 = arith.addi %mul3A_1, %add3A_527 : i32
    %iota3A_529 = tpu.iota {dimensions = array<i32: 0>} : vector<16xi32>
    %add3A_530 = vector.broadcast %add3A_528 : i32 to vector<16xi32>
    %add3A_531 = arith.addi %add3A_530, %iota3A_529 : vector<16xi32>
    %swap3A_532 = arith.constant 6 : i32
    %swap3A_533 = arith.index_cast %swap3A_532 : i32 to index
    %swap3A_534 = arith.constant 0 : index
    %swap3A_535 = tpu.vector_load %arg5[%swap3A_533, %swap3A_534] {strides = array<i32>} : memref<8x128xi32, #tpu.memory_space<vmem>>, vector<1x16xi32>,
    %swap3A_536 = vector.shape_cast %swap3A_535 : vector<1x16xi32> to vector<16xi32>
    %swap3A_537 = vector.shape_cast %add3A_531 : vector<16xi32> to vector<1x16xi32>
    tpu.vector_store %arg5[%swap3A_533, %swap3A_534], %swap3A_537 {strides = array<i32>} : memref<8x128xi32, #tpu.memory_space<vmem>>, vector<1x16xi32>,
    %add3A_538 = arith.constant 784 : i32
    %add3A_539 = arith.addi %mul3A_1, %add3A_538 : i32
    %iota3A_540 = tpu.iota {dimensions = array<i32: 0>} : vector<16xi32>
    %add3A_541 = vector.broadcast %add3A_539 : i32 to vector<16xi32>
    %add3A_542 = arith.addi %add3A_541, %iota3A_540 : vector<16xi32>
    %swap3A_543 = arith.constant 6 : i32
    %swap3A_544 = arith.index_cast %swap3A_543 : i32 to index
    %swap3A_545 = arith.constant 16 : index
    %swap3A_546 = tpu.vector_load %arg5[%swap3A_544, %swap3A_545] {strides = array<i32>} : memref<8x128xi32, #tpu.memory_space<vmem>>, vector<1x16xi32>,
    %swap3A_547 = vector.shape_cast %swap3A_546 : vector<1x16xi32> to vector<16xi32>
    %swap3A_548 = vector.shape_cast %add3A_542 : vector<16xi32> to vector<1x16xi32>
    tpu.vector_store %arg5[%swap3A_544, %swap3A_545], %swap3A_548 {strides = array<i32>} : memref<8x128xi32, #tpu.memory_space<vmem>>, vector<1x16xi32>,
    %add3A_549 = arith.constant 800 : i32
    %add3A_550 = arith.addi %mul3A_1, %add3A_549 : i32
    %iota3A_551 = tpu.iota {dimensions = array<i32: 0>} : vector<16xi32>
    %add3A_552 = vector.broadcast %add3A_550 : i32 to vector<16xi32>
    %add3A_553 = arith.addi %add3A_552, %iota3A_551 : vector<16xi32>
    %swap3A_554 = arith.constant 6 : i32
    %swap3A_555 = arith.index_cast %swap3A_554 : i32 to index
    %swap3A_556 = arith.constant 32 : index
    %swap3A_557 = tpu.vector_load %arg5[%swap3A_555, %swap3A_556] {strides = array<i32>} : memref<8x128xi32, #tpu.memory_space<vmem>>, vector<1x16xi32>,
    %swap3A_558 = vector.shape_cast %swap3A_557 : vector<1x16xi32> to vector<16xi32>
    %swap3A_559 = vector.shape_cast %add3A_553 : vector<16xi32> to vector<1x16xi32>
    tpu.vector_store %arg5[%swap3A_555, %swap3A_556], %swap3A_559 {strides = array<i32>} : memref<8x128xi32, #tpu.memory_space<vmem>>, vector<1x16xi32>,
    %add3A_560 = arith.constant 816 : i32
    %add3A_561 = arith.addi %mul3A_1, %add3A_560 : i32
    %iota3A_562 = tpu.iota {dimensions = array<i32: 0>} : vector<16xi32>
    %add3A_563 = vector.broadcast %add3A_561 : i32 to vector<16xi32>
    %add3A_564 = arith.addi %add3A_563, %iota3A_562 : vector<16xi32>
    %swap3A_565 = arith.constant 6 : i32
    %swap3A_566 = arith.index_cast %swap3A_565 : i32 to index
    %swap3A_567 = arith.constant 48 : index
    %swap3A_568 = tpu.vector_load %arg5[%swap3A_566, %swap3A_567] {strides = array<i32>} : memref<8x128xi32, #tpu.memory_space<vmem>>, vector<1x16xi32>,
    %swap3A_569 = vector.shape_cast %swap3A_568 : vector<1x16xi32> to vector<16xi32>
    %swap3A_570 = vector.shape_cast %add3A_564 : vector<16xi32> to vector<1x16xi32>
    tpu.vector_store %arg5[%swap3A_566, %swap3A_567], %swap3A_570 {strides = array<i32>} : memref<8x128xi32, #tpu.memory_space<vmem>>, vector<1x16xi32>,
    %add3A_571 = arith.constant 832 : i32
    %add3A_572 = arith.addi %mul3A_1, %add3A_571 : i32
    %iota3A_573 = tpu.iota {dimensions = array<i32: 0>} : vector<16xi32>
    %add3A_574 = vector.broadcast %add3A_572 : i32 to vector<16xi32>
    %add3A_575 = arith.addi %add3A_574, %iota3A_573 : vector<16xi32>
    %swap3A_576 = arith.constant 6 : i32
    %swap3A_577 = arith.index_cast %swap3A_576 : i32 to index
    %swap3A_578 = arith.constant 64 : index
    %swap3A_579 = tpu.vector_load %arg5[%swap3A_577, %swap3A_578] {strides = array<i32>} : memref<8x128xi32, #tpu.memory_space<vmem>>, vector<1x16xi32>,
    %swap3A_580 = vector.shape_cast %swap3A_579 : vector<1x16xi32> to vector<16xi32>
    %swap3A_581 = vector.shape_cast %add3A_575 : vector<16xi32> to vector<1x16xi32>
    tpu.vector_store %arg5[%swap3A_577, %swap3A_578], %swap3A_581 {strides = array<i32>} : memref<8x128xi32, #tpu.memory_space<vmem>>, vector<1x16xi32>,
    %add3A_582 = arith.constant 848 : i32
    %add3A_583 = arith.addi %mul3A_1, %add3A_582 : i32
    %iota3A_584 = tpu.iota {dimensions = array<i32: 0>} : vector<16xi32>
    %add3A_585 = vector.broadcast %add3A_583 : i32 to vector<16xi32>
    %add3A_586 = arith.addi %add3A_585, %iota3A_584 : vector<16xi32>
    %swap3A_587 = arith.constant 6 : i32
    %swap3A_588 = arith.index_cast %swap3A_587 : i32 to index
    %swap3A_589 = arith.constant 80 : index
    %swap3A_590 = tpu.vector_load %arg5[%swap3A_588, %swap3A_589] {strides = array<i32>} : memref<8x128xi32, #tpu.memory_space<vmem>>, vector<1x16xi32>,
    %swap3A_591 = vector.shape_cast %swap3A_590 : vector<1x16xi32> to vector<16xi32>
    %swap3A_592 = vector.shape_cast %add3A_586 : vector<16xi32> to vector<1x16xi32>
    tpu.vector_store %arg5[%swap3A_588, %swap3A_589], %swap3A_592 {strides = array<i32>} : memref<8x128xi32, #tpu.memory_space<vmem>>, vector<1x16xi32>,
    %add3A_593 = arith.constant 864 : i32
    %add3A_594 = arith.addi %mul3A_1, %add3A_593 : i32
    %iota3A_595 = tpu.iota {dimensions = array<i32: 0>} : vector<16xi32>
    %add3A_596 = vector.broadcast %add3A_594 : i32 to vector<16xi32>
    %add3A_597 = arith.addi %add3A_596, %iota3A_595 : vector<16xi32>
    %swap3A_598 = arith.constant 6 : i32
    %swap3A_599 = arith.index_cast %swap3A_598 : i32 to index
    %swap3A_600 = arith.constant 96 : index
    %swap3A_601 = tpu.vector_load %arg5[%swap3A_599, %swap3A_600] {strides = array<i32>} : memref<8x128xi32, #tpu.memory_space<vmem>>, vector<1x16xi32>,
    %swap3A_602 = vector.shape_cast %swap3A_601 : vector<1x16xi32> to vector<16xi32>
    %swap3A_603 = vector.shape_cast %add3A_597 : vector<16xi32> to vector<1x16xi32>
    tpu.vector_store %arg5[%swap3A_599, %swap3A_600], %swap3A_603 {strides = array<i32>} : memref<8x128xi32, #tpu.memory_space<vmem>>, vector<1x16xi32>,
    %add3A_604 = arith.constant 880 : i32
    %add3A_605 = arith.addi %mul3A_1, %add3A_604 : i32
    %iota3A_606 = tpu.iota {dimensions = array<i32: 0>} : vector<16xi32>
    %add3A_607 = vector.broadcast %add3A_605 : i32 to vector<16xi32>
    %add3A_608 = arith.addi %add3A_607, %iota3A_606 : vector<16xi32>
    %swap3A_609 = arith.constant 6 : i32
    %swap3A_610 = arith.index_cast %swap3A_609 : i32 to index
    %swap3A_611 = arith.constant 112 : index
    %swap3A_612 = tpu.vector_load %arg5[%swap3A_610, %swap3A_611] {strides = array<i32>} : memref<8x128xi32, #tpu.memory_space<vmem>>, vector<1x16xi32>,
    %swap3A_613 = vector.shape_cast %swap3A_612 : vector<1x16xi32> to vector<16xi32>
    %swap3A_614 = vector.shape_cast %add3A_608 : vector<16xi32> to vector<1x16xi32>
    tpu.vector_store %arg5[%swap3A_610, %swap3A_611], %swap3A_614 {strides = array<i32>} : memref<8x128xi32, #tpu.memory_space<vmem>>, vector<1x16xi32>,
    %add3A_615 = arith.constant 896 : i32
    %add3A_616 = arith.addi %mul3A_1, %add3A_615 : i32
    %iota3A_617 = tpu.iota {dimensions = array<i32: 0>} : vector<16xi32>
    %add3A_618 = vector.broadcast %add3A_616 : i32 to vector<16xi32>
    %add3A_619 = arith.addi %add3A_618, %iota3A_617 : vector<16xi32>
    %swap3A_620 = arith.constant 7 : i32
    %swap3A_621 = arith.index_cast %swap3A_620 : i32 to index
    %swap3A_622 = arith.constant 0 : index
    %swap3A_623 = tpu.vector_load %arg5[%swap3A_621, %swap3A_622] {strides = array<i32>} : memref<8x128xi32, #tpu.memory_space<vmem>>, vector<1x16xi32>,
    %swap3A_624 = vector.shape_cast %swap3A_623 : vector<1x16xi32> to vector<16xi32>
    %swap3A_625 = vector.shape_cast %add3A_619 : vector<16xi32> to vector<1x16xi32>
    tpu.vector_store %arg5[%swap3A_621, %swap3A_622], %swap3A_625 {strides = array<i32>} : memref<8x128xi32, #tpu.memory_space<vmem>>, vector<1x16xi32>,
    %add3A_626 = arith.constant 912 : i32
    %add3A_627 = arith.addi %mul3A_1, %add3A_626 : i32
    %iota3A_628 = tpu.iota {dimensions = array<i32: 0>} : vector<16xi32>
    %add3A_629 = vector.broadcast %add3A_627 : i32 to vector<16xi32>
    %add3A_630 = arith.addi %add3A_629, %iota3A_628 : vector<16xi32>
    %swap3A_631 = arith.constant 7 : i32
    %swap3A_632 = arith.index_cast %swap3A_631 : i32 to index
    %swap3A_633 = arith.constant 16 : index
    %swap3A_634 = tpu.vector_load %arg5[%swap3A_632, %swap3A_633] {strides = array<i32>} : memref<8x128xi32, #tpu.memory_space<vmem>>, vector<1x16xi32>,
    %swap3A_635 = vector.shape_cast %swap3A_634 : vector<1x16xi32> to vector<16xi32>
    %swap3A_636 = vector.shape_cast %add3A_630 : vector<16xi32> to vector<1x16xi32>
    tpu.vector_store %arg5[%swap3A_632, %swap3A_633], %swap3A_636 {strides = array<i32>} : memref<8x128xi32, #tpu.memory_space<vmem>>, vector<1x16xi32>,
    %add3A_637 = arith.constant 928 : i32
    %add3A_638 = arith.addi %mul3A_1, %add3A_637 : i32
    %iota3A_639 = tpu.iota {dimensions = array<i32: 0>} : vector<16xi32>
    %add3A_640 = vector.broadcast %add3A_638 : i32 to vector<16xi32>
    %add3A_641 = arith.addi %add3A_640, %iota3A_639 : vector<16xi32>
    %swap3A_642 = arith.constant 7 : i32
    %swap3A_643 = arith.index_cast %swap3A_642 : i32 to index
    %swap3A_644 = arith.constant 32 : index
    %swap3A_645 = tpu.vector_load %arg5[%swap3A_643, %swap3A_644] {strides = array<i32>} : memref<8x128xi32, #tpu.memory_space<vmem>>, vector<1x16xi32>,
    %swap3A_646 = vector.shape_cast %swap3A_645 : vector<1x16xi32> to vector<16xi32>
    %swap3A_647 = vector.shape_cast %add3A_641 : vector<16xi32> to vector<1x16xi32>
    tpu.vector_store %arg5[%swap3A_643, %swap3A_644], %swap3A_647 {strides = array<i32>} : memref<8x128xi32, #tpu.memory_space<vmem>>, vector<1x16xi32>,
    %add3A_648 = arith.constant 944 : i32
    %add3A_649 = arith.addi %mul3A_1, %add3A_648 : i32
    %iota3A_650 = tpu.iota {dimensions = array<i32: 0>} : vector<16xi32>
    %add3A_651 = vector.broadcast %add3A_649 : i32 to vector<16xi32>
    %add3A_652 = arith.addi %add3A_651, %iota3A_650 : vector<16xi32>
    %swap3A_653 = arith.constant 7 : i32
    %swap3A_654 = arith.index_cast %swap3A_653 : i32 to index
    %swap3A_655 = arith.constant 48 : index
    %swap3A_656 = tpu.vector_load %arg5[%swap3A_654, %swap3A_655] {strides = array<i32>} : memref<8x128xi32, #tpu.memory_space<vmem>>, vector<1x16xi32>,
    %swap3A_657 = vector.shape_cast %swap3A_656 : vector<1x16xi32> to vector<16xi32>
    %swap3A_658 = vector.shape_cast %add3A_652 : vector<16xi32> to vector<1x16xi32>
    tpu.vector_store %arg5[%swap3A_654, %swap3A_655], %swap3A_658 {strides = array<i32>} : memref<8x128xi32, #tpu.memory_space<vmem>>, vector<1x16xi32>,
    %add3A_659 = arith.constant 960 : i32
    %add3A_660 = arith.addi %mul3A_1, %add3A_659 : i32
    %iota3A_661 = tpu.iota {dimensions = array<i32: 0>} : vector<16xi32>
    %add3A_662 = vector.broadcast %add3A_660 : i32 to vector<16xi32>
    %add3A_663 = arith.addi %add3A_662, %iota3A_661 : vector<16xi32>
    %swap3A_664 = arith.constant 7 : i32
    %swap3A_665 = arith.index_cast %swap3A_664 : i32 to index
    %swap3A_666 = arith.constant 64 : index
    %swap3A_667 = tpu.vector_load %arg5[%swap3A_665, %swap3A_666] {strides = array<i32>} : memref<8x128xi32, #tpu.memory_space<vmem>>, vector<1x16xi32>,
    %swap3A_668 = vector.shape_cast %swap3A_667 : vector<1x16xi32> to vector<16xi32>
    %swap3A_669 = vector.shape_cast %add3A_663 : vector<16xi32> to vector<1x16xi32>
    tpu.vector_store %arg5[%swap3A_665, %swap3A_666], %swap3A_669 {strides = array<i32>} : memref<8x128xi32, #tpu.memory_space<vmem>>, vector<1x16xi32>,
    %add3A_670 = arith.constant 976 : i32
    %add3A_671 = arith.addi %mul3A_1, %add3A_670 : i32
    %iota3A_672 = tpu.iota {dimensions = array<i32: 0>} : vector<16xi32>
    %add3A_673 = vector.broadcast %add3A_671 : i32 to vector<16xi32>
    %add3A_674 = arith.addi %add3A_673, %iota3A_672 : vector<16xi32>
    %swap3A_675 = arith.constant 7 : i32
    %swap3A_676 = arith.index_cast %swap3A_675 : i32 to index
    %swap3A_677 = arith.constant 80 : index
    %swap3A_678 = tpu.vector_load %arg5[%swap3A_676, %swap3A_677] {strides = array<i32>} : memref<8x128xi32, #tpu.memory_space<vmem>>, vector<1x16xi32>,
    %swap3A_679 = vector.shape_cast %swap3A_678 : vector<1x16xi32> to vector<16xi32>
    %swap3A_680 = vector.shape_cast %add3A_674 : vector<16xi32> to vector<1x16xi32>
    tpu.vector_store %arg5[%swap3A_676, %swap3A_677], %swap3A_680 {strides = array<i32>} : memref<8x128xi32, #tpu.memory_space<vmem>>, vector<1x16xi32>,
    %add3A_681 = arith.constant 992 : i32
    %add3A_682 = arith.addi %mul3A_1, %add3A_681 : i32
    %iota3A_683 = tpu.iota {dimensions = array<i32: 0>} : vector<16xi32>
    %add3A_684 = vector.broadcast %add3A_682 : i32 to vector<16xi32>
    %add3A_685 = arith.addi %add3A_684, %iota3A_683 : vector<16xi32>
    %swap3A_686 = arith.constant 7 : i32
    %swap3A_687 = arith.index_cast %swap3A_686 : i32 to index
    %swap3A_688 = arith.constant 96 : index
    %swap3A_689 = tpu.vector_load %arg5[%swap3A_687, %swap3A_688] {strides = array<i32>} : memref<8x128xi32, #tpu.memory_space<vmem>>, vector<1x16xi32>,
    %swap3A_690 = vector.shape_cast %swap3A_689 : vector<1x16xi32> to vector<16xi32>
    %swap3A_691 = vector.shape_cast %add3A_685 : vector<16xi32> to vector<1x16xi32>
    tpu.vector_store %arg5[%swap3A_687, %swap3A_688], %swap3A_691 {strides = array<i32>} : memref<8x128xi32, #tpu.memory_space<vmem>>, vector<1x16xi32>,
    %add3A_692 = arith.constant 1008 : i32
    %add3A_693 = arith.addi %mul3A_1, %add3A_692 : i32
    %iota3A_694 = tpu.iota {dimensions = array<i32: 0>} : vector<16xi32>
    %add3A_695 = vector.broadcast %add3A_693 : i32 to vector<16xi32>
    %add3A_696 = arith.addi %add3A_695, %iota3A_694 : vector<16xi32>
    %swap3A_697 = arith.constant 7 : i32
    %swap3A_698 = arith.index_cast %swap3A_697 : i32 to index
    %swap3A_699 = arith.constant 112 : index
    %swap3A_700 = tpu.vector_load %arg5[%swap3A_698, %swap3A_699] {strides = array<i32>} : memref<8x128xi32, #tpu.memory_space<vmem>>, vector<1x16xi32>,
    %swap3A_701 = vector.shape_cast %swap3A_700 : vector<1x16xi32> to vector<16xi32>
    %swap3A_702 = vector.shape_cast %add3A_696 : vector<16xi32> to vector<1x16xi32>
    tpu.vector_store %arg5[%swap3A_698, %swap3A_699], %swap3A_702 {strides = array<i32>} : memref<8x128xi32, #tpu.memory_space<vmem>>, vector<1x16xi32>,
    %convert_element_type3A = arith.extui %eq3A_0 : i1 to i32
    %cond3A = arith.constant 0 : i32
    %cond3A_703 = arith.cmpi ne, %convert_element_type3A, %cond3A : i32
    scf.if %cond3A_703 {
      %add3A_711 = arith.constant 0 : i32
      %add3A_712 = arith.addi %mul3A_1, %add3A_711 : i32
      %dma_start3A = arith.constant 0 : i32
      %dma_start3A_713 = arith.constant 0 : i32
      %dma_start3A_714 = tpu.memref_slice %arg4[%dma_start3A, %dma_start3A_713] : memref<8x128xi32, #tpu.memory_space<vmem>> -> memref<1x128xi32, #tpu.memory_space<vmem>>
      %dma_start3A_715 = tpu.memref_squeeze %dma_start3A_714 : memref<1x128xi32, #tpu.memory_space<vmem>> -> memref<128xi32, #tpu.memory_space<vmem>>
      %dma_start3A_716 = tpu.memref_slice %arg2[%add3A_712] : memref<16384xi32, #tpu.memory_space<hbm>> -> memref<128xi32, #tpu.memory_space<hbm>>
      %dma_start3A_717 = arith.constant 0 : i32
      %dma_start3A_718 = tpu.memref_slice %arg4[%dma_start3A, %dma_start3A_717] : memref<8x128xi32, #tpu.memory_space<vmem>> -> memref<1x128xi32, #tpu.memory_space<vmem>>
      %dma_start3A_719 = tpu.memref_squeeze %dma_start3A_718 : memref<1x128xi32, #tpu.memory_space<vmem>> -> memref<128xi32, #tpu.memory_space<vmem>>
      %dma_start3A_720 = tpu.memref_slice %arg2[%add3A_712] : memref<16384xi32, #tpu.memory_space<hbm>> -> memref<128xi32, #tpu.memory_space<hbm>>
      tpu.enqueue_dma source(%dma_start3A_720 : memref<128xi32, #tpu.memory_space<hbm>>) target(%dma_start3A_719 : memref<128xi32, #tpu.memory_space<vmem>>) target_semaphore(%arg9 : memref<!tpu.dma_semaphore, #tpu.memory_space<semaphore_mem>>)
      %add3A_721 = arith.constant 128 : i32
      %add3A_722 = arith.addi %mul3A_1, %add3A_721 : i32
      %dma_start3A_723 = arith.constant 1 : i32
      %dma_start3A_724 = arith.constant 0 : i32
      %dma_start3A_725 = tpu.memref_slice %arg4[%dma_start3A_723, %dma_start3A_724] : memref<8x128xi32, #tpu.memory_space<vmem>> -> memref<1x128xi32, #tpu.memory_space<vmem>>
      %dma_start3A_726 = tpu.memref_squeeze %dma_start3A_725 : memref<1x128xi32, #tpu.memory_space<vmem>> -> memref<128xi32, #tpu.memory_space<vmem>>
      %dma_start3A_727 = tpu.memref_slice %arg2[%add3A_722] : memref<16384xi32, #tpu.memory_space<hbm>> -> memref<128xi32, #tpu.memory_space<hbm>>
      %dma_start3A_728 = arith.constant 0 : i32
      %dma_start3A_729 = tpu.memref_slice %arg4[%dma_start3A_723, %dma_start3A_728] : memref<8x128xi32, #tpu.memory_space<vmem>> -> memref<1x128xi32, #tpu.memory_space<vmem>>
      %dma_start3A_730 = tpu.memref_squeeze %dma_start3A_729 : memref<1x128xi32, #tpu.memory_space<vmem>> -> memref<128xi32, #tpu.memory_space<vmem>>
      %dma_start3A_731 = tpu.memref_slice %arg2[%add3A_722] : memref<16384xi32, #tpu.memory_space<hbm>> -> memref<128xi32, #tpu.memory_space<hbm>>
      tpu.enqueue_dma source(%dma_start3A_731 : memref<128xi32, #tpu.memory_space<hbm>>) target(%dma_start3A_730 : memref<128xi32, #tpu.memory_space<vmem>>) target_semaphore(%arg9 : memref<!tpu.dma_semaphore, #tpu.memory_space<semaphore_mem>>)
      %add3A_732 = arith.constant 256 : i32
      %add3A_733 = arith.addi %mul3A_1, %add3A_732 : i32
      %dma_start3A_734 = arith.constant 2 : i32
      %dma_start3A_735 = arith.constant 0 : i32
      %dma_start3A_736 = tpu.memref_slice %arg4[%dma_start3A_734, %dma_start3A_735] : memref<8x128xi32, #tpu.memory_space<vmem>> -> memref<1x128xi32, #tpu.memory_space<vmem>>
      %dma_start3A_737 = tpu.memref_squeeze %dma_start3A_736 : memref<1x128xi32, #tpu.memory_space<vmem>> -> memref<128xi32, #tpu.memory_space<vmem>>
      %dma_start3A_738 = tpu.memref_slice %arg2[%add3A_733] : memref<16384xi32, #tpu.memory_space<hbm>> -> memref<128xi32, #tpu.memory_space<hbm>>
      %dma_start3A_739 = arith.constant 0 : i32
      %dma_start3A_740 = tpu.memref_slice %arg4[%dma_start3A_734, %dma_start3A_739] : memref<8x128xi32, #tpu.memory_space<vmem>> -> memref<1x128xi32, #tpu.memory_space<vmem>>
      %dma_start3A_741 = tpu.memref_squeeze %dma_start3A_740 : memref<1x128xi32, #tpu.memory_space<vmem>> -> memref<128xi32, #tpu.memory_space<vmem>>
      %dma_start3A_742 = tpu.memref_slice %arg2[%add3A_733] : memref<16384xi32, #tpu.memory_space<hbm>> -> memref<128xi32, #tpu.memory_space<hbm>>
      tpu.enqueue_dma source(%dma_start3A_742 : memref<128xi32, #tpu.memory_space<hbm>>) target(%dma_start3A_741 : memref<128xi32, #tpu.memory_space<vmem>>) target_semaphore(%arg9 : memref<!tpu.dma_semaphore, #tpu.memory_space<semaphore_mem>>)
      %add3A_743 = arith.constant 384 : i32
      %add3A_744 = arith.addi %mul3A_1, %add3A_743 : i32
      %dma_start3A_745 = arith.constant 3 : i32
      %dma_start3A_746 = arith.constant 0 : i32
      %dma_start3A_747 = tpu.memref_slice %arg4[%dma_start3A_745, %dma_start3A_746] : memref<8x128xi32, #tpu.memory_space<vmem>> -> memref<1x128xi32, #tpu.memory_space<vmem>>
      %dma_start3A_748 = tpu.memref_squeeze %dma_start3A_747 : memref<1x128xi32, #tpu.memory_space<vmem>> -> memref<128xi32, #tpu.memory_space<vmem>>
      %dma_start3A_749 = tpu.memref_slice %arg2[%add3A_744] : memref<16384xi32, #tpu.memory_space<hbm>> -> memref<128xi32, #tpu.memory_space<hbm>>
      %dma_start3A_750 = arith.constant 0 : i32
      %dma_start3A_751 = tpu.memref_slice %arg4[%dma_start3A_745, %dma_start3A_750] : memref<8x128xi32, #tpu.memory_space<vmem>> -> memref<1x128xi32, #tpu.memory_space<vmem>>
      %dma_start3A_752 = tpu.memref_squeeze %dma_start3A_751 : memref<1x128xi32, #tpu.memory_space<vmem>> -> memref<128xi32, #tpu.memory_space<vmem>>
      %dma_start3A_753 = tpu.memref_slice %arg2[%add3A_744] : memref<16384xi32, #tpu.memory_space<hbm>> -> memref<128xi32, #tpu.memory_space<hbm>>
      tpu.enqueue_dma source(%dma_start3A_753 : memref<128xi32, #tpu.memory_space<hbm>>) target(%dma_start3A_752 : memref<128xi32, #tpu.memory_space<vmem>>) target_semaphore(%arg9 : memref<!tpu.dma_semaphore, #tpu.memory_space<semaphore_mem>>)
      %add3A_754 = arith.constant 512 : i32
      %add3A_755 = arith.addi %mul3A_1, %add3A_754 : i32
      %dma_start3A_756 = arith.constant 4 : i32
      %dma_start3A_757 = arith.constant 0 : i32
      %dma_start3A_758 = tpu.memref_slice %arg4[%dma_start3A_756, %dma_start3A_757] : memref<8x128xi32, #tpu.memory_space<vmem>> -> memref<1x128xi32, #tpu.memory_space<vmem>>
      %dma_start3A_759 = tpu.memref_squeeze %dma_start3A_758 : memref<1x128xi32, #tpu.memory_space<vmem>> -> memref<128xi32, #tpu.memory_space<vmem>>
      %dma_start3A_760 = tpu.memref_slice %arg2[%add3A_755] : memref<16384xi32, #tpu.memory_space<hbm>> -> memref<128xi32, #tpu.memory_space<hbm>>
      %dma_start3A_761 = arith.constant 0 : i32
      %dma_start3A_762 = tpu.memref_slice %arg4[%dma_start3A_756, %dma_start3A_761] : memref<8x128xi32, #tpu.memory_space<vmem>> -> memref<1x128xi32, #tpu.memory_space<vmem>>
      %dma_start3A_763 = tpu.memref_squeeze %dma_start3A_762 : memref<1x128xi32, #tpu.memory_space<vmem>> -> memref<128xi32, #tpu.memory_space<vmem>>
      %dma_start3A_764 = tpu.memref_slice %arg2[%add3A_755] : memref<16384xi32, #tpu.memory_space<hbm>> -> memref<128xi32, #tpu.memory_space<hbm>>
      tpu.enqueue_dma source(%dma_start3A_764 : memref<128xi32, #tpu.memory_space<hbm>>) target(%dma_start3A_763 : memref<128xi32, #tpu.memory_space<vmem>>) target_semaphore(%arg9 : memref<!tpu.dma_semaphore, #tpu.memory_space<semaphore_mem>>)
      %add3A_765 = arith.constant 640 : i32
      %add3A_766 = arith.addi %mul3A_1, %add3A_765 : i32
      %dma_start3A_767 = arith.constant 5 : i32
      %dma_start3A_768 = arith.constant 0 : i32
      %dma_start3A_769 = tpu.memref_slice %arg4[%dma_start3A_767, %dma_start3A_768] : memref<8x128xi32, #tpu.memory_space<vmem>> -> memref<1x128xi32, #tpu.memory_space<vmem>>
      %dma_start3A_770 = tpu.memref_squeeze %dma_start3A_769 : memref<1x128xi32, #tpu.memory_space<vmem>> -> memref<128xi32, #tpu.memory_space<vmem>>
      %dma_start3A_771 = tpu.memref_slice %arg2[%add3A_766] : memref<16384xi32, #tpu.memory_space<hbm>> -> memref<128xi32, #tpu.memory_space<hbm>>
      %dma_start3A_772 = arith.constant 0 : i32
      %dma_start3A_773 = tpu.memref_slice %arg4[%dma_start3A_767, %dma_start3A_772] : memref<8x128xi32, #tpu.memory_space<vmem>> -> memref<1x128xi32, #tpu.memory_space<vmem>>
      %dma_start3A_774 = tpu.memref_squeeze %dma_start3A_773 : memref<1x128xi32, #tpu.memory_space<vmem>> -> memref<128xi32, #tpu.memory_space<vmem>>
      %dma_start3A_775 = tpu.memref_slice %arg2[%add3A_766] : memref<16384xi32, #tpu.memory_space<hbm>> -> memref<128xi32, #tpu.memory_space<hbm>>
      tpu.enqueue_dma source(%dma_start3A_775 : memref<128xi32, #tpu.memory_space<hbm>>) target(%dma_start3A_774 : memref<128xi32, #tpu.memory_space<vmem>>) target_semaphore(%arg9 : memref<!tpu.dma_semaphore, #tpu.memory_space<semaphore_mem>>)
      %add3A_776 = arith.constant 768 : i32
      %add3A_777 = arith.addi %mul3A_1, %add3A_776 : i32
      %dma_start3A_778 = arith.constant 6 : i32
      %dma_start3A_779 = arith.constant 0 : i32
      %dma_start3A_780 = tpu.memref_slice %arg4[%dma_start3A_778, %dma_start3A_779] : memref<8x128xi32, #tpu.memory_space<vmem>> -> memref<1x128xi32, #tpu.memory_space<vmem>>
      %dma_start3A_781 = tpu.memref_squeeze %dma_start3A_780 : memref<1x128xi32, #tpu.memory_space<vmem>> -> memref<128xi32, #tpu.memory_space<vmem>>
      %dma_start3A_782 = tpu.memref_slice %arg2[%add3A_777] : memref<16384xi32, #tpu.memory_space<hbm>> -> memref<128xi32, #tpu.memory_space<hbm>>
      %dma_start3A_783 = arith.constant 0 : i32
      %dma_start3A_784 = tpu.memref_slice %arg4[%dma_start3A_778, %dma_start3A_783] : memref<8x128xi32, #tpu.memory_space<vmem>> -> memref<1x128xi32, #tpu.memory_space<vmem>>
      %dma_start3A_785 = tpu.memref_squeeze %dma_start3A_784 : memref<1x128xi32, #tpu.memory_space<vmem>> -> memref<128xi32, #tpu.memory_space<vmem>>
      %dma_start3A_786 = tpu.memref_slice %arg2[%add3A_777] : memref<16384xi32, #tpu.memory_space<hbm>> -> memref<128xi32, #tpu.memory_space<hbm>>
      tpu.enqueue_dma source(%dma_start3A_786 : memref<128xi32, #tpu.memory_space<hbm>>) target(%dma_start3A_785 : memref<128xi32, #tpu.memory_space<vmem>>) target_semaphore(%arg9 : memref<!tpu.dma_semaphore, #tpu.memory_space<semaphore_mem>>)
      %add3A_787 = arith.constant 896 : i32
      %add3A_788 = arith.addi %mul3A_1, %add3A_787 : i32
      %dma_start3A_789 = arith.constant 7 : i32
      %dma_start3A_790 = arith.constant 0 : i32
      %dma_start3A_791 = tpu.memref_slice %arg4[%dma_start3A_789, %dma_start3A_790] : memref<8x128xi32, #tpu.memory_space<vmem>> -> memref<1x128xi32, #tpu.memory_space<vmem>>
      %dma_start3A_792 = tpu.memref_squeeze %dma_start3A_791 : memref<1x128xi32, #tpu.memory_space<vmem>> -> memref<128xi32, #tpu.memory_space<vmem>>
      %dma_start3A_793 = tpu.memref_slice %arg2[%add3A_788] : memref<16384xi32, #tpu.memory_space<hbm>> -> memref<128xi32, #tpu.memory_space<hbm>>
      %dma_start3A_794 = arith.constant 0 : i32
      %dma_start3A_795 = tpu.memref_slice %arg4[%dma_start3A_789, %dma_start3A_794] : memref<8x128xi32, #tpu.memory_space<vmem>> -> memref<1x128xi32, #tpu.memory_space<vmem>>
      %dma_start3A_796 = tpu.memref_squeeze %dma_start3A_795 : memref<1x128xi32, #tpu.memory_space<vmem>> -> memref<128xi32, #tpu.memory_space<vmem>>
      %dma_start3A_797 = tpu.memref_slice %arg2[%add3A_788] : memref<16384xi32, #tpu.memory_space<hbm>> -> memref<128xi32, #tpu.memory_space<hbm>>
      tpu.enqueue_dma source(%dma_start3A_797 : memref<128xi32, #tpu.memory_space<hbm>>) target(%dma_start3A_796 : memref<128xi32, #tpu.memory_space<vmem>>) target_semaphore(%arg9 : memref<!tpu.dma_semaphore, #tpu.memory_space<semaphore_mem>>)
      %dma_wait3A = arith.constant 0 : i32
      %dma_wait3A_798 = arith.constant 0 : i32
      %dma_wait3A_799 = tpu.memref_slice %arg4[%dma_wait3A, %dma_wait3A_798] : memref<8x128xi32, #tpu.memory_space<vmem>> -> memref<1x128xi32, #tpu.memory_space<vmem>>
      %dma_wait3A_800 = tpu.memref_squeeze %dma_wait3A_799 : memref<1x128xi32, #tpu.memory_space<vmem>> -> memref<128xi32, #tpu.memory_space<vmem>>
      %dma_wait3A_801 = tpu.memref_slice %arg2[%add3A_712] : memref<16384xi32, #tpu.memory_space<hbm>> -> memref<128xi32, #tpu.memory_space<hbm>>
      %dma_wait3A_802 = arith.constant 0 : i32
      %dma_wait3A_803 = tpu.memref_slice %arg4[%dma_wait3A, %dma_wait3A_802] : memref<8x128xi32, #tpu.memory_space<vmem>> -> memref<1x128xi32, #tpu.memory_space<vmem>>
      %dma_wait3A_804 = tpu.memref_squeeze %dma_wait3A_803 : memref<1x128xi32, #tpu.memory_space<vmem>> -> memref<128xi32, #tpu.memory_space<vmem>>
      %dma_wait3A_805 = tpu.memref_slice %arg2[%add3A_712] : memref<16384xi32, #tpu.memory_space<hbm>> -> memref<128xi32, #tpu.memory_space<hbm>>
      tpu.wait_dma2 semaphore(%arg9 : memref<!tpu.dma_semaphore, #tpu.memory_space<semaphore_mem>>) src(%dma_wait3A_805 : memref<128xi32, #tpu.memory_space<hbm>>) dst(%dma_wait3A_804 : memref<128xi32, #tpu.memory_space<vmem>>)
      %dma_wait3A_806 = arith.constant 1 : i32
      %dma_wait3A_807 = arith.constant 0 : i32
      %dma_wait3A_808 = tpu.memref_slice %arg4[%dma_wait3A_806, %dma_wait3A_807] : memref<8x128xi32, #tpu.memory_space<vmem>> -> memref<1x128xi32, #tpu.memory_space<vmem>>
      %dma_wait3A_809 = tpu.memref_squeeze %dma_wait3A_808 : memref<1x128xi32, #tpu.memory_space<vmem>> -> memref<128xi32, #tpu.memory_space<vmem>>
      %dma_wait3A_810 = tpu.memref_slice %arg2[%add3A_722] : memref<16384xi32, #tpu.memory_space<hbm>> -> memref<128xi32, #tpu.memory_space<hbm>>
      %dma_wait3A_811 = arith.constant 0 : i32
      %dma_wait3A_812 = tpu.memref_slice %arg4[%dma_wait3A_806, %dma_wait3A_811] : memref<8x128xi32, #tpu.memory_space<vmem>> -> memref<1x128xi32, #tpu.memory_space<vmem>>
      %dma_wait3A_813 = tpu.memref_squeeze %dma_wait3A_812 : memref<1x128xi32, #tpu.memory_space<vmem>> -> memref<128xi32, #tpu.memory_space<vmem>>
      %dma_wait3A_814 = tpu.memref_slice %arg2[%add3A_722] : memref<16384xi32, #tpu.memory_space<hbm>> -> memref<128xi32, #tpu.memory_space<hbm>>
      tpu.wait_dma2 semaphore(%arg9 : memref<!tpu.dma_semaphore, #tpu.memory_space<semaphore_mem>>) src(%dma_wait3A_814 : memref<128xi32, #tpu.memory_space<hbm>>) dst(%dma_wait3A_813 : memref<128xi32, #tpu.memory_space<vmem>>)
      %dma_wait3A_815 = arith.constant 2 : i32
      %dma_wait3A_816 = arith.constant 0 : i32
      %dma_wait3A_817 = tpu.memref_slice %arg4[%dma_wait3A_815, %dma_wait3A_816] : memref<8x128xi32, #tpu.memory_space<vmem>> -> memref<1x128xi32, #tpu.memory_space<vmem>>
      %dma_wait3A_818 = tpu.memref_squeeze %dma_wait3A_817 : memref<1x128xi32, #tpu.memory_space<vmem>> -> memref<128xi32, #tpu.memory_space<vmem>>
      %dma_wait3A_819 = tpu.memref_slice %arg2[%add3A_733] : memref<16384xi32, #tpu.memory_space<hbm>> -> memref<128xi32, #tpu.memory_space<hbm>>
      %dma_wait3A_820 = arith.constant 0 : i32
      %dma_wait3A_821 = tpu.memref_slice %arg4[%dma_wait3A_815, %dma_wait3A_820] : memref<8x128xi32, #tpu.memory_space<vmem>> -> memref<1x128xi32, #tpu.memory_space<vmem>>
      %dma_wait3A_822 = tpu.memref_squeeze %dma_wait3A_821 : memref<1x128xi32, #tpu.memory_space<vmem>> -> memref<128xi32, #tpu.memory_space<vmem>>
      %dma_wait3A_823 = tpu.memref_slice %arg2[%add3A_733] : memref<16384xi32, #tpu.memory_space<hbm>> -> memref<128xi32, #tpu.memory_space<hbm>>
      tpu.wait_dma2 semaphore(%arg9 : memref<!tpu.dma_semaphore, #tpu.memory_space<semaphore_mem>>) src(%dma_wait3A_823 : memref<128xi32, #tpu.memory_space<hbm>>) dst(%dma_wait3A_822 : memref<128xi32, #tpu.memory_space<vmem>>)
      %dma_wait3A_824 = arith.constant 3 : i32
      %dma_wait3A_825 = arith.constant 0 : i32
      %dma_wait3A_826 = tpu.memref_slice %arg4[%dma_wait3A_824, %dma_wait3A_825] : memref<8x128xi32, #tpu.memory_space<vmem>> -> memref<1x128xi32, #tpu.memory_space<vmem>>
      %dma_wait3A_827 = tpu.memref_squeeze %dma_wait3A_826 : memref<1x128xi32, #tpu.memory_space<vmem>> -> memref<128xi32, #tpu.memory_space<vmem>>
      %dma_wait3A_828 = tpu.memref_slice %arg2[%add3A_744] : memref<16384xi32, #tpu.memory_space<hbm>> -> memref<128xi32, #tpu.memory_space<hbm>>
      %dma_wait3A_829 = arith.constant 0 : i32
      %dma_wait3A_830 = tpu.memref_slice %arg4[%dma_wait3A_824, %dma_wait3A_829] : memref<8x128xi32, #tpu.memory_space<vmem>> -> memref<1x128xi32, #tpu.memory_space<vmem>>
      %dma_wait3A_831 = tpu.memref_squeeze %dma_wait3A_830 : memref<1x128xi32, #tpu.memory_space<vmem>> -> memref<128xi32, #tpu.memory_space<vmem>>
      %dma_wait3A_832 = tpu.memref_slice %arg2[%add3A_744] : memref<16384xi32, #tpu.memory_space<hbm>> -> memref<128xi32, #tpu.memory_space<hbm>>
      tpu.wait_dma2 semaphore(%arg9 : memref<!tpu.dma_semaphore, #tpu.memory_space<semaphore_mem>>) src(%dma_wait3A_832 : memref<128xi32, #tpu.memory_space<hbm>>) dst(%dma_wait3A_831 : memref<128xi32, #tpu.memory_space<vmem>>)
      %dma_wait3A_833 = arith.constant 4 : i32
      %dma_wait3A_834 = arith.constant 0 : i32
      %dma_wait3A_835 = tpu.memref_slice %arg4[%dma_wait3A_833, %dma_wait3A_834] : memref<8x128xi32, #tpu.memory_space<vmem>> -> memref<1x128xi32, #tpu.memory_space<vmem>>
      %dma_wait3A_836 = tpu.memref_squeeze %dma_wait3A_835 : memref<1x128xi32, #tpu.memory_space<vmem>> -> memref<128xi32, #tpu.memory_space<vmem>>
      %dma_wait3A_837 = tpu.memref_slice %arg2[%add3A_755] : memref<16384xi32, #tpu.memory_space<hbm>> -> memref<128xi32, #tpu.memory_space<hbm>>
      %dma_wait3A_838 = arith.constant 0 : i32
      %dma_wait3A_839 = tpu.memref_slice %arg4[%dma_wait3A_833, %dma_wait3A_838] : memref<8x128xi32, #tpu.memory_space<vmem>> -> memref<1x128xi32, #tpu.memory_space<vmem>>
      %dma_wait3A_840 = tpu.memref_squeeze %dma_wait3A_839 : memref<1x128xi32, #tpu.memory_space<vmem>> -> memref<128xi32, #tpu.memory_space<vmem>>
      %dma_wait3A_841 = tpu.memref_slice %arg2[%add3A_755] : memref<16384xi32, #tpu.memory_space<hbm>> -> memref<128xi32, #tpu.memory_space<hbm>>
      tpu.wait_dma2 semaphore(%arg9 : memref<!tpu.dma_semaphore, #tpu.memory_space<semaphore_mem>>) src(%dma_wait3A_841 : memref<128xi32, #tpu.memory_space<hbm>>) dst(%dma_wait3A_840 : memref<128xi32, #tpu.memory_space<vmem>>)
      %dma_wait3A_842 = arith.constant 5 : i32
      %dma_wait3A_843 = arith.constant 0 : i32
      %dma_wait3A_844 = tpu.memref_slice %arg4[%dma_wait3A_842, %dma_wait3A_843] : memref<8x128xi32, #tpu.memory_space<vmem>> -> memref<1x128xi32, #tpu.memory_space<vmem>>
      %dma_wait3A_845 = tpu.memref_squeeze %dma_wait3A_844 : memref<1x128xi32, #tpu.memory_space<vmem>> -> memref<128xi32, #tpu.memory_space<vmem>>
      %dma_wait3A_846 = tpu.memref_slice %arg2[%add3A_766] : memref<16384xi32, #tpu.memory_space<hbm>> -> memref<128xi32, #tpu.memory_space<hbm>>
      %dma_wait3A_847 = arith.constant 0 : i32
      %dma_wait3A_848 = tpu.memref_slice %arg4[%dma_wait3A_842, %dma_wait3A_847] : memref<8x128xi32, #tpu.memory_space<vmem>> -> memref<1x128xi32, #tpu.memory_space<vmem>>
      %dma_wait3A_849 = tpu.memref_squeeze %dma_wait3A_848 : memref<1x128xi32, #tpu.memory_space<vmem>> -> memref<128xi32, #tpu.memory_space<vmem>>
      %dma_wait3A_850 = tpu.memref_slice %arg2[%add3A_766] : memref<16384xi32, #tpu.memory_space<hbm>> -> memref<128xi32, #tpu.memory_space<hbm>>
      tpu.wait_dma2 semaphore(%arg9 : memref<!tpu.dma_semaphore, #tpu.memory_space<semaphore_mem>>) src(%dma_wait3A_850 : memref<128xi32, #tpu.memory_space<hbm>>) dst(%dma_wait3A_849 : memref<128xi32, #tpu.memory_space<vmem>>)
      %dma_wait3A_851 = arith.constant 6 : i32
      %dma_wait3A_852 = arith.constant 0 : i32
      %dma_wait3A_853 = tpu.memref_slice %arg4[%dma_wait3A_851, %dma_wait3A_852] : memref<8x128xi32, #tpu.memory_space<vmem>> -> memref<1x128xi32, #tpu.memory_space<vmem>>
      %dma_wait3A_854 = tpu.memref_squeeze %dma_wait3A_853 : memref<1x128xi32, #tpu.memory_space<vmem>> -> memref<128xi32, #tpu.memory_space<vmem>>
      %dma_wait3A_855 = tpu.memref_slice %arg2[%add3A_777] : memref<16384xi32, #tpu.memory_space<hbm>> -> memref<128xi32, #tpu.memory_space<hbm>>
      %dma_wait3A_856 = arith.constant 0 : i32
      %dma_wait3A_857 = tpu.memref_slice %arg4[%dma_wait3A_851, %dma_wait3A_856] : memref<8x128xi32, #tpu.memory_space<vmem>> -> memref<1x128xi32, #tpu.memory_space<vmem>>
      %dma_wait3A_858 = tpu.memref_squeeze %dma_wait3A_857 : memref<1x128xi32, #tpu.memory_space<vmem>> -> memref<128xi32, #tpu.memory_space<vmem>>
      %dma_wait3A_859 = tpu.memref_slice %arg2[%add3A_777] : memref<16384xi32, #tpu.memory_space<hbm>> -> memref<128xi32, #tpu.memory_space<hbm>>
      tpu.wait_dma2 semaphore(%arg9 : memref<!tpu.dma_semaphore, #tpu.memory_space<semaphore_mem>>) src(%dma_wait3A_859 : memref<128xi32, #tpu.memory_space<hbm>>) dst(%dma_wait3A_858 : memref<128xi32, #tpu.memory_space<vmem>>)
      %dma_wait3A_860 = arith.constant 7 : i32
      %dma_wait3A_861 = arith.constant 0 : i32
      %dma_wait3A_862 = tpu.memref_slice %arg4[%dma_wait3A_860, %dma_wait3A_861] : memref<8x128xi32, #tpu.memory_space<vmem>> -> memref<1x128xi32, #tpu.memory_space<vmem>>
      %dma_wait3A_863 = tpu.memref_squeeze %dma_wait3A_862 : memref<1x128xi32, #tpu.memory_space<vmem>> -> memref<128xi32, #tpu.memory_space<vmem>>
      %dma_wait3A_864 = tpu.memref_slice %arg2[%add3A_788] : memref<16384xi32, #tpu.memory_space<hbm>> -> memref<128xi32, #tpu.memory_space<hbm>>
      %dma_wait3A_865 = arith.constant 0 : i32
      %dma_wait3A_866 = tpu.memref_slice %arg4[%dma_wait3A_860, %dma_wait3A_865] : memref<8x128xi32, #tpu.memory_space<vmem>> -> memref<1x128xi32, #tpu.memory_space<vmem>>
      %dma_wait3A_867 = tpu.memref_squeeze %dma_wait3A_866 : memref<1x128xi32, #tpu.memory_space<vmem>> -> memref<128xi32, #tpu.memory_space<vmem>>
      %dma_wait3A_868 = tpu.memref_slice %arg2[%add3A_788] : memref<16384xi32, #tpu.memory_space<hbm>> -> memref<128xi32, #tpu.memory_space<hbm>>
      tpu.wait_dma2 semaphore(%arg9 : memref<!tpu.dma_semaphore, #tpu.memory_space<semaphore_mem>>) src(%dma_wait3A_868 : memref<128xi32, #tpu.memory_space<hbm>>) dst(%dma_wait3A_867 : memref<128xi32, #tpu.memory_space<vmem>>)
      %dma_start3A_869 = arith.constant 0 : i32
      %dma_start3A_870 = arith.constant 0 : i32
      %dma_start3A_871 = arith.constant 0 : i32
      %dma_start3A_872 = tpu.memref_slice %arg5[%dma_start3A_869, %dma_start3A_871] : memref<8x128xi32, #tpu.memory_space<vmem>> -> memref<1x128xi32, #tpu.memory_space<vmem>>
      %dma_start3A_873 = tpu.memref_squeeze %dma_start3A_872 : memref<1x128xi32, #tpu.memory_space<vmem>> -> memref<128xi32, #tpu.memory_space<vmem>>
      %dma_start3A_874 = arith.constant 0 : i32
      %dma_start3A_875 = tpu.memref_slice %arg4[%dma_start3A_870, %dma_start3A_874] : memref<8x128xi32, #tpu.memory_space<vmem>> -> memref<1x128xi32, #tpu.memory_space<vmem>>
      %dma_start3A_876 = tpu.memref_squeeze %dma_start3A_875 : memref<1x128xi32, #tpu.memory_space<vmem>> -> memref<128xi32, #tpu.memory_space<vmem>>
      %dma_start3A_877 = arith.constant 0 : i32
      %dma_start3A_878 = tpu.memref_slice %arg8[%dma_start3A_877] : memref<1000016xi32, #tpu.memory_space<vmem_shared>> -> memref<1000016xi32, #tpu.memory_space<vmem_shared>>
      tpu.enqueue_indirect_dma source(%dma_start3A_873 : memref<128xi32, #tpu.memory_space<vmem>>) target(%dma_start3A_878 : memref<1000016xi32, #tpu.memory_space<vmem_shared>>) offsets(%dma_start3A_876 : memref<128xi32, #tpu.memory_space<vmem>>) semaphore(%arg9 : memref<!tpu.dma_semaphore, #tpu.memory_space<semaphore_mem>>)
      %dma_start3A_879 = arith.constant 1 : i32
      %dma_start3A_880 = arith.constant 1 : i32
      %dma_start3A_881 = arith.constant 0 : i32
      %dma_start3A_882 = tpu.memref_slice %arg5[%dma_start3A_879, %dma_start3A_881] : memref<8x128xi32, #tpu.memory_space<vmem>> -> memref<1x128xi32, #tpu.memory_space<vmem>>
      %dma_start3A_883 = tpu.memref_squeeze %dma_start3A_882 : memref<1x128xi32, #tpu.memory_space<vmem>> -> memref<128xi32, #tpu.memory_space<vmem>>
      %dma_start3A_884 = arith.constant 0 : i32
      %dma_start3A_885 = tpu.memref_slice %arg4[%dma_start3A_880, %dma_start3A_884] : memref<8x128xi32, #tpu.memory_space<vmem>> -> memref<1x128xi32, #tpu.memory_space<vmem>>
      %dma_start3A_886 = tpu.memref_squeeze %dma_start3A_885 : memref<1x128xi32, #tpu.memory_space<vmem>> -> memref<128xi32, #tpu.memory_space<vmem>>
      %dma_start3A_887 = arith.constant 0 : i32
      %dma_start3A_888 = tpu.memref_slice %arg8[%dma_start3A_887] : memref<1000016xi32, #tpu.memory_space<vmem_shared>> -> memref<1000016xi32, #tpu.memory_space<vmem_shared>>
      tpu.enqueue_indirect_dma source(%dma_start3A_883 : memref<128xi32, #tpu.memory_space<vmem>>) target(%dma_start3A_888 : memref<1000016xi32, #tpu.memory_space<vmem_shared>>) offsets(%dma_start3A_886 : memref<128xi32, #tpu.memory_space<vmem>>) semaphore(%arg9 : memref<!tpu.dma_semaphore, #tpu.memory_space<semaphore_mem>>)
      %dma_start3A_889 = arith.constant 2 : i32
      %dma_start3A_890 = arith.constant 2 : i32
      %dma_start3A_891 = arith.constant 0 : i32
      %dma_start3A_892 = tpu.memref_slice %arg5[%dma_start3A_889, %dma_start3A_891] : memref<8x128xi32, #tpu.memory_space<vmem>> -> memref<1x128xi32, #tpu.memory_space<vmem>>
      %dma_start3A_893 = tpu.memref_squeeze %dma_start3A_892 : memref<1x128xi32, #tpu.memory_space<vmem>> -> memref<128xi32, #tpu.memory_space<vmem>>
      %dma_start3A_894 = arith.constant 0 : i32
      %dma_start3A_895 = tpu.memref_slice %arg4[%dma_start3A_890, %dma_start3A_894] : memref<8x128xi32, #tpu.memory_space<vmem>> -> memref<1x128xi32, #tpu.memory_space<vmem>>
      %dma_start3A_896 = tpu.memref_squeeze %dma_start3A_895 : memref<1x128xi32, #tpu.memory_space<vmem>> -> memref<128xi32, #tpu.memory_space<vmem>>
      %dma_start3A_897 = arith.constant 0 : i32
      %dma_start3A_898 = tpu.memref_slice %arg8[%dma_start3A_897] : memref<1000016xi32, #tpu.memory_space<vmem_shared>> -> memref<1000016xi32, #tpu.memory_space<vmem_shared>>
      tpu.enqueue_indirect_dma source(%dma_start3A_893 : memref<128xi32, #tpu.memory_space<vmem>>) target(%dma_start3A_898 : memref<1000016xi32, #tpu.memory_space<vmem_shared>>) offsets(%dma_start3A_896 : memref<128xi32, #tpu.memory_space<vmem>>) semaphore(%arg9 : memref<!tpu.dma_semaphore, #tpu.memory_space<semaphore_mem>>)
      %dma_start3A_899 = arith.constant 3 : i32
      %dma_start3A_900 = arith.constant 3 : i32
      %dma_start3A_901 = arith.constant 0 : i32
      %dma_start3A_902 = tpu.memref_slice %arg5[%dma_start3A_899, %dma_start3A_901] : memref<8x128xi32, #tpu.memory_space<vmem>> -> memref<1x128xi32, #tpu.memory_space<vmem>>
      %dma_start3A_903 = tpu.memref_squeeze %dma_start3A_902 : memref<1x128xi32, #tpu.memory_space<vmem>> -> memref<128xi32, #tpu.memory_space<vmem>>
      %dma_start3A_904 = arith.constant 0 : i32
      %dma_start3A_905 = tpu.memref_slice %arg4[%dma_start3A_900, %dma_start3A_904] : memref<8x128xi32, #tpu.memory_space<vmem>> -> memref<1x128xi32, #tpu.memory_space<vmem>>
      %dma_start3A_906 = tpu.memref_squeeze %dma_start3A_905 : memref<1x128xi32, #tpu.memory_space<vmem>> -> memref<128xi32, #tpu.memory_space<vmem>>
      %dma_start3A_907 = arith.constant 0 : i32
      %dma_start3A_908 = tpu.memref_slice %arg8[%dma_start3A_907] : memref<1000016xi32, #tpu.memory_space<vmem_shared>> -> memref<1000016xi32, #tpu.memory_space<vmem_shared>>
      tpu.enqueue_indirect_dma source(%dma_start3A_903 : memref<128xi32, #tpu.memory_space<vmem>>) target(%dma_start3A_908 : memref<1000016xi32, #tpu.memory_space<vmem_shared>>) offsets(%dma_start3A_906 : memref<128xi32, #tpu.memory_space<vmem>>) semaphore(%arg9 : memref<!tpu.dma_semaphore, #tpu.memory_space<semaphore_mem>>)
      %dma_start3A_909 = arith.constant 4 : i32
      %dma_start3A_910 = arith.constant 4 : i32
      %dma_start3A_911 = arith.constant 0 : i32
      %dma_start3A_912 = tpu.memref_slice %arg5[%dma_start3A_909, %dma_start3A_911] : memref<8x128xi32, #tpu.memory_space<vmem>> -> memref<1x128xi32, #tpu.memory_space<vmem>>
      %dma_start3A_913 = tpu.memref_squeeze %dma_start3A_912 : memref<1x128xi32, #tpu.memory_space<vmem>> -> memref<128xi32, #tpu.memory_space<vmem>>
      %dma_start3A_914 = arith.constant 0 : i32
      %dma_start3A_915 = tpu.memref_slice %arg4[%dma_start3A_910, %dma_start3A_914] : memref<8x128xi32, #tpu.memory_space<vmem>> -> memref<1x128xi32, #tpu.memory_space<vmem>>
      %dma_start3A_916 = tpu.memref_squeeze %dma_start3A_915 : memref<1x128xi32, #tpu.memory_space<vmem>> -> memref<128xi32, #tpu.memory_space<vmem>>
      %dma_start3A_917 = arith.constant 0 : i32
      %dma_start3A_918 = tpu.memref_slice %arg8[%dma_start3A_917] : memref<1000016xi32, #tpu.memory_space<vmem_shared>> -> memref<1000016xi32, #tpu.memory_space<vmem_shared>>
      tpu.enqueue_indirect_dma source(%dma_start3A_913 : memref<128xi32, #tpu.memory_space<vmem>>) target(%dma_start3A_918 : memref<1000016xi32, #tpu.memory_space<vmem_shared>>) offsets(%dma_start3A_916 : memref<128xi32, #tpu.memory_space<vmem>>) semaphore(%arg9 : memref<!tpu.dma_semaphore, #tpu.memory_space<semaphore_mem>>)
      %dma_start3A_919 = arith.constant 5 : i32
      %dma_start3A_920 = arith.constant 5 : i32
      %dma_start3A_921 = arith.constant 0 : i32
      %dma_start3A_922 = tpu.memref_slice %arg5[%dma_start3A_919, %dma_start3A_921] : memref<8x128xi32, #tpu.memory_space<vmem>> -> memref<1x128xi32, #tpu.memory_space<vmem>>
      %dma_start3A_923 = tpu.memref_squeeze %dma_start3A_922 : memref<1x128xi32, #tpu.memory_space<vmem>> -> memref<128xi32, #tpu.memory_space<vmem>>
      %dma_start3A_924 = arith.constant 0 : i32
      %dma_start3A_925 = tpu.memref_slice %arg4[%dma_start3A_920, %dma_start3A_924] : memref<8x128xi32, #tpu.memory_space<vmem>> -> memref<1x128xi32, #tpu.memory_space<vmem>>
      %dma_start3A_926 = tpu.memref_squeeze %dma_start3A_925 : memref<1x128xi32, #tpu.memory_space<vmem>> -> memref<128xi32, #tpu.memory_space<vmem>>
      %dma_start3A_927 = arith.constant 0 : i32
      %dma_start3A_928 = tpu.memref_slice %arg8[%dma_start3A_927] : memref<1000016xi32, #tpu.memory_space<vmem_shared>> -> memref<1000016xi32, #tpu.memory_space<vmem_shared>>
      tpu.enqueue_indirect_dma source(%dma_start3A_923 : memref<128xi32, #tpu.memory_space<vmem>>) target(%dma_start3A_928 : memref<1000016xi32, #tpu.memory_space<vmem_shared>>) offsets(%dma_start3A_926 : memref<128xi32, #tpu.memory_space<vmem>>) semaphore(%arg9 : memref<!tpu.dma_semaphore, #tpu.memory_space<semaphore_mem>>)
      %dma_start3A_929 = arith.constant 6 : i32
      %dma_start3A_930 = arith.constant 6 : i32
      %dma_start3A_931 = arith.constant 0 : i32
      %dma_start3A_932 = tpu.memref_slice %arg5[%dma_start3A_929, %dma_start3A_931] : memref<8x128xi32, #tpu.memory_space<vmem>> -> memref<1x128xi32, #tpu.memory_space<vmem>>
      %dma_start3A_933 = tpu.memref_squeeze %dma_start3A_932 : memref<1x128xi32, #tpu.memory_space<vmem>> -> memref<128xi32, #tpu.memory_space<vmem>>
      %dma_start3A_934 = arith.constant 0 : i32
      %dma_start3A_935 = tpu.memref_slice %arg4[%dma_start3A_930, %dma_start3A_934] : memref<8x128xi32, #tpu.memory_space<vmem>> -> memref<1x128xi32, #tpu.memory_space<vmem>>
      %dma_start3A_936 = tpu.memref_squeeze %dma_start3A_935 : memref<1x128xi32, #tpu.memory_space<vmem>> -> memref<128xi32, #tpu.memory_space<vmem>>
      %dma_start3A_937 = arith.constant 0 : i32
      %dma_start3A_938 = tpu.memref_slice %arg8[%dma_start3A_937] : memref<1000016xi32, #tpu.memory_space<vmem_shared>> -> memref<1000016xi32, #tpu.memory_space<vmem_shared>>
      tpu.enqueue_indirect_dma source(%dma_start3A_933 : memref<128xi32, #tpu.memory_space<vmem>>) target(%dma_start3A_938 : memref<1000016xi32, #tpu.memory_space<vmem_shared>>) offsets(%dma_start3A_936 : memref<128xi32, #tpu.memory_space<vmem>>) semaphore(%arg9 : memref<!tpu.dma_semaphore, #tpu.memory_space<semaphore_mem>>)
      %dma_start3A_939 = arith.constant 7 : i32
      %dma_start3A_940 = arith.constant 7 : i32
      %dma_start3A_941 = arith.constant 0 : i32
      %dma_start3A_942 = tpu.memref_slice %arg5[%dma_start3A_939, %dma_start3A_941] : memref<8x128xi32, #tpu.memory_space<vmem>> -> memref<1x128xi32, #tpu.memory_space<vmem>>
      %dma_start3A_943 = tpu.memref_squeeze %dma_start3A_942 : memref<1x128xi32, #tpu.memory_space<vmem>> -> memref<128xi32, #tpu.memory_space<vmem>>
      %dma_start3A_944 = arith.constant 0 : i32
      %dma_start3A_945 = tpu.memref_slice %arg4[%dma_start3A_940, %dma_start3A_944] : memref<8x128xi32, #tpu.memory_space<vmem>> -> memref<1x128xi32, #tpu.memory_space<vmem>>
      %dma_start3A_946 = tpu.memref_squeeze %dma_start3A_945 : memref<1x128xi32, #tpu.memory_space<vmem>> -> memref<128xi32, #tpu.memory_space<vmem>>
      %dma_start3A_947 = arith.constant 0 : i32
      %dma_start3A_948 = tpu.memref_slice %arg8[%dma_start3A_947] : memref<1000016xi32, #tpu.memory_space<vmem_shared>> -> memref<1000016xi32, #tpu.memory_space<vmem_shared>>
      tpu.enqueue_indirect_dma source(%dma_start3A_943 : memref<128xi32, #tpu.memory_space<vmem>>) target(%dma_start3A_948 : memref<1000016xi32, #tpu.memory_space<vmem_shared>>) offsets(%dma_start3A_946 : memref<128xi32, #tpu.memory_space<vmem>>) semaphore(%arg9 : memref<!tpu.dma_semaphore, #tpu.memory_space<semaphore_mem>>)
      %dma_wait3A_949 = arith.constant 0 : i32
      %dma_wait3A_950 = arith.constant 0 : i32
      %dma_wait3A_951 = arith.constant 0 : i32
      %dma_wait3A_952 = tpu.memref_slice %arg5[%dma_wait3A_949, %dma_wait3A_951] : memref<8x128xi32, #tpu.memory_space<vmem>> -> memref<1x128xi32, #tpu.memory_space<vmem>>
      %dma_wait3A_953 = tpu.memref_squeeze %dma_wait3A_952 : memref<1x128xi32, #tpu.memory_space<vmem>> -> memref<128xi32, #tpu.memory_space<vmem>>
      %dma_wait3A_954 = arith.constant 0 : i32
      %dma_wait3A_955 = tpu.memref_slice %arg4[%dma_wait3A_950, %dma_wait3A_954] : memref<8x128xi32, #tpu.memory_space<vmem>> -> memref<1x128xi32, #tpu.memory_space<vmem>>
      %dma_wait3A_956 = tpu.memref_squeeze %dma_wait3A_955 : memref<1x128xi32, #tpu.memory_space<vmem>> -> memref<128xi32, #tpu.memory_space<vmem>>
      %dma_wait3A_957 = arith.constant 0 : i32
      %dma_wait3A_958 = tpu.memref_slice %arg8[%dma_wait3A_957] : memref<1000016xi32, #tpu.memory_space<vmem_shared>> -> memref<1000016xi32, #tpu.memory_space<vmem_shared>>
      tpu.wait_indirect_dma semaphore(%arg9 : memref<!tpu.dma_semaphore, #tpu.memory_space<semaphore_mem>>) src(%dma_wait3A_953 : memref<128xi32, #tpu.memory_space<vmem>>) dst(%dma_wait3A_958 : memref<1000016xi32, #tpu.memory_space<vmem_shared>>)
      %dma_wait3A_959 = arith.constant 1 : i32
      %dma_wait3A_960 = arith.constant 1 : i32
      %dma_wait3A_961 = arith.constant 0 : i32
      %dma_wait3A_962 = tpu.memref_slice %arg5[%dma_wait3A_959, %dma_wait3A_961] : memref<8x128xi32, #tpu.memory_space<vmem>> -> memref<1x128xi32, #tpu.memory_space<vmem>>
      %dma_wait3A_963 = tpu.memref_squeeze %dma_wait3A_962 : memref<1x128xi32, #tpu.memory_space<vmem>> -> memref<128xi32, #tpu.memory_space<vmem>>
      %dma_wait3A_964 = arith.constant 0 : i32
      %dma_wait3A_965 = tpu.memref_slice %arg4[%dma_wait3A_960, %dma_wait3A_964] : memref<8x128xi32, #tpu.memory_space<vmem>> -> memref<1x128xi32, #tpu.memory_space<vmem>>
      %dma_wait3A_966 = tpu.memref_squeeze %dma_wait3A_965 : memref<1x128xi32, #tpu.memory_space<vmem>> -> memref<128xi32, #tpu.memory_space<vmem>>
      %dma_wait3A_967 = arith.constant 0 : i32
      %dma_wait3A_968 = tpu.memref_slice %arg8[%dma_wait3A_967] : memref<1000016xi32, #tpu.memory_space<vmem_shared>> -> memref<1000016xi32, #tpu.memory_space<vmem_shared>>
      tpu.wait_indirect_dma semaphore(%arg9 : memref<!tpu.dma_semaphore, #tpu.memory_space<semaphore_mem>>) src(%dma_wait3A_963 : memref<128xi32, #tpu.memory_space<vmem>>) dst(%dma_wait3A_968 : memref<1000016xi32, #tpu.memory_space<vmem_shared>>)
      %dma_wait3A_969 = arith.constant 2 : i32
      %dma_wait3A_970 = arith.constant 2 : i32
      %dma_wait3A_971 = arith.constant 0 : i32
      %dma_wait3A_972 = tpu.memref_slice %arg5[%dma_wait3A_969, %dma_wait3A_971] : memref<8x128xi32, #tpu.memory_space<vmem>> -> memref<1x128xi32, #tpu.memory_space<vmem>>
      %dma_wait3A_973 = tpu.memref_squeeze %dma_wait3A_972 : memref<1x128xi32, #tpu.memory_space<vmem>> -> memref<128xi32, #tpu.memory_space<vmem>>
      %dma_wait3A_974 = arith.constant 0 : i32
      %dma_wait3A_975 = tpu.memref_slice %arg4[%dma_wait3A_970, %dma_wait3A_974] : memref<8x128xi32, #tpu.memory_space<vmem>> -> memref<1x128xi32, #tpu.memory_space<vmem>>
      %dma_wait3A_976 = tpu.memref_squeeze %dma_wait3A_975 : memref<1x128xi32, #tpu.memory_space<vmem>> -> memref<128xi32, #tpu.memory_space<vmem>>
      %dma_wait3A_977 = arith.constant 0 : i32
      %dma_wait3A_978 = tpu.memref_slice %arg8[%dma_wait3A_977] : memref<1000016xi32, #tpu.memory_space<vmem_shared>> -> memref<1000016xi32, #tpu.memory_space<vmem_shared>>
      tpu.wait_indirect_dma semaphore(%arg9 : memref<!tpu.dma_semaphore, #tpu.memory_space<semaphore_mem>>) src(%dma_wait3A_973 : memref<128xi32, #tpu.memory_space<vmem>>) dst(%dma_wait3A_978 : memref<1000016xi32, #tpu.memory_space<vmem_shared>>)
      %dma_wait3A_979 = arith.constant 3 : i32
      %dma_wait3A_980 = arith.constant 3 : i32
      %dma_wait3A_981 = arith.constant 0 : i32
      %dma_wait3A_982 = tpu.memref_slice %arg5[%dma_wait3A_979, %dma_wait3A_981] : memref<8x128xi32, #tpu.memory_space<vmem>> -> memref<1x128xi32, #tpu.memory_space<vmem>>
      %dma_wait3A_983 = tpu.memref_squeeze %dma_wait3A_982 : memref<1x128xi32, #tpu.memory_space<vmem>> -> memref<128xi32, #tpu.memory_space<vmem>>
      %dma_wait3A_984 = arith.constant 0 : i32
      %dma_wait3A_985 = tpu.memref_slice %arg4[%dma_wait3A_980, %dma_wait3A_984] : memref<8x128xi32, #tpu.memory_space<vmem>> -> memref<1x128xi32, #tpu.memory_space<vmem>>
      %dma_wait3A_986 = tpu.memref_squeeze %dma_wait3A_985 : memref<1x128xi32, #tpu.memory_space<vmem>> -> memref<128xi32, #tpu.memory_space<vmem>>
      %dma_wait3A_987 = arith.constant 0 : i32
      %dma_wait3A_988 = tpu.memref_slice %arg8[%dma_wait3A_987] : memref<1000016xi32, #tpu.memory_space<vmem_shared>> -> memref<1000016xi32, #tpu.memory_space<vmem_shared>>
      tpu.wait_indirect_dma semaphore(%arg9 : memref<!tpu.dma_semaphore, #tpu.memory_space<semaphore_mem>>) src(%dma_wait3A_983 : memref<128xi32, #tpu.memory_space<vmem>>) dst(%dma_wait3A_988 : memref<1000016xi32, #tpu.memory_space<vmem_shared>>)
      %dma_wait3A_989 = arith.constant 4 : i32
      %dma_wait3A_990 = arith.constant 4 : i32
      %dma_wait3A_991 = arith.constant 0 : i32
      %dma_wait3A_992 = tpu.memref_slice %arg5[%dma_wait3A_989, %dma_wait3A_991] : memref<8x128xi32, #tpu.memory_space<vmem>> -> memref<1x128xi32, #tpu.memory_space<vmem>>
      %dma_wait3A_993 = tpu.memref_squeeze %dma_wait3A_992 : memref<1x128xi32, #tpu.memory_space<vmem>> -> memref<128xi32, #tpu.memory_space<vmem>>
      %dma_wait3A_994 = arith.constant 0 : i32
      %dma_wait3A_995 = tpu.memref_slice %arg4[%dma_wait3A_990, %dma_wait3A_994] : memref<8x128xi32, #tpu.memory_space<vmem>> -> memref<1x128xi32, #tpu.memory_space<vmem>>
      %dma_wait3A_996 = tpu.memref_squeeze %dma_wait3A_995 : memref<1x128xi32, #tpu.memory_space<vmem>> -> memref<128xi32, #tpu.memory_space<vmem>>
      %dma_wait3A_997 = arith.constant 0 : i32
      %dma_wait3A_998 = tpu.memref_slice %arg8[%dma_wait3A_997] : memref<1000016xi32, #tpu.memory_space<vmem_shared>> -> memref<1000016xi32, #tpu.memory_space<vmem_shared>>
      tpu.wait_indirect_dma semaphore(%arg9 : memref<!tpu.dma_semaphore, #tpu.memory_space<semaphore_mem>>) src(%dma_wait3A_993 : memref<128xi32, #tpu.memory_space<vmem>>) dst(%dma_wait3A_998 : memref<1000016xi32, #tpu.memory_space<vmem_shared>>)
      %dma_wait3A_999 = arith.constant 5 : i32
      %dma_wait3A_1000 = arith.constant 5 : i32
      %dma_wait3A_1001 = arith.constant 0 : i32
      %dma_wait3A_1002 = tpu.memref_slice %arg5[%dma_wait3A_999, %dma_wait3A_1001] : memref<8x128xi32, #tpu.memory_space<vmem>> -> memref<1x128xi32, #tpu.memory_space<vmem>>
      %dma_wait3A_1003 = tpu.memref_squeeze %dma_wait3A_1002 : memref<1x128xi32, #tpu.memory_space<vmem>> -> memref<128xi32, #tpu.memory_space<vmem>>
      %dma_wait3A_1004 = arith.constant 0 : i32
      %dma_wait3A_1005 = tpu.memref_slice %arg4[%dma_wait3A_1000, %dma_wait3A_1004] : memref<8x128xi32, #tpu.memory_space<vmem>> -> memref<1x128xi32, #tpu.memory_space<vmem>>
      %dma_wait3A_1006 = tpu.memref_squeeze %dma_wait3A_1005 : memref<1x128xi32, #tpu.memory_space<vmem>> -> memref<128xi32, #tpu.memory_space<vmem>>
      %dma_wait3A_1007 = arith.constant 0 : i32
      %dma_wait3A_1008 = tpu.memref_slice %arg8[%dma_wait3A_1007] : memref<1000016xi32, #tpu.memory_space<vmem_shared>> -> memref<1000016xi32, #tpu.memory_space<vmem_shared>>
      tpu.wait_indirect_dma semaphore(%arg9 : memref<!tpu.dma_semaphore, #tpu.memory_space<semaphore_mem>>) src(%dma_wait3A_1003 : memref<128xi32, #tpu.memory_space<vmem>>) dst(%dma_wait3A_1008 : memref<1000016xi32, #tpu.memory_space<vmem_shared>>)
      %dma_wait3A_1009 = arith.constant 6 : i32
      %dma_wait3A_1010 = arith.constant 6 : i32
      %dma_wait3A_1011 = arith.constant 0 : i32
      %dma_wait3A_1012 = tpu.memref_slice %arg5[%dma_wait3A_1009, %dma_wait3A_1011] : memref<8x128xi32, #tpu.memory_space<vmem>> -> memref<1x128xi32, #tpu.memory_space<vmem>>
      %dma_wait3A_1013 = tpu.memref_squeeze %dma_wait3A_1012 : memref<1x128xi32, #tpu.memory_space<vmem>> -> memref<128xi32, #tpu.memory_space<vmem>>
      %dma_wait3A_1014 = arith.constant 0 : i32
      %dma_wait3A_1015 = tpu.memref_slice %arg4[%dma_wait3A_1010, %dma_wait3A_1014] : memref<8x128xi32, #tpu.memory_space<vmem>> -> memref<1x128xi32, #tpu.memory_space<vmem>>
      %dma_wait3A_1016 = tpu.memref_squeeze %dma_wait3A_1015 : memref<1x128xi32, #tpu.memory_space<vmem>> -> memref<128xi32, #tpu.memory_space<vmem>>
      %dma_wait3A_1017 = arith.constant 0 : i32
      %dma_wait3A_1018 = tpu.memref_slice %arg8[%dma_wait3A_1017] : memref<1000016xi32, #tpu.memory_space<vmem_shared>> -> memref<1000016xi32, #tpu.memory_space<vmem_shared>>
      tpu.wait_indirect_dma semaphore(%arg9 : memref<!tpu.dma_semaphore, #tpu.memory_space<semaphore_mem>>) src(%dma_wait3A_1013 : memref<128xi32, #tpu.memory_space<vmem>>) dst(%dma_wait3A_1018 : memref<1000016xi32, #tpu.memory_space<vmem_shared>>)
      %dma_wait3A_1019 = arith.constant 7 : i32
      %dma_wait3A_1020 = arith.constant 7 : i32
      %dma_wait3A_1021 = arith.constant 0 : i32
      %dma_wait3A_1022 = tpu.memref_slice %arg5[%dma_wait3A_1019, %dma_wait3A_1021] : memref<8x128xi32, #tpu.memory_space<vmem>> -> memref<1x128xi32, #tpu.memory_space<vmem>>
      %dma_wait3A_1023 = tpu.memref_squeeze %dma_wait3A_1022 : memref<1x128xi32, #tpu.memory_space<vmem>> -> memref<128xi32, #tpu.memory_space<vmem>>
      %dma_wait3A_1024 = arith.constant 0 : i32
      %dma_wait3A_1025 = tpu.memref_slice %arg4[%dma_wait3A_1020, %dma_wait3A_1024] : memref<8x128xi32, #tpu.memory_space<vmem>> -> memref<1x128xi32, #tpu.memory_space<vmem>>
      %dma_wait3A_1026 = tpu.memref_squeeze %dma_wait3A_1025 : memref<1x128xi32, #tpu.memory_space<vmem>> -> memref<128xi32, #tpu.memory_space<vmem>>
      %dma_wait3A_1027 = arith.constant 0 : i32
      %dma_wait3A_1028 = tpu.memref_slice %arg8[%dma_wait3A_1027] : memref<1000016xi32, #tpu.memory_space<vmem_shared>> -> memref<1000016xi32, #tpu.memory_space<vmem_shared>>
      tpu.wait_indirect_dma semaphore(%arg9 : memref<!tpu.dma_semaphore, #tpu.memory_space<semaphore_mem>>) src(%dma_wait3A_1023 : memref<128xi32, #tpu.memory_space<vmem>>) dst(%dma_wait3A_1028 : memref<1000016xi32, #tpu.memory_space<vmem_shared>>)
    } else {
    }
    %barrier3A = arith.constant 0 : index
    tpu.barrier barrier_id(%barrier3A)
    %scan3A = arith.constant 0 : i32
    %scan3A_704 = arith.constant 2 : i32
    %scan3A_705 = arith.addi %scan3A, %scan3A_704 : i32
    %scan3A_706 = arith.constant 1 : i32
    scf.for %scan3A_711 = %scan3A to %scan3A_705 step %scan3A_706  : i32 {
      %convert_element_type3A_712 = arith.extui %eq3A_0 : i1 to i32
      %cond3A_713 = arith.constant 0 : i32
      %cond3A_714 = arith.cmpi ne, %convert_element_type3A_712, %cond3A_713 : i32
      scf.if %cond3A_714 {
        %dma_start3A = arith.constant 0 : i32
        %dma_start3A_2316 = arith.constant 0 : i32
        %dma_start3A_2317 = tpu.memref_slice %arg6[%dma_start3A_2316] : memref<1024xi32, #tpu.memory_space<vmem>> -> memref<128xi32, #tpu.memory_space<vmem>>
        %dma_start3A_2318 = arith.constant 0 : i32
        %dma_start3A_2319 = tpu.memref_slice %arg4[%dma_start3A, %dma_start3A_2318] : memref<8x128xi32, #tpu.memory_space<vmem>> -> memref<1x128xi32, #tpu.memory_space<vmem>>
        %dma_start3A_2320 = tpu.memref_squeeze %dma_start3A_2319 : memref<1x128xi32, #tpu.memory_space<vmem>> -> memref<128xi32, #tpu.memory_space<vmem>>
        %dma_start3A_2321 = arith.constant 0 : i32
        %dma_start3A_2322 = tpu.memref_slice %arg8[%dma_start3A_2321] : memref<1000016xi32, #tpu.memory_space<vmem_shared>> -> memref<1000016xi32, #tpu.memory_space<vmem_shared>>
        tpu.enqueue_indirect_dma source(%dma_start3A_2322 : memref<1000016xi32, #tpu.memory_space<vmem_shared>>) target(%dma_start3A_2317 : memref<128xi32, #tpu.memory_space<vmem>>) offsets(%dma_start3A_2320 : memref<128xi32, #tpu.memory_space<vmem>>) semaphore(%arg9 : memref<!tpu.dma_semaphore, #tpu.memory_space<semaphore_mem>>)
        %dma_start3A_2323 = arith.constant 1 : i32
        %dma_start3A_2324 = arith.constant 128 : i32
        %dma_start3A_2325 = tpu.memref_slice %arg6[%dma_start3A_2324] : memref<1024xi32, #tpu.memory_space<vmem>> -> memref<128xi32, #tpu.memory_space<vmem>>
        %dma_start3A_2326 = arith.constant 0 : i32
        %dma_start3A_2327 = tpu.memref_slice %arg4[%dma_start3A_2323, %dma_start3A_2326] : memref<8x128xi32, #tpu.memory_space<vmem>> -> memref<1x128xi32, #tpu.memory_space<vmem>>
        %dma_start3A_2328 = tpu.memref_squeeze %dma_start3A_2327 : memref<1x128xi32, #tpu.memory_space<vmem>> -> memref<128xi32, #tpu.memory_space<vmem>>
        %dma_start3A_2329 = arith.constant 0 : i32
        %dma_start3A_2330 = tpu.memref_slice %arg8[%dma_start3A_2329] : memref<1000016xi32, #tpu.memory_space<vmem_shared>> -> memref<1000016xi32, #tpu.memory_space<vmem_shared>>
        tpu.enqueue_indirect_dma source(%dma_start3A_2330 : memref<1000016xi32, #tpu.memory_space<vmem_shared>>) target(%dma_start3A_2325 : memref<128xi32, #tpu.memory_space<vmem>>) offsets(%dma_start3A_2328 : memref<128xi32, #tpu.memory_space<vmem>>) semaphore(%arg9 : memref<!tpu.dma_semaphore, #tpu.memory_space<semaphore_mem>>)
        %dma_start3A_2331 = arith.constant 2 : i32
        %dma_start3A_2332 = arith.constant 256 : i32
        %dma_start3A_2333 = tpu.memref_slice %arg6[%dma_start3A_2332] : memref<1024xi32, #tpu.memory_space<vmem>> -> memref<128xi32, #tpu.memory_space<vmem>>
        %dma_start3A_2334 = arith.constant 0 : i32
        %dma_start3A_2335 = tpu.memref_slice %arg4[%dma_start3A_2331, %dma_start3A_2334] : memref<8x128xi32, #tpu.memory_space<vmem>> -> memref<1x128xi32, #tpu.memory_space<vmem>>
        %dma_start3A_2336 = tpu.memref_squeeze %dma_start3A_2335 : memref<1x128xi32, #tpu.memory_space<vmem>> -> memref<128xi32, #tpu.memory_space<vmem>>
        %dma_start3A_2337 = arith.constant 0 : i32
        %dma_start3A_2338 = tpu.memref_slice %arg8[%dma_start3A_2337] : memref<1000016xi32, #tpu.memory_space<vmem_shared>> -> memref<1000016xi32, #tpu.memory_space<vmem_shared>>
        tpu.enqueue_indirect_dma source(%dma_start3A_2338 : memref<1000016xi32, #tpu.memory_space<vmem_shared>>) target(%dma_start3A_2333 : memref<128xi32, #tpu.memory_space<vmem>>) offsets(%dma_start3A_2336 : memref<128xi32, #tpu.memory_space<vmem>>) semaphore(%arg9 : memref<!tpu.dma_semaphore, #tpu.memory_space<semaphore_mem>>)
        %dma_start3A_2339 = arith.constant 3 : i32
        %dma_start3A_2340 = arith.constant 384 : i32
        %dma_start3A_2341 = tpu.memref_slice %arg6[%dma_start3A_2340] : memref<1024xi32, #tpu.memory_space<vmem>> -> memref<128xi32, #tpu.memory_space<vmem>>
        %dma_start3A_2342 = arith.constant 0 : i32
        %dma_start3A_2343 = tpu.memref_slice %arg4[%dma_start3A_2339, %dma_start3A_2342] : memref<8x128xi32, #tpu.memory_space<vmem>> -> memref<1x128xi32, #tpu.memory_space<vmem>>
        %dma_start3A_2344 = tpu.memref_squeeze %dma_start3A_2343 : memref<1x128xi32, #tpu.memory_space<vmem>> -> memref<128xi32, #tpu.memory_space<vmem>>
        %dma_start3A_2345 = arith.constant 0 : i32
        %dma_start3A_2346 = tpu.memref_slice %arg8[%dma_start3A_2345] : memref<1000016xi32, #tpu.memory_space<vmem_shared>> -> memref<1000016xi32, #tpu.memory_space<vmem_shared>>
        tpu.enqueue_indirect_dma source(%dma_start3A_2346 : memref<1000016xi32, #tpu.memory_space<vmem_shared>>) target(%dma_start3A_2341 : memref<128xi32, #tpu.memory_space<vmem>>) offsets(%dma_start3A_2344 : memref<128xi32, #tpu.memory_space<vmem>>) semaphore(%arg9 : memref<!tpu.dma_semaphore, #tpu.memory_space<semaphore_mem>>)
        %dma_start3A_2347 = arith.constant 4 : i32
        %dma_start3A_2348 = arith.constant 512 : i32
        %dma_start3A_2349 = tpu.memref_slice %arg6[%dma_start3A_2348] : memref<1024xi32, #tpu.memory_space<vmem>> -> memref<128xi32, #tpu.memory_space<vmem>>
        %dma_start3A_2350 = arith.constant 0 : i32
        %dma_start3A_2351 = tpu.memref_slice %arg4[%dma_start3A_2347, %dma_start3A_2350] : memref<8x128xi32, #tpu.memory_space<vmem>> -> memref<1x128xi32, #tpu.memory_space<vmem>>
        %dma_start3A_2352 = tpu.memref_squeeze %dma_start3A_2351 : memref<1x128xi32, #tpu.memory_space<vmem>> -> memref<128xi32, #tpu.memory_space<vmem>>
        %dma_start3A_2353 = arith.constant 0 : i32
        %dma_start3A_2354 = tpu.memref_slice %arg8[%dma_start3A_2353] : memref<1000016xi32, #tpu.memory_space<vmem_shared>> -> memref<1000016xi32, #tpu.memory_space<vmem_shared>>
        tpu.enqueue_indirect_dma source(%dma_start3A_2354 : memref<1000016xi32, #tpu.memory_space<vmem_shared>>) target(%dma_start3A_2349 : memref<128xi32, #tpu.memory_space<vmem>>) offsets(%dma_start3A_2352 : memref<128xi32, #tpu.memory_space<vmem>>) semaphore(%arg9 : memref<!tpu.dma_semaphore, #tpu.memory_space<semaphore_mem>>)
        %dma_start3A_2355 = arith.constant 5 : i32
        %dma_start3A_2356 = arith.constant 640 : i32
        %dma_start3A_2357 = tpu.memref_slice %arg6[%dma_start3A_2356] : memref<1024xi32, #tpu.memory_space<vmem>> -> memref<128xi32, #tpu.memory_space<vmem>>
        %dma_start3A_2358 = arith.constant 0 : i32
        %dma_start3A_2359 = tpu.memref_slice %arg4[%dma_start3A_2355, %dma_start3A_2358] : memref<8x128xi32, #tpu.memory_space<vmem>> -> memref<1x128xi32, #tpu.memory_space<vmem>>
        %dma_start3A_2360 = tpu.memref_squeeze %dma_start3A_2359 : memref<1x128xi32, #tpu.memory_space<vmem>> -> memref<128xi32, #tpu.memory_space<vmem>>
        %dma_start3A_2361 = arith.constant 0 : i32
        %dma_start3A_2362 = tpu.memref_slice %arg8[%dma_start3A_2361] : memref<1000016xi32, #tpu.memory_space<vmem_shared>> -> memref<1000016xi32, #tpu.memory_space<vmem_shared>>
        tpu.enqueue_indirect_dma source(%dma_start3A_2362 : memref<1000016xi32, #tpu.memory_space<vmem_shared>>) target(%dma_start3A_2357 : memref<128xi32, #tpu.memory_space<vmem>>) offsets(%dma_start3A_2360 : memref<128xi32, #tpu.memory_space<vmem>>) semaphore(%arg9 : memref<!tpu.dma_semaphore, #tpu.memory_space<semaphore_mem>>)
        %dma_start3A_2363 = arith.constant 6 : i32
        %dma_start3A_2364 = arith.constant 768 : i32
        %dma_start3A_2365 = tpu.memref_slice %arg6[%dma_start3A_2364] : memref<1024xi32, #tpu.memory_space<vmem>> -> memref<128xi32, #tpu.memory_space<vmem>>
        %dma_start3A_2366 = arith.constant 0 : i32
        %dma_start3A_2367 = tpu.memref_slice %arg4[%dma_start3A_2363, %dma_start3A_2366] : memref<8x128xi32, #tpu.memory_space<vmem>> -> memref<1x128xi32, #tpu.memory_space<vmem>>
        %dma_start3A_2368 = tpu.memref_squeeze %dma_start3A_2367 : memref<1x128xi32, #tpu.memory_space<vmem>> -> memref<128xi32, #tpu.memory_space<vmem>>
        %dma_start3A_2369 = arith.constant 0 : i32
        %dma_start3A_2370 = tpu.memref_slice %arg8[%dma_start3A_2369] : memref<1000016xi32, #tpu.memory_space<vmem_shared>> -> memref<1000016xi32, #tpu.memory_space<vmem_shared>>
        tpu.enqueue_indirect_dma source(%dma_start3A_2370 : memref<1000016xi32, #tpu.memory_space<vmem_shared>>) target(%dma_start3A_2365 : memref<128xi32, #tpu.memory_space<vmem>>) offsets(%dma_start3A_2368 : memref<128xi32, #tpu.memory_space<vmem>>) semaphore(%arg9 : memref<!tpu.dma_semaphore, #tpu.memory_space<semaphore_mem>>)
        %dma_start3A_2371 = arith.constant 7 : i32
        %dma_start3A_2372 = arith.constant 896 : i32
        %dma_start3A_2373 = tpu.memref_slice %arg6[%dma_start3A_2372] : memref<1024xi32, #tpu.memory_space<vmem>> -> memref<128xi32, #tpu.memory_space<vmem>>
        %dma_start3A_2374 = arith.constant 0 : i32
        %dma_start3A_2375 = tpu.memref_slice %arg4[%dma_start3A_2371, %dma_start3A_2374] : memref<8x128xi32, #tpu.memory_space<vmem>> -> memref<1x128xi32, #tpu.memory_space<vmem>>
        %dma_start3A_2376 = tpu.memref_squeeze %dma_start3A_2375 : memref<1x128xi32, #tpu.memory_space<vmem>> -> memref<128xi32, #tpu.memory_space<vmem>>
        %dma_start3A_2377 = arith.constant 0 : i32
        %dma_start3A_2378 = tpu.memref_slice %arg8[%dma_start3A_2377] : memref<1000016xi32, #tpu.memory_space<vmem_shared>> -> memref<1000016xi32, #tpu.memory_space<vmem_shared>>
        tpu.enqueue_indirect_dma source(%dma_start3A_2378 : memref<1000016xi32, #tpu.memory_space<vmem_shared>>) target(%dma_start3A_2373 : memref<128xi32, #tpu.memory_space<vmem>>) offsets(%dma_start3A_2376 : memref<128xi32, #tpu.memory_space<vmem>>) semaphore(%arg9 : memref<!tpu.dma_semaphore, #tpu.memory_space<semaphore_mem>>)
        %dma_wait3A = arith.constant 0 : i32
        %dma_wait3A_2379 = arith.constant 0 : i32
        %dma_wait3A_2380 = tpu.memref_slice %arg6[%dma_wait3A_2379] : memref<1024xi32, #tpu.memory_space<vmem>> -> memref<128xi32, #tpu.memory_space<vmem>>
        %dma_wait3A_2381 = arith.constant 0 : i32
        %dma_wait3A_2382 = tpu.memref_slice %arg4[%dma_wait3A, %dma_wait3A_2381] : memref<8x128xi32, #tpu.memory_space<vmem>> -> memref<1x128xi32, #tpu.memory_space<vmem>>
        %dma_wait3A_2383 = tpu.memref_squeeze %dma_wait3A_2382 : memref<1x128xi32, #tpu.memory_space<vmem>> -> memref<128xi32, #tpu.memory_space<vmem>>
        %dma_wait3A_2384 = arith.constant 0 : i32
        %dma_wait3A_2385 = tpu.memref_slice %arg8[%dma_wait3A_2384] : memref<1000016xi32, #tpu.memory_space<vmem_shared>> -> memref<1000016xi32, #tpu.memory_space<vmem_shared>>
        tpu.wait_indirect_dma semaphore(%arg9 : memref<!tpu.dma_semaphore, #tpu.memory_space<semaphore_mem>>) src(%dma_wait3A_2385 : memref<1000016xi32, #tpu.memory_space<vmem_shared>>) dst(%dma_wait3A_2380 : memref<128xi32, #tpu.memory_space<vmem>>)
        %dma_wait3A_2386 = arith.constant 1 : i32
        %dma_wait3A_2387 = arith.constant 128 : i32
        %dma_wait3A_2388 = tpu.memref_slice %arg6[%dma_wait3A_2387] : memref<1024xi32, #tpu.memory_space<vmem>> -> memref<128xi32, #tpu.memory_space<vmem>>
        %dma_wait3A_2389 = arith.constant 0 : i32
        %dma_wait3A_2390 = tpu.memref_slice %arg4[%dma_wait3A_2386, %dma_wait3A_2389] : memref<8x128xi32, #tpu.memory_space<vmem>> -> memref<1x128xi32, #tpu.memory_space<vmem>>
        %dma_wait3A_2391 = tpu.memref_squeeze %dma_wait3A_2390 : memref<1x128xi32, #tpu.memory_space<vmem>> -> memref<128xi32, #tpu.memory_space<vmem>>
        %dma_wait3A_2392 = arith.constant 0 : i32
        %dma_wait3A_2393 = tpu.memref_slice %arg8[%dma_wait3A_2392] : memref<1000016xi32, #tpu.memory_space<vmem_shared>> -> memref<1000016xi32, #tpu.memory_space<vmem_shared>>
        tpu.wait_indirect_dma semaphore(%arg9 : memref<!tpu.dma_semaphore, #tpu.memory_space<semaphore_mem>>) src(%dma_wait3A_2393 : memref<1000016xi32, #tpu.memory_space<vmem_shared>>) dst(%dma_wait3A_2388 : memref<128xi32, #tpu.memory_space<vmem>>)
        %dma_wait3A_2394 = arith.constant 2 : i32
        %dma_wait3A_2395 = arith.constant 256 : i32
        %dma_wait3A_2396 = tpu.memref_slice %arg6[%dma_wait3A_2395] : memref<1024xi32, #tpu.memory_space<vmem>> -> memref<128xi32, #tpu.memory_space<vmem>>
        %dma_wait3A_2397 = arith.constant 0 : i32
        %dma_wait3A_2398 = tpu.memref_slice %arg4[%dma_wait3A_2394, %dma_wait3A_2397] : memref<8x128xi32, #tpu.memory_space<vmem>> -> memref<1x128xi32, #tpu.memory_space<vmem>>
        %dma_wait3A_2399 = tpu.memref_squeeze %dma_wait3A_2398 : memref<1x128xi32, #tpu.memory_space<vmem>> -> memref<128xi32, #tpu.memory_space<vmem>>
        %dma_wait3A_2400 = arith.constant 0 : i32
        %dma_wait3A_2401 = tpu.memref_slice %arg8[%dma_wait3A_2400] : memref<1000016xi32, #tpu.memory_space<vmem_shared>> -> memref<1000016xi32, #tpu.memory_space<vmem_shared>>
        tpu.wait_indirect_dma semaphore(%arg9 : memref<!tpu.dma_semaphore, #tpu.memory_space<semaphore_mem>>) src(%dma_wait3A_2401 : memref<1000016xi32, #tpu.memory_space<vmem_shared>>) dst(%dma_wait3A_2396 : memref<128xi32, #tpu.memory_space<vmem>>)
        %dma_wait3A_2402 = arith.constant 3 : i32
        %dma_wait3A_2403 = arith.constant 384 : i32
        %dma_wait3A_2404 = tpu.memref_slice %arg6[%dma_wait3A_2403] : memref<1024xi32, #tpu.memory_space<vmem>> -> memref<128xi32, #tpu.memory_space<vmem>>
        %dma_wait3A_2405 = arith.constant 0 : i32
        %dma_wait3A_2406 = tpu.memref_slice %arg4[%dma_wait3A_2402, %dma_wait3A_2405] : memref<8x128xi32, #tpu.memory_space<vmem>> -> memref<1x128xi32, #tpu.memory_space<vmem>>
        %dma_wait3A_2407 = tpu.memref_squeeze %dma_wait3A_2406 : memref<1x128xi32, #tpu.memory_space<vmem>> -> memref<128xi32, #tpu.memory_space<vmem>>
        %dma_wait3A_2408 = arith.constant 0 : i32
        %dma_wait3A_2409 = tpu.memref_slice %arg8[%dma_wait3A_2408] : memref<1000016xi32, #tpu.memory_space<vmem_shared>> -> memref<1000016xi32, #tpu.memory_space<vmem_shared>>
        tpu.wait_indirect_dma semaphore(%arg9 : memref<!tpu.dma_semaphore, #tpu.memory_space<semaphore_mem>>) src(%dma_wait3A_2409 : memref<1000016xi32, #tpu.memory_space<vmem_shared>>) dst(%dma_wait3A_2404 : memref<128xi32, #tpu.memory_space<vmem>>)
        %dma_wait3A_2410 = arith.constant 4 : i32
        %dma_wait3A_2411 = arith.constant 512 : i32
        %dma_wait3A_2412 = tpu.memref_slice %arg6[%dma_wait3A_2411] : memref<1024xi32, #tpu.memory_space<vmem>> -> memref<128xi32, #tpu.memory_space<vmem>>
        %dma_wait3A_2413 = arith.constant 0 : i32
        %dma_wait3A_2414 = tpu.memref_slice %arg4[%dma_wait3A_2410, %dma_wait3A_2413] : memref<8x128xi32, #tpu.memory_space<vmem>> -> memref<1x128xi32, #tpu.memory_space<vmem>>
        %dma_wait3A_2415 = tpu.memref_squeeze %dma_wait3A_2414 : memref<1x128xi32, #tpu.memory_space<vmem>> -> memref<128xi32, #tpu.memory_space<vmem>>
        %dma_wait3A_2416 = arith.constant 0 : i32
        %dma_wait3A_2417 = tpu.memref_slice %arg8[%dma_wait3A_2416] : memref<1000016xi32, #tpu.memory_space<vmem_shared>> -> memref<1000016xi32, #tpu.memory_space<vmem_shared>>
        tpu.wait_indirect_dma semaphore(%arg9 : memref<!tpu.dma_semaphore, #tpu.memory_space<semaphore_mem>>) src(%dma_wait3A_2417 : memref<1000016xi32, #tpu.memory_space<vmem_shared>>) dst(%dma_wait3A_2412 : memref<128xi32, #tpu.memory_space<vmem>>)
        %dma_wait3A_2418 = arith.constant 5 : i32
        %dma_wait3A_2419 = arith.constant 640 : i32
        %dma_wait3A_2420 = tpu.memref_slice %arg6[%dma_wait3A_2419] : memref<1024xi32, #tpu.memory_space<vmem>> -> memref<128xi32, #tpu.memory_space<vmem>>
        %dma_wait3A_2421 = arith.constant 0 : i32
        %dma_wait3A_2422 = tpu.memref_slice %arg4[%dma_wait3A_2418, %dma_wait3A_2421] : memref<8x128xi32, #tpu.memory_space<vmem>> -> memref<1x128xi32, #tpu.memory_space<vmem>>
        %dma_wait3A_2423 = tpu.memref_squeeze %dma_wait3A_2422 : memref<1x128xi32, #tpu.memory_space<vmem>> -> memref<128xi32, #tpu.memory_space<vmem>>
        %dma_wait3A_2424 = arith.constant 0 : i32
        %dma_wait3A_2425 = tpu.memref_slice %arg8[%dma_wait3A_2424] : memref<1000016xi32, #tpu.memory_space<vmem_shared>> -> memref<1000016xi32, #tpu.memory_space<vmem_shared>>
        tpu.wait_indirect_dma semaphore(%arg9 : memref<!tpu.dma_semaphore, #tpu.memory_space<semaphore_mem>>) src(%dma_wait3A_2425 : memref<1000016xi32, #tpu.memory_space<vmem_shared>>) dst(%dma_wait3A_2420 : memref<128xi32, #tpu.memory_space<vmem>>)
        %dma_wait3A_2426 = arith.constant 6 : i32
        %dma_wait3A_2427 = arith.constant 768 : i32
        %dma_wait3A_2428 = tpu.memref_slice %arg6[%dma_wait3A_2427] : memref<1024xi32, #tpu.memory_space<vmem>> -> memref<128xi32, #tpu.memory_space<vmem>>
        %dma_wait3A_2429 = arith.constant 0 : i32
        %dma_wait3A_2430 = tpu.memref_slice %arg4[%dma_wait3A_2426, %dma_wait3A_2429] : memref<8x128xi32, #tpu.memory_space<vmem>> -> memref<1x128xi32, #tpu.memory_space<vmem>>
        %dma_wait3A_2431 = tpu.memref_squeeze %dma_wait3A_2430 : memref<1x128xi32, #tpu.memory_space<vmem>> -> memref<128xi32, #tpu.memory_space<vmem>>
        %dma_wait3A_2432 = arith.constant 0 : i32
        %dma_wait3A_2433 = tpu.memref_slice %arg8[%dma_wait3A_2432] : memref<1000016xi32, #tpu.memory_space<vmem_shared>> -> memref<1000016xi32, #tpu.memory_space<vmem_shared>>
        tpu.wait_indirect_dma semaphore(%arg9 : memref<!tpu.dma_semaphore, #tpu.memory_space<semaphore_mem>>) src(%dma_wait3A_2433 : memref<1000016xi32, #tpu.memory_space<vmem_shared>>) dst(%dma_wait3A_2428 : memref<128xi32, #tpu.memory_space<vmem>>)
        %dma_wait3A_2434 = arith.constant 7 : i32
        %dma_wait3A_2435 = arith.constant 896 : i32
        %dma_wait3A_2436 = tpu.memref_slice %arg6[%dma_wait3A_2435] : memref<1024xi32, #tpu.memory_space<vmem>> -> memref<128xi32, #tpu.memory_space<vmem>>
        %dma_wait3A_2437 = arith.constant 0 : i32
        %dma_wait3A_2438 = tpu.memref_slice %arg4[%dma_wait3A_2434, %dma_wait3A_2437] : memref<8x128xi32, #tpu.memory_space<vmem>> -> memref<1x128xi32, #tpu.memory_space<vmem>>
        %dma_wait3A_2439 = tpu.memref_squeeze %dma_wait3A_2438 : memref<1x128xi32, #tpu.memory_space<vmem>> -> memref<128xi32, #tpu.memory_space<vmem>>
        %dma_wait3A_2440 = arith.constant 0 : i32
        %dma_wait3A_2441 = tpu.memref_slice %arg8[%dma_wait3A_2440] : memref<1000016xi32, #tpu.memory_space<vmem_shared>> -> memref<1000016xi32, #tpu.memory_space<vmem_shared>>
        tpu.wait_indirect_dma semaphore(%arg9 : memref<!tpu.dma_semaphore, #tpu.memory_space<semaphore_mem>>) src(%dma_wait3A_2441 : memref<1000016xi32, #tpu.memory_space<vmem_shared>>) dst(%dma_wait3A_2436 : memref<128xi32, #tpu.memory_space<vmem>>)
      } else {
      }
      %get3A = arith.constant 0 : i32
      %get3A_715 = arith.index_cast %get3A : i32 to index
      %get3A_716 = arith.constant 0 : index
      %get3A_717 = tpu.vector_load %arg5[%get3A_715, %get3A_716] {strides = array<i32>} : memref<8x128xi32, #tpu.memory_space<vmem>>, vector<1x16xi32>,
      %get3A_718 = vector.shape_cast %get3A_717 : vector<1x16xi32> to vector<16xi32>
      %get3A_719 = arith.constant 0 : index
      %get3A_720 = tpu.vector_load %arg6[%get3A_719] {strides = array<i32>} : memref<1024xi32, #tpu.memory_space<vmem>>, vector<16xi32>,
      %get3A_721 = vector.shape_cast %get3A_720 : vector<16xi32> to vector<16xi32>
      %gt3A = arith.cmpi sgt, %get3A_718, %get3A_721 : vector<16xi32>
      %get3A_722 = arith.constant 0 : i32
      %get3A_723 = arith.index_cast %get3A_722 : i32 to index
      %get3A_724 = arith.constant 0 : index
      %get3A_725 = tpu.vector_load %arg4[%get3A_723, %get3A_724] {strides = array<i32>} : memref<8x128xi32, #tpu.memory_space<vmem>>, vector<1x16xi32>,
      %get3A_726 = vector.shape_cast %get3A_725 : vector<1x16xi32> to vector<16xi32>
      %iota3A_727 = tpu.iota {dimensions = array<i32: 0>} : vector<16xi32>
      %add3A_728 = arith.constant 1000000 : i32
      %add3A_729 = vector.broadcast %add3A_728 : i32 to vector<16xi32>
      %add3A_730 = arith.addi %add3A_729, %iota3A_727 : vector<16xi32>
      %select_n3A = arith.select %gt3A, %get3A_726, %add3A_730 : vector<16xi1>, vector<16xi32>
      %swap3A_731 = arith.constant 0 : i32
      %swap3A_732 = arith.index_cast %swap3A_731 : i32 to index
      %swap3A_733 = arith.constant 0 : index
      %swap3A_734 = tpu.vector_load %arg7[%swap3A_732, %swap3A_733] {strides = array<i32>} : memref<8x128xi32, #tpu.memory_space<vmem>>, vector<1x16xi32>,
      %swap3A_735 = vector.shape_cast %swap3A_734 : vector<1x16xi32> to vector<16xi32>
      %swap3A_736 = vector.shape_cast %select_n3A : vector<16xi32> to vector<1x16xi32>
      tpu.vector_store %arg7[%swap3A_732, %swap3A_733], %swap3A_736 {strides = array<i32>} : memref<8x128xi32, #tpu.memory_space<vmem>>, vector<1x16xi32>,
      %get3A_737 = arith.constant 0 : i32
      %get3A_738 = arith.index_cast %get3A_737 : i32 to index
      %get3A_739 = arith.constant 16 : index
      %get3A_740 = tpu.vector_load %arg5[%get3A_738, %get3A_739] {strides = array<i32>} : memref<8x128xi32, #tpu.memory_space<vmem>>, vector<1x16xi32>,
      %get3A_741 = vector.shape_cast %get3A_740 : vector<1x16xi32> to vector<16xi32>
      %get3A_742 = arith.constant 16 : index
      %get3A_743 = tpu.vector_load %arg6[%get3A_742] {strides = array<i32>} : memref<1024xi32, #tpu.memory_space<vmem>>, vector<16xi32>,
      %get3A_744 = vector.shape_cast %get3A_743 : vector<16xi32> to vector<16xi32>
      %gt3A_745 = arith.cmpi sgt, %get3A_741, %get3A_744 : vector<16xi32>
      %get3A_746 = arith.constant 0 : i32
      %get3A_747 = arith.index_cast %get3A_746 : i32 to index
      %get3A_748 = arith.constant 16 : index
      %get3A_749 = tpu.vector_load %arg4[%get3A_747, %get3A_748] {strides = array<i32>} : memref<8x128xi32, #tpu.memory_space<vmem>>, vector<1x16xi32>,
      %get3A_750 = vector.shape_cast %get3A_749 : vector<1x16xi32> to vector<16xi32>
      %iota3A_751 = tpu.iota {dimensions = array<i32: 0>} : vector<16xi32>
      %add3A_752 = arith.constant 1000000 : i32
      %add3A_753 = vector.broadcast %add3A_752 : i32 to vector<16xi32>
      %add3A_754 = arith.addi %add3A_753, %iota3A_751 : vector<16xi32>
      %select_n3A_755 = arith.select %gt3A_745, %get3A_750, %add3A_754 : vector<16xi1>, vector<16xi32>
      %swap3A_756 = arith.constant 0 : i32
      %swap3A_757 = arith.index_cast %swap3A_756 : i32 to index
      %swap3A_758 = arith.constant 16 : index
      %swap3A_759 = tpu.vector_load %arg7[%swap3A_757, %swap3A_758] {strides = array<i32>} : memref<8x128xi32, #tpu.memory_space<vmem>>, vector<1x16xi32>,
      %swap3A_760 = vector.shape_cast %swap3A_759 : vector<1x16xi32> to vector<16xi32>
      %swap3A_761 = vector.shape_cast %select_n3A_755 : vector<16xi32> to vector<1x16xi32>
      tpu.vector_store %arg7[%swap3A_757, %swap3A_758], %swap3A_761 {strides = array<i32>} : memref<8x128xi32, #tpu.memory_space<vmem>>, vector<1x16xi32>,
      %get3A_762 = arith.constant 0 : i32
      %get3A_763 = arith.index_cast %get3A_762 : i32 to index
      %get3A_764 = arith.constant 32 : index
      %get3A_765 = tpu.vector_load %arg5[%get3A_763, %get3A_764] {strides = array<i32>} : memref<8x128xi32, #tpu.memory_space<vmem>>, vector<1x16xi32>,
      %get3A_766 = vector.shape_cast %get3A_765 : vector<1x16xi32> to vector<16xi32>
      %get3A_767 = arith.constant 32 : index
      %get3A_768 = tpu.vector_load %arg6[%get3A_767] {strides = array<i32>} : memref<1024xi32, #tpu.memory_space<vmem>>, vector<16xi32>,
      %get3A_769 = vector.shape_cast %get3A_768 : vector<16xi32> to vector<16xi32>
      %gt3A_770 = arith.cmpi sgt, %get3A_766, %get3A_769 : vector<16xi32>
      %get3A_771 = arith.constant 0 : i32
      %get3A_772 = arith.index_cast %get3A_771 : i32 to index
      %get3A_773 = arith.constant 32 : index
      %get3A_774 = tpu.vector_load %arg4[%get3A_772, %get3A_773] {strides = array<i32>} : memref<8x128xi32, #tpu.memory_space<vmem>>, vector<1x16xi32>,
      %get3A_775 = vector.shape_cast %get3A_774 : vector<1x16xi32> to vector<16xi32>
      %iota3A_776 = tpu.iota {dimensions = array<i32: 0>} : vector<16xi32>
      %add3A_777 = arith.constant 1000000 : i32
      %add3A_778 = vector.broadcast %add3A_777 : i32 to vector<16xi32>
      %add3A_779 = arith.addi %add3A_778, %iota3A_776 : vector<16xi32>
      %select_n3A_780 = arith.select %gt3A_770, %get3A_775, %add3A_779 : vector<16xi1>, vector<16xi32>
      %swap3A_781 = arith.constant 0 : i32
      %swap3A_782 = arith.index_cast %swap3A_781 : i32 to index
      %swap3A_783 = arith.constant 32 : index
      %swap3A_784 = tpu.vector_load %arg7[%swap3A_782, %swap3A_783] {strides = array<i32>} : memref<8x128xi32, #tpu.memory_space<vmem>>, vector<1x16xi32>,
      %swap3A_785 = vector.shape_cast %swap3A_784 : vector<1x16xi32> to vector<16xi32>
      %swap3A_786 = vector.shape_cast %select_n3A_780 : vector<16xi32> to vector<1x16xi32>
      tpu.vector_store %arg7[%swap3A_782, %swap3A_783], %swap3A_786 {strides = array<i32>} : memref<8x128xi32, #tpu.memory_space<vmem>>, vector<1x16xi32>,
      %get3A_787 = arith.constant 0 : i32
      %get3A_788 = arith.index_cast %get3A_787 : i32 to index
      %get3A_789 = arith.constant 48 : index
      %get3A_790 = tpu.vector_load %arg5[%get3A_788, %get3A_789] {strides = array<i32>} : memref<8x128xi32, #tpu.memory_space<vmem>>, vector<1x16xi32>,
      %get3A_791 = vector.shape_cast %get3A_790 : vector<1x16xi32> to vector<16xi32>
      %get3A_792 = arith.constant 48 : index
      %get3A_793 = tpu.vector_load %arg6[%get3A_792] {strides = array<i32>} : memref<1024xi32, #tpu.memory_space<vmem>>, vector<16xi32>,
      %get3A_794 = vector.shape_cast %get3A_793 : vector<16xi32> to vector<16xi32>
      %gt3A_795 = arith.cmpi sgt, %get3A_791, %get3A_794 : vector<16xi32>
      %get3A_796 = arith.constant 0 : i32
      %get3A_797 = arith.index_cast %get3A_796 : i32 to index
      %get3A_798 = arith.constant 48 : index
      %get3A_799 = tpu.vector_load %arg4[%get3A_797, %get3A_798] {strides = array<i32>} : memref<8x128xi32, #tpu.memory_space<vmem>>, vector<1x16xi32>,
      %get3A_800 = vector.shape_cast %get3A_799 : vector<1x16xi32> to vector<16xi32>
      %iota3A_801 = tpu.iota {dimensions = array<i32: 0>} : vector<16xi32>
      %add3A_802 = arith.constant 1000000 : i32
      %add3A_803 = vector.broadcast %add3A_802 : i32 to vector<16xi32>
      %add3A_804 = arith.addi %add3A_803, %iota3A_801 : vector<16xi32>
      %select_n3A_805 = arith.select %gt3A_795, %get3A_800, %add3A_804 : vector<16xi1>, vector<16xi32>
      %swap3A_806 = arith.constant 0 : i32
      %swap3A_807 = arith.index_cast %swap3A_806 : i32 to index
      %swap3A_808 = arith.constant 48 : index
      %swap3A_809 = tpu.vector_load %arg7[%swap3A_807, %swap3A_808] {strides = array<i32>} : memref<8x128xi32, #tpu.memory_space<vmem>>, vector<1x16xi32>,
      %swap3A_810 = vector.shape_cast %swap3A_809 : vector<1x16xi32> to vector<16xi32>
      %swap3A_811 = vector.shape_cast %select_n3A_805 : vector<16xi32> to vector<1x16xi32>
      tpu.vector_store %arg7[%swap3A_807, %swap3A_808], %swap3A_811 {strides = array<i32>} : memref<8x128xi32, #tpu.memory_space<vmem>>, vector<1x16xi32>,
      %get3A_812 = arith.constant 0 : i32
      %get3A_813 = arith.index_cast %get3A_812 : i32 to index
      %get3A_814 = arith.constant 64 : index
      %get3A_815 = tpu.vector_load %arg5[%get3A_813, %get3A_814] {strides = array<i32>} : memref<8x128xi32, #tpu.memory_space<vmem>>, vector<1x16xi32>,
      %get3A_816 = vector.shape_cast %get3A_815 : vector<1x16xi32> to vector<16xi32>
      %get3A_817 = arith.constant 64 : index
      %get3A_818 = tpu.vector_load %arg6[%get3A_817] {strides = array<i32>} : memref<1024xi32, #tpu.memory_space<vmem>>, vector<16xi32>,
      %get3A_819 = vector.shape_cast %get3A_818 : vector<16xi32> to vector<16xi32>
      %gt3A_820 = arith.cmpi sgt, %get3A_816, %get3A_819 : vector<16xi32>
      %get3A_821 = arith.constant 0 : i32
      %get3A_822 = arith.index_cast %get3A_821 : i32 to index
      %get3A_823 = arith.constant 64 : index
      %get3A_824 = tpu.vector_load %arg4[%get3A_822, %get3A_823] {strides = array<i32>} : memref<8x128xi32, #tpu.memory_space<vmem>>, vector<1x16xi32>,
      %get3A_825 = vector.shape_cast %get3A_824 : vector<1x16xi32> to vector<16xi32>
      %iota3A_826 = tpu.iota {dimensions = array<i32: 0>} : vector<16xi32>
      %add3A_827 = arith.constant 1000000 : i32
      %add3A_828 = vector.broadcast %add3A_827 : i32 to vector<16xi32>
      %add3A_829 = arith.addi %add3A_828, %iota3A_826 : vector<16xi32>
      %select_n3A_830 = arith.select %gt3A_820, %get3A_825, %add3A_829 : vector<16xi1>, vector<16xi32>
      %swap3A_831 = arith.constant 0 : i32
      %swap3A_832 = arith.index_cast %swap3A_831 : i32 to index
      %swap3A_833 = arith.constant 64 : index
      %swap3A_834 = tpu.vector_load %arg7[%swap3A_832, %swap3A_833] {strides = array<i32>} : memref<8x128xi32, #tpu.memory_space<vmem>>, vector<1x16xi32>,
      %swap3A_835 = vector.shape_cast %swap3A_834 : vector<1x16xi32> to vector<16xi32>
      %swap3A_836 = vector.shape_cast %select_n3A_830 : vector<16xi32> to vector<1x16xi32>
      tpu.vector_store %arg7[%swap3A_832, %swap3A_833], %swap3A_836 {strides = array<i32>} : memref<8x128xi32, #tpu.memory_space<vmem>>, vector<1x16xi32>,
      %get3A_837 = arith.constant 0 : i32
      %get3A_838 = arith.index_cast %get3A_837 : i32 to index
      %get3A_839 = arith.constant 80 : index
      %get3A_840 = tpu.vector_load %arg5[%get3A_838, %get3A_839] {strides = array<i32>} : memref<8x128xi32, #tpu.memory_space<vmem>>, vector<1x16xi32>,
      %get3A_841 = vector.shape_cast %get3A_840 : vector<1x16xi32> to vector<16xi32>
      %get3A_842 = arith.constant 80 : index
      %get3A_843 = tpu.vector_load %arg6[%get3A_842] {strides = array<i32>} : memref<1024xi32, #tpu.memory_space<vmem>>, vector<16xi32>,
      %get3A_844 = vector.shape_cast %get3A_843 : vector<16xi32> to vector<16xi32>
      %gt3A_845 = arith.cmpi sgt, %get3A_841, %get3A_844 : vector<16xi32>
      %get3A_846 = arith.constant 0 : i32
      %get3A_847 = arith.index_cast %get3A_846 : i32 to index
      %get3A_848 = arith.constant 80 : index
      %get3A_849 = tpu.vector_load %arg4[%get3A_847, %get3A_848] {strides = array<i32>} : memref<8x128xi32, #tpu.memory_space<vmem>>, vector<1x16xi32>,
      %get3A_850 = vector.shape_cast %get3A_849 : vector<1x16xi32> to vector<16xi32>
      %iota3A_851 = tpu.iota {dimensions = array<i32: 0>} : vector<16xi32>
      %add3A_852 = arith.constant 1000000 : i32
      %add3A_853 = vector.broadcast %add3A_852 : i32 to vector<16xi32>
      %add3A_854 = arith.addi %add3A_853, %iota3A_851 : vector<16xi32>
      %select_n3A_855 = arith.select %gt3A_845, %get3A_850, %add3A_854 : vector<16xi1>, vector<16xi32>
      %swap3A_856 = arith.constant 0 : i32
      %swap3A_857 = arith.index_cast %swap3A_856 : i32 to index
      %swap3A_858 = arith.constant 80 : index
      %swap3A_859 = tpu.vector_load %arg7[%swap3A_857, %swap3A_858] {strides = array<i32>} : memref<8x128xi32, #tpu.memory_space<vmem>>, vector<1x16xi32>,
      %swap3A_860 = vector.shape_cast %swap3A_859 : vector<1x16xi32> to vector<16xi32>
      %swap3A_861 = vector.shape_cast %select_n3A_855 : vector<16xi32> to vector<1x16xi32>
      tpu.vector_store %arg7[%swap3A_857, %swap3A_858], %swap3A_861 {strides = array<i32>} : memref<8x128xi32, #tpu.memory_space<vmem>>, vector<1x16xi32>,
      %get3A_862 = arith.constant 0 : i32
      %get3A_863 = arith.index_cast %get3A_862 : i32 to index
      %get3A_864 = arith.constant 96 : index
      %get3A_865 = tpu.vector_load %arg5[%get3A_863, %get3A_864] {strides = array<i32>} : memref<8x128xi32, #tpu.memory_space<vmem>>, vector<1x16xi32>,
      %get3A_866 = vector.shape_cast %get3A_865 : vector<1x16xi32> to vector<16xi32>
      %get3A_867 = arith.constant 96 : index
      %get3A_868 = tpu.vector_load %arg6[%get3A_867] {strides = array<i32>} : memref<1024xi32, #tpu.memory_space<vmem>>, vector<16xi32>,
      %get3A_869 = vector.shape_cast %get3A_868 : vector<16xi32> to vector<16xi32>
      %gt3A_870 = arith.cmpi sgt, %get3A_866, %get3A_869 : vector<16xi32>
      %get3A_871 = arith.constant 0 : i32
      %get3A_872 = arith.index_cast %get3A_871 : i32 to index
      %get3A_873 = arith.constant 96 : index
      %get3A_874 = tpu.vector_load %arg4[%get3A_872, %get3A_873] {strides = array<i32>} : memref<8x128xi32, #tpu.memory_space<vmem>>, vector<1x16xi32>,
      %get3A_875 = vector.shape_cast %get3A_874 : vector<1x16xi32> to vector<16xi32>
      %iota3A_876 = tpu.iota {dimensions = array<i32: 0>} : vector<16xi32>
      %add3A_877 = arith.constant 1000000 : i32
      %add3A_878 = vector.broadcast %add3A_877 : i32 to vector<16xi32>
      %add3A_879 = arith.addi %add3A_878, %iota3A_876 : vector<16xi32>
      %select_n3A_880 = arith.select %gt3A_870, %get3A_875, %add3A_879 : vector<16xi1>, vector<16xi32>
      %swap3A_881 = arith.constant 0 : i32
      %swap3A_882 = arith.index_cast %swap3A_881 : i32 to index
      %swap3A_883 = arith.constant 96 : index
      %swap3A_884 = tpu.vector_load %arg7[%swap3A_882, %swap3A_883] {strides = array<i32>} : memref<8x128xi32, #tpu.memory_space<vmem>>, vector<1x16xi32>,
      %swap3A_885 = vector.shape_cast %swap3A_884 : vector<1x16xi32> to vector<16xi32>
      %swap3A_886 = vector.shape_cast %select_n3A_880 : vector<16xi32> to vector<1x16xi32>
      tpu.vector_store %arg7[%swap3A_882, %swap3A_883], %swap3A_886 {strides = array<i32>} : memref<8x128xi32, #tpu.memory_space<vmem>>, vector<1x16xi32>,
      %get3A_887 = arith.constant 0 : i32
      %get3A_888 = arith.index_cast %get3A_887 : i32 to index
      %get3A_889 = arith.constant 112 : index
      %get3A_890 = tpu.vector_load %arg5[%get3A_888, %get3A_889] {strides = array<i32>} : memref<8x128xi32, #tpu.memory_space<vmem>>, vector<1x16xi32>,
      %get3A_891 = vector.shape_cast %get3A_890 : vector<1x16xi32> to vector<16xi32>
      %get3A_892 = arith.constant 112 : index
      %get3A_893 = tpu.vector_load %arg6[%get3A_892] {strides = array<i32>} : memref<1024xi32, #tpu.memory_space<vmem>>, vector<16xi32>,
      %get3A_894 = vector.shape_cast %get3A_893 : vector<16xi32> to vector<16xi32>
      %gt3A_895 = arith.cmpi sgt, %get3A_891, %get3A_894 : vector<16xi32>
      %get3A_896 = arith.constant 0 : i32
      %get3A_897 = arith.index_cast %get3A_896 : i32 to index
      %get3A_898 = arith.constant 112 : index
      %get3A_899 = tpu.vector_load %arg4[%get3A_897, %get3A_898] {strides = array<i32>} : memref<8x128xi32, #tpu.memory_space<vmem>>, vector<1x16xi32>,
      %get3A_900 = vector.shape_cast %get3A_899 : vector<1x16xi32> to vector<16xi32>
      %iota3A_901 = tpu.iota {dimensions = array<i32: 0>} : vector<16xi32>
      %add3A_902 = arith.constant 1000000 : i32
      %add3A_903 = vector.broadcast %add3A_902 : i32 to vector<16xi32>
      %add3A_904 = arith.addi %add3A_903, %iota3A_901 : vector<16xi32>
      %select_n3A_905 = arith.select %gt3A_895, %get3A_900, %add3A_904 : vector<16xi1>, vector<16xi32>
      %swap3A_906 = arith.constant 0 : i32
      %swap3A_907 = arith.index_cast %swap3A_906 : i32 to index
      %swap3A_908 = arith.constant 112 : index
      %swap3A_909 = tpu.vector_load %arg7[%swap3A_907, %swap3A_908] {strides = array<i32>} : memref<8x128xi32, #tpu.memory_space<vmem>>, vector<1x16xi32>,
      %swap3A_910 = vector.shape_cast %swap3A_909 : vector<1x16xi32> to vector<16xi32>
      %swap3A_911 = vector.shape_cast %select_n3A_905 : vector<16xi32> to vector<1x16xi32>
      tpu.vector_store %arg7[%swap3A_907, %swap3A_908], %swap3A_911 {strides = array<i32>} : memref<8x128xi32, #tpu.memory_space<vmem>>, vector<1x16xi32>,
      %get3A_912 = arith.constant 1 : i32
      %get3A_913 = arith.index_cast %get3A_912 : i32 to index
      %get3A_914 = arith.constant 0 : index
      %get3A_915 = tpu.vector_load %arg5[%get3A_913, %get3A_914] {strides = array<i32>} : memref<8x128xi32, #tpu.memory_space<vmem>>, vector<1x16xi32>,
      %get3A_916 = vector.shape_cast %get3A_915 : vector<1x16xi32> to vector<16xi32>
      %get3A_917 = arith.constant 128 : index
      %get3A_918 = tpu.vector_load %arg6[%get3A_917] {strides = array<i32>} : memref<1024xi32, #tpu.memory_space<vmem>>, vector<16xi32>,
      %get3A_919 = vector.shape_cast %get3A_918 : vector<16xi32> to vector<16xi32>
      %gt3A_920 = arith.cmpi sgt, %get3A_916, %get3A_919 : vector<16xi32>
      %get3A_921 = arith.constant 1 : i32
      %get3A_922 = arith.index_cast %get3A_921 : i32 to index
      %get3A_923 = arith.constant 0 : index
      %get3A_924 = tpu.vector_load %arg4[%get3A_922, %get3A_923] {strides = array<i32>} : memref<8x128xi32, #tpu.memory_space<vmem>>, vector<1x16xi32>,
      %get3A_925 = vector.shape_cast %get3A_924 : vector<1x16xi32> to vector<16xi32>
      %iota3A_926 = tpu.iota {dimensions = array<i32: 0>} : vector<16xi32>
      %add3A_927 = arith.constant 1000000 : i32
      %add3A_928 = vector.broadcast %add3A_927 : i32 to vector<16xi32>
      %add3A_929 = arith.addi %add3A_928, %iota3A_926 : vector<16xi32>
      %select_n3A_930 = arith.select %gt3A_920, %get3A_925, %add3A_929 : vector<16xi1>, vector<16xi32>
      %swap3A_931 = arith.constant 1 : i32
      %swap3A_932 = arith.index_cast %swap3A_931 : i32 to index
      %swap3A_933 = arith.constant 0 : index
      %swap3A_934 = tpu.vector_load %arg7[%swap3A_932, %swap3A_933] {strides = array<i32>} : memref<8x128xi32, #tpu.memory_space<vmem>>, vector<1x16xi32>,
      %swap3A_935 = vector.shape_cast %swap3A_934 : vector<1x16xi32> to vector<16xi32>
      %swap3A_936 = vector.shape_cast %select_n3A_930 : vector<16xi32> to vector<1x16xi32>
      tpu.vector_store %arg7[%swap3A_932, %swap3A_933], %swap3A_936 {strides = array<i32>} : memref<8x128xi32, #tpu.memory_space<vmem>>, vector<1x16xi32>,
      %get3A_937 = arith.constant 1 : i32
      %get3A_938 = arith.index_cast %get3A_937 : i32 to index
      %get3A_939 = arith.constant 16 : index
      %get3A_940 = tpu.vector_load %arg5[%get3A_938, %get3A_939] {strides = array<i32>} : memref<8x128xi32, #tpu.memory_space<vmem>>, vector<1x16xi32>,
      %get3A_941 = vector.shape_cast %get3A_940 : vector<1x16xi32> to vector<16xi32>
      %get3A_942 = arith.constant 144 : index
      %get3A_943 = tpu.vector_load %arg6[%get3A_942] {strides = array<i32>} : memref<1024xi32, #tpu.memory_space<vmem>>, vector<16xi32>,
      %get3A_944 = vector.shape_cast %get3A_943 : vector<16xi32> to vector<16xi32>
      %gt3A_945 = arith.cmpi sgt, %get3A_941, %get3A_944 : vector<16xi32>
      %get3A_946 = arith.constant 1 : i32
      %get3A_947 = arith.index_cast %get3A_946 : i32 to index
      %get3A_948 = arith.constant 16 : index
      %get3A_949 = tpu.vector_load %arg4[%get3A_947, %get3A_948] {strides = array<i32>} : memref<8x128xi32, #tpu.memory_space<vmem>>, vector<1x16xi32>,
      %get3A_950 = vector.shape_cast %get3A_949 : vector<1x16xi32> to vector<16xi32>
      %iota3A_951 = tpu.iota {dimensions = array<i32: 0>} : vector<16xi32>
      %add3A_952 = arith.constant 1000000 : i32
      %add3A_953 = vector.broadcast %add3A_952 : i32 to vector<16xi32>
      %add3A_954 = arith.addi %add3A_953, %iota3A_951 : vector<16xi32>
      %select_n3A_955 = arith.select %gt3A_945, %get3A_950, %add3A_954 : vector<16xi1>, vector<16xi32>
      %swap3A_956 = arith.constant 1 : i32
      %swap3A_957 = arith.index_cast %swap3A_956 : i32 to index
      %swap3A_958 = arith.constant 16 : index
      %swap3A_959 = tpu.vector_load %arg7[%swap3A_957, %swap3A_958] {strides = array<i32>} : memref<8x128xi32, #tpu.memory_space<vmem>>, vector<1x16xi32>,
      %swap3A_960 = vector.shape_cast %swap3A_959 : vector<1x16xi32> to vector<16xi32>
      %swap3A_961 = vector.shape_cast %select_n3A_955 : vector<16xi32> to vector<1x16xi32>
      tpu.vector_store %arg7[%swap3A_957, %swap3A_958], %swap3A_961 {strides = array<i32>} : memref<8x128xi32, #tpu.memory_space<vmem>>, vector<1x16xi32>,
      %get3A_962 = arith.constant 1 : i32
      %get3A_963 = arith.index_cast %get3A_962 : i32 to index
      %get3A_964 = arith.constant 32 : index
      %get3A_965 = tpu.vector_load %arg5[%get3A_963, %get3A_964] {strides = array<i32>} : memref<8x128xi32, #tpu.memory_space<vmem>>, vector<1x16xi32>,
      %get3A_966 = vector.shape_cast %get3A_965 : vector<1x16xi32> to vector<16xi32>
      %get3A_967 = arith.constant 160 : index
      %get3A_968 = tpu.vector_load %arg6[%get3A_967] {strides = array<i32>} : memref<1024xi32, #tpu.memory_space<vmem>>, vector<16xi32>,
      %get3A_969 = vector.shape_cast %get3A_968 : vector<16xi32> to vector<16xi32>
      %gt3A_970 = arith.cmpi sgt, %get3A_966, %get3A_969 : vector<16xi32>
      %get3A_971 = arith.constant 1 : i32
      %get3A_972 = arith.index_cast %get3A_971 : i32 to index
      %get3A_973 = arith.constant 32 : index
      %get3A_974 = tpu.vector_load %arg4[%get3A_972, %get3A_973] {strides = array<i32>} : memref<8x128xi32, #tpu.memory_space<vmem>>, vector<1x16xi32>,
      %get3A_975 = vector.shape_cast %get3A_974 : vector<1x16xi32> to vector<16xi32>
      %iota3A_976 = tpu.iota {dimensions = array<i32: 0>} : vector<16xi32>
      %add3A_977 = arith.constant 1000000 : i32
      %add3A_978 = vector.broadcast %add3A_977 : i32 to vector<16xi32>
      %add3A_979 = arith.addi %add3A_978, %iota3A_976 : vector<16xi32>
      %select_n3A_980 = arith.select %gt3A_970, %get3A_975, %add3A_979 : vector<16xi1>, vector<16xi32>
      %swap3A_981 = arith.constant 1 : i32
      %swap3A_982 = arith.index_cast %swap3A_981 : i32 to index
      %swap3A_983 = arith.constant 32 : index
      %swap3A_984 = tpu.vector_load %arg7[%swap3A_982, %swap3A_983] {strides = array<i32>} : memref<8x128xi32, #tpu.memory_space<vmem>>, vector<1x16xi32>,
      %swap3A_985 = vector.shape_cast %swap3A_984 : vector<1x16xi32> to vector<16xi32>
      %swap3A_986 = vector.shape_cast %select_n3A_980 : vector<16xi32> to vector<1x16xi32>
      tpu.vector_store %arg7[%swap3A_982, %swap3A_983], %swap3A_986 {strides = array<i32>} : memref<8x128xi32, #tpu.memory_space<vmem>>, vector<1x16xi32>,
      %get3A_987 = arith.constant 1 : i32
      %get3A_988 = arith.index_cast %get3A_987 : i32 to index
      %get3A_989 = arith.constant 48 : index
      %get3A_990 = tpu.vector_load %arg5[%get3A_988, %get3A_989] {strides = array<i32>} : memref<8x128xi32, #tpu.memory_space<vmem>>, vector<1x16xi32>,
      %get3A_991 = vector.shape_cast %get3A_990 : vector<1x16xi32> to vector<16xi32>
      %get3A_992 = arith.constant 176 : index
      %get3A_993 = tpu.vector_load %arg6[%get3A_992] {strides = array<i32>} : memref<1024xi32, #tpu.memory_space<vmem>>, vector<16xi32>,
      %get3A_994 = vector.shape_cast %get3A_993 : vector<16xi32> to vector<16xi32>
      %gt3A_995 = arith.cmpi sgt, %get3A_991, %get3A_994 : vector<16xi32>
      %get3A_996 = arith.constant 1 : i32
      %get3A_997 = arith.index_cast %get3A_996 : i32 to index
      %get3A_998 = arith.constant 48 : index
      %get3A_999 = tpu.vector_load %arg4[%get3A_997, %get3A_998] {strides = array<i32>} : memref<8x128xi32, #tpu.memory_space<vmem>>, vector<1x16xi32>,
      %get3A_1000 = vector.shape_cast %get3A_999 : vector<1x16xi32> to vector<16xi32>
      %iota3A_1001 = tpu.iota {dimensions = array<i32: 0>} : vector<16xi32>
      %add3A_1002 = arith.constant 1000000 : i32
      %add3A_1003 = vector.broadcast %add3A_1002 : i32 to vector<16xi32>
      %add3A_1004 = arith.addi %add3A_1003, %iota3A_1001 : vector<16xi32>
      %select_n3A_1005 = arith.select %gt3A_995, %get3A_1000, %add3A_1004 : vector<16xi1>, vector<16xi32>
      %swap3A_1006 = arith.constant 1 : i32
      %swap3A_1007 = arith.index_cast %swap3A_1006 : i32 to index
      %swap3A_1008 = arith.constant 48 : index
      %swap3A_1009 = tpu.vector_load %arg7[%swap3A_1007, %swap3A_1008] {strides = array<i32>} : memref<8x128xi32, #tpu.memory_space<vmem>>, vector<1x16xi32>,
      %swap3A_1010 = vector.shape_cast %swap3A_1009 : vector<1x16xi32> to vector<16xi32>
      %swap3A_1011 = vector.shape_cast %select_n3A_1005 : vector<16xi32> to vector<1x16xi32>
      tpu.vector_store %arg7[%swap3A_1007, %swap3A_1008], %swap3A_1011 {strides = array<i32>} : memref<8x128xi32, #tpu.memory_space<vmem>>, vector<1x16xi32>,
      %get3A_1012 = arith.constant 1 : i32
      %get3A_1013 = arith.index_cast %get3A_1012 : i32 to index
      %get3A_1014 = arith.constant 64 : index
      %get3A_1015 = tpu.vector_load %arg5[%get3A_1013, %get3A_1014] {strides = array<i32>} : memref<8x128xi32, #tpu.memory_space<vmem>>, vector<1x16xi32>,
      %get3A_1016 = vector.shape_cast %get3A_1015 : vector<1x16xi32> to vector<16xi32>
      %get3A_1017 = arith.constant 192 : index
      %get3A_1018 = tpu.vector_load %arg6[%get3A_1017] {strides = array<i32>} : memref<1024xi32, #tpu.memory_space<vmem>>, vector<16xi32>,
      %get3A_1019 = vector.shape_cast %get3A_1018 : vector<16xi32> to vector<16xi32>
      %gt3A_1020 = arith.cmpi sgt, %get3A_1016, %get3A_1019 : vector<16xi32>
      %get3A_1021 = arith.constant 1 : i32
      %get3A_1022 = arith.index_cast %get3A_1021 : i32 to index
      %get3A_1023 = arith.constant 64 : index
      %get3A_1024 = tpu.vector_load %arg4[%get3A_1022, %get3A_1023] {strides = array<i32>} : memref<8x128xi32, #tpu.memory_space<vmem>>, vector<1x16xi32>,
      %get3A_1025 = vector.shape_cast %get3A_1024 : vector<1x16xi32> to vector<16xi32>
      %iota3A_1026 = tpu.iota {dimensions = array<i32: 0>} : vector<16xi32>
      %add3A_1027 = arith.constant 1000000 : i32
      %add3A_1028 = vector.broadcast %add3A_1027 : i32 to vector<16xi32>
      %add3A_1029 = arith.addi %add3A_1028, %iota3A_1026 : vector<16xi32>
      %select_n3A_1030 = arith.select %gt3A_1020, %get3A_1025, %add3A_1029 : vector<16xi1>, vector<16xi32>
      %swap3A_1031 = arith.constant 1 : i32
      %swap3A_1032 = arith.index_cast %swap3A_1031 : i32 to index
      %swap3A_1033 = arith.constant 64 : index
      %swap3A_1034 = tpu.vector_load %arg7[%swap3A_1032, %swap3A_1033] {strides = array<i32>} : memref<8x128xi32, #tpu.memory_space<vmem>>, vector<1x16xi32>,
      %swap3A_1035 = vector.shape_cast %swap3A_1034 : vector<1x16xi32> to vector<16xi32>
      %swap3A_1036 = vector.shape_cast %select_n3A_1030 : vector<16xi32> to vector<1x16xi32>
      tpu.vector_store %arg7[%swap3A_1032, %swap3A_1033], %swap3A_1036 {strides = array<i32>} : memref<8x128xi32, #tpu.memory_space<vmem>>, vector<1x16xi32>,
      %get3A_1037 = arith.constant 1 : i32
      %get3A_1038 = arith.index_cast %get3A_1037 : i32 to index
      %get3A_1039 = arith.constant 80 : index
      %get3A_1040 = tpu.vector_load %arg5[%get3A_1038, %get3A_1039] {strides = array<i32>} : memref<8x128xi32, #tpu.memory_space<vmem>>, vector<1x16xi32>,
      %get3A_1041 = vector.shape_cast %get3A_1040 : vector<1x16xi32> to vector<16xi32>
      %get3A_1042 = arith.constant 208 : index
      %get3A_1043 = tpu.vector_load %arg6[%get3A_1042] {strides = array<i32>} : memref<1024xi32, #tpu.memory_space<vmem>>, vector<16xi32>,
      %get3A_1044 = vector.shape_cast %get3A_1043 : vector<16xi32> to vector<16xi32>
      %gt3A_1045 = arith.cmpi sgt, %get3A_1041, %get3A_1044 : vector<16xi32>
      %get3A_1046 = arith.constant 1 : i32
      %get3A_1047 = arith.index_cast %get3A_1046 : i32 to index
      %get3A_1048 = arith.constant 80 : index
      %get3A_1049 = tpu.vector_load %arg4[%get3A_1047, %get3A_1048] {strides = array<i32>} : memref<8x128xi32, #tpu.memory_space<vmem>>, vector<1x16xi32>,
      %get3A_1050 = vector.shape_cast %get3A_1049 : vector<1x16xi32> to vector<16xi32>
      %iota3A_1051 = tpu.iota {dimensions = array<i32: 0>} : vector<16xi32>
      %add3A_1052 = arith.constant 1000000 : i32
      %add3A_1053 = vector.broadcast %add3A_1052 : i32 to vector<16xi32>
      %add3A_1054 = arith.addi %add3A_1053, %iota3A_1051 : vector<16xi32>
      %select_n3A_1055 = arith.select %gt3A_1045, %get3A_1050, %add3A_1054 : vector<16xi1>, vector<16xi32>
      %swap3A_1056 = arith.constant 1 : i32
      %swap3A_1057 = arith.index_cast %swap3A_1056 : i32 to index
      %swap3A_1058 = arith.constant 80 : index
      %swap3A_1059 = tpu.vector_load %arg7[%swap3A_1057, %swap3A_1058] {strides = array<i32>} : memref<8x128xi32, #tpu.memory_space<vmem>>, vector<1x16xi32>,
      %swap3A_1060 = vector.shape_cast %swap3A_1059 : vector<1x16xi32> to vector<16xi32>
      %swap3A_1061 = vector.shape_cast %select_n3A_1055 : vector<16xi32> to vector<1x16xi32>
      tpu.vector_store %arg7[%swap3A_1057, %swap3A_1058], %swap3A_1061 {strides = array<i32>} : memref<8x128xi32, #tpu.memory_space<vmem>>, vector<1x16xi32>,
      %get3A_1062 = arith.constant 1 : i32
      %get3A_1063 = arith.index_cast %get3A_1062 : i32 to index
      %get3A_1064 = arith.constant 96 : index
      %get3A_1065 = tpu.vector_load %arg5[%get3A_1063, %get3A_1064] {strides = array<i32>} : memref<8x128xi32, #tpu.memory_space<vmem>>, vector<1x16xi32>,
      %get3A_1066 = vector.shape_cast %get3A_1065 : vector<1x16xi32> to vector<16xi32>
      %get3A_1067 = arith.constant 224 : index
      %get3A_1068 = tpu.vector_load %arg6[%get3A_1067] {strides = array<i32>} : memref<1024xi32, #tpu.memory_space<vmem>>, vector<16xi32>,
      %get3A_1069 = vector.shape_cast %get3A_1068 : vector<16xi32> to vector<16xi32>
      %gt3A_1070 = arith.cmpi sgt, %get3A_1066, %get3A_1069 : vector<16xi32>
      %get3A_1071 = arith.constant 1 : i32
      %get3A_1072 = arith.index_cast %get3A_1071 : i32 to index
      %get3A_1073 = arith.constant 96 : index
      %get3A_1074 = tpu.vector_load %arg4[%get3A_1072, %get3A_1073] {strides = array<i32>} : memref<8x128xi32, #tpu.memory_space<vmem>>, vector<1x16xi32>,
      %get3A_1075 = vector.shape_cast %get3A_1074 : vector<1x16xi32> to vector<16xi32>
      %iota3A_1076 = tpu.iota {dimensions = array<i32: 0>} : vector<16xi32>
      %add3A_1077 = arith.constant 1000000 : i32
      %add3A_1078 = vector.broadcast %add3A_1077 : i32 to vector<16xi32>
      %add3A_1079 = arith.addi %add3A_1078, %iota3A_1076 : vector<16xi32>
      %select_n3A_1080 = arith.select %gt3A_1070, %get3A_1075, %add3A_1079 : vector<16xi1>, vector<16xi32>
      %swap3A_1081 = arith.constant 1 : i32
      %swap3A_1082 = arith.index_cast %swap3A_1081 : i32 to index
      %swap3A_1083 = arith.constant 96 : index
      %swap3A_1084 = tpu.vector_load %arg7[%swap3A_1082, %swap3A_1083] {strides = array<i32>} : memref<8x128xi32, #tpu.memory_space<vmem>>, vector<1x16xi32>,
      %swap3A_1085 = vector.shape_cast %swap3A_1084 : vector<1x16xi32> to vector<16xi32>
      %swap3A_1086 = vector.shape_cast %select_n3A_1080 : vector<16xi32> to vector<1x16xi32>
      tpu.vector_store %arg7[%swap3A_1082, %swap3A_1083], %swap3A_1086 {strides = array<i32>} : memref<8x128xi32, #tpu.memory_space<vmem>>, vector<1x16xi32>,
      %get3A_1087 = arith.constant 1 : i32
      %get3A_1088 = arith.index_cast %get3A_1087 : i32 to index
      %get3A_1089 = arith.constant 112 : index
      %get3A_1090 = tpu.vector_load %arg5[%get3A_1088, %get3A_1089] {strides = array<i32>} : memref<8x128xi32, #tpu.memory_space<vmem>>, vector<1x16xi32>,
      %get3A_1091 = vector.shape_cast %get3A_1090 : vector<1x16xi32> to vector<16xi32>
      %get3A_1092 = arith.constant 240 : index
      %get3A_1093 = tpu.vector_load %arg6[%get3A_1092] {strides = array<i32>} : memref<1024xi32, #tpu.memory_space<vmem>>, vector<16xi32>,
      %get3A_1094 = vector.shape_cast %get3A_1093 : vector<16xi32> to vector<16xi32>
      %gt3A_1095 = arith.cmpi sgt, %get3A_1091, %get3A_1094 : vector<16xi32>
      %get3A_1096 = arith.constant 1 : i32
      %get3A_1097 = arith.index_cast %get3A_1096 : i32 to index
      %get3A_1098 = arith.constant 112 : index
      %get3A_1099 = tpu.vector_load %arg4[%get3A_1097, %get3A_1098] {strides = array<i32>} : memref<8x128xi32, #tpu.memory_space<vmem>>, vector<1x16xi32>,
      %get3A_1100 = vector.shape_cast %get3A_1099 : vector<1x16xi32> to vector<16xi32>
      %iota3A_1101 = tpu.iota {dimensions = array<i32: 0>} : vector<16xi32>
      %add3A_1102 = arith.constant 1000000 : i32
      %add3A_1103 = vector.broadcast %add3A_1102 : i32 to vector<16xi32>
      %add3A_1104 = arith.addi %add3A_1103, %iota3A_1101 : vector<16xi32>
      %select_n3A_1105 = arith.select %gt3A_1095, %get3A_1100, %add3A_1104 : vector<16xi1>, vector<16xi32>
      %swap3A_1106 = arith.constant 1 : i32
      %swap3A_1107 = arith.index_cast %swap3A_1106 : i32 to index
      %swap3A_1108 = arith.constant 112 : index
      %swap3A_1109 = tpu.vector_load %arg7[%swap3A_1107, %swap3A_1108] {strides = array<i32>} : memref<8x128xi32, #tpu.memory_space<vmem>>, vector<1x16xi32>,
      %swap3A_1110 = vector.shape_cast %swap3A_1109 : vector<1x16xi32> to vector<16xi32>
      %swap3A_1111 = vector.shape_cast %select_n3A_1105 : vector<16xi32> to vector<1x16xi32>
      tpu.vector_store %arg7[%swap3A_1107, %swap3A_1108], %swap3A_1111 {strides = array<i32>} : memref<8x128xi32, #tpu.memory_space<vmem>>, vector<1x16xi32>,
      %get3A_1112 = arith.constant 2 : i32
      %get3A_1113 = arith.index_cast %get3A_1112 : i32 to index
      %get3A_1114 = arith.constant 0 : index
      %get3A_1115 = tpu.vector_load %arg5[%get3A_1113, %get3A_1114] {strides = array<i32>} : memref<8x128xi32, #tpu.memory_space<vmem>>, vector<1x16xi32>,
      %get3A_1116 = vector.shape_cast %get3A_1115 : vector<1x16xi32> to vector<16xi32>
      %get3A_1117 = arith.constant 256 : index
      %get3A_1118 = tpu.vector_load %arg6[%get3A_1117] {strides = array<i32>} : memref<1024xi32, #tpu.memory_space<vmem>>, vector<16xi32>,
      %get3A_1119 = vector.shape_cast %get3A_1118 : vector<16xi32> to vector<16xi32>
      %gt3A_1120 = arith.cmpi sgt, %get3A_1116, %get3A_1119 : vector<16xi32>
      %get3A_1121 = arith.constant 2 : i32
      %get3A_1122 = arith.index_cast %get3A_1121 : i32 to index
      %get3A_1123 = arith.constant 0 : index
      %get3A_1124 = tpu.vector_load %arg4[%get3A_1122, %get3A_1123] {strides = array<i32>} : memref<8x128xi32, #tpu.memory_space<vmem>>, vector<1x16xi32>,
      %get3A_1125 = vector.shape_cast %get3A_1124 : vector<1x16xi32> to vector<16xi32>
      %iota3A_1126 = tpu.iota {dimensions = array<i32: 0>} : vector<16xi32>
      %add3A_1127 = arith.constant 1000000 : i32
      %add3A_1128 = vector.broadcast %add3A_1127 : i32 to vector<16xi32>
      %add3A_1129 = arith.addi %add3A_1128, %iota3A_1126 : vector<16xi32>
      %select_n3A_1130 = arith.select %gt3A_1120, %get3A_1125, %add3A_1129 : vector<16xi1>, vector<16xi32>
      %swap3A_1131 = arith.constant 2 : i32
      %swap3A_1132 = arith.index_cast %swap3A_1131 : i32 to index
      %swap3A_1133 = arith.constant 0 : index
      %swap3A_1134 = tpu.vector_load %arg7[%swap3A_1132, %swap3A_1133] {strides = array<i32>} : memref<8x128xi32, #tpu.memory_space<vmem>>, vector<1x16xi32>,
      %swap3A_1135 = vector.shape_cast %swap3A_1134 : vector<1x16xi32> to vector<16xi32>
      %swap3A_1136 = vector.shape_cast %select_n3A_1130 : vector<16xi32> to vector<1x16xi32>
      tpu.vector_store %arg7[%swap3A_1132, %swap3A_1133], %swap3A_1136 {strides = array<i32>} : memref<8x128xi32, #tpu.memory_space<vmem>>, vector<1x16xi32>,
      %get3A_1137 = arith.constant 2 : i32
      %get3A_1138 = arith.index_cast %get3A_1137 : i32 to index
      %get3A_1139 = arith.constant 16 : index
      %get3A_1140 = tpu.vector_load %arg5[%get3A_1138, %get3A_1139] {strides = array<i32>} : memref<8x128xi32, #tpu.memory_space<vmem>>, vector<1x16xi32>,
      %get3A_1141 = vector.shape_cast %get3A_1140 : vector<1x16xi32> to vector<16xi32>
      %get3A_1142 = arith.constant 272 : index
      %get3A_1143 = tpu.vector_load %arg6[%get3A_1142] {strides = array<i32>} : memref<1024xi32, #tpu.memory_space<vmem>>, vector<16xi32>,
      %get3A_1144 = vector.shape_cast %get3A_1143 : vector<16xi32> to vector<16xi32>
      %gt3A_1145 = arith.cmpi sgt, %get3A_1141, %get3A_1144 : vector<16xi32>
      %get3A_1146 = arith.constant 2 : i32
      %get3A_1147 = arith.index_cast %get3A_1146 : i32 to index
      %get3A_1148 = arith.constant 16 : index
      %get3A_1149 = tpu.vector_load %arg4[%get3A_1147, %get3A_1148] {strides = array<i32>} : memref<8x128xi32, #tpu.memory_space<vmem>>, vector<1x16xi32>,
      %get3A_1150 = vector.shape_cast %get3A_1149 : vector<1x16xi32> to vector<16xi32>
      %iota3A_1151 = tpu.iota {dimensions = array<i32: 0>} : vector<16xi32>
      %add3A_1152 = arith.constant 1000000 : i32
      %add3A_1153 = vector.broadcast %add3A_1152 : i32 to vector<16xi32>
      %add3A_1154 = arith.addi %add3A_1153, %iota3A_1151 : vector<16xi32>
      %select_n3A_1155 = arith.select %gt3A_1145, %get3A_1150, %add3A_1154 : vector<16xi1>, vector<16xi32>
      %swap3A_1156 = arith.constant 2 : i32
      %swap3A_1157 = arith.index_cast %swap3A_1156 : i32 to index
      %swap3A_1158 = arith.constant 16 : index
      %swap3A_1159 = tpu.vector_load %arg7[%swap3A_1157, %swap3A_1158] {strides = array<i32>} : memref<8x128xi32, #tpu.memory_space<vmem>>, vector<1x16xi32>,
      %swap3A_1160 = vector.shape_cast %swap3A_1159 : vector<1x16xi32> to vector<16xi32>
      %swap3A_1161 = vector.shape_cast %select_n3A_1155 : vector<16xi32> to vector<1x16xi32>
      tpu.vector_store %arg7[%swap3A_1157, %swap3A_1158], %swap3A_1161 {strides = array<i32>} : memref<8x128xi32, #tpu.memory_space<vmem>>, vector<1x16xi32>,
      %get3A_1162 = arith.constant 2 : i32
      %get3A_1163 = arith.index_cast %get3A_1162 : i32 to index
      %get3A_1164 = arith.constant 32 : index
      %get3A_1165 = tpu.vector_load %arg5[%get3A_1163, %get3A_1164] {strides = array<i32>} : memref<8x128xi32, #tpu.memory_space<vmem>>, vector<1x16xi32>,
      %get3A_1166 = vector.shape_cast %get3A_1165 : vector<1x16xi32> to vector<16xi32>
      %get3A_1167 = arith.constant 288 : index
      %get3A_1168 = tpu.vector_load %arg6[%get3A_1167] {strides = array<i32>} : memref<1024xi32, #tpu.memory_space<vmem>>, vector<16xi32>,
      %get3A_1169 = vector.shape_cast %get3A_1168 : vector<16xi32> to vector<16xi32>
      %gt3A_1170 = arith.cmpi sgt, %get3A_1166, %get3A_1169 : vector<16xi32>
      %get3A_1171 = arith.constant 2 : i32
      %get3A_1172 = arith.index_cast %get3A_1171 : i32 to index
      %get3A_1173 = arith.constant 32 : index
      %get3A_1174 = tpu.vector_load %arg4[%get3A_1172, %get3A_1173] {strides = array<i32>} : memref<8x128xi32, #tpu.memory_space<vmem>>, vector<1x16xi32>,
      %get3A_1175 = vector.shape_cast %get3A_1174 : vector<1x16xi32> to vector<16xi32>
      %iota3A_1176 = tpu.iota {dimensions = array<i32: 0>} : vector<16xi32>
      %add3A_1177 = arith.constant 1000000 : i32
      %add3A_1178 = vector.broadcast %add3A_1177 : i32 to vector<16xi32>
      %add3A_1179 = arith.addi %add3A_1178, %iota3A_1176 : vector<16xi32>
      %select_n3A_1180 = arith.select %gt3A_1170, %get3A_1175, %add3A_1179 : vector<16xi1>, vector<16xi32>
      %swap3A_1181 = arith.constant 2 : i32
      %swap3A_1182 = arith.index_cast %swap3A_1181 : i32 to index
      %swap3A_1183 = arith.constant 32 : index
      %swap3A_1184 = tpu.vector_load %arg7[%swap3A_1182, %swap3A_1183] {strides = array<i32>} : memref<8x128xi32, #tpu.memory_space<vmem>>, vector<1x16xi32>,
      %swap3A_1185 = vector.shape_cast %swap3A_1184 : vector<1x16xi32> to vector<16xi32>
      %swap3A_1186 = vector.shape_cast %select_n3A_1180 : vector<16xi32> to vector<1x16xi32>
      tpu.vector_store %arg7[%swap3A_1182, %swap3A_1183], %swap3A_1186 {strides = array<i32>} : memref<8x128xi32, #tpu.memory_space<vmem>>, vector<1x16xi32>,
      %get3A_1187 = arith.constant 2 : i32
      %get3A_1188 = arith.index_cast %get3A_1187 : i32 to index
      %get3A_1189 = arith.constant 48 : index
      %get3A_1190 = tpu.vector_load %arg5[%get3A_1188, %get3A_1189] {strides = array<i32>} : memref<8x128xi32, #tpu.memory_space<vmem>>, vector<1x16xi32>,
      %get3A_1191 = vector.shape_cast %get3A_1190 : vector<1x16xi32> to vector<16xi32>
      %get3A_1192 = arith.constant 304 : index
      %get3A_1193 = tpu.vector_load %arg6[%get3A_1192] {strides = array<i32>} : memref<1024xi32, #tpu.memory_space<vmem>>, vector<16xi32>,
      %get3A_1194 = vector.shape_cast %get3A_1193 : vector<16xi32> to vector<16xi32>
      %gt3A_1195 = arith.cmpi sgt, %get3A_1191, %get3A_1194 : vector<16xi32>
      %get3A_1196 = arith.constant 2 : i32
      %get3A_1197 = arith.index_cast %get3A_1196 : i32 to index
      %get3A_1198 = arith.constant 48 : index
      %get3A_1199 = tpu.vector_load %arg4[%get3A_1197, %get3A_1198] {strides = array<i32>} : memref<8x128xi32, #tpu.memory_space<vmem>>, vector<1x16xi32>,
      %get3A_1200 = vector.shape_cast %get3A_1199 : vector<1x16xi32> to vector<16xi32>
      %iota3A_1201 = tpu.iota {dimensions = array<i32: 0>} : vector<16xi32>
      %add3A_1202 = arith.constant 1000000 : i32
      %add3A_1203 = vector.broadcast %add3A_1202 : i32 to vector<16xi32>
      %add3A_1204 = arith.addi %add3A_1203, %iota3A_1201 : vector<16xi32>
      %select_n3A_1205 = arith.select %gt3A_1195, %get3A_1200, %add3A_1204 : vector<16xi1>, vector<16xi32>
      %swap3A_1206 = arith.constant 2 : i32
      %swap3A_1207 = arith.index_cast %swap3A_1206 : i32 to index
      %swap3A_1208 = arith.constant 48 : index
      %swap3A_1209 = tpu.vector_load %arg7[%swap3A_1207, %swap3A_1208] {strides = array<i32>} : memref<8x128xi32, #tpu.memory_space<vmem>>, vector<1x16xi32>,
      %swap3A_1210 = vector.shape_cast %swap3A_1209 : vector<1x16xi32> to vector<16xi32>
      %swap3A_1211 = vector.shape_cast %select_n3A_1205 : vector<16xi32> to vector<1x16xi32>
      tpu.vector_store %arg7[%swap3A_1207, %swap3A_1208], %swap3A_1211 {strides = array<i32>} : memref<8x128xi32, #tpu.memory_space<vmem>>, vector<1x16xi32>,
      %get3A_1212 = arith.constant 2 : i32
      %get3A_1213 = arith.index_cast %get3A_1212 : i32 to index
      %get3A_1214 = arith.constant 64 : index
      %get3A_1215 = tpu.vector_load %arg5[%get3A_1213, %get3A_1214] {strides = array<i32>} : memref<8x128xi32, #tpu.memory_space<vmem>>, vector<1x16xi32>,
      %get3A_1216 = vector.shape_cast %get3A_1215 : vector<1x16xi32> to vector<16xi32>
      %get3A_1217 = arith.constant 320 : index
      %get3A_1218 = tpu.vector_load %arg6[%get3A_1217] {strides = array<i32>} : memref<1024xi32, #tpu.memory_space<vmem>>, vector<16xi32>,
      %get3A_1219 = vector.shape_cast %get3A_1218 : vector<16xi32> to vector<16xi32>
      %gt3A_1220 = arith.cmpi sgt, %get3A_1216, %get3A_1219 : vector<16xi32>
      %get3A_1221 = arith.constant 2 : i32
      %get3A_1222 = arith.index_cast %get3A_1221 : i32 to index
      %get3A_1223 = arith.constant 64 : index
      %get3A_1224 = tpu.vector_load %arg4[%get3A_1222, %get3A_1223] {strides = array<i32>} : memref<8x128xi32, #tpu.memory_space<vmem>>, vector<1x16xi32>,
      %get3A_1225 = vector.shape_cast %get3A_1224 : vector<1x16xi32> to vector<16xi32>
      %iota3A_1226 = tpu.iota {dimensions = array<i32: 0>} : vector<16xi32>
      %add3A_1227 = arith.constant 1000000 : i32
      %add3A_1228 = vector.broadcast %add3A_1227 : i32 to vector<16xi32>
      %add3A_1229 = arith.addi %add3A_1228, %iota3A_1226 : vector<16xi32>
      %select_n3A_1230 = arith.select %gt3A_1220, %get3A_1225, %add3A_1229 : vector<16xi1>, vector<16xi32>
      %swap3A_1231 = arith.constant 2 : i32
      %swap3A_1232 = arith.index_cast %swap3A_1231 : i32 to index
      %swap3A_1233 = arith.constant 64 : index
      %swap3A_1234 = tpu.vector_load %arg7[%swap3A_1232, %swap3A_1233] {strides = array<i32>} : memref<8x128xi32, #tpu.memory_space<vmem>>, vector<1x16xi32>,
      %swap3A_1235 = vector.shape_cast %swap3A_1234 : vector<1x16xi32> to vector<16xi32>
      %swap3A_1236 = vector.shape_cast %select_n3A_1230 : vector<16xi32> to vector<1x16xi32>
      tpu.vector_store %arg7[%swap3A_1232, %swap3A_1233], %swap3A_1236 {strides = array<i32>} : memref<8x128xi32, #tpu.memory_space<vmem>>, vector<1x16xi32>,
      %get3A_1237 = arith.constant 2 : i32
      %get3A_1238 = arith.index_cast %get3A_1237 : i32 to index
      %get3A_1239 = arith.constant 80 : index
      %get3A_1240 = tpu.vector_load %arg5[%get3A_1238, %get3A_1239] {strides = array<i32>} : memref<8x128xi32, #tpu.memory_space<vmem>>, vector<1x16xi32>,
      %get3A_1241 = vector.shape_cast %get3A_1240 : vector<1x16xi32> to vector<16xi32>
      %get3A_1242 = arith.constant 336 : index
      %get3A_1243 = tpu.vector_load %arg6[%get3A_1242] {strides = array<i32>} : memref<1024xi32, #tpu.memory_space<vmem>>, vector<16xi32>,
      %get3A_1244 = vector.shape_cast %get3A_1243 : vector<16xi32> to vector<16xi32>
      %gt3A_1245 = arith.cmpi sgt, %get3A_1241, %get3A_1244 : vector<16xi32>
      %get3A_1246 = arith.constant 2 : i32
      %get3A_1247 = arith.index_cast %get3A_1246 : i32 to index
      %get3A_1248 = arith.constant 80 : index
      %get3A_1249 = tpu.vector_load %arg4[%get3A_1247, %get3A_1248] {strides = array<i32>} : memref<8x128xi32, #tpu.memory_space<vmem>>, vector<1x16xi32>,
      %get3A_1250 = vector.shape_cast %get3A_1249 : vector<1x16xi32> to vector<16xi32>
      %iota3A_1251 = tpu.iota {dimensions = array<i32: 0>} : vector<16xi32>
      %add3A_1252 = arith.constant 1000000 : i32
      %add3A_1253 = vector.broadcast %add3A_1252 : i32 to vector<16xi32>
      %add3A_1254 = arith.addi %add3A_1253, %iota3A_1251 : vector<16xi32>
      %select_n3A_1255 = arith.select %gt3A_1245, %get3A_1250, %add3A_1254 : vector<16xi1>, vector<16xi32>
      %swap3A_1256 = arith.constant 2 : i32
      %swap3A_1257 = arith.index_cast %swap3A_1256 : i32 to index
      %swap3A_1258 = arith.constant 80 : index
      %swap3A_1259 = tpu.vector_load %arg7[%swap3A_1257, %swap3A_1258] {strides = array<i32>} : memref<8x128xi32, #tpu.memory_space<vmem>>, vector<1x16xi32>,
      %swap3A_1260 = vector.shape_cast %swap3A_1259 : vector<1x16xi32> to vector<16xi32>
      %swap3A_1261 = vector.shape_cast %select_n3A_1255 : vector<16xi32> to vector<1x16xi32>
      tpu.vector_store %arg7[%swap3A_1257, %swap3A_1258], %swap3A_1261 {strides = array<i32>} : memref<8x128xi32, #tpu.memory_space<vmem>>, vector<1x16xi32>,
      %get3A_1262 = arith.constant 2 : i32
      %get3A_1263 = arith.index_cast %get3A_1262 : i32 to index
      %get3A_1264 = arith.constant 96 : index
      %get3A_1265 = tpu.vector_load %arg5[%get3A_1263, %get3A_1264] {strides = array<i32>} : memref<8x128xi32, #tpu.memory_space<vmem>>, vector<1x16xi32>,
      %get3A_1266 = vector.shape_cast %get3A_1265 : vector<1x16xi32> to vector<16xi32>
      %get3A_1267 = arith.constant 352 : index
      %get3A_1268 = tpu.vector_load %arg6[%get3A_1267] {strides = array<i32>} : memref<1024xi32, #tpu.memory_space<vmem>>, vector<16xi32>,
      %get3A_1269 = vector.shape_cast %get3A_1268 : vector<16xi32> to vector<16xi32>
      %gt3A_1270 = arith.cmpi sgt, %get3A_1266, %get3A_1269 : vector<16xi32>
      %get3A_1271 = arith.constant 2 : i32
      %get3A_1272 = arith.index_cast %get3A_1271 : i32 to index
      %get3A_1273 = arith.constant 96 : index
      %get3A_1274 = tpu.vector_load %arg4[%get3A_1272, %get3A_1273] {strides = array<i32>} : memref<8x128xi32, #tpu.memory_space<vmem>>, vector<1x16xi32>,
      %get3A_1275 = vector.shape_cast %get3A_1274 : vector<1x16xi32> to vector<16xi32>
      %iota3A_1276 = tpu.iota {dimensions = array<i32: 0>} : vector<16xi32>
      %add3A_1277 = arith.constant 1000000 : i32
      %add3A_1278 = vector.broadcast %add3A_1277 : i32 to vector<16xi32>
      %add3A_1279 = arith.addi %add3A_1278, %iota3A_1276 : vector<16xi32>
      %select_n3A_1280 = arith.select %gt3A_1270, %get3A_1275, %add3A_1279 : vector<16xi1>, vector<16xi32>
      %swap3A_1281 = arith.constant 2 : i32
      %swap3A_1282 = arith.index_cast %swap3A_1281 : i32 to index
      %swap3A_1283 = arith.constant 96 : index
      %swap3A_1284 = tpu.vector_load %arg7[%swap3A_1282, %swap3A_1283] {strides = array<i32>} : memref<8x128xi32, #tpu.memory_space<vmem>>, vector<1x16xi32>,
      %swap3A_1285 = vector.shape_cast %swap3A_1284 : vector<1x16xi32> to vector<16xi32>
      %swap3A_1286 = vector.shape_cast %select_n3A_1280 : vector<16xi32> to vector<1x16xi32>
      tpu.vector_store %arg7[%swap3A_1282, %swap3A_1283], %swap3A_1286 {strides = array<i32>} : memref<8x128xi32, #tpu.memory_space<vmem>>, vector<1x16xi32>,
      %get3A_1287 = arith.constant 2 : i32
      %get3A_1288 = arith.index_cast %get3A_1287 : i32 to index
      %get3A_1289 = arith.constant 112 : index
      %get3A_1290 = tpu.vector_load %arg5[%get3A_1288, %get3A_1289] {strides = array<i32>} : memref<8x128xi32, #tpu.memory_space<vmem>>, vector<1x16xi32>,
      %get3A_1291 = vector.shape_cast %get3A_1290 : vector<1x16xi32> to vector<16xi32>
      %get3A_1292 = arith.constant 368 : index
      %get3A_1293 = tpu.vector_load %arg6[%get3A_1292] {strides = array<i32>} : memref<1024xi32, #tpu.memory_space<vmem>>, vector<16xi32>,
      %get3A_1294 = vector.shape_cast %get3A_1293 : vector<16xi32> to vector<16xi32>
      %gt3A_1295 = arith.cmpi sgt, %get3A_1291, %get3A_1294 : vector<16xi32>
      %get3A_1296 = arith.constant 2 : i32
      %get3A_1297 = arith.index_cast %get3A_1296 : i32 to index
      %get3A_1298 = arith.constant 112 : index
      %get3A_1299 = tpu.vector_load %arg4[%get3A_1297, %get3A_1298] {strides = array<i32>} : memref<8x128xi32, #tpu.memory_space<vmem>>, vector<1x16xi32>,
      %get3A_1300 = vector.shape_cast %get3A_1299 : vector<1x16xi32> to vector<16xi32>
      %iota3A_1301 = tpu.iota {dimensions = array<i32: 0>} : vector<16xi32>
      %add3A_1302 = arith.constant 1000000 : i32
      %add3A_1303 = vector.broadcast %add3A_1302 : i32 to vector<16xi32>
      %add3A_1304 = arith.addi %add3A_1303, %iota3A_1301 : vector<16xi32>
      %select_n3A_1305 = arith.select %gt3A_1295, %get3A_1300, %add3A_1304 : vector<16xi1>, vector<16xi32>
      %swap3A_1306 = arith.constant 2 : i32
      %swap3A_1307 = arith.index_cast %swap3A_1306 : i32 to index
      %swap3A_1308 = arith.constant 112 : index
      %swap3A_1309 = tpu.vector_load %arg7[%swap3A_1307, %swap3A_1308] {strides = array<i32>} : memref<8x128xi32, #tpu.memory_space<vmem>>, vector<1x16xi32>,
      %swap3A_1310 = vector.shape_cast %swap3A_1309 : vector<1x16xi32> to vector<16xi32>
      %swap3A_1311 = vector.shape_cast %select_n3A_1305 : vector<16xi32> to vector<1x16xi32>
      tpu.vector_store %arg7[%swap3A_1307, %swap3A_1308], %swap3A_1311 {strides = array<i32>} : memref<8x128xi32, #tpu.memory_space<vmem>>, vector<1x16xi32>,
      %get3A_1312 = arith.constant 3 : i32
      %get3A_1313 = arith.index_cast %get3A_1312 : i32 to index
      %get3A_1314 = arith.constant 0 : index
      %get3A_1315 = tpu.vector_load %arg5[%get3A_1313, %get3A_1314] {strides = array<i32>} : memref<8x128xi32, #tpu.memory_space<vmem>>, vector<1x16xi32>,
      %get3A_1316 = vector.shape_cast %get3A_1315 : vector<1x16xi32> to vector<16xi32>
      %get3A_1317 = arith.constant 384 : index
      %get3A_1318 = tpu.vector_load %arg6[%get3A_1317] {strides = array<i32>} : memref<1024xi32, #tpu.memory_space<vmem>>, vector<16xi32>,
      %get3A_1319 = vector.shape_cast %get3A_1318 : vector<16xi32> to vector<16xi32>
      %gt3A_1320 = arith.cmpi sgt, %get3A_1316, %get3A_1319 : vector<16xi32>
      %get3A_1321 = arith.constant 3 : i32
      %get3A_1322 = arith.index_cast %get3A_1321 : i32 to index
      %get3A_1323 = arith.constant 0 : index
      %get3A_1324 = tpu.vector_load %arg4[%get3A_1322, %get3A_1323] {strides = array<i32>} : memref<8x128xi32, #tpu.memory_space<vmem>>, vector<1x16xi32>,
      %get3A_1325 = vector.shape_cast %get3A_1324 : vector<1x16xi32> to vector<16xi32>
      %iota3A_1326 = tpu.iota {dimensions = array<i32: 0>} : vector<16xi32>
      %add3A_1327 = arith.constant 1000000 : i32
      %add3A_1328 = vector.broadcast %add3A_1327 : i32 to vector<16xi32>
      %add3A_1329 = arith.addi %add3A_1328, %iota3A_1326 : vector<16xi32>
      %select_n3A_1330 = arith.select %gt3A_1320, %get3A_1325, %add3A_1329 : vector<16xi1>, vector<16xi32>
      %swap3A_1331 = arith.constant 3 : i32
      %swap3A_1332 = arith.index_cast %swap3A_1331 : i32 to index
      %swap3A_1333 = arith.constant 0 : index
      %swap3A_1334 = tpu.vector_load %arg7[%swap3A_1332, %swap3A_1333] {strides = array<i32>} : memref<8x128xi32, #tpu.memory_space<vmem>>, vector<1x16xi32>,
      %swap3A_1335 = vector.shape_cast %swap3A_1334 : vector<1x16xi32> to vector<16xi32>
      %swap3A_1336 = vector.shape_cast %select_n3A_1330 : vector<16xi32> to vector<1x16xi32>
      tpu.vector_store %arg7[%swap3A_1332, %swap3A_1333], %swap3A_1336 {strides = array<i32>} : memref<8x128xi32, #tpu.memory_space<vmem>>, vector<1x16xi32>,
      %get3A_1337 = arith.constant 3 : i32
      %get3A_1338 = arith.index_cast %get3A_1337 : i32 to index
      %get3A_1339 = arith.constant 16 : index
      %get3A_1340 = tpu.vector_load %arg5[%get3A_1338, %get3A_1339] {strides = array<i32>} : memref<8x128xi32, #tpu.memory_space<vmem>>, vector<1x16xi32>,
      %get3A_1341 = vector.shape_cast %get3A_1340 : vector<1x16xi32> to vector<16xi32>
      %get3A_1342 = arith.constant 400 : index
      %get3A_1343 = tpu.vector_load %arg6[%get3A_1342] {strides = array<i32>} : memref<1024xi32, #tpu.memory_space<vmem>>, vector<16xi32>,
      %get3A_1344 = vector.shape_cast %get3A_1343 : vector<16xi32> to vector<16xi32>
      %gt3A_1345 = arith.cmpi sgt, %get3A_1341, %get3A_1344 : vector<16xi32>
      %get3A_1346 = arith.constant 3 : i32
      %get3A_1347 = arith.index_cast %get3A_1346 : i32 to index
      %get3A_1348 = arith.constant 16 : index
      %get3A_1349 = tpu.vector_load %arg4[%get3A_1347, %get3A_1348] {strides = array<i32>} : memref<8x128xi32, #tpu.memory_space<vmem>>, vector<1x16xi32>,
      %get3A_1350 = vector.shape_cast %get3A_1349 : vector<1x16xi32> to vector<16xi32>
      %iota3A_1351 = tpu.iota {dimensions = array<i32: 0>} : vector<16xi32>
      %add3A_1352 = arith.constant 1000000 : i32
      %add3A_1353 = vector.broadcast %add3A_1352 : i32 to vector<16xi32>
      %add3A_1354 = arith.addi %add3A_1353, %iota3A_1351 : vector<16xi32>
      %select_n3A_1355 = arith.select %gt3A_1345, %get3A_1350, %add3A_1354 : vector<16xi1>, vector<16xi32>
      %swap3A_1356 = arith.constant 3 : i32
      %swap3A_1357 = arith.index_cast %swap3A_1356 : i32 to index
      %swap3A_1358 = arith.constant 16 : index
      %swap3A_1359 = tpu.vector_load %arg7[%swap3A_1357, %swap3A_1358] {strides = array<i32>} : memref<8x128xi32, #tpu.memory_space<vmem>>, vector<1x16xi32>,
      %swap3A_1360 = vector.shape_cast %swap3A_1359 : vector<1x16xi32> to vector<16xi32>
      %swap3A_1361 = vector.shape_cast %select_n3A_1355 : vector<16xi32> to vector<1x16xi32>
      tpu.vector_store %arg7[%swap3A_1357, %swap3A_1358], %swap3A_1361 {strides = array<i32>} : memref<8x128xi32, #tpu.memory_space<vmem>>, vector<1x16xi32>,
      %get3A_1362 = arith.constant 3 : i32
      %get3A_1363 = arith.index_cast %get3A_1362 : i32 to index
      %get3A_1364 = arith.constant 32 : index
      %get3A_1365 = tpu.vector_load %arg5[%get3A_1363, %get3A_1364] {strides = array<i32>} : memref<8x128xi32, #tpu.memory_space<vmem>>, vector<1x16xi32>,
      %get3A_1366 = vector.shape_cast %get3A_1365 : vector<1x16xi32> to vector<16xi32>
      %get3A_1367 = arith.constant 416 : index
      %get3A_1368 = tpu.vector_load %arg6[%get3A_1367] {strides = array<i32>} : memref<1024xi32, #tpu.memory_space<vmem>>, vector<16xi32>,
      %get3A_1369 = vector.shape_cast %get3A_1368 : vector<16xi32> to vector<16xi32>
      %gt3A_1370 = arith.cmpi sgt, %get3A_1366, %get3A_1369 : vector<16xi32>
      %get3A_1371 = arith.constant 3 : i32
      %get3A_1372 = arith.index_cast %get3A_1371 : i32 to index
      %get3A_1373 = arith.constant 32 : index
      %get3A_1374 = tpu.vector_load %arg4[%get3A_1372, %get3A_1373] {strides = array<i32>} : memref<8x128xi32, #tpu.memory_space<vmem>>, vector<1x16xi32>,
      %get3A_1375 = vector.shape_cast %get3A_1374 : vector<1x16xi32> to vector<16xi32>
      %iota3A_1376 = tpu.iota {dimensions = array<i32: 0>} : vector<16xi32>
      %add3A_1377 = arith.constant 1000000 : i32
      %add3A_1378 = vector.broadcast %add3A_1377 : i32 to vector<16xi32>
      %add3A_1379 = arith.addi %add3A_1378, %iota3A_1376 : vector<16xi32>
      %select_n3A_1380 = arith.select %gt3A_1370, %get3A_1375, %add3A_1379 : vector<16xi1>, vector<16xi32>
      %swap3A_1381 = arith.constant 3 : i32
      %swap3A_1382 = arith.index_cast %swap3A_1381 : i32 to index
      %swap3A_1383 = arith.constant 32 : index
      %swap3A_1384 = tpu.vector_load %arg7[%swap3A_1382, %swap3A_1383] {strides = array<i32>} : memref<8x128xi32, #tpu.memory_space<vmem>>, vector<1x16xi32>,
      %swap3A_1385 = vector.shape_cast %swap3A_1384 : vector<1x16xi32> to vector<16xi32>
      %swap3A_1386 = vector.shape_cast %select_n3A_1380 : vector<16xi32> to vector<1x16xi32>
      tpu.vector_store %arg7[%swap3A_1382, %swap3A_1383], %swap3A_1386 {strides = array<i32>} : memref<8x128xi32, #tpu.memory_space<vmem>>, vector<1x16xi32>,
      %get3A_1387 = arith.constant 3 : i32
      %get3A_1388 = arith.index_cast %get3A_1387 : i32 to index
      %get3A_1389 = arith.constant 48 : index
      %get3A_1390 = tpu.vector_load %arg5[%get3A_1388, %get3A_1389] {strides = array<i32>} : memref<8x128xi32, #tpu.memory_space<vmem>>, vector<1x16xi32>,
      %get3A_1391 = vector.shape_cast %get3A_1390 : vector<1x16xi32> to vector<16xi32>
      %get3A_1392 = arith.constant 432 : index
      %get3A_1393 = tpu.vector_load %arg6[%get3A_1392] {strides = array<i32>} : memref<1024xi32, #tpu.memory_space<vmem>>, vector<16xi32>,
      %get3A_1394 = vector.shape_cast %get3A_1393 : vector<16xi32> to vector<16xi32>
      %gt3A_1395 = arith.cmpi sgt, %get3A_1391, %get3A_1394 : vector<16xi32>
      %get3A_1396 = arith.constant 3 : i32
      %get3A_1397 = arith.index_cast %get3A_1396 : i32 to index
      %get3A_1398 = arith.constant 48 : index
      %get3A_1399 = tpu.vector_load %arg4[%get3A_1397, %get3A_1398] {strides = array<i32>} : memref<8x128xi32, #tpu.memory_space<vmem>>, vector<1x16xi32>,
      %get3A_1400 = vector.shape_cast %get3A_1399 : vector<1x16xi32> to vector<16xi32>
      %iota3A_1401 = tpu.iota {dimensions = array<i32: 0>} : vector<16xi32>
      %add3A_1402 = arith.constant 1000000 : i32
      %add3A_1403 = vector.broadcast %add3A_1402 : i32 to vector<16xi32>
      %add3A_1404 = arith.addi %add3A_1403, %iota3A_1401 : vector<16xi32>
      %select_n3A_1405 = arith.select %gt3A_1395, %get3A_1400, %add3A_1404 : vector<16xi1>, vector<16xi32>
      %swap3A_1406 = arith.constant 3 : i32
      %swap3A_1407 = arith.index_cast %swap3A_1406 : i32 to index
      %swap3A_1408 = arith.constant 48 : index
      %swap3A_1409 = tpu.vector_load %arg7[%swap3A_1407, %swap3A_1408] {strides = array<i32>} : memref<8x128xi32, #tpu.memory_space<vmem>>, vector<1x16xi32>,
      %swap3A_1410 = vector.shape_cast %swap3A_1409 : vector<1x16xi32> to vector<16xi32>
      %swap3A_1411 = vector.shape_cast %select_n3A_1405 : vector<16xi32> to vector<1x16xi32>
      tpu.vector_store %arg7[%swap3A_1407, %swap3A_1408], %swap3A_1411 {strides = array<i32>} : memref<8x128xi32, #tpu.memory_space<vmem>>, vector<1x16xi32>,
      %get3A_1412 = arith.constant 3 : i32
      %get3A_1413 = arith.index_cast %get3A_1412 : i32 to index
      %get3A_1414 = arith.constant 64 : index
      %get3A_1415 = tpu.vector_load %arg5[%get3A_1413, %get3A_1414] {strides = array<i32>} : memref<8x128xi32, #tpu.memory_space<vmem>>, vector<1x16xi32>,
      %get3A_1416 = vector.shape_cast %get3A_1415 : vector<1x16xi32> to vector<16xi32>
      %get3A_1417 = arith.constant 448 : index
      %get3A_1418 = tpu.vector_load %arg6[%get3A_1417] {strides = array<i32>} : memref<1024xi32, #tpu.memory_space<vmem>>, vector<16xi32>,
      %get3A_1419 = vector.shape_cast %get3A_1418 : vector<16xi32> to vector<16xi32>
      %gt3A_1420 = arith.cmpi sgt, %get3A_1416, %get3A_1419 : vector<16xi32>
      %get3A_1421 = arith.constant 3 : i32
      %get3A_1422 = arith.index_cast %get3A_1421 : i32 to index
      %get3A_1423 = arith.constant 64 : index
      %get3A_1424 = tpu.vector_load %arg4[%get3A_1422, %get3A_1423] {strides = array<i32>} : memref<8x128xi32, #tpu.memory_space<vmem>>, vector<1x16xi32>,
      %get3A_1425 = vector.shape_cast %get3A_1424 : vector<1x16xi32> to vector<16xi32>
      %iota3A_1426 = tpu.iota {dimensions = array<i32: 0>} : vector<16xi32>
      %add3A_1427 = arith.constant 1000000 : i32
      %add3A_1428 = vector.broadcast %add3A_1427 : i32 to vector<16xi32>
      %add3A_1429 = arith.addi %add3A_1428, %iota3A_1426 : vector<16xi32>
      %select_n3A_1430 = arith.select %gt3A_1420, %get3A_1425, %add3A_1429 : vector<16xi1>, vector<16xi32>
      %swap3A_1431 = arith.constant 3 : i32
      %swap3A_1432 = arith.index_cast %swap3A_1431 : i32 to index
      %swap3A_1433 = arith.constant 64 : index
      %swap3A_1434 = tpu.vector_load %arg7[%swap3A_1432, %swap3A_1433] {strides = array<i32>} : memref<8x128xi32, #tpu.memory_space<vmem>>, vector<1x16xi32>,
      %swap3A_1435 = vector.shape_cast %swap3A_1434 : vector<1x16xi32> to vector<16xi32>
      %swap3A_1436 = vector.shape_cast %select_n3A_1430 : vector<16xi32> to vector<1x16xi32>
      tpu.vector_store %arg7[%swap3A_1432, %swap3A_1433], %swap3A_1436 {strides = array<i32>} : memref<8x128xi32, #tpu.memory_space<vmem>>, vector<1x16xi32>,
      %get3A_1437 = arith.constant 3 : i32
      %get3A_1438 = arith.index_cast %get3A_1437 : i32 to index
      %get3A_1439 = arith.constant 80 : index
      %get3A_1440 = tpu.vector_load %arg5[%get3A_1438, %get3A_1439] {strides = array<i32>} : memref<8x128xi32, #tpu.memory_space<vmem>>, vector<1x16xi32>,
      %get3A_1441 = vector.shape_cast %get3A_1440 : vector<1x16xi32> to vector<16xi32>
      %get3A_1442 = arith.constant 464 : index
      %get3A_1443 = tpu.vector_load %arg6[%get3A_1442] {strides = array<i32>} : memref<1024xi32, #tpu.memory_space<vmem>>, vector<16xi32>,
      %get3A_1444 = vector.shape_cast %get3A_1443 : vector<16xi32> to vector<16xi32>
      %gt3A_1445 = arith.cmpi sgt, %get3A_1441, %get3A_1444 : vector<16xi32>
      %get3A_1446 = arith.constant 3 : i32
      %get3A_1447 = arith.index_cast %get3A_1446 : i32 to index
      %get3A_1448 = arith.constant 80 : index
      %get3A_1449 = tpu.vector_load %arg4[%get3A_1447, %get3A_1448] {strides = array<i32>} : memref<8x128xi32, #tpu.memory_space<vmem>>, vector<1x16xi32>,
      %get3A_1450 = vector.shape_cast %get3A_1449 : vector<1x16xi32> to vector<16xi32>
      %iota3A_1451 = tpu.iota {dimensions = array<i32: 0>} : vector<16xi32>
      %add3A_1452 = arith.constant 1000000 : i32
      %add3A_1453 = vector.broadcast %add3A_1452 : i32 to vector<16xi32>
      %add3A_1454 = arith.addi %add3A_1453, %iota3A_1451 : vector<16xi32>
      %select_n3A_1455 = arith.select %gt3A_1445, %get3A_1450, %add3A_1454 : vector<16xi1>, vector<16xi32>
      %swap3A_1456 = arith.constant 3 : i32
      %swap3A_1457 = arith.index_cast %swap3A_1456 : i32 to index
      %swap3A_1458 = arith.constant 80 : index
      %swap3A_1459 = tpu.vector_load %arg7[%swap3A_1457, %swap3A_1458] {strides = array<i32>} : memref<8x128xi32, #tpu.memory_space<vmem>>, vector<1x16xi32>,
      %swap3A_1460 = vector.shape_cast %swap3A_1459 : vector<1x16xi32> to vector<16xi32>
      %swap3A_1461 = vector.shape_cast %select_n3A_1455 : vector<16xi32> to vector<1x16xi32>
      tpu.vector_store %arg7[%swap3A_1457, %swap3A_1458], %swap3A_1461 {strides = array<i32>} : memref<8x128xi32, #tpu.memory_space<vmem>>, vector<1x16xi32>,
      %get3A_1462 = arith.constant 3 : i32
      %get3A_1463 = arith.index_cast %get3A_1462 : i32 to index
      %get3A_1464 = arith.constant 96 : index
      %get3A_1465 = tpu.vector_load %arg5[%get3A_1463, %get3A_1464] {strides = array<i32>} : memref<8x128xi32, #tpu.memory_space<vmem>>, vector<1x16xi32>,
      %get3A_1466 = vector.shape_cast %get3A_1465 : vector<1x16xi32> to vector<16xi32>
      %get3A_1467 = arith.constant 480 : index
      %get3A_1468 = tpu.vector_load %arg6[%get3A_1467] {strides = array<i32>} : memref<1024xi32, #tpu.memory_space<vmem>>, vector<16xi32>,
      %get3A_1469 = vector.shape_cast %get3A_1468 : vector<16xi32> to vector<16xi32>
      %gt3A_1470 = arith.cmpi sgt, %get3A_1466, %get3A_1469 : vector<16xi32>
      %get3A_1471 = arith.constant 3 : i32
      %get3A_1472 = arith.index_cast %get3A_1471 : i32 to index
      %get3A_1473 = arith.constant 96 : index
      %get3A_1474 = tpu.vector_load %arg4[%get3A_1472, %get3A_1473] {strides = array<i32>} : memref<8x128xi32, #tpu.memory_space<vmem>>, vector<1x16xi32>,
      %get3A_1475 = vector.shape_cast %get3A_1474 : vector<1x16xi32> to vector<16xi32>
      %iota3A_1476 = tpu.iota {dimensions = array<i32: 0>} : vector<16xi32>
      %add3A_1477 = arith.constant 1000000 : i32
      %add3A_1478 = vector.broadcast %add3A_1477 : i32 to vector<16xi32>
      %add3A_1479 = arith.addi %add3A_1478, %iota3A_1476 : vector<16xi32>
      %select_n3A_1480 = arith.select %gt3A_1470, %get3A_1475, %add3A_1479 : vector<16xi1>, vector<16xi32>
      %swap3A_1481 = arith.constant 3 : i32
      %swap3A_1482 = arith.index_cast %swap3A_1481 : i32 to index
      %swap3A_1483 = arith.constant 96 : index
      %swap3A_1484 = tpu.vector_load %arg7[%swap3A_1482, %swap3A_1483] {strides = array<i32>} : memref<8x128xi32, #tpu.memory_space<vmem>>, vector<1x16xi32>,
      %swap3A_1485 = vector.shape_cast %swap3A_1484 : vector<1x16xi32> to vector<16xi32>
      %swap3A_1486 = vector.shape_cast %select_n3A_1480 : vector<16xi32> to vector<1x16xi32>
      tpu.vector_store %arg7[%swap3A_1482, %swap3A_1483], %swap3A_1486 {strides = array<i32>} : memref<8x128xi32, #tpu.memory_space<vmem>>, vector<1x16xi32>,
      %get3A_1487 = arith.constant 3 : i32
      %get3A_1488 = arith.index_cast %get3A_1487 : i32 to index
      %get3A_1489 = arith.constant 112 : index
      %get3A_1490 = tpu.vector_load %arg5[%get3A_1488, %get3A_1489] {strides = array<i32>} : memref<8x128xi32, #tpu.memory_space<vmem>>, vector<1x16xi32>,
      %get3A_1491 = vector.shape_cast %get3A_1490 : vector<1x16xi32> to vector<16xi32>
      %get3A_1492 = arith.constant 496 : index
      %get3A_1493 = tpu.vector_load %arg6[%get3A_1492] {strides = array<i32>} : memref<1024xi32, #tpu.memory_space<vmem>>, vector<16xi32>,
      %get3A_1494 = vector.shape_cast %get3A_1493 : vector<16xi32> to vector<16xi32>
      %gt3A_1495 = arith.cmpi sgt, %get3A_1491, %get3A_1494 : vector<16xi32>
      %get3A_1496 = arith.constant 3 : i32
      %get3A_1497 = arith.index_cast %get3A_1496 : i32 to index
      %get3A_1498 = arith.constant 112 : index
      %get3A_1499 = tpu.vector_load %arg4[%get3A_1497, %get3A_1498] {strides = array<i32>} : memref<8x128xi32, #tpu.memory_space<vmem>>, vector<1x16xi32>,
      %get3A_1500 = vector.shape_cast %get3A_1499 : vector<1x16xi32> to vector<16xi32>
      %iota3A_1501 = tpu.iota {dimensions = array<i32: 0>} : vector<16xi32>
      %add3A_1502 = arith.constant 1000000 : i32
      %add3A_1503 = vector.broadcast %add3A_1502 : i32 to vector<16xi32>
      %add3A_1504 = arith.addi %add3A_1503, %iota3A_1501 : vector<16xi32>
      %select_n3A_1505 = arith.select %gt3A_1495, %get3A_1500, %add3A_1504 : vector<16xi1>, vector<16xi32>
      %swap3A_1506 = arith.constant 3 : i32
      %swap3A_1507 = arith.index_cast %swap3A_1506 : i32 to index
      %swap3A_1508 = arith.constant 112 : index
      %swap3A_1509 = tpu.vector_load %arg7[%swap3A_1507, %swap3A_1508] {strides = array<i32>} : memref<8x128xi32, #tpu.memory_space<vmem>>, vector<1x16xi32>,
      %swap3A_1510 = vector.shape_cast %swap3A_1509 : vector<1x16xi32> to vector<16xi32>
      %swap3A_1511 = vector.shape_cast %select_n3A_1505 : vector<16xi32> to vector<1x16xi32>
      tpu.vector_store %arg7[%swap3A_1507, %swap3A_1508], %swap3A_1511 {strides = array<i32>} : memref<8x128xi32, #tpu.memory_space<vmem>>, vector<1x16xi32>,
      %get3A_1512 = arith.constant 4 : i32
      %get3A_1513 = arith.index_cast %get3A_1512 : i32 to index
      %get3A_1514 = arith.constant 0 : index
      %get3A_1515 = tpu.vector_load %arg5[%get3A_1513, %get3A_1514] {strides = array<i32>} : memref<8x128xi32, #tpu.memory_space<vmem>>, vector<1x16xi32>,
      %get3A_1516 = vector.shape_cast %get3A_1515 : vector<1x16xi32> to vector<16xi32>
      %get3A_1517 = arith.constant 512 : index
      %get3A_1518 = tpu.vector_load %arg6[%get3A_1517] {strides = array<i32>} : memref<1024xi32, #tpu.memory_space<vmem>>, vector<16xi32>,
      %get3A_1519 = vector.shape_cast %get3A_1518 : vector<16xi32> to vector<16xi32>
      %gt3A_1520 = arith.cmpi sgt, %get3A_1516, %get3A_1519 : vector<16xi32>
      %get3A_1521 = arith.constant 4 : i32
      %get3A_1522 = arith.index_cast %get3A_1521 : i32 to index
      %get3A_1523 = arith.constant 0 : index
      %get3A_1524 = tpu.vector_load %arg4[%get3A_1522, %get3A_1523] {strides = array<i32>} : memref<8x128xi32, #tpu.memory_space<vmem>>, vector<1x16xi32>,
      %get3A_1525 = vector.shape_cast %get3A_1524 : vector<1x16xi32> to vector<16xi32>
      %iota3A_1526 = tpu.iota {dimensions = array<i32: 0>} : vector<16xi32>
      %add3A_1527 = arith.constant 1000000 : i32
      %add3A_1528 = vector.broadcast %add3A_1527 : i32 to vector<16xi32>
      %add3A_1529 = arith.addi %add3A_1528, %iota3A_1526 : vector<16xi32>
      %select_n3A_1530 = arith.select %gt3A_1520, %get3A_1525, %add3A_1529 : vector<16xi1>, vector<16xi32>
      %swap3A_1531 = arith.constant 4 : i32
      %swap3A_1532 = arith.index_cast %swap3A_1531 : i32 to index
      %swap3A_1533 = arith.constant 0 : index
      %swap3A_1534 = tpu.vector_load %arg7[%swap3A_1532, %swap3A_1533] {strides = array<i32>} : memref<8x128xi32, #tpu.memory_space<vmem>>, vector<1x16xi32>,
      %swap3A_1535 = vector.shape_cast %swap3A_1534 : vector<1x16xi32> to vector<16xi32>
      %swap3A_1536 = vector.shape_cast %select_n3A_1530 : vector<16xi32> to vector<1x16xi32>
      tpu.vector_store %arg7[%swap3A_1532, %swap3A_1533], %swap3A_1536 {strides = array<i32>} : memref<8x128xi32, #tpu.memory_space<vmem>>, vector<1x16xi32>,
      %get3A_1537 = arith.constant 4 : i32
      %get3A_1538 = arith.index_cast %get3A_1537 : i32 to index
      %get3A_1539 = arith.constant 16 : index
      %get3A_1540 = tpu.vector_load %arg5[%get3A_1538, %get3A_1539] {strides = array<i32>} : memref<8x128xi32, #tpu.memory_space<vmem>>, vector<1x16xi32>,
      %get3A_1541 = vector.shape_cast %get3A_1540 : vector<1x16xi32> to vector<16xi32>
      %get3A_1542 = arith.constant 528 : index
      %get3A_1543 = tpu.vector_load %arg6[%get3A_1542] {strides = array<i32>} : memref<1024xi32, #tpu.memory_space<vmem>>, vector<16xi32>,
      %get3A_1544 = vector.shape_cast %get3A_1543 : vector<16xi32> to vector<16xi32>
      %gt3A_1545 = arith.cmpi sgt, %get3A_1541, %get3A_1544 : vector<16xi32>
      %get3A_1546 = arith.constant 4 : i32
      %get3A_1547 = arith.index_cast %get3A_1546 : i32 to index
      %get3A_1548 = arith.constant 16 : index
      %get3A_1549 = tpu.vector_load %arg4[%get3A_1547, %get3A_1548] {strides = array<i32>} : memref<8x128xi32, #tpu.memory_space<vmem>>, vector<1x16xi32>,
      %get3A_1550 = vector.shape_cast %get3A_1549 : vector<1x16xi32> to vector<16xi32>
      %iota3A_1551 = tpu.iota {dimensions = array<i32: 0>} : vector<16xi32>
      %add3A_1552 = arith.constant 1000000 : i32
      %add3A_1553 = vector.broadcast %add3A_1552 : i32 to vector<16xi32>
      %add3A_1554 = arith.addi %add3A_1553, %iota3A_1551 : vector<16xi32>
      %select_n3A_1555 = arith.select %gt3A_1545, %get3A_1550, %add3A_1554 : vector<16xi1>, vector<16xi32>
      %swap3A_1556 = arith.constant 4 : i32
      %swap3A_1557 = arith.index_cast %swap3A_1556 : i32 to index
      %swap3A_1558 = arith.constant 16 : index
      %swap3A_1559 = tpu.vector_load %arg7[%swap3A_1557, %swap3A_1558] {strides = array<i32>} : memref<8x128xi32, #tpu.memory_space<vmem>>, vector<1x16xi32>,
      %swap3A_1560 = vector.shape_cast %swap3A_1559 : vector<1x16xi32> to vector<16xi32>
      %swap3A_1561 = vector.shape_cast %select_n3A_1555 : vector<16xi32> to vector<1x16xi32>
      tpu.vector_store %arg7[%swap3A_1557, %swap3A_1558], %swap3A_1561 {strides = array<i32>} : memref<8x128xi32, #tpu.memory_space<vmem>>, vector<1x16xi32>,
      %get3A_1562 = arith.constant 4 : i32
      %get3A_1563 = arith.index_cast %get3A_1562 : i32 to index
      %get3A_1564 = arith.constant 32 : index
      %get3A_1565 = tpu.vector_load %arg5[%get3A_1563, %get3A_1564] {strides = array<i32>} : memref<8x128xi32, #tpu.memory_space<vmem>>, vector<1x16xi32>,
      %get3A_1566 = vector.shape_cast %get3A_1565 : vector<1x16xi32> to vector<16xi32>
      %get3A_1567 = arith.constant 544 : index
      %get3A_1568 = tpu.vector_load %arg6[%get3A_1567] {strides = array<i32>} : memref<1024xi32, #tpu.memory_space<vmem>>, vector<16xi32>,
      %get3A_1569 = vector.shape_cast %get3A_1568 : vector<16xi32> to vector<16xi32>
      %gt3A_1570 = arith.cmpi sgt, %get3A_1566, %get3A_1569 : vector<16xi32>
      %get3A_1571 = arith.constant 4 : i32
      %get3A_1572 = arith.index_cast %get3A_1571 : i32 to index
      %get3A_1573 = arith.constant 32 : index
      %get3A_1574 = tpu.vector_load %arg4[%get3A_1572, %get3A_1573] {strides = array<i32>} : memref<8x128xi32, #tpu.memory_space<vmem>>, vector<1x16xi32>,
      %get3A_1575 = vector.shape_cast %get3A_1574 : vector<1x16xi32> to vector<16xi32>
      %iota3A_1576 = tpu.iota {dimensions = array<i32: 0>} : vector<16xi32>
      %add3A_1577 = arith.constant 1000000 : i32
      %add3A_1578 = vector.broadcast %add3A_1577 : i32 to vector<16xi32>
      %add3A_1579 = arith.addi %add3A_1578, %iota3A_1576 : vector<16xi32>
      %select_n3A_1580 = arith.select %gt3A_1570, %get3A_1575, %add3A_1579 : vector<16xi1>, vector<16xi32>
      %swap3A_1581 = arith.constant 4 : i32
      %swap3A_1582 = arith.index_cast %swap3A_1581 : i32 to index
      %swap3A_1583 = arith.constant 32 : index
      %swap3A_1584 = tpu.vector_load %arg7[%swap3A_1582, %swap3A_1583] {strides = array<i32>} : memref<8x128xi32, #tpu.memory_space<vmem>>, vector<1x16xi32>,
      %swap3A_1585 = vector.shape_cast %swap3A_1584 : vector<1x16xi32> to vector<16xi32>
      %swap3A_1586 = vector.shape_cast %select_n3A_1580 : vector<16xi32> to vector<1x16xi32>
      tpu.vector_store %arg7[%swap3A_1582, %swap3A_1583], %swap3A_1586 {strides = array<i32>} : memref<8x128xi32, #tpu.memory_space<vmem>>, vector<1x16xi32>,
      %get3A_1587 = arith.constant 4 : i32
      %get3A_1588 = arith.index_cast %get3A_1587 : i32 to index
      %get3A_1589 = arith.constant 48 : index
      %get3A_1590 = tpu.vector_load %arg5[%get3A_1588, %get3A_1589] {strides = array<i32>} : memref<8x128xi32, #tpu.memory_space<vmem>>, vector<1x16xi32>,
      %get3A_1591 = vector.shape_cast %get3A_1590 : vector<1x16xi32> to vector<16xi32>
      %get3A_1592 = arith.constant 560 : index
      %get3A_1593 = tpu.vector_load %arg6[%get3A_1592] {strides = array<i32>} : memref<1024xi32, #tpu.memory_space<vmem>>, vector<16xi32>,
      %get3A_1594 = vector.shape_cast %get3A_1593 : vector<16xi32> to vector<16xi32>
      %gt3A_1595 = arith.cmpi sgt, %get3A_1591, %get3A_1594 : vector<16xi32>
      %get3A_1596 = arith.constant 4 : i32
      %get3A_1597 = arith.index_cast %get3A_1596 : i32 to index
      %get3A_1598 = arith.constant 48 : index
      %get3A_1599 = tpu.vector_load %arg4[%get3A_1597, %get3A_1598] {strides = array<i32>} : memref<8x128xi32, #tpu.memory_space<vmem>>, vector<1x16xi32>,
      %get3A_1600 = vector.shape_cast %get3A_1599 : vector<1x16xi32> to vector<16xi32>
      %iota3A_1601 = tpu.iota {dimensions = array<i32: 0>} : vector<16xi32>
      %add3A_1602 = arith.constant 1000000 : i32
      %add3A_1603 = vector.broadcast %add3A_1602 : i32 to vector<16xi32>
      %add3A_1604 = arith.addi %add3A_1603, %iota3A_1601 : vector<16xi32>
      %select_n3A_1605 = arith.select %gt3A_1595, %get3A_1600, %add3A_1604 : vector<16xi1>, vector<16xi32>
      %swap3A_1606 = arith.constant 4 : i32
      %swap3A_1607 = arith.index_cast %swap3A_1606 : i32 to index
      %swap3A_1608 = arith.constant 48 : index
      %swap3A_1609 = tpu.vector_load %arg7[%swap3A_1607, %swap3A_1608] {strides = array<i32>} : memref<8x128xi32, #tpu.memory_space<vmem>>, vector<1x16xi32>,
      %swap3A_1610 = vector.shape_cast %swap3A_1609 : vector<1x16xi32> to vector<16xi32>
      %swap3A_1611 = vector.shape_cast %select_n3A_1605 : vector<16xi32> to vector<1x16xi32>
      tpu.vector_store %arg7[%swap3A_1607, %swap3A_1608], %swap3A_1611 {strides = array<i32>} : memref<8x128xi32, #tpu.memory_space<vmem>>, vector<1x16xi32>,
      %get3A_1612 = arith.constant 4 : i32
      %get3A_1613 = arith.index_cast %get3A_1612 : i32 to index
      %get3A_1614 = arith.constant 64 : index
      %get3A_1615 = tpu.vector_load %arg5[%get3A_1613, %get3A_1614] {strides = array<i32>} : memref<8x128xi32, #tpu.memory_space<vmem>>, vector<1x16xi32>,
      %get3A_1616 = vector.shape_cast %get3A_1615 : vector<1x16xi32> to vector<16xi32>
      %get3A_1617 = arith.constant 576 : index
      %get3A_1618 = tpu.vector_load %arg6[%get3A_1617] {strides = array<i32>} : memref<1024xi32, #tpu.memory_space<vmem>>, vector<16xi32>,
      %get3A_1619 = vector.shape_cast %get3A_1618 : vector<16xi32> to vector<16xi32>
      %gt3A_1620 = arith.cmpi sgt, %get3A_1616, %get3A_1619 : vector<16xi32>
      %get3A_1621 = arith.constant 4 : i32
      %get3A_1622 = arith.index_cast %get3A_1621 : i32 to index
      %get3A_1623 = arith.constant 64 : index
      %get3A_1624 = tpu.vector_load %arg4[%get3A_1622, %get3A_1623] {strides = array<i32>} : memref<8x128xi32, #tpu.memory_space<vmem>>, vector<1x16xi32>,
      %get3A_1625 = vector.shape_cast %get3A_1624 : vector<1x16xi32> to vector<16xi32>
      %iota3A_1626 = tpu.iota {dimensions = array<i32: 0>} : vector<16xi32>
      %add3A_1627 = arith.constant 1000000 : i32
      %add3A_1628 = vector.broadcast %add3A_1627 : i32 to vector<16xi32>
      %add3A_1629 = arith.addi %add3A_1628, %iota3A_1626 : vector<16xi32>
      %select_n3A_1630 = arith.select %gt3A_1620, %get3A_1625, %add3A_1629 : vector<16xi1>, vector<16xi32>
      %swap3A_1631 = arith.constant 4 : i32
      %swap3A_1632 = arith.index_cast %swap3A_1631 : i32 to index
      %swap3A_1633 = arith.constant 64 : index
      %swap3A_1634 = tpu.vector_load %arg7[%swap3A_1632, %swap3A_1633] {strides = array<i32>} : memref<8x128xi32, #tpu.memory_space<vmem>>, vector<1x16xi32>,
      %swap3A_1635 = vector.shape_cast %swap3A_1634 : vector<1x16xi32> to vector<16xi32>
      %swap3A_1636 = vector.shape_cast %select_n3A_1630 : vector<16xi32> to vector<1x16xi32>
      tpu.vector_store %arg7[%swap3A_1632, %swap3A_1633], %swap3A_1636 {strides = array<i32>} : memref<8x128xi32, #tpu.memory_space<vmem>>, vector<1x16xi32>,
      %get3A_1637 = arith.constant 4 : i32
      %get3A_1638 = arith.index_cast %get3A_1637 : i32 to index
      %get3A_1639 = arith.constant 80 : index
      %get3A_1640 = tpu.vector_load %arg5[%get3A_1638, %get3A_1639] {strides = array<i32>} : memref<8x128xi32, #tpu.memory_space<vmem>>, vector<1x16xi32>,
      %get3A_1641 = vector.shape_cast %get3A_1640 : vector<1x16xi32> to vector<16xi32>
      %get3A_1642 = arith.constant 592 : index
      %get3A_1643 = tpu.vector_load %arg6[%get3A_1642] {strides = array<i32>} : memref<1024xi32, #tpu.memory_space<vmem>>, vector<16xi32>,
      %get3A_1644 = vector.shape_cast %get3A_1643 : vector<16xi32> to vector<16xi32>
      %gt3A_1645 = arith.cmpi sgt, %get3A_1641, %get3A_1644 : vector<16xi32>
      %get3A_1646 = arith.constant 4 : i32
      %get3A_1647 = arith.index_cast %get3A_1646 : i32 to index
      %get3A_1648 = arith.constant 80 : index
      %get3A_1649 = tpu.vector_load %arg4[%get3A_1647, %get3A_1648] {strides = array<i32>} : memref<8x128xi32, #tpu.memory_space<vmem>>, vector<1x16xi32>,
      %get3A_1650 = vector.shape_cast %get3A_1649 : vector<1x16xi32> to vector<16xi32>
      %iota3A_1651 = tpu.iota {dimensions = array<i32: 0>} : vector<16xi32>
      %add3A_1652 = arith.constant 1000000 : i32
      %add3A_1653 = vector.broadcast %add3A_1652 : i32 to vector<16xi32>
      %add3A_1654 = arith.addi %add3A_1653, %iota3A_1651 : vector<16xi32>
      %select_n3A_1655 = arith.select %gt3A_1645, %get3A_1650, %add3A_1654 : vector<16xi1>, vector<16xi32>
      %swap3A_1656 = arith.constant 4 : i32
      %swap3A_1657 = arith.index_cast %swap3A_1656 : i32 to index
      %swap3A_1658 = arith.constant 80 : index
      %swap3A_1659 = tpu.vector_load %arg7[%swap3A_1657, %swap3A_1658] {strides = array<i32>} : memref<8x128xi32, #tpu.memory_space<vmem>>, vector<1x16xi32>,
      %swap3A_1660 = vector.shape_cast %swap3A_1659 : vector<1x16xi32> to vector<16xi32>
      %swap3A_1661 = vector.shape_cast %select_n3A_1655 : vector<16xi32> to vector<1x16xi32>
      tpu.vector_store %arg7[%swap3A_1657, %swap3A_1658], %swap3A_1661 {strides = array<i32>} : memref<8x128xi32, #tpu.memory_space<vmem>>, vector<1x16xi32>,
      %get3A_1662 = arith.constant 4 : i32
      %get3A_1663 = arith.index_cast %get3A_1662 : i32 to index
      %get3A_1664 = arith.constant 96 : index
      %get3A_1665 = tpu.vector_load %arg5[%get3A_1663, %get3A_1664] {strides = array<i32>} : memref<8x128xi32, #tpu.memory_space<vmem>>, vector<1x16xi32>,
      %get3A_1666 = vector.shape_cast %get3A_1665 : vector<1x16xi32> to vector<16xi32>
      %get3A_1667 = arith.constant 608 : index
      %get3A_1668 = tpu.vector_load %arg6[%get3A_1667] {strides = array<i32>} : memref<1024xi32, #tpu.memory_space<vmem>>, vector<16xi32>,
      %get3A_1669 = vector.shape_cast %get3A_1668 : vector<16xi32> to vector<16xi32>
      %gt3A_1670 = arith.cmpi sgt, %get3A_1666, %get3A_1669 : vector<16xi32>
      %get3A_1671 = arith.constant 4 : i32
      %get3A_1672 = arith.index_cast %get3A_1671 : i32 to index
      %get3A_1673 = arith.constant 96 : index
      %get3A_1674 = tpu.vector_load %arg4[%get3A_1672, %get3A_1673] {strides = array<i32>} : memref<8x128xi32, #tpu.memory_space<vmem>>, vector<1x16xi32>,
      %get3A_1675 = vector.shape_cast %get3A_1674 : vector<1x16xi32> to vector<16xi32>
      %iota3A_1676 = tpu.iota {dimensions = array<i32: 0>} : vector<16xi32>
      %add3A_1677 = arith.constant 1000000 : i32
      %add3A_1678 = vector.broadcast %add3A_1677 : i32 to vector<16xi32>
      %add3A_1679 = arith.addi %add3A_1678, %iota3A_1676 : vector<16xi32>
      %select_n3A_1680 = arith.select %gt3A_1670, %get3A_1675, %add3A_1679 : vector<16xi1>, vector<16xi32>
      %swap3A_1681 = arith.constant 4 : i32
      %swap3A_1682 = arith.index_cast %swap3A_1681 : i32 to index
      %swap3A_1683 = arith.constant 96 : index
      %swap3A_1684 = tpu.vector_load %arg7[%swap3A_1682, %swap3A_1683] {strides = array<i32>} : memref<8x128xi32, #tpu.memory_space<vmem>>, vector<1x16xi32>,
      %swap3A_1685 = vector.shape_cast %swap3A_1684 : vector<1x16xi32> to vector<16xi32>
      %swap3A_1686 = vector.shape_cast %select_n3A_1680 : vector<16xi32> to vector<1x16xi32>
      tpu.vector_store %arg7[%swap3A_1682, %swap3A_1683], %swap3A_1686 {strides = array<i32>} : memref<8x128xi32, #tpu.memory_space<vmem>>, vector<1x16xi32>,
      %get3A_1687 = arith.constant 4 : i32
      %get3A_1688 = arith.index_cast %get3A_1687 : i32 to index
      %get3A_1689 = arith.constant 112 : index
      %get3A_1690 = tpu.vector_load %arg5[%get3A_1688, %get3A_1689] {strides = array<i32>} : memref<8x128xi32, #tpu.memory_space<vmem>>, vector<1x16xi32>,
      %get3A_1691 = vector.shape_cast %get3A_1690 : vector<1x16xi32> to vector<16xi32>
      %get3A_1692 = arith.constant 624 : index
      %get3A_1693 = tpu.vector_load %arg6[%get3A_1692] {strides = array<i32>} : memref<1024xi32, #tpu.memory_space<vmem>>, vector<16xi32>,
      %get3A_1694 = vector.shape_cast %get3A_1693 : vector<16xi32> to vector<16xi32>
      %gt3A_1695 = arith.cmpi sgt, %get3A_1691, %get3A_1694 : vector<16xi32>
      %get3A_1696 = arith.constant 4 : i32
      %get3A_1697 = arith.index_cast %get3A_1696 : i32 to index
      %get3A_1698 = arith.constant 112 : index
      %get3A_1699 = tpu.vector_load %arg4[%get3A_1697, %get3A_1698] {strides = array<i32>} : memref<8x128xi32, #tpu.memory_space<vmem>>, vector<1x16xi32>,
      %get3A_1700 = vector.shape_cast %get3A_1699 : vector<1x16xi32> to vector<16xi32>
      %iota3A_1701 = tpu.iota {dimensions = array<i32: 0>} : vector<16xi32>
      %add3A_1702 = arith.constant 1000000 : i32
      %add3A_1703 = vector.broadcast %add3A_1702 : i32 to vector<16xi32>
      %add3A_1704 = arith.addi %add3A_1703, %iota3A_1701 : vector<16xi32>
      %select_n3A_1705 = arith.select %gt3A_1695, %get3A_1700, %add3A_1704 : vector<16xi1>, vector<16xi32>
      %swap3A_1706 = arith.constant 4 : i32
      %swap3A_1707 = arith.index_cast %swap3A_1706 : i32 to index
      %swap3A_1708 = arith.constant 112 : index
      %swap3A_1709 = tpu.vector_load %arg7[%swap3A_1707, %swap3A_1708] {strides = array<i32>} : memref<8x128xi32, #tpu.memory_space<vmem>>, vector<1x16xi32>,
      %swap3A_1710 = vector.shape_cast %swap3A_1709 : vector<1x16xi32> to vector<16xi32>
      %swap3A_1711 = vector.shape_cast %select_n3A_1705 : vector<16xi32> to vector<1x16xi32>
      tpu.vector_store %arg7[%swap3A_1707, %swap3A_1708], %swap3A_1711 {strides = array<i32>} : memref<8x128xi32, #tpu.memory_space<vmem>>, vector<1x16xi32>,
      %get3A_1712 = arith.constant 5 : i32
      %get3A_1713 = arith.index_cast %get3A_1712 : i32 to index
      %get3A_1714 = arith.constant 0 : index
      %get3A_1715 = tpu.vector_load %arg5[%get3A_1713, %get3A_1714] {strides = array<i32>} : memref<8x128xi32, #tpu.memory_space<vmem>>, vector<1x16xi32>,
      %get3A_1716 = vector.shape_cast %get3A_1715 : vector<1x16xi32> to vector<16xi32>
      %get3A_1717 = arith.constant 640 : index
      %get3A_1718 = tpu.vector_load %arg6[%get3A_1717] {strides = array<i32>} : memref<1024xi32, #tpu.memory_space<vmem>>, vector<16xi32>,
      %get3A_1719 = vector.shape_cast %get3A_1718 : vector<16xi32> to vector<16xi32>
      %gt3A_1720 = arith.cmpi sgt, %get3A_1716, %get3A_1719 : vector<16xi32>
      %get3A_1721 = arith.constant 5 : i32
      %get3A_1722 = arith.index_cast %get3A_1721 : i32 to index
      %get3A_1723 = arith.constant 0 : index
      %get3A_1724 = tpu.vector_load %arg4[%get3A_1722, %get3A_1723] {strides = array<i32>} : memref<8x128xi32, #tpu.memory_space<vmem>>, vector<1x16xi32>,
      %get3A_1725 = vector.shape_cast %get3A_1724 : vector<1x16xi32> to vector<16xi32>
      %iota3A_1726 = tpu.iota {dimensions = array<i32: 0>} : vector<16xi32>
      %add3A_1727 = arith.constant 1000000 : i32
      %add3A_1728 = vector.broadcast %add3A_1727 : i32 to vector<16xi32>
      %add3A_1729 = arith.addi %add3A_1728, %iota3A_1726 : vector<16xi32>
      %select_n3A_1730 = arith.select %gt3A_1720, %get3A_1725, %add3A_1729 : vector<16xi1>, vector<16xi32>
      %swap3A_1731 = arith.constant 5 : i32
      %swap3A_1732 = arith.index_cast %swap3A_1731 : i32 to index
      %swap3A_1733 = arith.constant 0 : index
      %swap3A_1734 = tpu.vector_load %arg7[%swap3A_1732, %swap3A_1733] {strides = array<i32>} : memref<8x128xi32, #tpu.memory_space<vmem>>, vector<1x16xi32>,
      %swap3A_1735 = vector.shape_cast %swap3A_1734 : vector<1x16xi32> to vector<16xi32>
      %swap3A_1736 = vector.shape_cast %select_n3A_1730 : vector<16xi32> to vector<1x16xi32>
      tpu.vector_store %arg7[%swap3A_1732, %swap3A_1733], %swap3A_1736 {strides = array<i32>} : memref<8x128xi32, #tpu.memory_space<vmem>>, vector<1x16xi32>,
      %get3A_1737 = arith.constant 5 : i32
      %get3A_1738 = arith.index_cast %get3A_1737 : i32 to index
      %get3A_1739 = arith.constant 16 : index
      %get3A_1740 = tpu.vector_load %arg5[%get3A_1738, %get3A_1739] {strides = array<i32>} : memref<8x128xi32, #tpu.memory_space<vmem>>, vector<1x16xi32>,
      %get3A_1741 = vector.shape_cast %get3A_1740 : vector<1x16xi32> to vector<16xi32>
      %get3A_1742 = arith.constant 656 : index
      %get3A_1743 = tpu.vector_load %arg6[%get3A_1742] {strides = array<i32>} : memref<1024xi32, #tpu.memory_space<vmem>>, vector<16xi32>,
      %get3A_1744 = vector.shape_cast %get3A_1743 : vector<16xi32> to vector<16xi32>
      %gt3A_1745 = arith.cmpi sgt, %get3A_1741, %get3A_1744 : vector<16xi32>
      %get3A_1746 = arith.constant 5 : i32
      %get3A_1747 = arith.index_cast %get3A_1746 : i32 to index
      %get3A_1748 = arith.constant 16 : index
      %get3A_1749 = tpu.vector_load %arg4[%get3A_1747, %get3A_1748] {strides = array<i32>} : memref<8x128xi32, #tpu.memory_space<vmem>>, vector<1x16xi32>,
      %get3A_1750 = vector.shape_cast %get3A_1749 : vector<1x16xi32> to vector<16xi32>
      %iota3A_1751 = tpu.iota {dimensions = array<i32: 0>} : vector<16xi32>
      %add3A_1752 = arith.constant 1000000 : i32
      %add3A_1753 = vector.broadcast %add3A_1752 : i32 to vector<16xi32>
      %add3A_1754 = arith.addi %add3A_1753, %iota3A_1751 : vector<16xi32>
      %select_n3A_1755 = arith.select %gt3A_1745, %get3A_1750, %add3A_1754 : vector<16xi1>, vector<16xi32>
      %swap3A_1756 = arith.constant 5 : i32
      %swap3A_1757 = arith.index_cast %swap3A_1756 : i32 to index
      %swap3A_1758 = arith.constant 16 : index
      %swap3A_1759 = tpu.vector_load %arg7[%swap3A_1757, %swap3A_1758] {strides = array<i32>} : memref<8x128xi32, #tpu.memory_space<vmem>>, vector<1x16xi32>,
      %swap3A_1760 = vector.shape_cast %swap3A_1759 : vector<1x16xi32> to vector<16xi32>
      %swap3A_1761 = vector.shape_cast %select_n3A_1755 : vector<16xi32> to vector<1x16xi32>
      tpu.vector_store %arg7[%swap3A_1757, %swap3A_1758], %swap3A_1761 {strides = array<i32>} : memref<8x128xi32, #tpu.memory_space<vmem>>, vector<1x16xi32>,
      %get3A_1762 = arith.constant 5 : i32
      %get3A_1763 = arith.index_cast %get3A_1762 : i32 to index
      %get3A_1764 = arith.constant 32 : index
      %get3A_1765 = tpu.vector_load %arg5[%get3A_1763, %get3A_1764] {strides = array<i32>} : memref<8x128xi32, #tpu.memory_space<vmem>>, vector<1x16xi32>,
      %get3A_1766 = vector.shape_cast %get3A_1765 : vector<1x16xi32> to vector<16xi32>
      %get3A_1767 = arith.constant 672 : index
      %get3A_1768 = tpu.vector_load %arg6[%get3A_1767] {strides = array<i32>} : memref<1024xi32, #tpu.memory_space<vmem>>, vector<16xi32>,
      %get3A_1769 = vector.shape_cast %get3A_1768 : vector<16xi32> to vector<16xi32>
      %gt3A_1770 = arith.cmpi sgt, %get3A_1766, %get3A_1769 : vector<16xi32>
      %get3A_1771 = arith.constant 5 : i32
      %get3A_1772 = arith.index_cast %get3A_1771 : i32 to index
      %get3A_1773 = arith.constant 32 : index
      %get3A_1774 = tpu.vector_load %arg4[%get3A_1772, %get3A_1773] {strides = array<i32>} : memref<8x128xi32, #tpu.memory_space<vmem>>, vector<1x16xi32>,
      %get3A_1775 = vector.shape_cast %get3A_1774 : vector<1x16xi32> to vector<16xi32>
      %iota3A_1776 = tpu.iota {dimensions = array<i32: 0>} : vector<16xi32>
      %add3A_1777 = arith.constant 1000000 : i32
      %add3A_1778 = vector.broadcast %add3A_1777 : i32 to vector<16xi32>
      %add3A_1779 = arith.addi %add3A_1778, %iota3A_1776 : vector<16xi32>
      %select_n3A_1780 = arith.select %gt3A_1770, %get3A_1775, %add3A_1779 : vector<16xi1>, vector<16xi32>
      %swap3A_1781 = arith.constant 5 : i32
      %swap3A_1782 = arith.index_cast %swap3A_1781 : i32 to index
      %swap3A_1783 = arith.constant 32 : index
      %swap3A_1784 = tpu.vector_load %arg7[%swap3A_1782, %swap3A_1783] {strides = array<i32>} : memref<8x128xi32, #tpu.memory_space<vmem>>, vector<1x16xi32>,
      %swap3A_1785 = vector.shape_cast %swap3A_1784 : vector<1x16xi32> to vector<16xi32>
      %swap3A_1786 = vector.shape_cast %select_n3A_1780 : vector<16xi32> to vector<1x16xi32>
      tpu.vector_store %arg7[%swap3A_1782, %swap3A_1783], %swap3A_1786 {strides = array<i32>} : memref<8x128xi32, #tpu.memory_space<vmem>>, vector<1x16xi32>,
      %get3A_1787 = arith.constant 5 : i32
      %get3A_1788 = arith.index_cast %get3A_1787 : i32 to index
      %get3A_1789 = arith.constant 48 : index
      %get3A_1790 = tpu.vector_load %arg5[%get3A_1788, %get3A_1789] {strides = array<i32>} : memref<8x128xi32, #tpu.memory_space<vmem>>, vector<1x16xi32>,
      %get3A_1791 = vector.shape_cast %get3A_1790 : vector<1x16xi32> to vector<16xi32>
      %get3A_1792 = arith.constant 688 : index
      %get3A_1793 = tpu.vector_load %arg6[%get3A_1792] {strides = array<i32>} : memref<1024xi32, #tpu.memory_space<vmem>>, vector<16xi32>,
      %get3A_1794 = vector.shape_cast %get3A_1793 : vector<16xi32> to vector<16xi32>
      %gt3A_1795 = arith.cmpi sgt, %get3A_1791, %get3A_1794 : vector<16xi32>
      %get3A_1796 = arith.constant 5 : i32
      %get3A_1797 = arith.index_cast %get3A_1796 : i32 to index
      %get3A_1798 = arith.constant 48 : index
      %get3A_1799 = tpu.vector_load %arg4[%get3A_1797, %get3A_1798] {strides = array<i32>} : memref<8x128xi32, #tpu.memory_space<vmem>>, vector<1x16xi32>,
      %get3A_1800 = vector.shape_cast %get3A_1799 : vector<1x16xi32> to vector<16xi32>
      %iota3A_1801 = tpu.iota {dimensions = array<i32: 0>} : vector<16xi32>
      %add3A_1802 = arith.constant 1000000 : i32
      %add3A_1803 = vector.broadcast %add3A_1802 : i32 to vector<16xi32>
      %add3A_1804 = arith.addi %add3A_1803, %iota3A_1801 : vector<16xi32>
      %select_n3A_1805 = arith.select %gt3A_1795, %get3A_1800, %add3A_1804 : vector<16xi1>, vector<16xi32>
      %swap3A_1806 = arith.constant 5 : i32
      %swap3A_1807 = arith.index_cast %swap3A_1806 : i32 to index
      %swap3A_1808 = arith.constant 48 : index
      %swap3A_1809 = tpu.vector_load %arg7[%swap3A_1807, %swap3A_1808] {strides = array<i32>} : memref<8x128xi32, #tpu.memory_space<vmem>>, vector<1x16xi32>,
      %swap3A_1810 = vector.shape_cast %swap3A_1809 : vector<1x16xi32> to vector<16xi32>
      %swap3A_1811 = vector.shape_cast %select_n3A_1805 : vector<16xi32> to vector<1x16xi32>
      tpu.vector_store %arg7[%swap3A_1807, %swap3A_1808], %swap3A_1811 {strides = array<i32>} : memref<8x128xi32, #tpu.memory_space<vmem>>, vector<1x16xi32>,
      %get3A_1812 = arith.constant 5 : i32
      %get3A_1813 = arith.index_cast %get3A_1812 : i32 to index
      %get3A_1814 = arith.constant 64 : index
      %get3A_1815 = tpu.vector_load %arg5[%get3A_1813, %get3A_1814] {strides = array<i32>} : memref<8x128xi32, #tpu.memory_space<vmem>>, vector<1x16xi32>,
      %get3A_1816 = vector.shape_cast %get3A_1815 : vector<1x16xi32> to vector<16xi32>
      %get3A_1817 = arith.constant 704 : index
      %get3A_1818 = tpu.vector_load %arg6[%get3A_1817] {strides = array<i32>} : memref<1024xi32, #tpu.memory_space<vmem>>, vector<16xi32>,
      %get3A_1819 = vector.shape_cast %get3A_1818 : vector<16xi32> to vector<16xi32>
      %gt3A_1820 = arith.cmpi sgt, %get3A_1816, %get3A_1819 : vector<16xi32>
      %get3A_1821 = arith.constant 5 : i32
      %get3A_1822 = arith.index_cast %get3A_1821 : i32 to index
      %get3A_1823 = arith.constant 64 : index
      %get3A_1824 = tpu.vector_load %arg4[%get3A_1822, %get3A_1823] {strides = array<i32>} : memref<8x128xi32, #tpu.memory_space<vmem>>, vector<1x16xi32>,
      %get3A_1825 = vector.shape_cast %get3A_1824 : vector<1x16xi32> to vector<16xi32>
      %iota3A_1826 = tpu.iota {dimensions = array<i32: 0>} : vector<16xi32>
      %add3A_1827 = arith.constant 1000000 : i32
      %add3A_1828 = vector.broadcast %add3A_1827 : i32 to vector<16xi32>
      %add3A_1829 = arith.addi %add3A_1828, %iota3A_1826 : vector<16xi32>
      %select_n3A_1830 = arith.select %gt3A_1820, %get3A_1825, %add3A_1829 : vector<16xi1>, vector<16xi32>
      %swap3A_1831 = arith.constant 5 : i32
      %swap3A_1832 = arith.index_cast %swap3A_1831 : i32 to index
      %swap3A_1833 = arith.constant 64 : index
      %swap3A_1834 = tpu.vector_load %arg7[%swap3A_1832, %swap3A_1833] {strides = array<i32>} : memref<8x128xi32, #tpu.memory_space<vmem>>, vector<1x16xi32>,
      %swap3A_1835 = vector.shape_cast %swap3A_1834 : vector<1x16xi32> to vector<16xi32>
      %swap3A_1836 = vector.shape_cast %select_n3A_1830 : vector<16xi32> to vector<1x16xi32>
      tpu.vector_store %arg7[%swap3A_1832, %swap3A_1833], %swap3A_1836 {strides = array<i32>} : memref<8x128xi32, #tpu.memory_space<vmem>>, vector<1x16xi32>,
      %get3A_1837 = arith.constant 5 : i32
      %get3A_1838 = arith.index_cast %get3A_1837 : i32 to index
      %get3A_1839 = arith.constant 80 : index
      %get3A_1840 = tpu.vector_load %arg5[%get3A_1838, %get3A_1839] {strides = array<i32>} : memref<8x128xi32, #tpu.memory_space<vmem>>, vector<1x16xi32>,
      %get3A_1841 = vector.shape_cast %get3A_1840 : vector<1x16xi32> to vector<16xi32>
      %get3A_1842 = arith.constant 720 : index
      %get3A_1843 = tpu.vector_load %arg6[%get3A_1842] {strides = array<i32>} : memref<1024xi32, #tpu.memory_space<vmem>>, vector<16xi32>,
      %get3A_1844 = vector.shape_cast %get3A_1843 : vector<16xi32> to vector<16xi32>
      %gt3A_1845 = arith.cmpi sgt, %get3A_1841, %get3A_1844 : vector<16xi32>
      %get3A_1846 = arith.constant 5 : i32
      %get3A_1847 = arith.index_cast %get3A_1846 : i32 to index
      %get3A_1848 = arith.constant 80 : index
      %get3A_1849 = tpu.vector_load %arg4[%get3A_1847, %get3A_1848] {strides = array<i32>} : memref<8x128xi32, #tpu.memory_space<vmem>>, vector<1x16xi32>,
      %get3A_1850 = vector.shape_cast %get3A_1849 : vector<1x16xi32> to vector<16xi32>
      %iota3A_1851 = tpu.iota {dimensions = array<i32: 0>} : vector<16xi32>
      %add3A_1852 = arith.constant 1000000 : i32
      %add3A_1853 = vector.broadcast %add3A_1852 : i32 to vector<16xi32>
      %add3A_1854 = arith.addi %add3A_1853, %iota3A_1851 : vector<16xi32>
      %select_n3A_1855 = arith.select %gt3A_1845, %get3A_1850, %add3A_1854 : vector<16xi1>, vector<16xi32>
      %swap3A_1856 = arith.constant 5 : i32
      %swap3A_1857 = arith.index_cast %swap3A_1856 : i32 to index
      %swap3A_1858 = arith.constant 80 : index
      %swap3A_1859 = tpu.vector_load %arg7[%swap3A_1857, %swap3A_1858] {strides = array<i32>} : memref<8x128xi32, #tpu.memory_space<vmem>>, vector<1x16xi32>,
      %swap3A_1860 = vector.shape_cast %swap3A_1859 : vector<1x16xi32> to vector<16xi32>
      %swap3A_1861 = vector.shape_cast %select_n3A_1855 : vector<16xi32> to vector<1x16xi32>
      tpu.vector_store %arg7[%swap3A_1857, %swap3A_1858], %swap3A_1861 {strides = array<i32>} : memref<8x128xi32, #tpu.memory_space<vmem>>, vector<1x16xi32>,
      %get3A_1862 = arith.constant 5 : i32
      %get3A_1863 = arith.index_cast %get3A_1862 : i32 to index
      %get3A_1864 = arith.constant 96 : index
      %get3A_1865 = tpu.vector_load %arg5[%get3A_1863, %get3A_1864] {strides = array<i32>} : memref<8x128xi32, #tpu.memory_space<vmem>>, vector<1x16xi32>,
      %get3A_1866 = vector.shape_cast %get3A_1865 : vector<1x16xi32> to vector<16xi32>
      %get3A_1867 = arith.constant 736 : index
      %get3A_1868 = tpu.vector_load %arg6[%get3A_1867] {strides = array<i32>} : memref<1024xi32, #tpu.memory_space<vmem>>, vector<16xi32>,
      %get3A_1869 = vector.shape_cast %get3A_1868 : vector<16xi32> to vector<16xi32>
      %gt3A_1870 = arith.cmpi sgt, %get3A_1866, %get3A_1869 : vector<16xi32>
      %get3A_1871 = arith.constant 5 : i32
      %get3A_1872 = arith.index_cast %get3A_1871 : i32 to index
      %get3A_1873 = arith.constant 96 : index
      %get3A_1874 = tpu.vector_load %arg4[%get3A_1872, %get3A_1873] {strides = array<i32>} : memref<8x128xi32, #tpu.memory_space<vmem>>, vector<1x16xi32>,
      %get3A_1875 = vector.shape_cast %get3A_1874 : vector<1x16xi32> to vector<16xi32>
      %iota3A_1876 = tpu.iota {dimensions = array<i32: 0>} : vector<16xi32>
      %add3A_1877 = arith.constant 1000000 : i32
      %add3A_1878 = vector.broadcast %add3A_1877 : i32 to vector<16xi32>
      %add3A_1879 = arith.addi %add3A_1878, %iota3A_1876 : vector<16xi32>
      %select_n3A_1880 = arith.select %gt3A_1870, %get3A_1875, %add3A_1879 : vector<16xi1>, vector<16xi32>
      %swap3A_1881 = arith.constant 5 : i32
      %swap3A_1882 = arith.index_cast %swap3A_1881 : i32 to index
      %swap3A_1883 = arith.constant 96 : index
      %swap3A_1884 = tpu.vector_load %arg7[%swap3A_1882, %swap3A_1883] {strides = array<i32>} : memref<8x128xi32, #tpu.memory_space<vmem>>, vector<1x16xi32>,
      %swap3A_1885 = vector.shape_cast %swap3A_1884 : vector<1x16xi32> to vector<16xi32>
      %swap3A_1886 = vector.shape_cast %select_n3A_1880 : vector<16xi32> to vector<1x16xi32>
      tpu.vector_store %arg7[%swap3A_1882, %swap3A_1883], %swap3A_1886 {strides = array<i32>} : memref<8x128xi32, #tpu.memory_space<vmem>>, vector<1x16xi32>,
      %get3A_1887 = arith.constant 5 : i32
      %get3A_1888 = arith.index_cast %get3A_1887 : i32 to index
      %get3A_1889 = arith.constant 112 : index
      %get3A_1890 = tpu.vector_load %arg5[%get3A_1888, %get3A_1889] {strides = array<i32>} : memref<8x128xi32, #tpu.memory_space<vmem>>, vector<1x16xi32>,
      %get3A_1891 = vector.shape_cast %get3A_1890 : vector<1x16xi32> to vector<16xi32>
      %get3A_1892 = arith.constant 752 : index
      %get3A_1893 = tpu.vector_load %arg6[%get3A_1892] {strides = array<i32>} : memref<1024xi32, #tpu.memory_space<vmem>>, vector<16xi32>,
      %get3A_1894 = vector.shape_cast %get3A_1893 : vector<16xi32> to vector<16xi32>
      %gt3A_1895 = arith.cmpi sgt, %get3A_1891, %get3A_1894 : vector<16xi32>
      %get3A_1896 = arith.constant 5 : i32
      %get3A_1897 = arith.index_cast %get3A_1896 : i32 to index
      %get3A_1898 = arith.constant 112 : index
      %get3A_1899 = tpu.vector_load %arg4[%get3A_1897, %get3A_1898] {strides = array<i32>} : memref<8x128xi32, #tpu.memory_space<vmem>>, vector<1x16xi32>,
      %get3A_1900 = vector.shape_cast %get3A_1899 : vector<1x16xi32> to vector<16xi32>
      %iota3A_1901 = tpu.iota {dimensions = array<i32: 0>} : vector<16xi32>
      %add3A_1902 = arith.constant 1000000 : i32
      %add3A_1903 = vector.broadcast %add3A_1902 : i32 to vector<16xi32>
      %add3A_1904 = arith.addi %add3A_1903, %iota3A_1901 : vector<16xi32>
      %select_n3A_1905 = arith.select %gt3A_1895, %get3A_1900, %add3A_1904 : vector<16xi1>, vector<16xi32>
      %swap3A_1906 = arith.constant 5 : i32
      %swap3A_1907 = arith.index_cast %swap3A_1906 : i32 to index
      %swap3A_1908 = arith.constant 112 : index
      %swap3A_1909 = tpu.vector_load %arg7[%swap3A_1907, %swap3A_1908] {strides = array<i32>} : memref<8x128xi32, #tpu.memory_space<vmem>>, vector<1x16xi32>,
      %swap3A_1910 = vector.shape_cast %swap3A_1909 : vector<1x16xi32> to vector<16xi32>
      %swap3A_1911 = vector.shape_cast %select_n3A_1905 : vector<16xi32> to vector<1x16xi32>
      tpu.vector_store %arg7[%swap3A_1907, %swap3A_1908], %swap3A_1911 {strides = array<i32>} : memref<8x128xi32, #tpu.memory_space<vmem>>, vector<1x16xi32>,
      %get3A_1912 = arith.constant 6 : i32
      %get3A_1913 = arith.index_cast %get3A_1912 : i32 to index
      %get3A_1914 = arith.constant 0 : index
      %get3A_1915 = tpu.vector_load %arg5[%get3A_1913, %get3A_1914] {strides = array<i32>} : memref<8x128xi32, #tpu.memory_space<vmem>>, vector<1x16xi32>,
      %get3A_1916 = vector.shape_cast %get3A_1915 : vector<1x16xi32> to vector<16xi32>
      %get3A_1917 = arith.constant 768 : index
      %get3A_1918 = tpu.vector_load %arg6[%get3A_1917] {strides = array<i32>} : memref<1024xi32, #tpu.memory_space<vmem>>, vector<16xi32>,
      %get3A_1919 = vector.shape_cast %get3A_1918 : vector<16xi32> to vector<16xi32>
      %gt3A_1920 = arith.cmpi sgt, %get3A_1916, %get3A_1919 : vector<16xi32>
      %get3A_1921 = arith.constant 6 : i32
      %get3A_1922 = arith.index_cast %get3A_1921 : i32 to index
      %get3A_1923 = arith.constant 0 : index
      %get3A_1924 = tpu.vector_load %arg4[%get3A_1922, %get3A_1923] {strides = array<i32>} : memref<8x128xi32, #tpu.memory_space<vmem>>, vector<1x16xi32>,
      %get3A_1925 = vector.shape_cast %get3A_1924 : vector<1x16xi32> to vector<16xi32>
      %iota3A_1926 = tpu.iota {dimensions = array<i32: 0>} : vector<16xi32>
      %add3A_1927 = arith.constant 1000000 : i32
      %add3A_1928 = vector.broadcast %add3A_1927 : i32 to vector<16xi32>
      %add3A_1929 = arith.addi %add3A_1928, %iota3A_1926 : vector<16xi32>
      %select_n3A_1930 = arith.select %gt3A_1920, %get3A_1925, %add3A_1929 : vector<16xi1>, vector<16xi32>
      %swap3A_1931 = arith.constant 6 : i32
      %swap3A_1932 = arith.index_cast %swap3A_1931 : i32 to index
      %swap3A_1933 = arith.constant 0 : index
      %swap3A_1934 = tpu.vector_load %arg7[%swap3A_1932, %swap3A_1933] {strides = array<i32>} : memref<8x128xi32, #tpu.memory_space<vmem>>, vector<1x16xi32>,
      %swap3A_1935 = vector.shape_cast %swap3A_1934 : vector<1x16xi32> to vector<16xi32>
      %swap3A_1936 = vector.shape_cast %select_n3A_1930 : vector<16xi32> to vector<1x16xi32>
      tpu.vector_store %arg7[%swap3A_1932, %swap3A_1933], %swap3A_1936 {strides = array<i32>} : memref<8x128xi32, #tpu.memory_space<vmem>>, vector<1x16xi32>,
      %get3A_1937 = arith.constant 6 : i32
      %get3A_1938 = arith.index_cast %get3A_1937 : i32 to index
      %get3A_1939 = arith.constant 16 : index
      %get3A_1940 = tpu.vector_load %arg5[%get3A_1938, %get3A_1939] {strides = array<i32>} : memref<8x128xi32, #tpu.memory_space<vmem>>, vector<1x16xi32>,
      %get3A_1941 = vector.shape_cast %get3A_1940 : vector<1x16xi32> to vector<16xi32>
      %get3A_1942 = arith.constant 784 : index
      %get3A_1943 = tpu.vector_load %arg6[%get3A_1942] {strides = array<i32>} : memref<1024xi32, #tpu.memory_space<vmem>>, vector<16xi32>,
      %get3A_1944 = vector.shape_cast %get3A_1943 : vector<16xi32> to vector<16xi32>
      %gt3A_1945 = arith.cmpi sgt, %get3A_1941, %get3A_1944 : vector<16xi32>
      %get3A_1946 = arith.constant 6 : i32
      %get3A_1947 = arith.index_cast %get3A_1946 : i32 to index
      %get3A_1948 = arith.constant 16 : index
      %get3A_1949 = tpu.vector_load %arg4[%get3A_1947, %get3A_1948] {strides = array<i32>} : memref<8x128xi32, #tpu.memory_space<vmem>>, vector<1x16xi32>,
      %get3A_1950 = vector.shape_cast %get3A_1949 : vector<1x16xi32> to vector<16xi32>
      %iota3A_1951 = tpu.iota {dimensions = array<i32: 0>} : vector<16xi32>
      %add3A_1952 = arith.constant 1000000 : i32
      %add3A_1953 = vector.broadcast %add3A_1952 : i32 to vector<16xi32>
      %add3A_1954 = arith.addi %add3A_1953, %iota3A_1951 : vector<16xi32>
      %select_n3A_1955 = arith.select %gt3A_1945, %get3A_1950, %add3A_1954 : vector<16xi1>, vector<16xi32>
      %swap3A_1956 = arith.constant 6 : i32
      %swap3A_1957 = arith.index_cast %swap3A_1956 : i32 to index
      %swap3A_1958 = arith.constant 16 : index
      %swap3A_1959 = tpu.vector_load %arg7[%swap3A_1957, %swap3A_1958] {strides = array<i32>} : memref<8x128xi32, #tpu.memory_space<vmem>>, vector<1x16xi32>,
      %swap3A_1960 = vector.shape_cast %swap3A_1959 : vector<1x16xi32> to vector<16xi32>
      %swap3A_1961 = vector.shape_cast %select_n3A_1955 : vector<16xi32> to vector<1x16xi32>
      tpu.vector_store %arg7[%swap3A_1957, %swap3A_1958], %swap3A_1961 {strides = array<i32>} : memref<8x128xi32, #tpu.memory_space<vmem>>, vector<1x16xi32>,
      %get3A_1962 = arith.constant 6 : i32
      %get3A_1963 = arith.index_cast %get3A_1962 : i32 to index
      %get3A_1964 = arith.constant 32 : index
      %get3A_1965 = tpu.vector_load %arg5[%get3A_1963, %get3A_1964] {strides = array<i32>} : memref<8x128xi32, #tpu.memory_space<vmem>>, vector<1x16xi32>,
      %get3A_1966 = vector.shape_cast %get3A_1965 : vector<1x16xi32> to vector<16xi32>
      %get3A_1967 = arith.constant 800 : index
      %get3A_1968 = tpu.vector_load %arg6[%get3A_1967] {strides = array<i32>} : memref<1024xi32, #tpu.memory_space<vmem>>, vector<16xi32>,
      %get3A_1969 = vector.shape_cast %get3A_1968 : vector<16xi32> to vector<16xi32>
      %gt3A_1970 = arith.cmpi sgt, %get3A_1966, %get3A_1969 : vector<16xi32>
      %get3A_1971 = arith.constant 6 : i32
      %get3A_1972 = arith.index_cast %get3A_1971 : i32 to index
      %get3A_1973 = arith.constant 32 : index
      %get3A_1974 = tpu.vector_load %arg4[%get3A_1972, %get3A_1973] {strides = array<i32>} : memref<8x128xi32, #tpu.memory_space<vmem>>, vector<1x16xi32>,
      %get3A_1975 = vector.shape_cast %get3A_1974 : vector<1x16xi32> to vector<16xi32>
      %iota3A_1976 = tpu.iota {dimensions = array<i32: 0>} : vector<16xi32>
      %add3A_1977 = arith.constant 1000000 : i32
      %add3A_1978 = vector.broadcast %add3A_1977 : i32 to vector<16xi32>
      %add3A_1979 = arith.addi %add3A_1978, %iota3A_1976 : vector<16xi32>
      %select_n3A_1980 = arith.select %gt3A_1970, %get3A_1975, %add3A_1979 : vector<16xi1>, vector<16xi32>
      %swap3A_1981 = arith.constant 6 : i32
      %swap3A_1982 = arith.index_cast %swap3A_1981 : i32 to index
      %swap3A_1983 = arith.constant 32 : index
      %swap3A_1984 = tpu.vector_load %arg7[%swap3A_1982, %swap3A_1983] {strides = array<i32>} : memref<8x128xi32, #tpu.memory_space<vmem>>, vector<1x16xi32>,
      %swap3A_1985 = vector.shape_cast %swap3A_1984 : vector<1x16xi32> to vector<16xi32>
      %swap3A_1986 = vector.shape_cast %select_n3A_1980 : vector<16xi32> to vector<1x16xi32>
      tpu.vector_store %arg7[%swap3A_1982, %swap3A_1983], %swap3A_1986 {strides = array<i32>} : memref<8x128xi32, #tpu.memory_space<vmem>>, vector<1x16xi32>,
      %get3A_1987 = arith.constant 6 : i32
      %get3A_1988 = arith.index_cast %get3A_1987 : i32 to index
      %get3A_1989 = arith.constant 48 : index
      %get3A_1990 = tpu.vector_load %arg5[%get3A_1988, %get3A_1989] {strides = array<i32>} : memref<8x128xi32, #tpu.memory_space<vmem>>, vector<1x16xi32>,
      %get3A_1991 = vector.shape_cast %get3A_1990 : vector<1x16xi32> to vector<16xi32>
      %get3A_1992 = arith.constant 816 : index
      %get3A_1993 = tpu.vector_load %arg6[%get3A_1992] {strides = array<i32>} : memref<1024xi32, #tpu.memory_space<vmem>>, vector<16xi32>,
      %get3A_1994 = vector.shape_cast %get3A_1993 : vector<16xi32> to vector<16xi32>
      %gt3A_1995 = arith.cmpi sgt, %get3A_1991, %get3A_1994 : vector<16xi32>
      %get3A_1996 = arith.constant 6 : i32
      %get3A_1997 = arith.index_cast %get3A_1996 : i32 to index
      %get3A_1998 = arith.constant 48 : index
      %get3A_1999 = tpu.vector_load %arg4[%get3A_1997, %get3A_1998] {strides = array<i32>} : memref<8x128xi32, #tpu.memory_space<vmem>>, vector<1x16xi32>,
      %get3A_2000 = vector.shape_cast %get3A_1999 : vector<1x16xi32> to vector<16xi32>
      %iota3A_2001 = tpu.iota {dimensions = array<i32: 0>} : vector<16xi32>
      %add3A_2002 = arith.constant 1000000 : i32
      %add3A_2003 = vector.broadcast %add3A_2002 : i32 to vector<16xi32>
      %add3A_2004 = arith.addi %add3A_2003, %iota3A_2001 : vector<16xi32>
      %select_n3A_2005 = arith.select %gt3A_1995, %get3A_2000, %add3A_2004 : vector<16xi1>, vector<16xi32>
      %swap3A_2006 = arith.constant 6 : i32
      %swap3A_2007 = arith.index_cast %swap3A_2006 : i32 to index
      %swap3A_2008 = arith.constant 48 : index
      %swap3A_2009 = tpu.vector_load %arg7[%swap3A_2007, %swap3A_2008] {strides = array<i32>} : memref<8x128xi32, #tpu.memory_space<vmem>>, vector<1x16xi32>,
      %swap3A_2010 = vector.shape_cast %swap3A_2009 : vector<1x16xi32> to vector<16xi32>
      %swap3A_2011 = vector.shape_cast %select_n3A_2005 : vector<16xi32> to vector<1x16xi32>
      tpu.vector_store %arg7[%swap3A_2007, %swap3A_2008], %swap3A_2011 {strides = array<i32>} : memref<8x128xi32, #tpu.memory_space<vmem>>, vector<1x16xi32>,
      %get3A_2012 = arith.constant 6 : i32
      %get3A_2013 = arith.index_cast %get3A_2012 : i32 to index
      %get3A_2014 = arith.constant 64 : index
      %get3A_2015 = tpu.vector_load %arg5[%get3A_2013, %get3A_2014] {strides = array<i32>} : memref<8x128xi32, #tpu.memory_space<vmem>>, vector<1x16xi32>,
      %get3A_2016 = vector.shape_cast %get3A_2015 : vector<1x16xi32> to vector<16xi32>
      %get3A_2017 = arith.constant 832 : index
      %get3A_2018 = tpu.vector_load %arg6[%get3A_2017] {strides = array<i32>} : memref<1024xi32, #tpu.memory_space<vmem>>, vector<16xi32>,
      %get3A_2019 = vector.shape_cast %get3A_2018 : vector<16xi32> to vector<16xi32>
      %gt3A_2020 = arith.cmpi sgt, %get3A_2016, %get3A_2019 : vector<16xi32>
      %get3A_2021 = arith.constant 6 : i32
      %get3A_2022 = arith.index_cast %get3A_2021 : i32 to index
      %get3A_2023 = arith.constant 64 : index
      %get3A_2024 = tpu.vector_load %arg4[%get3A_2022, %get3A_2023] {strides = array<i32>} : memref<8x128xi32, #tpu.memory_space<vmem>>, vector<1x16xi32>,
      %get3A_2025 = vector.shape_cast %get3A_2024 : vector<1x16xi32> to vector<16xi32>
      %iota3A_2026 = tpu.iota {dimensions = array<i32: 0>} : vector<16xi32>
      %add3A_2027 = arith.constant 1000000 : i32
      %add3A_2028 = vector.broadcast %add3A_2027 : i32 to vector<16xi32>
      %add3A_2029 = arith.addi %add3A_2028, %iota3A_2026 : vector<16xi32>
      %select_n3A_2030 = arith.select %gt3A_2020, %get3A_2025, %add3A_2029 : vector<16xi1>, vector<16xi32>
      %swap3A_2031 = arith.constant 6 : i32
      %swap3A_2032 = arith.index_cast %swap3A_2031 : i32 to index
      %swap3A_2033 = arith.constant 64 : index
      %swap3A_2034 = tpu.vector_load %arg7[%swap3A_2032, %swap3A_2033] {strides = array<i32>} : memref<8x128xi32, #tpu.memory_space<vmem>>, vector<1x16xi32>,
      %swap3A_2035 = vector.shape_cast %swap3A_2034 : vector<1x16xi32> to vector<16xi32>
      %swap3A_2036 = vector.shape_cast %select_n3A_2030 : vector<16xi32> to vector<1x16xi32>
      tpu.vector_store %arg7[%swap3A_2032, %swap3A_2033], %swap3A_2036 {strides = array<i32>} : memref<8x128xi32, #tpu.memory_space<vmem>>, vector<1x16xi32>,
      %get3A_2037 = arith.constant 6 : i32
      %get3A_2038 = arith.index_cast %get3A_2037 : i32 to index
      %get3A_2039 = arith.constant 80 : index
      %get3A_2040 = tpu.vector_load %arg5[%get3A_2038, %get3A_2039] {strides = array<i32>} : memref<8x128xi32, #tpu.memory_space<vmem>>, vector<1x16xi32>,
      %get3A_2041 = vector.shape_cast %get3A_2040 : vector<1x16xi32> to vector<16xi32>
      %get3A_2042 = arith.constant 848 : index
      %get3A_2043 = tpu.vector_load %arg6[%get3A_2042] {strides = array<i32>} : memref<1024xi32, #tpu.memory_space<vmem>>, vector<16xi32>,
      %get3A_2044 = vector.shape_cast %get3A_2043 : vector<16xi32> to vector<16xi32>
      %gt3A_2045 = arith.cmpi sgt, %get3A_2041, %get3A_2044 : vector<16xi32>
      %get3A_2046 = arith.constant 6 : i32
      %get3A_2047 = arith.index_cast %get3A_2046 : i32 to index
      %get3A_2048 = arith.constant 80 : index
      %get3A_2049 = tpu.vector_load %arg4[%get3A_2047, %get3A_2048] {strides = array<i32>} : memref<8x128xi32, #tpu.memory_space<vmem>>, vector<1x16xi32>,
      %get3A_2050 = vector.shape_cast %get3A_2049 : vector<1x16xi32> to vector<16xi32>
      %iota3A_2051 = tpu.iota {dimensions = array<i32: 0>} : vector<16xi32>
      %add3A_2052 = arith.constant 1000000 : i32
      %add3A_2053 = vector.broadcast %add3A_2052 : i32 to vector<16xi32>
      %add3A_2054 = arith.addi %add3A_2053, %iota3A_2051 : vector<16xi32>
      %select_n3A_2055 = arith.select %gt3A_2045, %get3A_2050, %add3A_2054 : vector<16xi1>, vector<16xi32>
      %swap3A_2056 = arith.constant 6 : i32
      %swap3A_2057 = arith.index_cast %swap3A_2056 : i32 to index
      %swap3A_2058 = arith.constant 80 : index
      %swap3A_2059 = tpu.vector_load %arg7[%swap3A_2057, %swap3A_2058] {strides = array<i32>} : memref<8x128xi32, #tpu.memory_space<vmem>>, vector<1x16xi32>,
      %swap3A_2060 = vector.shape_cast %swap3A_2059 : vector<1x16xi32> to vector<16xi32>
      %swap3A_2061 = vector.shape_cast %select_n3A_2055 : vector<16xi32> to vector<1x16xi32>
      tpu.vector_store %arg7[%swap3A_2057, %swap3A_2058], %swap3A_2061 {strides = array<i32>} : memref<8x128xi32, #tpu.memory_space<vmem>>, vector<1x16xi32>,
      %get3A_2062 = arith.constant 6 : i32
      %get3A_2063 = arith.index_cast %get3A_2062 : i32 to index
      %get3A_2064 = arith.constant 96 : index
      %get3A_2065 = tpu.vector_load %arg5[%get3A_2063, %get3A_2064] {strides = array<i32>} : memref<8x128xi32, #tpu.memory_space<vmem>>, vector<1x16xi32>,
      %get3A_2066 = vector.shape_cast %get3A_2065 : vector<1x16xi32> to vector<16xi32>
      %get3A_2067 = arith.constant 864 : index
      %get3A_2068 = tpu.vector_load %arg6[%get3A_2067] {strides = array<i32>} : memref<1024xi32, #tpu.memory_space<vmem>>, vector<16xi32>,
      %get3A_2069 = vector.shape_cast %get3A_2068 : vector<16xi32> to vector<16xi32>
      %gt3A_2070 = arith.cmpi sgt, %get3A_2066, %get3A_2069 : vector<16xi32>
      %get3A_2071 = arith.constant 6 : i32
      %get3A_2072 = arith.index_cast %get3A_2071 : i32 to index
      %get3A_2073 = arith.constant 96 : index
      %get3A_2074 = tpu.vector_load %arg4[%get3A_2072, %get3A_2073] {strides = array<i32>} : memref<8x128xi32, #tpu.memory_space<vmem>>, vector<1x16xi32>,
      %get3A_2075 = vector.shape_cast %get3A_2074 : vector<1x16xi32> to vector<16xi32>
      %iota3A_2076 = tpu.iota {dimensions = array<i32: 0>} : vector<16xi32>
      %add3A_2077 = arith.constant 1000000 : i32
      %add3A_2078 = vector.broadcast %add3A_2077 : i32 to vector<16xi32>
      %add3A_2079 = arith.addi %add3A_2078, %iota3A_2076 : vector<16xi32>
      %select_n3A_2080 = arith.select %gt3A_2070, %get3A_2075, %add3A_2079 : vector<16xi1>, vector<16xi32>
      %swap3A_2081 = arith.constant 6 : i32
      %swap3A_2082 = arith.index_cast %swap3A_2081 : i32 to index
      %swap3A_2083 = arith.constant 96 : index
      %swap3A_2084 = tpu.vector_load %arg7[%swap3A_2082, %swap3A_2083] {strides = array<i32>} : memref<8x128xi32, #tpu.memory_space<vmem>>, vector<1x16xi32>,
      %swap3A_2085 = vector.shape_cast %swap3A_2084 : vector<1x16xi32> to vector<16xi32>
      %swap3A_2086 = vector.shape_cast %select_n3A_2080 : vector<16xi32> to vector<1x16xi32>
      tpu.vector_store %arg7[%swap3A_2082, %swap3A_2083], %swap3A_2086 {strides = array<i32>} : memref<8x128xi32, #tpu.memory_space<vmem>>, vector<1x16xi32>,
      %get3A_2087 = arith.constant 6 : i32
      %get3A_2088 = arith.index_cast %get3A_2087 : i32 to index
      %get3A_2089 = arith.constant 112 : index
      %get3A_2090 = tpu.vector_load %arg5[%get3A_2088, %get3A_2089] {strides = array<i32>} : memref<8x128xi32, #tpu.memory_space<vmem>>, vector<1x16xi32>,
      %get3A_2091 = vector.shape_cast %get3A_2090 : vector<1x16xi32> to vector<16xi32>
      %get3A_2092 = arith.constant 880 : index
      %get3A_2093 = tpu.vector_load %arg6[%get3A_2092] {strides = array<i32>} : memref<1024xi32, #tpu.memory_space<vmem>>, vector<16xi32>,
      %get3A_2094 = vector.shape_cast %get3A_2093 : vector<16xi32> to vector<16xi32>
      %gt3A_2095 = arith.cmpi sgt, %get3A_2091, %get3A_2094 : vector<16xi32>
      %get3A_2096 = arith.constant 6 : i32
      %get3A_2097 = arith.index_cast %get3A_2096 : i32 to index
      %get3A_2098 = arith.constant 112 : index
      %get3A_2099 = tpu.vector_load %arg4[%get3A_2097, %get3A_2098] {strides = array<i32>} : memref<8x128xi32, #tpu.memory_space<vmem>>, vector<1x16xi32>,
      %get3A_2100 = vector.shape_cast %get3A_2099 : vector<1x16xi32> to vector<16xi32>
      %iota3A_2101 = tpu.iota {dimensions = array<i32: 0>} : vector<16xi32>
      %add3A_2102 = arith.constant 1000000 : i32
      %add3A_2103 = vector.broadcast %add3A_2102 : i32 to vector<16xi32>
      %add3A_2104 = arith.addi %add3A_2103, %iota3A_2101 : vector<16xi32>
      %select_n3A_2105 = arith.select %gt3A_2095, %get3A_2100, %add3A_2104 : vector<16xi1>, vector<16xi32>
      %swap3A_2106 = arith.constant 6 : i32
      %swap3A_2107 = arith.index_cast %swap3A_2106 : i32 to index
      %swap3A_2108 = arith.constant 112 : index
      %swap3A_2109 = tpu.vector_load %arg7[%swap3A_2107, %swap3A_2108] {strides = array<i32>} : memref<8x128xi32, #tpu.memory_space<vmem>>, vector<1x16xi32>,
      %swap3A_2110 = vector.shape_cast %swap3A_2109 : vector<1x16xi32> to vector<16xi32>
      %swap3A_2111 = vector.shape_cast %select_n3A_2105 : vector<16xi32> to vector<1x16xi32>
      tpu.vector_store %arg7[%swap3A_2107, %swap3A_2108], %swap3A_2111 {strides = array<i32>} : memref<8x128xi32, #tpu.memory_space<vmem>>, vector<1x16xi32>,
      %get3A_2112 = arith.constant 7 : i32
      %get3A_2113 = arith.index_cast %get3A_2112 : i32 to index
      %get3A_2114 = arith.constant 0 : index
      %get3A_2115 = tpu.vector_load %arg5[%get3A_2113, %get3A_2114] {strides = array<i32>} : memref<8x128xi32, #tpu.memory_space<vmem>>, vector<1x16xi32>,
      %get3A_2116 = vector.shape_cast %get3A_2115 : vector<1x16xi32> to vector<16xi32>
      %get3A_2117 = arith.constant 896 : index
      %get3A_2118 = tpu.vector_load %arg6[%get3A_2117] {strides = array<i32>} : memref<1024xi32, #tpu.memory_space<vmem>>, vector<16xi32>,
      %get3A_2119 = vector.shape_cast %get3A_2118 : vector<16xi32> to vector<16xi32>
      %gt3A_2120 = arith.cmpi sgt, %get3A_2116, %get3A_2119 : vector<16xi32>
      %get3A_2121 = arith.constant 7 : i32
      %get3A_2122 = arith.index_cast %get3A_2121 : i32 to index
      %get3A_2123 = arith.constant 0 : index
      %get3A_2124 = tpu.vector_load %arg4[%get3A_2122, %get3A_2123] {strides = array<i32>} : memref<8x128xi32, #tpu.memory_space<vmem>>, vector<1x16xi32>,
      %get3A_2125 = vector.shape_cast %get3A_2124 : vector<1x16xi32> to vector<16xi32>
      %iota3A_2126 = tpu.iota {dimensions = array<i32: 0>} : vector<16xi32>
      %add3A_2127 = arith.constant 1000000 : i32
      %add3A_2128 = vector.broadcast %add3A_2127 : i32 to vector<16xi32>
      %add3A_2129 = arith.addi %add3A_2128, %iota3A_2126 : vector<16xi32>
      %select_n3A_2130 = arith.select %gt3A_2120, %get3A_2125, %add3A_2129 : vector<16xi1>, vector<16xi32>
      %swap3A_2131 = arith.constant 7 : i32
      %swap3A_2132 = arith.index_cast %swap3A_2131 : i32 to index
      %swap3A_2133 = arith.constant 0 : index
      %swap3A_2134 = tpu.vector_load %arg7[%swap3A_2132, %swap3A_2133] {strides = array<i32>} : memref<8x128xi32, #tpu.memory_space<vmem>>, vector<1x16xi32>,
      %swap3A_2135 = vector.shape_cast %swap3A_2134 : vector<1x16xi32> to vector<16xi32>
      %swap3A_2136 = vector.shape_cast %select_n3A_2130 : vector<16xi32> to vector<1x16xi32>
      tpu.vector_store %arg7[%swap3A_2132, %swap3A_2133], %swap3A_2136 {strides = array<i32>} : memref<8x128xi32, #tpu.memory_space<vmem>>, vector<1x16xi32>,
      %get3A_2137 = arith.constant 7 : i32
      %get3A_2138 = arith.index_cast %get3A_2137 : i32 to index
      %get3A_2139 = arith.constant 16 : index
      %get3A_2140 = tpu.vector_load %arg5[%get3A_2138, %get3A_2139] {strides = array<i32>} : memref<8x128xi32, #tpu.memory_space<vmem>>, vector<1x16xi32>,
      %get3A_2141 = vector.shape_cast %get3A_2140 : vector<1x16xi32> to vector<16xi32>
      %get3A_2142 = arith.constant 912 : index
      %get3A_2143 = tpu.vector_load %arg6[%get3A_2142] {strides = array<i32>} : memref<1024xi32, #tpu.memory_space<vmem>>, vector<16xi32>,
      %get3A_2144 = vector.shape_cast %get3A_2143 : vector<16xi32> to vector<16xi32>
      %gt3A_2145 = arith.cmpi sgt, %get3A_2141, %get3A_2144 : vector<16xi32>
      %get3A_2146 = arith.constant 7 : i32
      %get3A_2147 = arith.index_cast %get3A_2146 : i32 to index
      %get3A_2148 = arith.constant 16 : index
      %get3A_2149 = tpu.vector_load %arg4[%get3A_2147, %get3A_2148] {strides = array<i32>} : memref<8x128xi32, #tpu.memory_space<vmem>>, vector<1x16xi32>,
      %get3A_2150 = vector.shape_cast %get3A_2149 : vector<1x16xi32> to vector<16xi32>
      %iota3A_2151 = tpu.iota {dimensions = array<i32: 0>} : vector<16xi32>
      %add3A_2152 = arith.constant 1000000 : i32
      %add3A_2153 = vector.broadcast %add3A_2152 : i32 to vector<16xi32>
      %add3A_2154 = arith.addi %add3A_2153, %iota3A_2151 : vector<16xi32>
      %select_n3A_2155 = arith.select %gt3A_2145, %get3A_2150, %add3A_2154 : vector<16xi1>, vector<16xi32>
      %swap3A_2156 = arith.constant 7 : i32
      %swap3A_2157 = arith.index_cast %swap3A_2156 : i32 to index
      %swap3A_2158 = arith.constant 16 : index
      %swap3A_2159 = tpu.vector_load %arg7[%swap3A_2157, %swap3A_2158] {strides = array<i32>} : memref<8x128xi32, #tpu.memory_space<vmem>>, vector<1x16xi32>,
      %swap3A_2160 = vector.shape_cast %swap3A_2159 : vector<1x16xi32> to vector<16xi32>
      %swap3A_2161 = vector.shape_cast %select_n3A_2155 : vector<16xi32> to vector<1x16xi32>
      tpu.vector_store %arg7[%swap3A_2157, %swap3A_2158], %swap3A_2161 {strides = array<i32>} : memref<8x128xi32, #tpu.memory_space<vmem>>, vector<1x16xi32>,
      %get3A_2162 = arith.constant 7 : i32
      %get3A_2163 = arith.index_cast %get3A_2162 : i32 to index
      %get3A_2164 = arith.constant 32 : index
      %get3A_2165 = tpu.vector_load %arg5[%get3A_2163, %get3A_2164] {strides = array<i32>} : memref<8x128xi32, #tpu.memory_space<vmem>>, vector<1x16xi32>,
      %get3A_2166 = vector.shape_cast %get3A_2165 : vector<1x16xi32> to vector<16xi32>
      %get3A_2167 = arith.constant 928 : index
      %get3A_2168 = tpu.vector_load %arg6[%get3A_2167] {strides = array<i32>} : memref<1024xi32, #tpu.memory_space<vmem>>, vector<16xi32>,
      %get3A_2169 = vector.shape_cast %get3A_2168 : vector<16xi32> to vector<16xi32>
      %gt3A_2170 = arith.cmpi sgt, %get3A_2166, %get3A_2169 : vector<16xi32>
      %get3A_2171 = arith.constant 7 : i32
      %get3A_2172 = arith.index_cast %get3A_2171 : i32 to index
      %get3A_2173 = arith.constant 32 : index
      %get3A_2174 = tpu.vector_load %arg4[%get3A_2172, %get3A_2173] {strides = array<i32>} : memref<8x128xi32, #tpu.memory_space<vmem>>, vector<1x16xi32>,
      %get3A_2175 = vector.shape_cast %get3A_2174 : vector<1x16xi32> to vector<16xi32>
      %iota3A_2176 = tpu.iota {dimensions = array<i32: 0>} : vector<16xi32>
      %add3A_2177 = arith.constant 1000000 : i32
      %add3A_2178 = vector.broadcast %add3A_2177 : i32 to vector<16xi32>
      %add3A_2179 = arith.addi %add3A_2178, %iota3A_2176 : vector<16xi32>
      %select_n3A_2180 = arith.select %gt3A_2170, %get3A_2175, %add3A_2179 : vector<16xi1>, vector<16xi32>
      %swap3A_2181 = arith.constant 7 : i32
      %swap3A_2182 = arith.index_cast %swap3A_2181 : i32 to index
      %swap3A_2183 = arith.constant 32 : index
      %swap3A_2184 = tpu.vector_load %arg7[%swap3A_2182, %swap3A_2183] {strides = array<i32>} : memref<8x128xi32, #tpu.memory_space<vmem>>, vector<1x16xi32>,
      %swap3A_2185 = vector.shape_cast %swap3A_2184 : vector<1x16xi32> to vector<16xi32>
      %swap3A_2186 = vector.shape_cast %select_n3A_2180 : vector<16xi32> to vector<1x16xi32>
      tpu.vector_store %arg7[%swap3A_2182, %swap3A_2183], %swap3A_2186 {strides = array<i32>} : memref<8x128xi32, #tpu.memory_space<vmem>>, vector<1x16xi32>,
      %get3A_2187 = arith.constant 7 : i32
      %get3A_2188 = arith.index_cast %get3A_2187 : i32 to index
      %get3A_2189 = arith.constant 48 : index
      %get3A_2190 = tpu.vector_load %arg5[%get3A_2188, %get3A_2189] {strides = array<i32>} : memref<8x128xi32, #tpu.memory_space<vmem>>, vector<1x16xi32>,
      %get3A_2191 = vector.shape_cast %get3A_2190 : vector<1x16xi32> to vector<16xi32>
      %get3A_2192 = arith.constant 944 : index
      %get3A_2193 = tpu.vector_load %arg6[%get3A_2192] {strides = array<i32>} : memref<1024xi32, #tpu.memory_space<vmem>>, vector<16xi32>,
      %get3A_2194 = vector.shape_cast %get3A_2193 : vector<16xi32> to vector<16xi32>
      %gt3A_2195 = arith.cmpi sgt, %get3A_2191, %get3A_2194 : vector<16xi32>
      %get3A_2196 = arith.constant 7 : i32
      %get3A_2197 = arith.index_cast %get3A_2196 : i32 to index
      %get3A_2198 = arith.constant 48 : index
      %get3A_2199 = tpu.vector_load %arg4[%get3A_2197, %get3A_2198] {strides = array<i32>} : memref<8x128xi32, #tpu.memory_space<vmem>>, vector<1x16xi32>,
      %get3A_2200 = vector.shape_cast %get3A_2199 : vector<1x16xi32> to vector<16xi32>
      %iota3A_2201 = tpu.iota {dimensions = array<i32: 0>} : vector<16xi32>
      %add3A_2202 = arith.constant 1000000 : i32
      %add3A_2203 = vector.broadcast %add3A_2202 : i32 to vector<16xi32>
      %add3A_2204 = arith.addi %add3A_2203, %iota3A_2201 : vector<16xi32>
      %select_n3A_2205 = arith.select %gt3A_2195, %get3A_2200, %add3A_2204 : vector<16xi1>, vector<16xi32>
      %swap3A_2206 = arith.constant 7 : i32
      %swap3A_2207 = arith.index_cast %swap3A_2206 : i32 to index
      %swap3A_2208 = arith.constant 48 : index
      %swap3A_2209 = tpu.vector_load %arg7[%swap3A_2207, %swap3A_2208] {strides = array<i32>} : memref<8x128xi32, #tpu.memory_space<vmem>>, vector<1x16xi32>,
      %swap3A_2210 = vector.shape_cast %swap3A_2209 : vector<1x16xi32> to vector<16xi32>
      %swap3A_2211 = vector.shape_cast %select_n3A_2205 : vector<16xi32> to vector<1x16xi32>
      tpu.vector_store %arg7[%swap3A_2207, %swap3A_2208], %swap3A_2211 {strides = array<i32>} : memref<8x128xi32, #tpu.memory_space<vmem>>, vector<1x16xi32>,
      %get3A_2212 = arith.constant 7 : i32
      %get3A_2213 = arith.index_cast %get3A_2212 : i32 to index
      %get3A_2214 = arith.constant 64 : index
      %get3A_2215 = tpu.vector_load %arg5[%get3A_2213, %get3A_2214] {strides = array<i32>} : memref<8x128xi32, #tpu.memory_space<vmem>>, vector<1x16xi32>,
      %get3A_2216 = vector.shape_cast %get3A_2215 : vector<1x16xi32> to vector<16xi32>
      %get3A_2217 = arith.constant 960 : index
      %get3A_2218 = tpu.vector_load %arg6[%get3A_2217] {strides = array<i32>} : memref<1024xi32, #tpu.memory_space<vmem>>, vector<16xi32>,
      %get3A_2219 = vector.shape_cast %get3A_2218 : vector<16xi32> to vector<16xi32>
      %gt3A_2220 = arith.cmpi sgt, %get3A_2216, %get3A_2219 : vector<16xi32>
      %get3A_2221 = arith.constant 7 : i32
      %get3A_2222 = arith.index_cast %get3A_2221 : i32 to index
      %get3A_2223 = arith.constant 64 : index
      %get3A_2224 = tpu.vector_load %arg4[%get3A_2222, %get3A_2223] {strides = array<i32>} : memref<8x128xi32, #tpu.memory_space<vmem>>, vector<1x16xi32>,
      %get3A_2225 = vector.shape_cast %get3A_2224 : vector<1x16xi32> to vector<16xi32>
      %iota3A_2226 = tpu.iota {dimensions = array<i32: 0>} : vector<16xi32>
      %add3A_2227 = arith.constant 1000000 : i32
      %add3A_2228 = vector.broadcast %add3A_2227 : i32 to vector<16xi32>
      %add3A_2229 = arith.addi %add3A_2228, %iota3A_2226 : vector<16xi32>
      %select_n3A_2230 = arith.select %gt3A_2220, %get3A_2225, %add3A_2229 : vector<16xi1>, vector<16xi32>
      %swap3A_2231 = arith.constant 7 : i32
      %swap3A_2232 = arith.index_cast %swap3A_2231 : i32 to index
      %swap3A_2233 = arith.constant 64 : index
      %swap3A_2234 = tpu.vector_load %arg7[%swap3A_2232, %swap3A_2233] {strides = array<i32>} : memref<8x128xi32, #tpu.memory_space<vmem>>, vector<1x16xi32>,
      %swap3A_2235 = vector.shape_cast %swap3A_2234 : vector<1x16xi32> to vector<16xi32>
      %swap3A_2236 = vector.shape_cast %select_n3A_2230 : vector<16xi32> to vector<1x16xi32>
      tpu.vector_store %arg7[%swap3A_2232, %swap3A_2233], %swap3A_2236 {strides = array<i32>} : memref<8x128xi32, #tpu.memory_space<vmem>>, vector<1x16xi32>,
      %get3A_2237 = arith.constant 7 : i32
      %get3A_2238 = arith.index_cast %get3A_2237 : i32 to index
      %get3A_2239 = arith.constant 80 : index
      %get3A_2240 = tpu.vector_load %arg5[%get3A_2238, %get3A_2239] {strides = array<i32>} : memref<8x128xi32, #tpu.memory_space<vmem>>, vector<1x16xi32>,
      %get3A_2241 = vector.shape_cast %get3A_2240 : vector<1x16xi32> to vector<16xi32>
      %get3A_2242 = arith.constant 976 : index
      %get3A_2243 = tpu.vector_load %arg6[%get3A_2242] {strides = array<i32>} : memref<1024xi32, #tpu.memory_space<vmem>>, vector<16xi32>,
      %get3A_2244 = vector.shape_cast %get3A_2243 : vector<16xi32> to vector<16xi32>
      %gt3A_2245 = arith.cmpi sgt, %get3A_2241, %get3A_2244 : vector<16xi32>
      %get3A_2246 = arith.constant 7 : i32
      %get3A_2247 = arith.index_cast %get3A_2246 : i32 to index
      %get3A_2248 = arith.constant 80 : index
      %get3A_2249 = tpu.vector_load %arg4[%get3A_2247, %get3A_2248] {strides = array<i32>} : memref<8x128xi32, #tpu.memory_space<vmem>>, vector<1x16xi32>,
      %get3A_2250 = vector.shape_cast %get3A_2249 : vector<1x16xi32> to vector<16xi32>
      %iota3A_2251 = tpu.iota {dimensions = array<i32: 0>} : vector<16xi32>
      %add3A_2252 = arith.constant 1000000 : i32
      %add3A_2253 = vector.broadcast %add3A_2252 : i32 to vector<16xi32>
      %add3A_2254 = arith.addi %add3A_2253, %iota3A_2251 : vector<16xi32>
      %select_n3A_2255 = arith.select %gt3A_2245, %get3A_2250, %add3A_2254 : vector<16xi1>, vector<16xi32>
      %swap3A_2256 = arith.constant 7 : i32
      %swap3A_2257 = arith.index_cast %swap3A_2256 : i32 to index
      %swap3A_2258 = arith.constant 80 : index
      %swap3A_2259 = tpu.vector_load %arg7[%swap3A_2257, %swap3A_2258] {strides = array<i32>} : memref<8x128xi32, #tpu.memory_space<vmem>>, vector<1x16xi32>,
      %swap3A_2260 = vector.shape_cast %swap3A_2259 : vector<1x16xi32> to vector<16xi32>
      %swap3A_2261 = vector.shape_cast %select_n3A_2255 : vector<16xi32> to vector<1x16xi32>
      tpu.vector_store %arg7[%swap3A_2257, %swap3A_2258], %swap3A_2261 {strides = array<i32>} : memref<8x128xi32, #tpu.memory_space<vmem>>, vector<1x16xi32>,
      %get3A_2262 = arith.constant 7 : i32
      %get3A_2263 = arith.index_cast %get3A_2262 : i32 to index
      %get3A_2264 = arith.constant 96 : index
      %get3A_2265 = tpu.vector_load %arg5[%get3A_2263, %get3A_2264] {strides = array<i32>} : memref<8x128xi32, #tpu.memory_space<vmem>>, vector<1x16xi32>,
      %get3A_2266 = vector.shape_cast %get3A_2265 : vector<1x16xi32> to vector<16xi32>
      %get3A_2267 = arith.constant 992 : index
      %get3A_2268 = tpu.vector_load %arg6[%get3A_2267] {strides = array<i32>} : memref<1024xi32, #tpu.memory_space<vmem>>, vector<16xi32>,
      %get3A_2269 = vector.shape_cast %get3A_2268 : vector<16xi32> to vector<16xi32>
      %gt3A_2270 = arith.cmpi sgt, %get3A_2266, %get3A_2269 : vector<16xi32>
      %get3A_2271 = arith.constant 7 : i32
      %get3A_2272 = arith.index_cast %get3A_2271 : i32 to index
      %get3A_2273 = arith.constant 96 : index
      %get3A_2274 = tpu.vector_load %arg4[%get3A_2272, %get3A_2273] {strides = array<i32>} : memref<8x128xi32, #tpu.memory_space<vmem>>, vector<1x16xi32>,
      %get3A_2275 = vector.shape_cast %get3A_2274 : vector<1x16xi32> to vector<16xi32>
      %iota3A_2276 = tpu.iota {dimensions = array<i32: 0>} : vector<16xi32>
      %add3A_2277 = arith.constant 1000000 : i32
      %add3A_2278 = vector.broadcast %add3A_2277 : i32 to vector<16xi32>
      %add3A_2279 = arith.addi %add3A_2278, %iota3A_2276 : vector<16xi32>
      %select_n3A_2280 = arith.select %gt3A_2270, %get3A_2275, %add3A_2279 : vector<16xi1>, vector<16xi32>
      %swap3A_2281 = arith.constant 7 : i32
      %swap3A_2282 = arith.index_cast %swap3A_2281 : i32 to index
      %swap3A_2283 = arith.constant 96 : index
      %swap3A_2284 = tpu.vector_load %arg7[%swap3A_2282, %swap3A_2283] {strides = array<i32>} : memref<8x128xi32, #tpu.memory_space<vmem>>, vector<1x16xi32>,
      %swap3A_2285 = vector.shape_cast %swap3A_2284 : vector<1x16xi32> to vector<16xi32>
      %swap3A_2286 = vector.shape_cast %select_n3A_2280 : vector<16xi32> to vector<1x16xi32>
      tpu.vector_store %arg7[%swap3A_2282, %swap3A_2283], %swap3A_2286 {strides = array<i32>} : memref<8x128xi32, #tpu.memory_space<vmem>>, vector<1x16xi32>,
      %get3A_2287 = arith.constant 7 : i32
      %get3A_2288 = arith.index_cast %get3A_2287 : i32 to index
      %get3A_2289 = arith.constant 112 : index
      %get3A_2290 = tpu.vector_load %arg5[%get3A_2288, %get3A_2289] {strides = array<i32>} : memref<8x128xi32, #tpu.memory_space<vmem>>, vector<1x16xi32>,
      %get3A_2291 = vector.shape_cast %get3A_2290 : vector<1x16xi32> to vector<16xi32>
      %get3A_2292 = arith.constant 1008 : index
      %get3A_2293 = tpu.vector_load %arg6[%get3A_2292] {strides = array<i32>} : memref<1024xi32, #tpu.memory_space<vmem>>, vector<16xi32>,
      %get3A_2294 = vector.shape_cast %get3A_2293 : vector<16xi32> to vector<16xi32>
      %gt3A_2295 = arith.cmpi sgt, %get3A_2291, %get3A_2294 : vector<16xi32>
      %get3A_2296 = arith.constant 7 : i32
      %get3A_2297 = arith.index_cast %get3A_2296 : i32 to index
      %get3A_2298 = arith.constant 112 : index
      %get3A_2299 = tpu.vector_load %arg4[%get3A_2297, %get3A_2298] {strides = array<i32>} : memref<8x128xi32, #tpu.memory_space<vmem>>, vector<1x16xi32>,
      %get3A_2300 = vector.shape_cast %get3A_2299 : vector<1x16xi32> to vector<16xi32>
      %iota3A_2301 = tpu.iota {dimensions = array<i32: 0>} : vector<16xi32>
      %add3A_2302 = arith.constant 1000000 : i32
      %add3A_2303 = vector.broadcast %add3A_2302 : i32 to vector<16xi32>
      %add3A_2304 = arith.addi %add3A_2303, %iota3A_2301 : vector<16xi32>
      %select_n3A_2305 = arith.select %gt3A_2295, %get3A_2300, %add3A_2304 : vector<16xi1>, vector<16xi32>
      %swap3A_2306 = arith.constant 7 : i32
      %swap3A_2307 = arith.index_cast %swap3A_2306 : i32 to index
      %swap3A_2308 = arith.constant 112 : index
      %swap3A_2309 = tpu.vector_load %arg7[%swap3A_2307, %swap3A_2308] {strides = array<i32>} : memref<8x128xi32, #tpu.memory_space<vmem>>, vector<1x16xi32>,
      %swap3A_2310 = vector.shape_cast %swap3A_2309 : vector<1x16xi32> to vector<16xi32>
      %swap3A_2311 = vector.shape_cast %select_n3A_2305 : vector<16xi32> to vector<1x16xi32>
      tpu.vector_store %arg7[%swap3A_2307, %swap3A_2308], %swap3A_2311 {strides = array<i32>} : memref<8x128xi32, #tpu.memory_space<vmem>>, vector<1x16xi32>,
      %convert_element_type3A_2312 = arith.extui %eq3A_0 : i1 to i32
      %cond3A_2313 = arith.constant 0 : i32
      %cond3A_2314 = arith.cmpi ne, %convert_element_type3A_2312, %cond3A_2313 : i32
      scf.if %cond3A_2314 {
        %dma_start3A = arith.constant 0 : i32
        %dma_start3A_2316 = arith.constant 0 : i32
        %dma_start3A_2317 = arith.constant 0 : i32
        %dma_start3A_2318 = tpu.memref_slice %arg5[%dma_start3A, %dma_start3A_2317] : memref<8x128xi32, #tpu.memory_space<vmem>> -> memref<1x128xi32, #tpu.memory_space<vmem>>
        %dma_start3A_2319 = tpu.memref_squeeze %dma_start3A_2318 : memref<1x128xi32, #tpu.memory_space<vmem>> -> memref<128xi32, #tpu.memory_space<vmem>>
        %dma_start3A_2320 = arith.constant 0 : i32
        %dma_start3A_2321 = tpu.memref_slice %arg7[%dma_start3A_2316, %dma_start3A_2320] : memref<8x128xi32, #tpu.memory_space<vmem>> -> memref<1x128xi32, #tpu.memory_space<vmem>>
        %dma_start3A_2322 = tpu.memref_squeeze %dma_start3A_2321 : memref<1x128xi32, #tpu.memory_space<vmem>> -> memref<128xi32, #tpu.memory_space<vmem>>
        %dma_start3A_2323 = arith.constant 0 : i32
        %dma_start3A_2324 = tpu.memref_slice %arg8[%dma_start3A_2323] : memref<1000016xi32, #tpu.memory_space<vmem_shared>> -> memref<1000016xi32, #tpu.memory_space<vmem_shared>>
        tpu.enqueue_indirect_dma source(%dma_start3A_2319 : memref<128xi32, #tpu.memory_space<vmem>>) target(%dma_start3A_2324 : memref<1000016xi32, #tpu.memory_space<vmem_shared>>) offsets(%dma_start3A_2322 : memref<128xi32, #tpu.memory_space<vmem>>) semaphore(%arg9 : memref<!tpu.dma_semaphore, #tpu.memory_space<semaphore_mem>>)
        %dma_start3A_2325 = arith.constant 1 : i32
        %dma_start3A_2326 = arith.constant 1 : i32
        %dma_start3A_2327 = arith.constant 0 : i32
        %dma_start3A_2328 = tpu.memref_slice %arg5[%dma_start3A_2325, %dma_start3A_2327] : memref<8x128xi32, #tpu.memory_space<vmem>> -> memref<1x128xi32, #tpu.memory_space<vmem>>
        %dma_start3A_2329 = tpu.memref_squeeze %dma_start3A_2328 : memref<1x128xi32, #tpu.memory_space<vmem>> -> memref<128xi32, #tpu.memory_space<vmem>>
        %dma_start3A_2330 = arith.constant 0 : i32
        %dma_start3A_2331 = tpu.memref_slice %arg7[%dma_start3A_2326, %dma_start3A_2330] : memref<8x128xi32, #tpu.memory_space<vmem>> -> memref<1x128xi32, #tpu.memory_space<vmem>>
        %dma_start3A_2332 = tpu.memref_squeeze %dma_start3A_2331 : memref<1x128xi32, #tpu.memory_space<vmem>> -> memref<128xi32, #tpu.memory_space<vmem>>
        %dma_start3A_2333 = arith.constant 0 : i32
        %dma_start3A_2334 = tpu.memref_slice %arg8[%dma_start3A_2333] : memref<1000016xi32, #tpu.memory_space<vmem_shared>> -> memref<1000016xi32, #tpu.memory_space<vmem_shared>>
        tpu.enqueue_indirect_dma source(%dma_start3A_2329 : memref<128xi32, #tpu.memory_space<vmem>>) target(%dma_start3A_2334 : memref<1000016xi32, #tpu.memory_space<vmem_shared>>) offsets(%dma_start3A_2332 : memref<128xi32, #tpu.memory_space<vmem>>) semaphore(%arg9 : memref<!tpu.dma_semaphore, #tpu.memory_space<semaphore_mem>>)
        %dma_start3A_2335 = arith.constant 2 : i32
        %dma_start3A_2336 = arith.constant 2 : i32
        %dma_start3A_2337 = arith.constant 0 : i32
        %dma_start3A_2338 = tpu.memref_slice %arg5[%dma_start3A_2335, %dma_start3A_2337] : memref<8x128xi32, #tpu.memory_space<vmem>> -> memref<1x128xi32, #tpu.memory_space<vmem>>
        %dma_start3A_2339 = tpu.memref_squeeze %dma_start3A_2338 : memref<1x128xi32, #tpu.memory_space<vmem>> -> memref<128xi32, #tpu.memory_space<vmem>>
        %dma_start3A_2340 = arith.constant 0 : i32
        %dma_start3A_2341 = tpu.memref_slice %arg7[%dma_start3A_2336, %dma_start3A_2340] : memref<8x128xi32, #tpu.memory_space<vmem>> -> memref<1x128xi32, #tpu.memory_space<vmem>>
        %dma_start3A_2342 = tpu.memref_squeeze %dma_start3A_2341 : memref<1x128xi32, #tpu.memory_space<vmem>> -> memref<128xi32, #tpu.memory_space<vmem>>
        %dma_start3A_2343 = arith.constant 0 : i32
        %dma_start3A_2344 = tpu.memref_slice %arg8[%dma_start3A_2343] : memref<1000016xi32, #tpu.memory_space<vmem_shared>> -> memref<1000016xi32, #tpu.memory_space<vmem_shared>>
        tpu.enqueue_indirect_dma source(%dma_start3A_2339 : memref<128xi32, #tpu.memory_space<vmem>>) target(%dma_start3A_2344 : memref<1000016xi32, #tpu.memory_space<vmem_shared>>) offsets(%dma_start3A_2342 : memref<128xi32, #tpu.memory_space<vmem>>) semaphore(%arg9 : memref<!tpu.dma_semaphore, #tpu.memory_space<semaphore_mem>>)
        %dma_start3A_2345 = arith.constant 3 : i32
        %dma_start3A_2346 = arith.constant 3 : i32
        %dma_start3A_2347 = arith.constant 0 : i32
        %dma_start3A_2348 = tpu.memref_slice %arg5[%dma_start3A_2345, %dma_start3A_2347] : memref<8x128xi32, #tpu.memory_space<vmem>> -> memref<1x128xi32, #tpu.memory_space<vmem>>
        %dma_start3A_2349 = tpu.memref_squeeze %dma_start3A_2348 : memref<1x128xi32, #tpu.memory_space<vmem>> -> memref<128xi32, #tpu.memory_space<vmem>>
        %dma_start3A_2350 = arith.constant 0 : i32
        %dma_start3A_2351 = tpu.memref_slice %arg7[%dma_start3A_2346, %dma_start3A_2350] : memref<8x128xi32, #tpu.memory_space<vmem>> -> memref<1x128xi32, #tpu.memory_space<vmem>>
        %dma_start3A_2352 = tpu.memref_squeeze %dma_start3A_2351 : memref<1x128xi32, #tpu.memory_space<vmem>> -> memref<128xi32, #tpu.memory_space<vmem>>
        %dma_start3A_2353 = arith.constant 0 : i32
        %dma_start3A_2354 = tpu.memref_slice %arg8[%dma_start3A_2353] : memref<1000016xi32, #tpu.memory_space<vmem_shared>> -> memref<1000016xi32, #tpu.memory_space<vmem_shared>>
        tpu.enqueue_indirect_dma source(%dma_start3A_2349 : memref<128xi32, #tpu.memory_space<vmem>>) target(%dma_start3A_2354 : memref<1000016xi32, #tpu.memory_space<vmem_shared>>) offsets(%dma_start3A_2352 : memref<128xi32, #tpu.memory_space<vmem>>) semaphore(%arg9 : memref<!tpu.dma_semaphore, #tpu.memory_space<semaphore_mem>>)
        %dma_start3A_2355 = arith.constant 4 : i32
        %dma_start3A_2356 = arith.constant 4 : i32
        %dma_start3A_2357 = arith.constant 0 : i32
        %dma_start3A_2358 = tpu.memref_slice %arg5[%dma_start3A_2355, %dma_start3A_2357] : memref<8x128xi32, #tpu.memory_space<vmem>> -> memref<1x128xi32, #tpu.memory_space<vmem>>
        %dma_start3A_2359 = tpu.memref_squeeze %dma_start3A_2358 : memref<1x128xi32, #tpu.memory_space<vmem>> -> memref<128xi32, #tpu.memory_space<vmem>>
        %dma_start3A_2360 = arith.constant 0 : i32
        %dma_start3A_2361 = tpu.memref_slice %arg7[%dma_start3A_2356, %dma_start3A_2360] : memref<8x128xi32, #tpu.memory_space<vmem>> -> memref<1x128xi32, #tpu.memory_space<vmem>>
        %dma_start3A_2362 = tpu.memref_squeeze %dma_start3A_2361 : memref<1x128xi32, #tpu.memory_space<vmem>> -> memref<128xi32, #tpu.memory_space<vmem>>
        %dma_start3A_2363 = arith.constant 0 : i32
        %dma_start3A_2364 = tpu.memref_slice %arg8[%dma_start3A_2363] : memref<1000016xi32, #tpu.memory_space<vmem_shared>> -> memref<1000016xi32, #tpu.memory_space<vmem_shared>>
        tpu.enqueue_indirect_dma source(%dma_start3A_2359 : memref<128xi32, #tpu.memory_space<vmem>>) target(%dma_start3A_2364 : memref<1000016xi32, #tpu.memory_space<vmem_shared>>) offsets(%dma_start3A_2362 : memref<128xi32, #tpu.memory_space<vmem>>) semaphore(%arg9 : memref<!tpu.dma_semaphore, #tpu.memory_space<semaphore_mem>>)
        %dma_start3A_2365 = arith.constant 5 : i32
        %dma_start3A_2366 = arith.constant 5 : i32
        %dma_start3A_2367 = arith.constant 0 : i32
        %dma_start3A_2368 = tpu.memref_slice %arg5[%dma_start3A_2365, %dma_start3A_2367] : memref<8x128xi32, #tpu.memory_space<vmem>> -> memref<1x128xi32, #tpu.memory_space<vmem>>
        %dma_start3A_2369 = tpu.memref_squeeze %dma_start3A_2368 : memref<1x128xi32, #tpu.memory_space<vmem>> -> memref<128xi32, #tpu.memory_space<vmem>>
        %dma_start3A_2370 = arith.constant 0 : i32
        %dma_start3A_2371 = tpu.memref_slice %arg7[%dma_start3A_2366, %dma_start3A_2370] : memref<8x128xi32, #tpu.memory_space<vmem>> -> memref<1x128xi32, #tpu.memory_space<vmem>>
        %dma_start3A_2372 = tpu.memref_squeeze %dma_start3A_2371 : memref<1x128xi32, #tpu.memory_space<vmem>> -> memref<128xi32, #tpu.memory_space<vmem>>
        %dma_start3A_2373 = arith.constant 0 : i32
        %dma_start3A_2374 = tpu.memref_slice %arg8[%dma_start3A_2373] : memref<1000016xi32, #tpu.memory_space<vmem_shared>> -> memref<1000016xi32, #tpu.memory_space<vmem_shared>>
        tpu.enqueue_indirect_dma source(%dma_start3A_2369 : memref<128xi32, #tpu.memory_space<vmem>>) target(%dma_start3A_2374 : memref<1000016xi32, #tpu.memory_space<vmem_shared>>) offsets(%dma_start3A_2372 : memref<128xi32, #tpu.memory_space<vmem>>) semaphore(%arg9 : memref<!tpu.dma_semaphore, #tpu.memory_space<semaphore_mem>>)
        %dma_start3A_2375 = arith.constant 6 : i32
        %dma_start3A_2376 = arith.constant 6 : i32
        %dma_start3A_2377 = arith.constant 0 : i32
        %dma_start3A_2378 = tpu.memref_slice %arg5[%dma_start3A_2375, %dma_start3A_2377] : memref<8x128xi32, #tpu.memory_space<vmem>> -> memref<1x128xi32, #tpu.memory_space<vmem>>
        %dma_start3A_2379 = tpu.memref_squeeze %dma_start3A_2378 : memref<1x128xi32, #tpu.memory_space<vmem>> -> memref<128xi32, #tpu.memory_space<vmem>>
        %dma_start3A_2380 = arith.constant 0 : i32
        %dma_start3A_2381 = tpu.memref_slice %arg7[%dma_start3A_2376, %dma_start3A_2380] : memref<8x128xi32, #tpu.memory_space<vmem>> -> memref<1x128xi32, #tpu.memory_space<vmem>>
        %dma_start3A_2382 = tpu.memref_squeeze %dma_start3A_2381 : memref<1x128xi32, #tpu.memory_space<vmem>> -> memref<128xi32, #tpu.memory_space<vmem>>
        %dma_start3A_2383 = arith.constant 0 : i32
        %dma_start3A_2384 = tpu.memref_slice %arg8[%dma_start3A_2383] : memref<1000016xi32, #tpu.memory_space<vmem_shared>> -> memref<1000016xi32, #tpu.memory_space<vmem_shared>>
        tpu.enqueue_indirect_dma source(%dma_start3A_2379 : memref<128xi32, #tpu.memory_space<vmem>>) target(%dma_start3A_2384 : memref<1000016xi32, #tpu.memory_space<vmem_shared>>) offsets(%dma_start3A_2382 : memref<128xi32, #tpu.memory_space<vmem>>) semaphore(%arg9 : memref<!tpu.dma_semaphore, #tpu.memory_space<semaphore_mem>>)
        %dma_start3A_2385 = arith.constant 7 : i32
        %dma_start3A_2386 = arith.constant 7 : i32
        %dma_start3A_2387 = arith.constant 0 : i32
        %dma_start3A_2388 = tpu.memref_slice %arg5[%dma_start3A_2385, %dma_start3A_2387] : memref<8x128xi32, #tpu.memory_space<vmem>> -> memref<1x128xi32, #tpu.memory_space<vmem>>
        %dma_start3A_2389 = tpu.memref_squeeze %dma_start3A_2388 : memref<1x128xi32, #tpu.memory_space<vmem>> -> memref<128xi32, #tpu.memory_space<vmem>>
        %dma_start3A_2390 = arith.constant 0 : i32
        %dma_start3A_2391 = tpu.memref_slice %arg7[%dma_start3A_2386, %dma_start3A_2390] : memref<8x128xi32, #tpu.memory_space<vmem>> -> memref<1x128xi32, #tpu.memory_space<vmem>>
        %dma_start3A_2392 = tpu.memref_squeeze %dma_start3A_2391 : memref<1x128xi32, #tpu.memory_space<vmem>> -> memref<128xi32, #tpu.memory_space<vmem>>
        %dma_start3A_2393 = arith.constant 0 : i32
        %dma_start3A_2394 = tpu.memref_slice %arg8[%dma_start3A_2393] : memref<1000016xi32, #tpu.memory_space<vmem_shared>> -> memref<1000016xi32, #tpu.memory_space<vmem_shared>>
        tpu.enqueue_indirect_dma source(%dma_start3A_2389 : memref<128xi32, #tpu.memory_space<vmem>>) target(%dma_start3A_2394 : memref<1000016xi32, #tpu.memory_space<vmem_shared>>) offsets(%dma_start3A_2392 : memref<128xi32, #tpu.memory_space<vmem>>) semaphore(%arg9 : memref<!tpu.dma_semaphore, #tpu.memory_space<semaphore_mem>>)
        %dma_wait3A = arith.constant 0 : i32
        %dma_wait3A_2395 = arith.constant 0 : i32
        %dma_wait3A_2396 = arith.constant 0 : i32
        %dma_wait3A_2397 = tpu.memref_slice %arg5[%dma_wait3A, %dma_wait3A_2396] : memref<8x128xi32, #tpu.memory_space<vmem>> -> memref<1x128xi32, #tpu.memory_space<vmem>>
        %dma_wait3A_2398 = tpu.memref_squeeze %dma_wait3A_2397 : memref<1x128xi32, #tpu.memory_space<vmem>> -> memref<128xi32, #tpu.memory_space<vmem>>
        %dma_wait3A_2399 = arith.constant 0 : i32
        %dma_wait3A_2400 = tpu.memref_slice %arg7[%dma_wait3A_2395, %dma_wait3A_2399] : memref<8x128xi32, #tpu.memory_space<vmem>> -> memref<1x128xi32, #tpu.memory_space<vmem>>
        %dma_wait3A_2401 = tpu.memref_squeeze %dma_wait3A_2400 : memref<1x128xi32, #tpu.memory_space<vmem>> -> memref<128xi32, #tpu.memory_space<vmem>>
        %dma_wait3A_2402 = arith.constant 0 : i32
        %dma_wait3A_2403 = tpu.memref_slice %arg8[%dma_wait3A_2402] : memref<1000016xi32, #tpu.memory_space<vmem_shared>> -> memref<1000016xi32, #tpu.memory_space<vmem_shared>>
        tpu.wait_indirect_dma semaphore(%arg9 : memref<!tpu.dma_semaphore, #tpu.memory_space<semaphore_mem>>) src(%dma_wait3A_2398 : memref<128xi32, #tpu.memory_space<vmem>>) dst(%dma_wait3A_2403 : memref<1000016xi32, #tpu.memory_space<vmem_shared>>)
        %dma_wait3A_2404 = arith.constant 1 : i32
        %dma_wait3A_2405 = arith.constant 1 : i32
        %dma_wait3A_2406 = arith.constant 0 : i32
        %dma_wait3A_2407 = tpu.memref_slice %arg5[%dma_wait3A_2404, %dma_wait3A_2406] : memref<8x128xi32, #tpu.memory_space<vmem>> -> memref<1x128xi32, #tpu.memory_space<vmem>>
        %dma_wait3A_2408 = tpu.memref_squeeze %dma_wait3A_2407 : memref<1x128xi32, #tpu.memory_space<vmem>> -> memref<128xi32, #tpu.memory_space<vmem>>
        %dma_wait3A_2409 = arith.constant 0 : i32
        %dma_wait3A_2410 = tpu.memref_slice %arg7[%dma_wait3A_2405, %dma_wait3A_2409] : memref<8x128xi32, #tpu.memory_space<vmem>> -> memref<1x128xi32, #tpu.memory_space<vmem>>
        %dma_wait3A_2411 = tpu.memref_squeeze %dma_wait3A_2410 : memref<1x128xi32, #tpu.memory_space<vmem>> -> memref<128xi32, #tpu.memory_space<vmem>>
        %dma_wait3A_2412 = arith.constant 0 : i32
        %dma_wait3A_2413 = tpu.memref_slice %arg8[%dma_wait3A_2412] : memref<1000016xi32, #tpu.memory_space<vmem_shared>> -> memref<1000016xi32, #tpu.memory_space<vmem_shared>>
        tpu.wait_indirect_dma semaphore(%arg9 : memref<!tpu.dma_semaphore, #tpu.memory_space<semaphore_mem>>) src(%dma_wait3A_2408 : memref<128xi32, #tpu.memory_space<vmem>>) dst(%dma_wait3A_2413 : memref<1000016xi32, #tpu.memory_space<vmem_shared>>)
        %dma_wait3A_2414 = arith.constant 2 : i32
        %dma_wait3A_2415 = arith.constant 2 : i32
        %dma_wait3A_2416 = arith.constant 0 : i32
        %dma_wait3A_2417 = tpu.memref_slice %arg5[%dma_wait3A_2414, %dma_wait3A_2416] : memref<8x128xi32, #tpu.memory_space<vmem>> -> memref<1x128xi32, #tpu.memory_space<vmem>>
        %dma_wait3A_2418 = tpu.memref_squeeze %dma_wait3A_2417 : memref<1x128xi32, #tpu.memory_space<vmem>> -> memref<128xi32, #tpu.memory_space<vmem>>
        %dma_wait3A_2419 = arith.constant 0 : i32
        %dma_wait3A_2420 = tpu.memref_slice %arg7[%dma_wait3A_2415, %dma_wait3A_2419] : memref<8x128xi32, #tpu.memory_space<vmem>> -> memref<1x128xi32, #tpu.memory_space<vmem>>
        %dma_wait3A_2421 = tpu.memref_squeeze %dma_wait3A_2420 : memref<1x128xi32, #tpu.memory_space<vmem>> -> memref<128xi32, #tpu.memory_space<vmem>>
        %dma_wait3A_2422 = arith.constant 0 : i32
        %dma_wait3A_2423 = tpu.memref_slice %arg8[%dma_wait3A_2422] : memref<1000016xi32, #tpu.memory_space<vmem_shared>> -> memref<1000016xi32, #tpu.memory_space<vmem_shared>>
        tpu.wait_indirect_dma semaphore(%arg9 : memref<!tpu.dma_semaphore, #tpu.memory_space<semaphore_mem>>) src(%dma_wait3A_2418 : memref<128xi32, #tpu.memory_space<vmem>>) dst(%dma_wait3A_2423 : memref<1000016xi32, #tpu.memory_space<vmem_shared>>)
        %dma_wait3A_2424 = arith.constant 3 : i32
        %dma_wait3A_2425 = arith.constant 3 : i32
        %dma_wait3A_2426 = arith.constant 0 : i32
        %dma_wait3A_2427 = tpu.memref_slice %arg5[%dma_wait3A_2424, %dma_wait3A_2426] : memref<8x128xi32, #tpu.memory_space<vmem>> -> memref<1x128xi32, #tpu.memory_space<vmem>>
        %dma_wait3A_2428 = tpu.memref_squeeze %dma_wait3A_2427 : memref<1x128xi32, #tpu.memory_space<vmem>> -> memref<128xi32, #tpu.memory_space<vmem>>
        %dma_wait3A_2429 = arith.constant 0 : i32
        %dma_wait3A_2430 = tpu.memref_slice %arg7[%dma_wait3A_2425, %dma_wait3A_2429] : memref<8x128xi32, #tpu.memory_space<vmem>> -> memref<1x128xi32, #tpu.memory_space<vmem>>
        %dma_wait3A_2431 = tpu.memref_squeeze %dma_wait3A_2430 : memref<1x128xi32, #tpu.memory_space<vmem>> -> memref<128xi32, #tpu.memory_space<vmem>>
        %dma_wait3A_2432 = arith.constant 0 : i32
        %dma_wait3A_2433 = tpu.memref_slice %arg8[%dma_wait3A_2432] : memref<1000016xi32, #tpu.memory_space<vmem_shared>> -> memref<1000016xi32, #tpu.memory_space<vmem_shared>>
        tpu.wait_indirect_dma semaphore(%arg9 : memref<!tpu.dma_semaphore, #tpu.memory_space<semaphore_mem>>) src(%dma_wait3A_2428 : memref<128xi32, #tpu.memory_space<vmem>>) dst(%dma_wait3A_2433 : memref<1000016xi32, #tpu.memory_space<vmem_shared>>)
        %dma_wait3A_2434 = arith.constant 4 : i32
        %dma_wait3A_2435 = arith.constant 4 : i32
        %dma_wait3A_2436 = arith.constant 0 : i32
        %dma_wait3A_2437 = tpu.memref_slice %arg5[%dma_wait3A_2434, %dma_wait3A_2436] : memref<8x128xi32, #tpu.memory_space<vmem>> -> memref<1x128xi32, #tpu.memory_space<vmem>>
        %dma_wait3A_2438 = tpu.memref_squeeze %dma_wait3A_2437 : memref<1x128xi32, #tpu.memory_space<vmem>> -> memref<128xi32, #tpu.memory_space<vmem>>
        %dma_wait3A_2439 = arith.constant 0 : i32
        %dma_wait3A_2440 = tpu.memref_slice %arg7[%dma_wait3A_2435, %dma_wait3A_2439] : memref<8x128xi32, #tpu.memory_space<vmem>> -> memref<1x128xi32, #tpu.memory_space<vmem>>
        %dma_wait3A_2441 = tpu.memref_squeeze %dma_wait3A_2440 : memref<1x128xi32, #tpu.memory_space<vmem>> -> memref<128xi32, #tpu.memory_space<vmem>>
        %dma_wait3A_2442 = arith.constant 0 : i32
        %dma_wait3A_2443 = tpu.memref_slice %arg8[%dma_wait3A_2442] : memref<1000016xi32, #tpu.memory_space<vmem_shared>> -> memref<1000016xi32, #tpu.memory_space<vmem_shared>>
        tpu.wait_indirect_dma semaphore(%arg9 : memref<!tpu.dma_semaphore, #tpu.memory_space<semaphore_mem>>) src(%dma_wait3A_2438 : memref<128xi32, #tpu.memory_space<vmem>>) dst(%dma_wait3A_2443 : memref<1000016xi32, #tpu.memory_space<vmem_shared>>)
        %dma_wait3A_2444 = arith.constant 5 : i32
        %dma_wait3A_2445 = arith.constant 5 : i32
        %dma_wait3A_2446 = arith.constant 0 : i32
        %dma_wait3A_2447 = tpu.memref_slice %arg5[%dma_wait3A_2444, %dma_wait3A_2446] : memref<8x128xi32, #tpu.memory_space<vmem>> -> memref<1x128xi32, #tpu.memory_space<vmem>>
        %dma_wait3A_2448 = tpu.memref_squeeze %dma_wait3A_2447 : memref<1x128xi32, #tpu.memory_space<vmem>> -> memref<128xi32, #tpu.memory_space<vmem>>
        %dma_wait3A_2449 = arith.constant 0 : i32
        %dma_wait3A_2450 = tpu.memref_slice %arg7[%dma_wait3A_2445, %dma_wait3A_2449] : memref<8x128xi32, #tpu.memory_space<vmem>> -> memref<1x128xi32, #tpu.memory_space<vmem>>
        %dma_wait3A_2451 = tpu.memref_squeeze %dma_wait3A_2450 : memref<1x128xi32, #tpu.memory_space<vmem>> -> memref<128xi32, #tpu.memory_space<vmem>>
        %dma_wait3A_2452 = arith.constant 0 : i32
        %dma_wait3A_2453 = tpu.memref_slice %arg8[%dma_wait3A_2452] : memref<1000016xi32, #tpu.memory_space<vmem_shared>> -> memref<1000016xi32, #tpu.memory_space<vmem_shared>>
        tpu.wait_indirect_dma semaphore(%arg9 : memref<!tpu.dma_semaphore, #tpu.memory_space<semaphore_mem>>) src(%dma_wait3A_2448 : memref<128xi32, #tpu.memory_space<vmem>>) dst(%dma_wait3A_2453 : memref<1000016xi32, #tpu.memory_space<vmem_shared>>)
        %dma_wait3A_2454 = arith.constant 6 : i32
        %dma_wait3A_2455 = arith.constant 6 : i32
        %dma_wait3A_2456 = arith.constant 0 : i32
        %dma_wait3A_2457 = tpu.memref_slice %arg5[%dma_wait3A_2454, %dma_wait3A_2456] : memref<8x128xi32, #tpu.memory_space<vmem>> -> memref<1x128xi32, #tpu.memory_space<vmem>>
        %dma_wait3A_2458 = tpu.memref_squeeze %dma_wait3A_2457 : memref<1x128xi32, #tpu.memory_space<vmem>> -> memref<128xi32, #tpu.memory_space<vmem>>
        %dma_wait3A_2459 = arith.constant 0 : i32
        %dma_wait3A_2460 = tpu.memref_slice %arg7[%dma_wait3A_2455, %dma_wait3A_2459] : memref<8x128xi32, #tpu.memory_space<vmem>> -> memref<1x128xi32, #tpu.memory_space<vmem>>
        %dma_wait3A_2461 = tpu.memref_squeeze %dma_wait3A_2460 : memref<1x128xi32, #tpu.memory_space<vmem>> -> memref<128xi32, #tpu.memory_space<vmem>>
        %dma_wait3A_2462 = arith.constant 0 : i32
        %dma_wait3A_2463 = tpu.memref_slice %arg8[%dma_wait3A_2462] : memref<1000016xi32, #tpu.memory_space<vmem_shared>> -> memref<1000016xi32, #tpu.memory_space<vmem_shared>>
        tpu.wait_indirect_dma semaphore(%arg9 : memref<!tpu.dma_semaphore, #tpu.memory_space<semaphore_mem>>) src(%dma_wait3A_2458 : memref<128xi32, #tpu.memory_space<vmem>>) dst(%dma_wait3A_2463 : memref<1000016xi32, #tpu.memory_space<vmem_shared>>)
        %dma_wait3A_2464 = arith.constant 7 : i32
        %dma_wait3A_2465 = arith.constant 7 : i32
        %dma_wait3A_2466 = arith.constant 0 : i32
        %dma_wait3A_2467 = tpu.memref_slice %arg5[%dma_wait3A_2464, %dma_wait3A_2466] : memref<8x128xi32, #tpu.memory_space<vmem>> -> memref<1x128xi32, #tpu.memory_space<vmem>>
        %dma_wait3A_2468 = tpu.memref_squeeze %dma_wait3A_2467 : memref<1x128xi32, #tpu.memory_space<vmem>> -> memref<128xi32, #tpu.memory_space<vmem>>
        %dma_wait3A_2469 = arith.constant 0 : i32
        %dma_wait3A_2470 = tpu.memref_slice %arg7[%dma_wait3A_2465, %dma_wait3A_2469] : memref<8x128xi32, #tpu.memory_space<vmem>> -> memref<1x128xi32, #tpu.memory_space<vmem>>
        %dma_wait3A_2471 = tpu.memref_squeeze %dma_wait3A_2470 : memref<1x128xi32, #tpu.memory_space<vmem>> -> memref<128xi32, #tpu.memory_space<vmem>>
        %dma_wait3A_2472 = arith.constant 0 : i32
        %dma_wait3A_2473 = tpu.memref_slice %arg8[%dma_wait3A_2472] : memref<1000016xi32, #tpu.memory_space<vmem_shared>> -> memref<1000016xi32, #tpu.memory_space<vmem_shared>>
        tpu.wait_indirect_dma semaphore(%arg9 : memref<!tpu.dma_semaphore, #tpu.memory_space<semaphore_mem>>) src(%dma_wait3A_2468 : memref<128xi32, #tpu.memory_space<vmem>>) dst(%dma_wait3A_2473 : memref<1000016xi32, #tpu.memory_space<vmem_shared>>)
      } else {
      }
      %barrier3A_2315 = arith.constant 0 : index
      tpu.barrier barrier_id(%barrier3A_2315)
    }
    %scan3A_707 = arith.constant 2 : i32
    %convert_element_type3A_708 = arith.extui %eq3A_0 : i1 to i32
    %cond3A_709 = arith.constant 0 : i32
    %cond3A_710 = arith.cmpi ne, %convert_element_type3A_708, %cond3A_709 : i32
    scf.if %cond3A_710 {
      %dma_start3A = arith.constant 0 : i32
      %dma_start3A_711 = arith.constant 0 : i32
      %dma_start3A_712 = tpu.memref_slice %arg6[%dma_start3A_711] : memref<1024xi32, #tpu.memory_space<vmem>> -> memref<128xi32, #tpu.memory_space<vmem>>
      %dma_start3A_713 = arith.constant 0 : i32
      %dma_start3A_714 = tpu.memref_slice %arg4[%dma_start3A, %dma_start3A_713] : memref<8x128xi32, #tpu.memory_space<vmem>> -> memref<1x128xi32, #tpu.memory_space<vmem>>
      %dma_start3A_715 = tpu.memref_squeeze %dma_start3A_714 : memref<1x128xi32, #tpu.memory_space<vmem>> -> memref<128xi32, #tpu.memory_space<vmem>>
      %dma_start3A_716 = arith.constant 0 : i32
      %dma_start3A_717 = tpu.memref_slice %arg8[%dma_start3A_716] : memref<1000016xi32, #tpu.memory_space<vmem_shared>> -> memref<1000016xi32, #tpu.memory_space<vmem_shared>>
      tpu.enqueue_indirect_dma source(%dma_start3A_717 : memref<1000016xi32, #tpu.memory_space<vmem_shared>>) target(%dma_start3A_712 : memref<128xi32, #tpu.memory_space<vmem>>) offsets(%dma_start3A_715 : memref<128xi32, #tpu.memory_space<vmem>>) semaphore(%arg9 : memref<!tpu.dma_semaphore, #tpu.memory_space<semaphore_mem>>)
      %dma_start3A_718 = arith.constant 1 : i32
      %dma_start3A_719 = arith.constant 128 : i32
      %dma_start3A_720 = tpu.memref_slice %arg6[%dma_start3A_719] : memref<1024xi32, #tpu.memory_space<vmem>> -> memref<128xi32, #tpu.memory_space<vmem>>
      %dma_start3A_721 = arith.constant 0 : i32
      %dma_start3A_722 = tpu.memref_slice %arg4[%dma_start3A_718, %dma_start3A_721] : memref<8x128xi32, #tpu.memory_space<vmem>> -> memref<1x128xi32, #tpu.memory_space<vmem>>
      %dma_start3A_723 = tpu.memref_squeeze %dma_start3A_722 : memref<1x128xi32, #tpu.memory_space<vmem>> -> memref<128xi32, #tpu.memory_space<vmem>>
      %dma_start3A_724 = arith.constant 0 : i32
      %dma_start3A_725 = tpu.memref_slice %arg8[%dma_start3A_724] : memref<1000016xi32, #tpu.memory_space<vmem_shared>> -> memref<1000016xi32, #tpu.memory_space<vmem_shared>>
      tpu.enqueue_indirect_dma source(%dma_start3A_725 : memref<1000016xi32, #tpu.memory_space<vmem_shared>>) target(%dma_start3A_720 : memref<128xi32, #tpu.memory_space<vmem>>) offsets(%dma_start3A_723 : memref<128xi32, #tpu.memory_space<vmem>>) semaphore(%arg9 : memref<!tpu.dma_semaphore, #tpu.memory_space<semaphore_mem>>)
      %dma_start3A_726 = arith.constant 2 : i32
      %dma_start3A_727 = arith.constant 256 : i32
      %dma_start3A_728 = tpu.memref_slice %arg6[%dma_start3A_727] : memref<1024xi32, #tpu.memory_space<vmem>> -> memref<128xi32, #tpu.memory_space<vmem>>
      %dma_start3A_729 = arith.constant 0 : i32
      %dma_start3A_730 = tpu.memref_slice %arg4[%dma_start3A_726, %dma_start3A_729] : memref<8x128xi32, #tpu.memory_space<vmem>> -> memref<1x128xi32, #tpu.memory_space<vmem>>
      %dma_start3A_731 = tpu.memref_squeeze %dma_start3A_730 : memref<1x128xi32, #tpu.memory_space<vmem>> -> memref<128xi32, #tpu.memory_space<vmem>>
      %dma_start3A_732 = arith.constant 0 : i32
      %dma_start3A_733 = tpu.memref_slice %arg8[%dma_start3A_732] : memref<1000016xi32, #tpu.memory_space<vmem_shared>> -> memref<1000016xi32, #tpu.memory_space<vmem_shared>>
      tpu.enqueue_indirect_dma source(%dma_start3A_733 : memref<1000016xi32, #tpu.memory_space<vmem_shared>>) target(%dma_start3A_728 : memref<128xi32, #tpu.memory_space<vmem>>) offsets(%dma_start3A_731 : memref<128xi32, #tpu.memory_space<vmem>>) semaphore(%arg9 : memref<!tpu.dma_semaphore, #tpu.memory_space<semaphore_mem>>)
      %dma_start3A_734 = arith.constant 3 : i32
      %dma_start3A_735 = arith.constant 384 : i32
      %dma_start3A_736 = tpu.memref_slice %arg6[%dma_start3A_735] : memref<1024xi32, #tpu.memory_space<vmem>> -> memref<128xi32, #tpu.memory_space<vmem>>
      %dma_start3A_737 = arith.constant 0 : i32
      %dma_start3A_738 = tpu.memref_slice %arg4[%dma_start3A_734, %dma_start3A_737] : memref<8x128xi32, #tpu.memory_space<vmem>> -> memref<1x128xi32, #tpu.memory_space<vmem>>
      %dma_start3A_739 = tpu.memref_squeeze %dma_start3A_738 : memref<1x128xi32, #tpu.memory_space<vmem>> -> memref<128xi32, #tpu.memory_space<vmem>>
      %dma_start3A_740 = arith.constant 0 : i32
      %dma_start3A_741 = tpu.memref_slice %arg8[%dma_start3A_740] : memref<1000016xi32, #tpu.memory_space<vmem_shared>> -> memref<1000016xi32, #tpu.memory_space<vmem_shared>>
      tpu.enqueue_indirect_dma source(%dma_start3A_741 : memref<1000016xi32, #tpu.memory_space<vmem_shared>>) target(%dma_start3A_736 : memref<128xi32, #tpu.memory_space<vmem>>) offsets(%dma_start3A_739 : memref<128xi32, #tpu.memory_space<vmem>>) semaphore(%arg9 : memref<!tpu.dma_semaphore, #tpu.memory_space<semaphore_mem>>)
      %dma_start3A_742 = arith.constant 4 : i32
      %dma_start3A_743 = arith.constant 512 : i32
      %dma_start3A_744 = tpu.memref_slice %arg6[%dma_start3A_743] : memref<1024xi32, #tpu.memory_space<vmem>> -> memref<128xi32, #tpu.memory_space<vmem>>
      %dma_start3A_745 = arith.constant 0 : i32
      %dma_start3A_746 = tpu.memref_slice %arg4[%dma_start3A_742, %dma_start3A_745] : memref<8x128xi32, #tpu.memory_space<vmem>> -> memref<1x128xi32, #tpu.memory_space<vmem>>
      %dma_start3A_747 = tpu.memref_squeeze %dma_start3A_746 : memref<1x128xi32, #tpu.memory_space<vmem>> -> memref<128xi32, #tpu.memory_space<vmem>>
      %dma_start3A_748 = arith.constant 0 : i32
      %dma_start3A_749 = tpu.memref_slice %arg8[%dma_start3A_748] : memref<1000016xi32, #tpu.memory_space<vmem_shared>> -> memref<1000016xi32, #tpu.memory_space<vmem_shared>>
      tpu.enqueue_indirect_dma source(%dma_start3A_749 : memref<1000016xi32, #tpu.memory_space<vmem_shared>>) target(%dma_start3A_744 : memref<128xi32, #tpu.memory_space<vmem>>) offsets(%dma_start3A_747 : memref<128xi32, #tpu.memory_space<vmem>>) semaphore(%arg9 : memref<!tpu.dma_semaphore, #tpu.memory_space<semaphore_mem>>)
      %dma_start3A_750 = arith.constant 5 : i32
      %dma_start3A_751 = arith.constant 640 : i32
      %dma_start3A_752 = tpu.memref_slice %arg6[%dma_start3A_751] : memref<1024xi32, #tpu.memory_space<vmem>> -> memref<128xi32, #tpu.memory_space<vmem>>
      %dma_start3A_753 = arith.constant 0 : i32
      %dma_start3A_754 = tpu.memref_slice %arg4[%dma_start3A_750, %dma_start3A_753] : memref<8x128xi32, #tpu.memory_space<vmem>> -> memref<1x128xi32, #tpu.memory_space<vmem>>
      %dma_start3A_755 = tpu.memref_squeeze %dma_start3A_754 : memref<1x128xi32, #tpu.memory_space<vmem>> -> memref<128xi32, #tpu.memory_space<vmem>>
      %dma_start3A_756 = arith.constant 0 : i32
      %dma_start3A_757 = tpu.memref_slice %arg8[%dma_start3A_756] : memref<1000016xi32, #tpu.memory_space<vmem_shared>> -> memref<1000016xi32, #tpu.memory_space<vmem_shared>>
      tpu.enqueue_indirect_dma source(%dma_start3A_757 : memref<1000016xi32, #tpu.memory_space<vmem_shared>>) target(%dma_start3A_752 : memref<128xi32, #tpu.memory_space<vmem>>) offsets(%dma_start3A_755 : memref<128xi32, #tpu.memory_space<vmem>>) semaphore(%arg9 : memref<!tpu.dma_semaphore, #tpu.memory_space<semaphore_mem>>)
      %dma_start3A_758 = arith.constant 6 : i32
      %dma_start3A_759 = arith.constant 768 : i32
      %dma_start3A_760 = tpu.memref_slice %arg6[%dma_start3A_759] : memref<1024xi32, #tpu.memory_space<vmem>> -> memref<128xi32, #tpu.memory_space<vmem>>
      %dma_start3A_761 = arith.constant 0 : i32
      %dma_start3A_762 = tpu.memref_slice %arg4[%dma_start3A_758, %dma_start3A_761] : memref<8x128xi32, #tpu.memory_space<vmem>> -> memref<1x128xi32, #tpu.memory_space<vmem>>
      %dma_start3A_763 = tpu.memref_squeeze %dma_start3A_762 : memref<1x128xi32, #tpu.memory_space<vmem>> -> memref<128xi32, #tpu.memory_space<vmem>>
      %dma_start3A_764 = arith.constant 0 : i32
      %dma_start3A_765 = tpu.memref_slice %arg8[%dma_start3A_764] : memref<1000016xi32, #tpu.memory_space<vmem_shared>> -> memref<1000016xi32, #tpu.memory_space<vmem_shared>>
      tpu.enqueue_indirect_dma source(%dma_start3A_765 : memref<1000016xi32, #tpu.memory_space<vmem_shared>>) target(%dma_start3A_760 : memref<128xi32, #tpu.memory_space<vmem>>) offsets(%dma_start3A_763 : memref<128xi32, #tpu.memory_space<vmem>>) semaphore(%arg9 : memref<!tpu.dma_semaphore, #tpu.memory_space<semaphore_mem>>)
      %dma_start3A_766 = arith.constant 7 : i32
      %dma_start3A_767 = arith.constant 896 : i32
      %dma_start3A_768 = tpu.memref_slice %arg6[%dma_start3A_767] : memref<1024xi32, #tpu.memory_space<vmem>> -> memref<128xi32, #tpu.memory_space<vmem>>
      %dma_start3A_769 = arith.constant 0 : i32
      %dma_start3A_770 = tpu.memref_slice %arg4[%dma_start3A_766, %dma_start3A_769] : memref<8x128xi32, #tpu.memory_space<vmem>> -> memref<1x128xi32, #tpu.memory_space<vmem>>
      %dma_start3A_771 = tpu.memref_squeeze %dma_start3A_770 : memref<1x128xi32, #tpu.memory_space<vmem>> -> memref<128xi32, #tpu.memory_space<vmem>>
      %dma_start3A_772 = arith.constant 0 : i32
      %dma_start3A_773 = tpu.memref_slice %arg8[%dma_start3A_772] : memref<1000016xi32, #tpu.memory_space<vmem_shared>> -> memref<1000016xi32, #tpu.memory_space<vmem_shared>>
      tpu.enqueue_indirect_dma source(%dma_start3A_773 : memref<1000016xi32, #tpu.memory_space<vmem_shared>>) target(%dma_start3A_768 : memref<128xi32, #tpu.memory_space<vmem>>) offsets(%dma_start3A_771 : memref<128xi32, #tpu.memory_space<vmem>>) semaphore(%arg9 : memref<!tpu.dma_semaphore, #tpu.memory_space<semaphore_mem>>)
      %dma_wait3A = arith.constant 0 : i32
      %dma_wait3A_774 = arith.constant 0 : i32
      %dma_wait3A_775 = tpu.memref_slice %arg6[%dma_wait3A_774] : memref<1024xi32, #tpu.memory_space<vmem>> -> memref<128xi32, #tpu.memory_space<vmem>>
      %dma_wait3A_776 = arith.constant 0 : i32
      %dma_wait3A_777 = tpu.memref_slice %arg4[%dma_wait3A, %dma_wait3A_776] : memref<8x128xi32, #tpu.memory_space<vmem>> -> memref<1x128xi32, #tpu.memory_space<vmem>>
      %dma_wait3A_778 = tpu.memref_squeeze %dma_wait3A_777 : memref<1x128xi32, #tpu.memory_space<vmem>> -> memref<128xi32, #tpu.memory_space<vmem>>
      %dma_wait3A_779 = arith.constant 0 : i32
      %dma_wait3A_780 = tpu.memref_slice %arg8[%dma_wait3A_779] : memref<1000016xi32, #tpu.memory_space<vmem_shared>> -> memref<1000016xi32, #tpu.memory_space<vmem_shared>>
      tpu.wait_indirect_dma semaphore(%arg9 : memref<!tpu.dma_semaphore, #tpu.memory_space<semaphore_mem>>) src(%dma_wait3A_780 : memref<1000016xi32, #tpu.memory_space<vmem_shared>>) dst(%dma_wait3A_775 : memref<128xi32, #tpu.memory_space<vmem>>)
      %dma_wait3A_781 = arith.constant 1 : i32
      %dma_wait3A_782 = arith.constant 128 : i32
      %dma_wait3A_783 = tpu.memref_slice %arg6[%dma_wait3A_782] : memref<1024xi32, #tpu.memory_space<vmem>> -> memref<128xi32, #tpu.memory_space<vmem>>
      %dma_wait3A_784 = arith.constant 0 : i32
      %dma_wait3A_785 = tpu.memref_slice %arg4[%dma_wait3A_781, %dma_wait3A_784] : memref<8x128xi32, #tpu.memory_space<vmem>> -> memref<1x128xi32, #tpu.memory_space<vmem>>
      %dma_wait3A_786 = tpu.memref_squeeze %dma_wait3A_785 : memref<1x128xi32, #tpu.memory_space<vmem>> -> memref<128xi32, #tpu.memory_space<vmem>>
      %dma_wait3A_787 = arith.constant 0 : i32
      %dma_wait3A_788 = tpu.memref_slice %arg8[%dma_wait3A_787] : memref<1000016xi32, #tpu.memory_space<vmem_shared>> -> memref<1000016xi32, #tpu.memory_space<vmem_shared>>
      tpu.wait_indirect_dma semaphore(%arg9 : memref<!tpu.dma_semaphore, #tpu.memory_space<semaphore_mem>>) src(%dma_wait3A_788 : memref<1000016xi32, #tpu.memory_space<vmem_shared>>) dst(%dma_wait3A_783 : memref<128xi32, #tpu.memory_space<vmem>>)
      %dma_wait3A_789 = arith.constant 2 : i32
      %dma_wait3A_790 = arith.constant 256 : i32
      %dma_wait3A_791 = tpu.memref_slice %arg6[%dma_wait3A_790] : memref<1024xi32, #tpu.memory_space<vmem>> -> memref<128xi32, #tpu.memory_space<vmem>>
      %dma_wait3A_792 = arith.constant 0 : i32
      %dma_wait3A_793 = tpu.memref_slice %arg4[%dma_wait3A_789, %dma_wait3A_792] : memref<8x128xi32, #tpu.memory_space<vmem>> -> memref<1x128xi32, #tpu.memory_space<vmem>>
      %dma_wait3A_794 = tpu.memref_squeeze %dma_wait3A_793 : memref<1x128xi32, #tpu.memory_space<vmem>> -> memref<128xi32, #tpu.memory_space<vmem>>
      %dma_wait3A_795 = arith.constant 0 : i32
      %dma_wait3A_796 = tpu.memref_slice %arg8[%dma_wait3A_795] : memref<1000016xi32, #tpu.memory_space<vmem_shared>> -> memref<1000016xi32, #tpu.memory_space<vmem_shared>>
      tpu.wait_indirect_dma semaphore(%arg9 : memref<!tpu.dma_semaphore, #tpu.memory_space<semaphore_mem>>) src(%dma_wait3A_796 : memref<1000016xi32, #tpu.memory_space<vmem_shared>>) dst(%dma_wait3A_791 : memref<128xi32, #tpu.memory_space<vmem>>)
      %dma_wait3A_797 = arith.constant 3 : i32
      %dma_wait3A_798 = arith.constant 384 : i32
      %dma_wait3A_799 = tpu.memref_slice %arg6[%dma_wait3A_798] : memref<1024xi32, #tpu.memory_space<vmem>> -> memref<128xi32, #tpu.memory_space<vmem>>
      %dma_wait3A_800 = arith.constant 0 : i32
      %dma_wait3A_801 = tpu.memref_slice %arg4[%dma_wait3A_797, %dma_wait3A_800] : memref<8x128xi32, #tpu.memory_space<vmem>> -> memref<1x128xi32, #tpu.memory_space<vmem>>
      %dma_wait3A_802 = tpu.memref_squeeze %dma_wait3A_801 : memref<1x128xi32, #tpu.memory_space<vmem>> -> memref<128xi32, #tpu.memory_space<vmem>>
      %dma_wait3A_803 = arith.constant 0 : i32
      %dma_wait3A_804 = tpu.memref_slice %arg8[%dma_wait3A_803] : memref<1000016xi32, #tpu.memory_space<vmem_shared>> -> memref<1000016xi32, #tpu.memory_space<vmem_shared>>
      tpu.wait_indirect_dma semaphore(%arg9 : memref<!tpu.dma_semaphore, #tpu.memory_space<semaphore_mem>>) src(%dma_wait3A_804 : memref<1000016xi32, #tpu.memory_space<vmem_shared>>) dst(%dma_wait3A_799 : memref<128xi32, #tpu.memory_space<vmem>>)
      %dma_wait3A_805 = arith.constant 4 : i32
      %dma_wait3A_806 = arith.constant 512 : i32
      %dma_wait3A_807 = tpu.memref_slice %arg6[%dma_wait3A_806] : memref<1024xi32, #tpu.memory_space<vmem>> -> memref<128xi32, #tpu.memory_space<vmem>>
      %dma_wait3A_808 = arith.constant 0 : i32
      %dma_wait3A_809 = tpu.memref_slice %arg4[%dma_wait3A_805, %dma_wait3A_808] : memref<8x128xi32, #tpu.memory_space<vmem>> -> memref<1x128xi32, #tpu.memory_space<vmem>>
      %dma_wait3A_810 = tpu.memref_squeeze %dma_wait3A_809 : memref<1x128xi32, #tpu.memory_space<vmem>> -> memref<128xi32, #tpu.memory_space<vmem>>
      %dma_wait3A_811 = arith.constant 0 : i32
      %dma_wait3A_812 = tpu.memref_slice %arg8[%dma_wait3A_811] : memref<1000016xi32, #tpu.memory_space<vmem_shared>> -> memref<1000016xi32, #tpu.memory_space<vmem_shared>>
      tpu.wait_indirect_dma semaphore(%arg9 : memref<!tpu.dma_semaphore, #tpu.memory_space<semaphore_mem>>) src(%dma_wait3A_812 : memref<1000016xi32, #tpu.memory_space<vmem_shared>>) dst(%dma_wait3A_807 : memref<128xi32, #tpu.memory_space<vmem>>)
      %dma_wait3A_813 = arith.constant 5 : i32
      %dma_wait3A_814 = arith.constant 640 : i32
      %dma_wait3A_815 = tpu.memref_slice %arg6[%dma_wait3A_814] : memref<1024xi32, #tpu.memory_space<vmem>> -> memref<128xi32, #tpu.memory_space<vmem>>
      %dma_wait3A_816 = arith.constant 0 : i32
      %dma_wait3A_817 = tpu.memref_slice %arg4[%dma_wait3A_813, %dma_wait3A_816] : memref<8x128xi32, #tpu.memory_space<vmem>> -> memref<1x128xi32, #tpu.memory_space<vmem>>
      %dma_wait3A_818 = tpu.memref_squeeze %dma_wait3A_817 : memref<1x128xi32, #tpu.memory_space<vmem>> -> memref<128xi32, #tpu.memory_space<vmem>>
      %dma_wait3A_819 = arith.constant 0 : i32
      %dma_wait3A_820 = tpu.memref_slice %arg8[%dma_wait3A_819] : memref<1000016xi32, #tpu.memory_space<vmem_shared>> -> memref<1000016xi32, #tpu.memory_space<vmem_shared>>
      tpu.wait_indirect_dma semaphore(%arg9 : memref<!tpu.dma_semaphore, #tpu.memory_space<semaphore_mem>>) src(%dma_wait3A_820 : memref<1000016xi32, #tpu.memory_space<vmem_shared>>) dst(%dma_wait3A_815 : memref<128xi32, #tpu.memory_space<vmem>>)
      %dma_wait3A_821 = arith.constant 6 : i32
      %dma_wait3A_822 = arith.constant 768 : i32
      %dma_wait3A_823 = tpu.memref_slice %arg6[%dma_wait3A_822] : memref<1024xi32, #tpu.memory_space<vmem>> -> memref<128xi32, #tpu.memory_space<vmem>>
      %dma_wait3A_824 = arith.constant 0 : i32
      %dma_wait3A_825 = tpu.memref_slice %arg4[%dma_wait3A_821, %dma_wait3A_824] : memref<8x128xi32, #tpu.memory_space<vmem>> -> memref<1x128xi32, #tpu.memory_space<vmem>>
      %dma_wait3A_826 = tpu.memref_squeeze %dma_wait3A_825 : memref<1x128xi32, #tpu.memory_space<vmem>> -> memref<128xi32, #tpu.memory_space<vmem>>
      %dma_wait3A_827 = arith.constant 0 : i32
      %dma_wait3A_828 = tpu.memref_slice %arg8[%dma_wait3A_827] : memref<1000016xi32, #tpu.memory_space<vmem_shared>> -> memref<1000016xi32, #tpu.memory_space<vmem_shared>>
      tpu.wait_indirect_dma semaphore(%arg9 : memref<!tpu.dma_semaphore, #tpu.memory_space<semaphore_mem>>) src(%dma_wait3A_828 : memref<1000016xi32, #tpu.memory_space<vmem_shared>>) dst(%dma_wait3A_823 : memref<128xi32, #tpu.memory_space<vmem>>)
      %dma_wait3A_829 = arith.constant 7 : i32
      %dma_wait3A_830 = arith.constant 896 : i32
      %dma_wait3A_831 = tpu.memref_slice %arg6[%dma_wait3A_830] : memref<1024xi32, #tpu.memory_space<vmem>> -> memref<128xi32, #tpu.memory_space<vmem>>
      %dma_wait3A_832 = arith.constant 0 : i32
      %dma_wait3A_833 = tpu.memref_slice %arg4[%dma_wait3A_829, %dma_wait3A_832] : memref<8x128xi32, #tpu.memory_space<vmem>> -> memref<1x128xi32, #tpu.memory_space<vmem>>
      %dma_wait3A_834 = tpu.memref_squeeze %dma_wait3A_833 : memref<1x128xi32, #tpu.memory_space<vmem>> -> memref<128xi32, #tpu.memory_space<vmem>>
      %dma_wait3A_835 = arith.constant 0 : i32
      %dma_wait3A_836 = tpu.memref_slice %arg8[%dma_wait3A_835] : memref<1000016xi32, #tpu.memory_space<vmem_shared>> -> memref<1000016xi32, #tpu.memory_space<vmem_shared>>
      tpu.wait_indirect_dma semaphore(%arg9 : memref<!tpu.dma_semaphore, #tpu.memory_space<semaphore_mem>>) src(%dma_wait3A_836 : memref<1000016xi32, #tpu.memory_space<vmem_shared>>) dst(%dma_wait3A_831 : memref<128xi32, #tpu.memory_space<vmem>>)
      %dma_start3A_837 = tpu.memref_slice %arg3[%mul3A_1] : memref<16384xi32, #tpu.memory_space<hbm>> -> memref<1024xi32, #tpu.memory_space<hbm>>
      %dma_start3A_838 = tpu.memref_slice %arg3[%mul3A_1] : memref<16384xi32, #tpu.memory_space<hbm>> -> memref<1024xi32, #tpu.memory_space<hbm>>
      tpu.enqueue_dma source(%arg6 : memref<1024xi32, #tpu.memory_space<vmem>>) target(%dma_start3A_838 : memref<1024xi32, #tpu.memory_space<hbm>>) target_semaphore(%arg9 : memref<!tpu.dma_semaphore, #tpu.memory_space<semaphore_mem>>)
      %dma_wait3A_839 = tpu.memref_slice %arg3[%mul3A_1] : memref<16384xi32, #tpu.memory_space<hbm>> -> memref<1024xi32, #tpu.memory_space<hbm>>
      %dma_wait3A_840 = tpu.memref_slice %arg3[%mul3A_1] : memref<16384xi32, #tpu.memory_space<hbm>> -> memref<1024xi32, #tpu.memory_space<hbm>>
      tpu.wait_dma2 semaphore(%arg9 : memref<!tpu.dma_semaphore, #tpu.memory_space<semaphore_mem>>) src(%arg6 : memref<1024xi32, #tpu.memory_space<vmem>>) dst(%dma_wait3A_840 : memref<1024xi32, #tpu.memory_space<hbm>>)
    } else {
    }
    return
  }
}

#map = affine_map<(d0, d1) -> (0)>
module attributes {stable_mosaic.version = 14 : i64} {
  func.func @new_body(%arg0: i32, %arg1: i32, %arg2: memref<16384xi32, #tpu.memory_space<hbm>>, %arg3: memref<16384xi32, #tpu.memory_space<hbm>>, %arg4: memref<16384xf32, #tpu.memory_space<hbm>>, %arg5: memref<1000000xf32, #tpu.memory_space<hbm>>, %arg6: memref<1000000xf32, #tpu.memory_space<hbm>>, %arg7: memref<4x128xi32, #tpu.memory_space<vmem>>, %arg8: memref<512xi32, #tpu.memory_space<vmem>>, %arg9: memref<4x128xf32, #tpu.memory_space<vmem>>, %arg10: memref<!tpu.dma_semaphore, #tpu.memory_space<semaphore_mem>>, %arg11: memref<!tpu.dma_semaphore, #tpu.memory_space<semaphore_mem>>, %arg12: memref<!tpu.dma_semaphore, #tpu.memory_space<semaphore_mem>>, %arg13: memref<!tpu.dma_semaphore, #tpu.memory_space<semaphore_mem>>) attributes {dimension_semantics = [#tpu.dimension_semantics<core_parallel>, #tpu.dimension_semantics<subcore_parallel>], iteration_bounds = array<i64: 2, 16>, scalar_prefetch = 0 : i64, scratch_operands = 7 : i64, tpu.core_type = #tpu.core_type<sc_vector_subcore>, window_params = [{transform_indices = #map}, {transform_indices = #map}, {transform_indices = #map}, {transform_indices = #map}, {transform_indices = #map}]} {
    %mul3A = arith.constant 16 : i32
    %mul3A_0 = arith.muli %arg0, %mul3A : i32
    %add3A = arith.addi %mul3A_0, %arg1 : i32
    %mul3A_1 = arith.constant 512 : i32
    %mul3A_2 = arith.muli %add3A, %mul3A_1 : i32
    %add3A_3 = arith.constant 0 : i32
    %add3A_4 = arith.addi %mul3A_2, %add3A_3 : i32
    %dma_start3A = arith.constant 0 : i32
    %dma_start3A_5 = arith.constant 0 : i32
    %dma_start3A_6 = tpu.memref_slice %arg7[%dma_start3A, %dma_start3A_5] : memref<4x128xi32, #tpu.memory_space<vmem>> -> memref<1x128xi32, #tpu.memory_space<vmem>>
    %dma_start3A_7 = tpu.memref_squeeze %dma_start3A_6 : memref<1x128xi32, #tpu.memory_space<vmem>> -> memref<128xi32, #tpu.memory_space<vmem>>
    %dma_start3A_8 = tpu.memref_slice %arg2[%add3A_4] : memref<16384xi32, #tpu.memory_space<hbm>> -> memref<128xi32, #tpu.memory_space<hbm>>
    %dma_start3A_9 = arith.constant 0 : i32
    %dma_start3A_10 = tpu.memref_slice %arg7[%dma_start3A, %dma_start3A_9] : memref<4x128xi32, #tpu.memory_space<vmem>> -> memref<1x128xi32, #tpu.memory_space<vmem>>
    %dma_start3A_11 = tpu.memref_squeeze %dma_start3A_10 : memref<1x128xi32, #tpu.memory_space<vmem>> -> memref<128xi32, #tpu.memory_space<vmem>>
    %dma_start3A_12 = tpu.memref_slice %arg2[%add3A_4] : memref<16384xi32, #tpu.memory_space<hbm>> -> memref<128xi32, #tpu.memory_space<hbm>>
    tpu.enqueue_dma source(%dma_start3A_12 : memref<128xi32, #tpu.memory_space<hbm>>) target(%dma_start3A_11 : memref<128xi32, #tpu.memory_space<vmem>>) target_semaphore(%arg10 : memref<!tpu.dma_semaphore, #tpu.memory_space<semaphore_mem>>)
    %add3A_13 = arith.constant 128 : i32
    %add3A_14 = arith.addi %mul3A_2, %add3A_13 : i32
    %dma_start3A_15 = arith.constant 1 : i32
    %dma_start3A_16 = arith.constant 0 : i32
    %dma_start3A_17 = tpu.memref_slice %arg7[%dma_start3A_15, %dma_start3A_16] : memref<4x128xi32, #tpu.memory_space<vmem>> -> memref<1x128xi32, #tpu.memory_space<vmem>>
    %dma_start3A_18 = tpu.memref_squeeze %dma_start3A_17 : memref<1x128xi32, #tpu.memory_space<vmem>> -> memref<128xi32, #tpu.memory_space<vmem>>
    %dma_start3A_19 = tpu.memref_slice %arg2[%add3A_14] : memref<16384xi32, #tpu.memory_space<hbm>> -> memref<128xi32, #tpu.memory_space<hbm>>
    %dma_start3A_20 = arith.constant 0 : i32
    %dma_start3A_21 = tpu.memref_slice %arg7[%dma_start3A_15, %dma_start3A_20] : memref<4x128xi32, #tpu.memory_space<vmem>> -> memref<1x128xi32, #tpu.memory_space<vmem>>
    %dma_start3A_22 = tpu.memref_squeeze %dma_start3A_21 : memref<1x128xi32, #tpu.memory_space<vmem>> -> memref<128xi32, #tpu.memory_space<vmem>>
    %dma_start3A_23 = tpu.memref_slice %arg2[%add3A_14] : memref<16384xi32, #tpu.memory_space<hbm>> -> memref<128xi32, #tpu.memory_space<hbm>>
    tpu.enqueue_dma source(%dma_start3A_23 : memref<128xi32, #tpu.memory_space<hbm>>) target(%dma_start3A_22 : memref<128xi32, #tpu.memory_space<vmem>>) target_semaphore(%arg10 : memref<!tpu.dma_semaphore, #tpu.memory_space<semaphore_mem>>)
    %add3A_24 = arith.constant 256 : i32
    %add3A_25 = arith.addi %mul3A_2, %add3A_24 : i32
    %dma_start3A_26 = arith.constant 2 : i32
    %dma_start3A_27 = arith.constant 0 : i32
    %dma_start3A_28 = tpu.memref_slice %arg7[%dma_start3A_26, %dma_start3A_27] : memref<4x128xi32, #tpu.memory_space<vmem>> -> memref<1x128xi32, #tpu.memory_space<vmem>>
    %dma_start3A_29 = tpu.memref_squeeze %dma_start3A_28 : memref<1x128xi32, #tpu.memory_space<vmem>> -> memref<128xi32, #tpu.memory_space<vmem>>
    %dma_start3A_30 = tpu.memref_slice %arg2[%add3A_25] : memref<16384xi32, #tpu.memory_space<hbm>> -> memref<128xi32, #tpu.memory_space<hbm>>
    %dma_start3A_31 = arith.constant 0 : i32
    %dma_start3A_32 = tpu.memref_slice %arg7[%dma_start3A_26, %dma_start3A_31] : memref<4x128xi32, #tpu.memory_space<vmem>> -> memref<1x128xi32, #tpu.memory_space<vmem>>
    %dma_start3A_33 = tpu.memref_squeeze %dma_start3A_32 : memref<1x128xi32, #tpu.memory_space<vmem>> -> memref<128xi32, #tpu.memory_space<vmem>>
    %dma_start3A_34 = tpu.memref_slice %arg2[%add3A_25] : memref<16384xi32, #tpu.memory_space<hbm>> -> memref<128xi32, #tpu.memory_space<hbm>>
    tpu.enqueue_dma source(%dma_start3A_34 : memref<128xi32, #tpu.memory_space<hbm>>) target(%dma_start3A_33 : memref<128xi32, #tpu.memory_space<vmem>>) target_semaphore(%arg10 : memref<!tpu.dma_semaphore, #tpu.memory_space<semaphore_mem>>)
    %add3A_35 = arith.constant 384 : i32
    %add3A_36 = arith.addi %mul3A_2, %add3A_35 : i32
    %dma_start3A_37 = arith.constant 3 : i32
    %dma_start3A_38 = arith.constant 0 : i32
    %dma_start3A_39 = tpu.memref_slice %arg7[%dma_start3A_37, %dma_start3A_38] : memref<4x128xi32, #tpu.memory_space<vmem>> -> memref<1x128xi32, #tpu.memory_space<vmem>>
    %dma_start3A_40 = tpu.memref_squeeze %dma_start3A_39 : memref<1x128xi32, #tpu.memory_space<vmem>> -> memref<128xi32, #tpu.memory_space<vmem>>
    %dma_start3A_41 = tpu.memref_slice %arg2[%add3A_36] : memref<16384xi32, #tpu.memory_space<hbm>> -> memref<128xi32, #tpu.memory_space<hbm>>
    %dma_start3A_42 = arith.constant 0 : i32
    %dma_start3A_43 = tpu.memref_slice %arg7[%dma_start3A_37, %dma_start3A_42] : memref<4x128xi32, #tpu.memory_space<vmem>> -> memref<1x128xi32, #tpu.memory_space<vmem>>
    %dma_start3A_44 = tpu.memref_squeeze %dma_start3A_43 : memref<1x128xi32, #tpu.memory_space<vmem>> -> memref<128xi32, #tpu.memory_space<vmem>>
    %dma_start3A_45 = tpu.memref_slice %arg2[%add3A_36] : memref<16384xi32, #tpu.memory_space<hbm>> -> memref<128xi32, #tpu.memory_space<hbm>>
    tpu.enqueue_dma source(%dma_start3A_45 : memref<128xi32, #tpu.memory_space<hbm>>) target(%dma_start3A_44 : memref<128xi32, #tpu.memory_space<vmem>>) target_semaphore(%arg10 : memref<!tpu.dma_semaphore, #tpu.memory_space<semaphore_mem>>)
    %dma_start3A_46 = tpu.memref_slice %arg3[%mul3A_2] : memref<16384xi32, #tpu.memory_space<hbm>> -> memref<512xi32, #tpu.memory_space<hbm>>
    %dma_start3A_47 = tpu.memref_slice %arg3[%mul3A_2] : memref<16384xi32, #tpu.memory_space<hbm>> -> memref<512xi32, #tpu.memory_space<hbm>>
    tpu.enqueue_dma source(%dma_start3A_47 : memref<512xi32, #tpu.memory_space<hbm>>) target(%arg8 : memref<512xi32, #tpu.memory_space<vmem>>) target_semaphore(%arg11 : memref<!tpu.dma_semaphore, #tpu.memory_space<semaphore_mem>>)
    %dma_wait3A = tpu.memref_slice %arg3[%mul3A_2] : memref<16384xi32, #tpu.memory_space<hbm>> -> memref<512xi32, #tpu.memory_space<hbm>>
    %dma_wait3A_48 = tpu.memref_slice %arg3[%mul3A_2] : memref<16384xi32, #tpu.memory_space<hbm>> -> memref<512xi32, #tpu.memory_space<hbm>>
    tpu.wait_dma2 semaphore(%arg11 : memref<!tpu.dma_semaphore, #tpu.memory_space<semaphore_mem>>) src(%dma_wait3A_48 : memref<512xi32, #tpu.memory_space<hbm>>) dst(%arg8 : memref<512xi32, #tpu.memory_space<vmem>>)
    %dma_start3A_49 = arith.constant 0 : i32
    %dma_start3A_50 = arith.constant 0 : i32
    %dma_start3A_51 = tpu.memref_slice %arg9[%dma_start3A_49, %dma_start3A_50] : memref<4x128xf32, #tpu.memory_space<vmem>> -> memref<1x128xf32, #tpu.memory_space<vmem>>
    %dma_start3A_52 = tpu.memref_squeeze %dma_start3A_51 : memref<1x128xf32, #tpu.memory_space<vmem>> -> memref<128xf32, #tpu.memory_space<vmem>>
    %dma_start3A_53 = arith.constant 0 : i32
    %dma_start3A_54 = tpu.memref_slice %arg8[%dma_start3A_53] : memref<512xi32, #tpu.memory_space<vmem>> -> memref<128xi32, #tpu.memory_space<vmem>>
    %dma_start3A_55 = arith.constant 0 : i32
    %dma_start3A_56 = tpu.memref_slice %arg4[%dma_start3A_55] : memref<16384xf32, #tpu.memory_space<hbm>> -> memref<16384xf32, #tpu.memory_space<hbm>>
    tpu.enqueue_indirect_dma source(%dma_start3A_56 : memref<16384xf32, #tpu.memory_space<hbm>>) target(%dma_start3A_52 : memref<128xf32, #tpu.memory_space<vmem>>) offsets(%dma_start3A_54 : memref<128xi32, #tpu.memory_space<vmem>>) semaphore(%arg12 : memref<!tpu.dma_semaphore, #tpu.memory_space<semaphore_mem>>)
    %dma_start3A_57 = arith.constant 1 : i32
    %dma_start3A_58 = arith.constant 0 : i32
    %dma_start3A_59 = tpu.memref_slice %arg9[%dma_start3A_57, %dma_start3A_58] : memref<4x128xf32, #tpu.memory_space<vmem>> -> memref<1x128xf32, #tpu.memory_space<vmem>>
    %dma_start3A_60 = tpu.memref_squeeze %dma_start3A_59 : memref<1x128xf32, #tpu.memory_space<vmem>> -> memref<128xf32, #tpu.memory_space<vmem>>
    %dma_start3A_61 = arith.constant 128 : i32
    %dma_start3A_62 = tpu.memref_slice %arg8[%dma_start3A_61] : memref<512xi32, #tpu.memory_space<vmem>> -> memref<128xi32, #tpu.memory_space<vmem>>
    %dma_start3A_63 = arith.constant 0 : i32
    %dma_start3A_64 = tpu.memref_slice %arg4[%dma_start3A_63] : memref<16384xf32, #tpu.memory_space<hbm>> -> memref<16384xf32, #tpu.memory_space<hbm>>
    tpu.enqueue_indirect_dma source(%dma_start3A_64 : memref<16384xf32, #tpu.memory_space<hbm>>) target(%dma_start3A_60 : memref<128xf32, #tpu.memory_space<vmem>>) offsets(%dma_start3A_62 : memref<128xi32, #tpu.memory_space<vmem>>) semaphore(%arg12 : memref<!tpu.dma_semaphore, #tpu.memory_space<semaphore_mem>>)
    %dma_start3A_65 = arith.constant 2 : i32
    %dma_start3A_66 = arith.constant 0 : i32
    %dma_start3A_67 = tpu.memref_slice %arg9[%dma_start3A_65, %dma_start3A_66] : memref<4x128xf32, #tpu.memory_space<vmem>> -> memref<1x128xf32, #tpu.memory_space<vmem>>
    %dma_start3A_68 = tpu.memref_squeeze %dma_start3A_67 : memref<1x128xf32, #tpu.memory_space<vmem>> -> memref<128xf32, #tpu.memory_space<vmem>>
    %dma_start3A_69 = arith.constant 256 : i32
    %dma_start3A_70 = tpu.memref_slice %arg8[%dma_start3A_69] : memref<512xi32, #tpu.memory_space<vmem>> -> memref<128xi32, #tpu.memory_space<vmem>>
    %dma_start3A_71 = arith.constant 0 : i32
    %dma_start3A_72 = tpu.memref_slice %arg4[%dma_start3A_71] : memref<16384xf32, #tpu.memory_space<hbm>> -> memref<16384xf32, #tpu.memory_space<hbm>>
    tpu.enqueue_indirect_dma source(%dma_start3A_72 : memref<16384xf32, #tpu.memory_space<hbm>>) target(%dma_start3A_68 : memref<128xf32, #tpu.memory_space<vmem>>) offsets(%dma_start3A_70 : memref<128xi32, #tpu.memory_space<vmem>>) semaphore(%arg12 : memref<!tpu.dma_semaphore, #tpu.memory_space<semaphore_mem>>)
    %dma_start3A_73 = arith.constant 3 : i32
    %dma_start3A_74 = arith.constant 0 : i32
    %dma_start3A_75 = tpu.memref_slice %arg9[%dma_start3A_73, %dma_start3A_74] : memref<4x128xf32, #tpu.memory_space<vmem>> -> memref<1x128xf32, #tpu.memory_space<vmem>>
    %dma_start3A_76 = tpu.memref_squeeze %dma_start3A_75 : memref<1x128xf32, #tpu.memory_space<vmem>> -> memref<128xf32, #tpu.memory_space<vmem>>
    %dma_start3A_77 = arith.constant 384 : i32
    %dma_start3A_78 = tpu.memref_slice %arg8[%dma_start3A_77] : memref<512xi32, #tpu.memory_space<vmem>> -> memref<128xi32, #tpu.memory_space<vmem>>
    %dma_start3A_79 = arith.constant 0 : i32
    %dma_start3A_80 = tpu.memref_slice %arg4[%dma_start3A_79] : memref<16384xf32, #tpu.memory_space<hbm>> -> memref<16384xf32, #tpu.memory_space<hbm>>
    tpu.enqueue_indirect_dma source(%dma_start3A_80 : memref<16384xf32, #tpu.memory_space<hbm>>) target(%dma_start3A_76 : memref<128xf32, #tpu.memory_space<vmem>>) offsets(%dma_start3A_78 : memref<128xi32, #tpu.memory_space<vmem>>) semaphore(%arg12 : memref<!tpu.dma_semaphore, #tpu.memory_space<semaphore_mem>>)
    %dma_wait3A_81 = arith.constant 0 : i32
    %dma_wait3A_82 = arith.constant 0 : i32
    %dma_wait3A_83 = tpu.memref_slice %arg7[%dma_wait3A_81, %dma_wait3A_82] : memref<4x128xi32, #tpu.memory_space<vmem>> -> memref<1x128xi32, #tpu.memory_space<vmem>>
    %dma_wait3A_84 = tpu.memref_squeeze %dma_wait3A_83 : memref<1x128xi32, #tpu.memory_space<vmem>> -> memref<128xi32, #tpu.memory_space<vmem>>
    %dma_wait3A_85 = tpu.memref_slice %arg2[%add3A_4] : memref<16384xi32, #tpu.memory_space<hbm>> -> memref<128xi32, #tpu.memory_space<hbm>>
    %dma_wait3A_86 = arith.constant 0 : i32
    %dma_wait3A_87 = tpu.memref_slice %arg7[%dma_wait3A_81, %dma_wait3A_86] : memref<4x128xi32, #tpu.memory_space<vmem>> -> memref<1x128xi32, #tpu.memory_space<vmem>>
    %dma_wait3A_88 = tpu.memref_squeeze %dma_wait3A_87 : memref<1x128xi32, #tpu.memory_space<vmem>> -> memref<128xi32, #tpu.memory_space<vmem>>
    %dma_wait3A_89 = tpu.memref_slice %arg2[%add3A_4] : memref<16384xi32, #tpu.memory_space<hbm>> -> memref<128xi32, #tpu.memory_space<hbm>>
    tpu.wait_dma2 semaphore(%arg10 : memref<!tpu.dma_semaphore, #tpu.memory_space<semaphore_mem>>) src(%dma_wait3A_89 : memref<128xi32, #tpu.memory_space<hbm>>) dst(%dma_wait3A_88 : memref<128xi32, #tpu.memory_space<vmem>>)
    %dma_wait3A_90 = arith.constant 1 : i32
    %dma_wait3A_91 = arith.constant 0 : i32
    %dma_wait3A_92 = tpu.memref_slice %arg7[%dma_wait3A_90, %dma_wait3A_91] : memref<4x128xi32, #tpu.memory_space<vmem>> -> memref<1x128xi32, #tpu.memory_space<vmem>>
    %dma_wait3A_93 = tpu.memref_squeeze %dma_wait3A_92 : memref<1x128xi32, #tpu.memory_space<vmem>> -> memref<128xi32, #tpu.memory_space<vmem>>
    %dma_wait3A_94 = tpu.memref_slice %arg2[%add3A_14] : memref<16384xi32, #tpu.memory_space<hbm>> -> memref<128xi32, #tpu.memory_space<hbm>>
    %dma_wait3A_95 = arith.constant 0 : i32
    %dma_wait3A_96 = tpu.memref_slice %arg7[%dma_wait3A_90, %dma_wait3A_95] : memref<4x128xi32, #tpu.memory_space<vmem>> -> memref<1x128xi32, #tpu.memory_space<vmem>>
    %dma_wait3A_97 = tpu.memref_squeeze %dma_wait3A_96 : memref<1x128xi32, #tpu.memory_space<vmem>> -> memref<128xi32, #tpu.memory_space<vmem>>
    %dma_wait3A_98 = tpu.memref_slice %arg2[%add3A_14] : memref<16384xi32, #tpu.memory_space<hbm>> -> memref<128xi32, #tpu.memory_space<hbm>>
    tpu.wait_dma2 semaphore(%arg10 : memref<!tpu.dma_semaphore, #tpu.memory_space<semaphore_mem>>) src(%dma_wait3A_98 : memref<128xi32, #tpu.memory_space<hbm>>) dst(%dma_wait3A_97 : memref<128xi32, #tpu.memory_space<vmem>>)
    %dma_wait3A_99 = arith.constant 2 : i32
    %dma_wait3A_100 = arith.constant 0 : i32
    %dma_wait3A_101 = tpu.memref_slice %arg7[%dma_wait3A_99, %dma_wait3A_100] : memref<4x128xi32, #tpu.memory_space<vmem>> -> memref<1x128xi32, #tpu.memory_space<vmem>>
    %dma_wait3A_102 = tpu.memref_squeeze %dma_wait3A_101 : memref<1x128xi32, #tpu.memory_space<vmem>> -> memref<128xi32, #tpu.memory_space<vmem>>
    %dma_wait3A_103 = tpu.memref_slice %arg2[%add3A_25] : memref<16384xi32, #tpu.memory_space<hbm>> -> memref<128xi32, #tpu.memory_space<hbm>>
    %dma_wait3A_104 = arith.constant 0 : i32
    %dma_wait3A_105 = tpu.memref_slice %arg7[%dma_wait3A_99, %dma_wait3A_104] : memref<4x128xi32, #tpu.memory_space<vmem>> -> memref<1x128xi32, #tpu.memory_space<vmem>>
    %dma_wait3A_106 = tpu.memref_squeeze %dma_wait3A_105 : memref<1x128xi32, #tpu.memory_space<vmem>> -> memref<128xi32, #tpu.memory_space<vmem>>
    %dma_wait3A_107 = tpu.memref_slice %arg2[%add3A_25] : memref<16384xi32, #tpu.memory_space<hbm>> -> memref<128xi32, #tpu.memory_space<hbm>>
    tpu.wait_dma2 semaphore(%arg10 : memref<!tpu.dma_semaphore, #tpu.memory_space<semaphore_mem>>) src(%dma_wait3A_107 : memref<128xi32, #tpu.memory_space<hbm>>) dst(%dma_wait3A_106 : memref<128xi32, #tpu.memory_space<vmem>>)
    %dma_wait3A_108 = arith.constant 3 : i32
    %dma_wait3A_109 = arith.constant 0 : i32
    %dma_wait3A_110 = tpu.memref_slice %arg7[%dma_wait3A_108, %dma_wait3A_109] : memref<4x128xi32, #tpu.memory_space<vmem>> -> memref<1x128xi32, #tpu.memory_space<vmem>>
    %dma_wait3A_111 = tpu.memref_squeeze %dma_wait3A_110 : memref<1x128xi32, #tpu.memory_space<vmem>> -> memref<128xi32, #tpu.memory_space<vmem>>
    %dma_wait3A_112 = tpu.memref_slice %arg2[%add3A_36] : memref<16384xi32, #tpu.memory_space<hbm>> -> memref<128xi32, #tpu.memory_space<hbm>>
    %dma_wait3A_113 = arith.constant 0 : i32
    %dma_wait3A_114 = tpu.memref_slice %arg7[%dma_wait3A_108, %dma_wait3A_113] : memref<4x128xi32, #tpu.memory_space<vmem>> -> memref<1x128xi32, #tpu.memory_space<vmem>>
    %dma_wait3A_115 = tpu.memref_squeeze %dma_wait3A_114 : memref<1x128xi32, #tpu.memory_space<vmem>> -> memref<128xi32, #tpu.memory_space<vmem>>
    %dma_wait3A_116 = tpu.memref_slice %arg2[%add3A_36] : memref<16384xi32, #tpu.memory_space<hbm>> -> memref<128xi32, #tpu.memory_space<hbm>>
    tpu.wait_dma2 semaphore(%arg10 : memref<!tpu.dma_semaphore, #tpu.memory_space<semaphore_mem>>) src(%dma_wait3A_116 : memref<128xi32, #tpu.memory_space<hbm>>) dst(%dma_wait3A_115 : memref<128xi32, #tpu.memory_space<vmem>>)
    %dma_wait3A_117 = arith.constant 0 : i32
    %dma_wait3A_118 = arith.constant 0 : i32
    %dma_wait3A_119 = tpu.memref_slice %arg9[%dma_wait3A_117, %dma_wait3A_118] : memref<4x128xf32, #tpu.memory_space<vmem>> -> memref<1x128xf32, #tpu.memory_space<vmem>>
    %dma_wait3A_120 = tpu.memref_squeeze %dma_wait3A_119 : memref<1x128xf32, #tpu.memory_space<vmem>> -> memref<128xf32, #tpu.memory_space<vmem>>
    %dma_wait3A_121 = arith.constant 0 : i32
    %dma_wait3A_122 = tpu.memref_slice %arg8[%dma_wait3A_121] : memref<512xi32, #tpu.memory_space<vmem>> -> memref<128xi32, #tpu.memory_space<vmem>>
    %dma_wait3A_123 = arith.constant 0 : i32
    %dma_wait3A_124 = tpu.memref_slice %arg4[%dma_wait3A_123] : memref<16384xf32, #tpu.memory_space<hbm>> -> memref<16384xf32, #tpu.memory_space<hbm>>
    tpu.wait_indirect_dma semaphore(%arg12 : memref<!tpu.dma_semaphore, #tpu.memory_space<semaphore_mem>>) src(%dma_wait3A_124 : memref<16384xf32, #tpu.memory_space<hbm>>) dst(%dma_wait3A_120 : memref<128xf32, #tpu.memory_space<vmem>>)
    %dma_start3A_125 = arith.constant 0 : i32
    %dma_start3A_126 = arith.constant 0 : i32
    %dma_start3A_127 = arith.constant 0 : i32
    %dma_start3A_128 = tpu.memref_slice %arg9[%dma_start3A_125, %dma_start3A_127] : memref<4x128xf32, #tpu.memory_space<vmem>> -> memref<1x128xf32, #tpu.memory_space<vmem>>
    %dma_start3A_129 = tpu.memref_squeeze %dma_start3A_128 : memref<1x128xf32, #tpu.memory_space<vmem>> -> memref<128xf32, #tpu.memory_space<vmem>>
    %dma_start3A_130 = arith.constant 0 : i32
    %dma_start3A_131 = tpu.memref_slice %arg7[%dma_start3A_126, %dma_start3A_130] : memref<4x128xi32, #tpu.memory_space<vmem>> -> memref<1x128xi32, #tpu.memory_space<vmem>>
    %dma_start3A_132 = tpu.memref_squeeze %dma_start3A_131 : memref<1x128xi32, #tpu.memory_space<vmem>> -> memref<128xi32, #tpu.memory_space<vmem>>
    %dma_start3A_133 = arith.constant 0 : i32
    %dma_start3A_134 = tpu.memref_slice %arg5[%dma_start3A_133] : memref<1000000xf32, #tpu.memory_space<hbm>> -> memref<1000000xf32, #tpu.memory_space<hbm>>
    tpu.enqueue_indirect_dma source(%dma_start3A_129 : memref<128xf32, #tpu.memory_space<vmem>>) target(%dma_start3A_134 : memref<1000000xf32, #tpu.memory_space<hbm>>) offsets(%dma_start3A_132 : memref<128xi32, #tpu.memory_space<vmem>>) semaphore(%arg13 : memref<!tpu.dma_semaphore, #tpu.memory_space<semaphore_mem>>)
    %dma_wait3A_135 = arith.constant 1 : i32
    %dma_wait3A_136 = arith.constant 0 : i32
    %dma_wait3A_137 = tpu.memref_slice %arg9[%dma_wait3A_135, %dma_wait3A_136] : memref<4x128xf32, #tpu.memory_space<vmem>> -> memref<1x128xf32, #tpu.memory_space<vmem>>
    %dma_wait3A_138 = tpu.memref_squeeze %dma_wait3A_137 : memref<1x128xf32, #tpu.memory_space<vmem>> -> memref<128xf32, #tpu.memory_space<vmem>>
    %dma_wait3A_139 = arith.constant 128 : i32
    %dma_wait3A_140 = tpu.memref_slice %arg8[%dma_wait3A_139] : memref<512xi32, #tpu.memory_space<vmem>> -> memref<128xi32, #tpu.memory_space<vmem>>
    %dma_wait3A_141 = arith.constant 0 : i32
    %dma_wait3A_142 = tpu.memref_slice %arg4[%dma_wait3A_141] : memref<16384xf32, #tpu.memory_space<hbm>> -> memref<16384xf32, #tpu.memory_space<hbm>>
    tpu.wait_indirect_dma semaphore(%arg12 : memref<!tpu.dma_semaphore, #tpu.memory_space<semaphore_mem>>) src(%dma_wait3A_142 : memref<16384xf32, #tpu.memory_space<hbm>>) dst(%dma_wait3A_138 : memref<128xf32, #tpu.memory_space<vmem>>)
    %dma_start3A_143 = arith.constant 1 : i32
    %dma_start3A_144 = arith.constant 1 : i32
    %dma_start3A_145 = arith.constant 0 : i32
    %dma_start3A_146 = tpu.memref_slice %arg9[%dma_start3A_143, %dma_start3A_145] : memref<4x128xf32, #tpu.memory_space<vmem>> -> memref<1x128xf32, #tpu.memory_space<vmem>>
    %dma_start3A_147 = tpu.memref_squeeze %dma_start3A_146 : memref<1x128xf32, #tpu.memory_space<vmem>> -> memref<128xf32, #tpu.memory_space<vmem>>
    %dma_start3A_148 = arith.constant 0 : i32
    %dma_start3A_149 = tpu.memref_slice %arg7[%dma_start3A_144, %dma_start3A_148] : memref<4x128xi32, #tpu.memory_space<vmem>> -> memref<1x128xi32, #tpu.memory_space<vmem>>
    %dma_start3A_150 = tpu.memref_squeeze %dma_start3A_149 : memref<1x128xi32, #tpu.memory_space<vmem>> -> memref<128xi32, #tpu.memory_space<vmem>>
    %dma_start3A_151 = arith.constant 0 : i32
    %dma_start3A_152 = tpu.memref_slice %arg5[%dma_start3A_151] : memref<1000000xf32, #tpu.memory_space<hbm>> -> memref<1000000xf32, #tpu.memory_space<hbm>>
    tpu.enqueue_indirect_dma source(%dma_start3A_147 : memref<128xf32, #tpu.memory_space<vmem>>) target(%dma_start3A_152 : memref<1000000xf32, #tpu.memory_space<hbm>>) offsets(%dma_start3A_150 : memref<128xi32, #tpu.memory_space<vmem>>) semaphore(%arg13 : memref<!tpu.dma_semaphore, #tpu.memory_space<semaphore_mem>>)
    %dma_wait3A_153 = arith.constant 2 : i32
    %dma_wait3A_154 = arith.constant 0 : i32
    %dma_wait3A_155 = tpu.memref_slice %arg9[%dma_wait3A_153, %dma_wait3A_154] : memref<4x128xf32, #tpu.memory_space<vmem>> -> memref<1x128xf32, #tpu.memory_space<vmem>>
    %dma_wait3A_156 = tpu.memref_squeeze %dma_wait3A_155 : memref<1x128xf32, #tpu.memory_space<vmem>> -> memref<128xf32, #tpu.memory_space<vmem>>
    %dma_wait3A_157 = arith.constant 256 : i32
    %dma_wait3A_158 = tpu.memref_slice %arg8[%dma_wait3A_157] : memref<512xi32, #tpu.memory_space<vmem>> -> memref<128xi32, #tpu.memory_space<vmem>>
    %dma_wait3A_159 = arith.constant 0 : i32
    %dma_wait3A_160 = tpu.memref_slice %arg4[%dma_wait3A_159] : memref<16384xf32, #tpu.memory_space<hbm>> -> memref<16384xf32, #tpu.memory_space<hbm>>
    tpu.wait_indirect_dma semaphore(%arg12 : memref<!tpu.dma_semaphore, #tpu.memory_space<semaphore_mem>>) src(%dma_wait3A_160 : memref<16384xf32, #tpu.memory_space<hbm>>) dst(%dma_wait3A_156 : memref<128xf32, #tpu.memory_space<vmem>>)
    %dma_start3A_161 = arith.constant 2 : i32
    %dma_start3A_162 = arith.constant 2 : i32
    %dma_start3A_163 = arith.constant 0 : i32
    %dma_start3A_164 = tpu.memref_slice %arg9[%dma_start3A_161, %dma_start3A_163] : memref<4x128xf32, #tpu.memory_space<vmem>> -> memref<1x128xf32, #tpu.memory_space<vmem>>
    %dma_start3A_165 = tpu.memref_squeeze %dma_start3A_164 : memref<1x128xf32, #tpu.memory_space<vmem>> -> memref<128xf32, #tpu.memory_space<vmem>>
    %dma_start3A_166 = arith.constant 0 : i32
    %dma_start3A_167 = tpu.memref_slice %arg7[%dma_start3A_162, %dma_start3A_166] : memref<4x128xi32, #tpu.memory_space<vmem>> -> memref<1x128xi32, #tpu.memory_space<vmem>>
    %dma_start3A_168 = tpu.memref_squeeze %dma_start3A_167 : memref<1x128xi32, #tpu.memory_space<vmem>> -> memref<128xi32, #tpu.memory_space<vmem>>
    %dma_start3A_169 = arith.constant 0 : i32
    %dma_start3A_170 = tpu.memref_slice %arg5[%dma_start3A_169] : memref<1000000xf32, #tpu.memory_space<hbm>> -> memref<1000000xf32, #tpu.memory_space<hbm>>
    tpu.enqueue_indirect_dma source(%dma_start3A_165 : memref<128xf32, #tpu.memory_space<vmem>>) target(%dma_start3A_170 : memref<1000000xf32, #tpu.memory_space<hbm>>) offsets(%dma_start3A_168 : memref<128xi32, #tpu.memory_space<vmem>>) semaphore(%arg13 : memref<!tpu.dma_semaphore, #tpu.memory_space<semaphore_mem>>)
    %dma_wait3A_171 = arith.constant 3 : i32
    %dma_wait3A_172 = arith.constant 0 : i32
    %dma_wait3A_173 = tpu.memref_slice %arg9[%dma_wait3A_171, %dma_wait3A_172] : memref<4x128xf32, #tpu.memory_space<vmem>> -> memref<1x128xf32, #tpu.memory_space<vmem>>
    %dma_wait3A_174 = tpu.memref_squeeze %dma_wait3A_173 : memref<1x128xf32, #tpu.memory_space<vmem>> -> memref<128xf32, #tpu.memory_space<vmem>>
    %dma_wait3A_175 = arith.constant 384 : i32
    %dma_wait3A_176 = tpu.memref_slice %arg8[%dma_wait3A_175] : memref<512xi32, #tpu.memory_space<vmem>> -> memref<128xi32, #tpu.memory_space<vmem>>
    %dma_wait3A_177 = arith.constant 0 : i32
    %dma_wait3A_178 = tpu.memref_slice %arg4[%dma_wait3A_177] : memref<16384xf32, #tpu.memory_space<hbm>> -> memref<16384xf32, #tpu.memory_space<hbm>>
    tpu.wait_indirect_dma semaphore(%arg12 : memref<!tpu.dma_semaphore, #tpu.memory_space<semaphore_mem>>) src(%dma_wait3A_178 : memref<16384xf32, #tpu.memory_space<hbm>>) dst(%dma_wait3A_174 : memref<128xf32, #tpu.memory_space<vmem>>)
    %dma_start3A_179 = arith.constant 3 : i32
    %dma_start3A_180 = arith.constant 3 : i32
    %dma_start3A_181 = arith.constant 0 : i32
    %dma_start3A_182 = tpu.memref_slice %arg9[%dma_start3A_179, %dma_start3A_181] : memref<4x128xf32, #tpu.memory_space<vmem>> -> memref<1x128xf32, #tpu.memory_space<vmem>>
    %dma_start3A_183 = tpu.memref_squeeze %dma_start3A_182 : memref<1x128xf32, #tpu.memory_space<vmem>> -> memref<128xf32, #tpu.memory_space<vmem>>
    %dma_start3A_184 = arith.constant 0 : i32
    %dma_start3A_185 = tpu.memref_slice %arg7[%dma_start3A_180, %dma_start3A_184] : memref<4x128xi32, #tpu.memory_space<vmem>> -> memref<1x128xi32, #tpu.memory_space<vmem>>
    %dma_start3A_186 = tpu.memref_squeeze %dma_start3A_185 : memref<1x128xi32, #tpu.memory_space<vmem>> -> memref<128xi32, #tpu.memory_space<vmem>>
    %dma_start3A_187 = arith.constant 0 : i32
    %dma_start3A_188 = tpu.memref_slice %arg5[%dma_start3A_187] : memref<1000000xf32, #tpu.memory_space<hbm>> -> memref<1000000xf32, #tpu.memory_space<hbm>>
    tpu.enqueue_indirect_dma source(%dma_start3A_183 : memref<128xf32, #tpu.memory_space<vmem>>) target(%dma_start3A_188 : memref<1000000xf32, #tpu.memory_space<hbm>>) offsets(%dma_start3A_186 : memref<128xi32, #tpu.memory_space<vmem>>) semaphore(%arg13 : memref<!tpu.dma_semaphore, #tpu.memory_space<semaphore_mem>>)
    %dma_wait3A_189 = arith.constant 0 : i32
    %dma_wait3A_190 = arith.constant 0 : i32
    %dma_wait3A_191 = arith.constant 0 : i32
    %dma_wait3A_192 = tpu.memref_slice %arg9[%dma_wait3A_189, %dma_wait3A_191] : memref<4x128xf32, #tpu.memory_space<vmem>> -> memref<1x128xf32, #tpu.memory_space<vmem>>
    %dma_wait3A_193 = tpu.memref_squeeze %dma_wait3A_192 : memref<1x128xf32, #tpu.memory_space<vmem>> -> memref<128xf32, #tpu.memory_space<vmem>>
    %dma_wait3A_194 = arith.constant 0 : i32
    %dma_wait3A_195 = tpu.memref_slice %arg7[%dma_wait3A_190, %dma_wait3A_194] : memref<4x128xi32, #tpu.memory_space<vmem>> -> memref<1x128xi32, #tpu.memory_space<vmem>>
    %dma_wait3A_196 = tpu.memref_squeeze %dma_wait3A_195 : memref<1x128xi32, #tpu.memory_space<vmem>> -> memref<128xi32, #tpu.memory_space<vmem>>
    %dma_wait3A_197 = arith.constant 0 : i32
    %dma_wait3A_198 = tpu.memref_slice %arg5[%dma_wait3A_197] : memref<1000000xf32, #tpu.memory_space<hbm>> -> memref<1000000xf32, #tpu.memory_space<hbm>>
    tpu.wait_indirect_dma semaphore(%arg13 : memref<!tpu.dma_semaphore, #tpu.memory_space<semaphore_mem>>) src(%dma_wait3A_193 : memref<128xf32, #tpu.memory_space<vmem>>) dst(%dma_wait3A_198 : memref<1000000xf32, #tpu.memory_space<hbm>>)
    %dma_wait3A_199 = arith.constant 1 : i32
    %dma_wait3A_200 = arith.constant 1 : i32
    %dma_wait3A_201 = arith.constant 0 : i32
    %dma_wait3A_202 = tpu.memref_slice %arg9[%dma_wait3A_199, %dma_wait3A_201] : memref<4x128xf32, #tpu.memory_space<vmem>> -> memref<1x128xf32, #tpu.memory_space<vmem>>
    %dma_wait3A_203 = tpu.memref_squeeze %dma_wait3A_202 : memref<1x128xf32, #tpu.memory_space<vmem>> -> memref<128xf32, #tpu.memory_space<vmem>>
    %dma_wait3A_204 = arith.constant 0 : i32
    %dma_wait3A_205 = tpu.memref_slice %arg7[%dma_wait3A_200, %dma_wait3A_204] : memref<4x128xi32, #tpu.memory_space<vmem>> -> memref<1x128xi32, #tpu.memory_space<vmem>>
    %dma_wait3A_206 = tpu.memref_squeeze %dma_wait3A_205 : memref<1x128xi32, #tpu.memory_space<vmem>> -> memref<128xi32, #tpu.memory_space<vmem>>
    %dma_wait3A_207 = arith.constant 0 : i32
    %dma_wait3A_208 = tpu.memref_slice %arg5[%dma_wait3A_207] : memref<1000000xf32, #tpu.memory_space<hbm>> -> memref<1000000xf32, #tpu.memory_space<hbm>>
    tpu.wait_indirect_dma semaphore(%arg13 : memref<!tpu.dma_semaphore, #tpu.memory_space<semaphore_mem>>) src(%dma_wait3A_203 : memref<128xf32, #tpu.memory_space<vmem>>) dst(%dma_wait3A_208 : memref<1000000xf32, #tpu.memory_space<hbm>>)
    %dma_wait3A_209 = arith.constant 2 : i32
    %dma_wait3A_210 = arith.constant 2 : i32
    %dma_wait3A_211 = arith.constant 0 : i32
    %dma_wait3A_212 = tpu.memref_slice %arg9[%dma_wait3A_209, %dma_wait3A_211] : memref<4x128xf32, #tpu.memory_space<vmem>> -> memref<1x128xf32, #tpu.memory_space<vmem>>
    %dma_wait3A_213 = tpu.memref_squeeze %dma_wait3A_212 : memref<1x128xf32, #tpu.memory_space<vmem>> -> memref<128xf32, #tpu.memory_space<vmem>>
    %dma_wait3A_214 = arith.constant 0 : i32
    %dma_wait3A_215 = tpu.memref_slice %arg7[%dma_wait3A_210, %dma_wait3A_214] : memref<4x128xi32, #tpu.memory_space<vmem>> -> memref<1x128xi32, #tpu.memory_space<vmem>>
    %dma_wait3A_216 = tpu.memref_squeeze %dma_wait3A_215 : memref<1x128xi32, #tpu.memory_space<vmem>> -> memref<128xi32, #tpu.memory_space<vmem>>
    %dma_wait3A_217 = arith.constant 0 : i32
    %dma_wait3A_218 = tpu.memref_slice %arg5[%dma_wait3A_217] : memref<1000000xf32, #tpu.memory_space<hbm>> -> memref<1000000xf32, #tpu.memory_space<hbm>>
    tpu.wait_indirect_dma semaphore(%arg13 : memref<!tpu.dma_semaphore, #tpu.memory_space<semaphore_mem>>) src(%dma_wait3A_213 : memref<128xf32, #tpu.memory_space<vmem>>) dst(%dma_wait3A_218 : memref<1000000xf32, #tpu.memory_space<hbm>>)
    %dma_wait3A_219 = arith.constant 3 : i32
    %dma_wait3A_220 = arith.constant 3 : i32
    %dma_wait3A_221 = arith.constant 0 : i32
    %dma_wait3A_222 = tpu.memref_slice %arg9[%dma_wait3A_219, %dma_wait3A_221] : memref<4x128xf32, #tpu.memory_space<vmem>> -> memref<1x128xf32, #tpu.memory_space<vmem>>
    %dma_wait3A_223 = tpu.memref_squeeze %dma_wait3A_222 : memref<1x128xf32, #tpu.memory_space<vmem>> -> memref<128xf32, #tpu.memory_space<vmem>>
    %dma_wait3A_224 = arith.constant 0 : i32
    %dma_wait3A_225 = tpu.memref_slice %arg7[%dma_wait3A_220, %dma_wait3A_224] : memref<4x128xi32, #tpu.memory_space<vmem>> -> memref<1x128xi32, #tpu.memory_space<vmem>>
    %dma_wait3A_226 = tpu.memref_squeeze %dma_wait3A_225 : memref<1x128xi32, #tpu.memory_space<vmem>> -> memref<128xi32, #tpu.memory_space<vmem>>
    %dma_wait3A_227 = arith.constant 0 : i32
    %dma_wait3A_228 = tpu.memref_slice %arg5[%dma_wait3A_227] : memref<1000000xf32, #tpu.memory_space<hbm>> -> memref<1000000xf32, #tpu.memory_space<hbm>>
    tpu.wait_indirect_dma semaphore(%arg13 : memref<!tpu.dma_semaphore, #tpu.memory_space<semaphore_mem>>) src(%dma_wait3A_223 : memref<128xf32, #tpu.memory_space<vmem>>) dst(%dma_wait3A_228 : memref<1000000xf32, #tpu.memory_space<hbm>>)
    return
  }
}

module attributes {stable_mosaic.version = 14 : i64} {
  func.func @_tc_body(%arg0: i32, %arg1: memref<4096x128xf32, #tpu.memory_space<vmem>>, %arg2: memref<4096xf32, #tpu.memory_space<vmem>>, %arg3: memref<1x1xf32, #tpu.memory_space<smem>>) attributes {dimension_semantics = [#tpu.dimension_semantics<arbitrary>], iteration_bounds = array<i64: 4>, scalar_prefetch = 0 : i64, scratch_operands = 0 : i64, tpu.core_type = #tpu.core_type<tc>, window_params = [{transform_indices = @transform_0, window_bounds = array<i64: 4096, 128>}, {transform_indices = @transform_1, window_bounds = array<i64: 4096>}, {transform_indices = @transform_2, window_bounds = array<i64: 1, 1>}]} {
    %get3A = arith.constant 0 : index
    %get3A_0 = arith.constant 0 : index
    %get3A_1 = vector.load %arg1[%get3A, %get3A_0] : memref<4096x128xf32, #tpu.memory_space<vmem>>, vector<4096x128xf32>
    %exp3A = math.exp %get3A_1 : vector<4096x128xf32>
    %mul3A = arith.constant 5.000000e-01 : f32
    %mul3A_2 = vector.broadcast %mul3A : f32 to vector<4096x128xf32>
    %mul3A_3 = arith.mulf %mul3A_2, %exp3A : vector<4096x128xf32>
    %add3A = arith.constant 1.000000e+00 : f32
    %add3A_4 = vector.broadcast %add3A : f32 to vector<4096x128xf32>
    %add3A_5 = arith.addf %add3A_4, %mul3A_3 : vector<4096x128xf32>
    %div3A = arith.divf %exp3A, %add3A_5 : vector<4096x128xf32>
    %reduce_sum3A = arith.constant dense<0.000000e+00> : vector<4096xf32>
    %reduce_sum3A_6 = vector.multi_reduction <add>, %div3A, %reduce_sum3A [1] : vector<4096x128xf32> to vector<4096xf32>
    %broadcast_in_dim3A = vector.shape_cast %reduce_sum3A_6 : vector<4096xf32> to vector<4096x1xf32>
    %div3A_7 = arith.constant 1.280000e+02 : f32
    %div3A_8 = vector.broadcast %div3A_7 : f32 to vector<4096x1xf32>
    %div3A_9 = arith.divf %broadcast_in_dim3A, %div3A_8 : vector<4096x1xf32>
    %log3A = math.log %div3A_9 : vector<4096x1xf32>
    %squeeze3A = vector.shape_cast %log3A : vector<4096x1xf32> to vector<4096xf32>
    %swap3A = arith.constant 0 : index
    %swap3A_10 = vector.load %arg2[%swap3A] : memref<4096xf32, #tpu.memory_space<vmem>>, vector<4096xf32>
    tpu.vector_store %arg2[%swap3A], %squeeze3A {strides = array<i32>} : memref<4096xf32, #tpu.memory_space<vmem>>, vector<4096xf32>,
    %div3A_11 = vector.broadcast %div3A_9 : vector<4096x1xf32> to vector<4096x128xf32>
    %div3A_12 = arith.divf %exp3A, %div3A_11 : vector<4096x128xf32>
    %mul3A_13 = arith.constant 5.000000e-01 : f32
    %mul3A_14 = vector.broadcast %mul3A_13 : f32 to vector<4096x128xf32>
    %mul3A_15 = arith.mulf %mul3A_14, %div3A_12 : vector<4096x128xf32>
    %add3A_16 = arith.constant 1.000000e+00 : f32
    %add3A_17 = vector.broadcast %add3A_16 : f32 to vector<4096x128xf32>
    %add3A_18 = arith.addf %add3A_17, %mul3A_15 : vector<4096x128xf32>
    %log3A_19 = math.log %add3A_18 : vector<4096x128xf32>
    %reduce_sum3A_20 = vector.shape_cast %log3A_19 : vector<4096x128xf32> to vector<1x4096x128xf32>
    %reduce_sum3A_21 = arith.constant dense<0.000000e+00> : vector<1xf32>
    %reduce_sum3A_22 = vector.multi_reduction <add>, %reduce_sum3A_20, %reduce_sum3A_21 [1, 2] : vector<1x4096x128xf32> to vector<1xf32>
    %reduce_sum3A_23 = vector.shape_cast %reduce_sum3A_22 : vector<1xf32> to vector<1x1x1xf32>
    %reduce_sum3A_24 = vector.extract %reduce_sum3A_23[0, 0, 0] : f32 from vector<1x1x1xf32>
    %eq3A = arith.constant 0 : i32
    %eq3A_25 = arith.cmpi eq, %arg0, %eq3A : i32
    %convert_element_type3A = arith.extui %eq3A_25 : i1 to i32
    %cond3A = arith.constant 0 : i32
    %cond3A_26 = arith.cmpi ne, %convert_element_type3A, %cond3A : i32
    scf.if %cond3A_26 {
      %swap3A_34 = arith.constant 0.000000e+00 : f32
      %swap3A_35 = arith.constant 0 : index
      %swap3A_36 = arith.constant 0 : index
      %swap3A_37 = memref.load %arg3[%swap3A_35, %swap3A_36] : memref<1x1xf32, #tpu.memory_space<smem>>
      memref.store %swap3A_34, %arg3[%swap3A_35, %swap3A_36] : memref<1x1xf32, #tpu.memory_space<smem>>
    } else {
    }
    %get3A_27 = arith.constant 0 : index
    %get3A_28 = arith.constant 0 : index
    %get3A_29 = memref.load %arg3[%get3A_27, %get3A_28] : memref<1x1xf32, #tpu.memory_space<smem>>
    %add3A_30 = arith.addf %get3A_29, %reduce_sum3A_24 : f32
    %swap3A_31 = arith.constant 0 : index
    %swap3A_32 = arith.constant 0 : index
    %swap3A_33 = memref.load %arg3[%swap3A_31, %swap3A_32] : memref<1x1xf32, #tpu.memory_space<smem>>
    memref.store %add3A_30, %arg3[%swap3A_31, %swap3A_32] : memref<1x1xf32, #tpu.memory_space<smem>>
    return
  }
  func.func @transform_0(%arg0: i32) -> (i32, i32) {
    %c0_i32 = arith.constant 0 : i32
    %c0_i32_0 = arith.constant 0 : i32
    return %arg0, %c0_i32 : i32, i32
  }
  func.func @transform_1(%arg0: i32) -> i32 {
    %c0_i32 = arith.constant 0 : i32
    return %arg0 : i32
  }
  func.func @transform_2(%arg0: i32) -> (i32, i32) {
    %c0_i32 = arith.constant 0 : i32
    %c0_i32_0 = arith.constant 0 : i32
    %c0_i32_1 = arith.constant 0 : i32
    return %c0_i32, %c0_i32_0 : i32, i32
  }
}

</mosaic_0001>

<sc_bundles>
// kernel: kernel.5.cloned.1.call-start
scs
__scs_entry_jumppad:
0x0: {  	(pc) =	sbr.rel $0x88, $3  }
0x1: {  	(tag) =	ssettag $0x0;
	lr =	simm.s32 $0x1  }
0x2: {  	[smem:$0x3F9F] =	sst lr;
	_ =	strace $0xD0000000  }
0x3: {  	_ = 	snop  }
0x4: {  	_ = 	snop  }
0x5: {  	_ = 	snop  }
0x6: {  	_ = 	snop  }
0x7: {  	_ = 	snop  }
__scs_overlays_trampoline_lowered:
0x8: {  	[smem:$0x3FAE] =	sst s0  }
0x9: {  	[smem:$0x3FAF] =	sst s1  }
0xa: {  	[smem:$0x3FB0] =	sst s2  }
0xb: {  	[smem:$0x3FB1] =	sst s3  }
0xc: {  	[smem:$0x3FB2] =	sst s4  }
0xd: {  	[smem:$0x3FB3] =	sst s5  }
0xe: {  	[smem:$0x3FB4] =	sst s6  }
0xf: {  	[smem:$0x3FB5] =	sst s7  }
0x10: {  	[smem:$0x3FB6] =	sst s8  }
0x11: {  	[smem:$0x3FB7] =	sst s9;
	s0 =	simm.s32 @!p0 $0x0  }
0x12: {  	s1 =	sld [smem:$0x3F9D];
	s0 =	simm.s32 @p0 $0x1  }
0x13: {  	[smem:$0x3FB8] =	sst s0;
	s0 =	simm.s32 @!p1 $0x0  }
0x14: {  	s2 =	sld [smem:$0x3F9C];
	s0 =	simm.s32 @p1 $0x1  }
0x15: {  	[smem:$0x3FB9] =	sst s0;
	s0 =	simm.s32 @!p2 $0x0  }
0x16: {  	s3 =	sld [smem:$0x3FDB];
	s0 =	simm.s32 @p2 $0x1  }
0x17: {  	s4 =	simm.s32 $0x1BF5;
	[smem:$0x3FBB] =	sst s0  }
0x18: {  	s0 =	sld [smem:$0x3F9E];
	_ =	swait.ge [sflag:s4], $0x0  }
0x19: {  	s7 =	sld [smem:$0x3F9F]  }
0x1a: {  	s8 =	sadd.s32 $0xFFFFE003, lr  }
0x1b: {  	s9 =	sadd.s32 $0xFFFFFEF7, lr;
	s5 =	simm.s32 $0xFFFFFFFF;
	p2 =	slt.u32 s8, $0xFFFFF086  }
0x1c: {  	p1 =	slt.u32 s9, $0xF7A;
	s5 =	simm.s32 @!p2 $0x0  }
0x1d: {  	s5 =	simm.s32 @p1 $0x1;
	p0 =	seq.s32 s7, s2  }
0x1e: {  	s7 =	smul.u32 @!p0 $0xF7A, s2;
	p2 =	seq.s32 @!p0 s5, $0x0  }
0x1f: {  	s9 =	smul.u32 $0xF7A, s1;
	s8 =	simm.s32 @!p0 $0x1BF5;
	p2 =	por !p2, p0  }
0x20: {  	[sflag:s8] =	ssyncset.s32 @!p0 $0xFFFFF086;
	s6 =	sadd.s32 @!p0 s3, s7;
	s7 =	simm.s32 @!p0 $0x108  }
0x21: {  	s3 =	sadd.s32 s3, s9;
	s6 =	sadd.s32 @!p0 $0x88, s6;
	s7 =	simm.s32 @p2 $0x1082  }
0x22: {  	[simem:s7], [sflag:s8] =	dma.local @!p0 [hbm:s6], $0xF7A  }
0x23: {  	s9 =	sor.u32 $0xD0000000, s2;
	s6 =	simm.s32 $0x108;
	_ =	swait.ge @!p0 [sflag:s8], $0x0  }
0x24: {  	s3 =	sadd.s32 $0x88, s3;
	s6 =	simm.s32 @!p1 $0x1082;
	[sflag:s4] =	ssyncset.s32 $0xFFFFF086  }
0x25: {  	[simem:s6], [sflag:s4] =	dma.local [hbm:s3], $0xF7A  }
0x26: {  	[smem:$0x3F9F] =	sst s1;
	(tag) =	ssettag s2;
	_ =	strace s9  }
0x27: {  	s1 =	sld [smem:$0x3FAF]  }
0x28: {  	s2 =	sld [smem:$0x3FB0]  }
0x29: {  	s4 =	sld [smem:$0x3FB2]  }
0x2a: {  	p0 =	seq.s32 s5, $0x0;
	s5 =	sld [smem:$0x3FB3]  }
0x2b: {  	s6 =	sld [smem:$0x3FB4]  }
0x2c: {  	s7 =	sld [smem:$0x3FB5]  }
0x2d: {  	s3 =	simm.s32 $0x108;
	s8 =	sld [smem:$0x3FB6]  }
0x2e: {  	s3 =	simm.s32 @!p0 $0x1082;
	s9 =	sld [smem:$0x3FB7]  }
0x2f: {  	lr =	sadd.s32 s0, s3;
	s0 =	sld [smem:$0x3FAE]  }
0x30: {  	s3 =	sld [smem:$0x3FB1]  }
0x31: {  	[smem:$0x3FBA] =	sst s10  }
0x32: {  	s10 =	sld [smem:$0x3FB8];
	_ =	sdelay $0x3  }
0x33: {  	p0 =	seq.s32 s10, $0x1;
	s10 =	sld [smem:$0x3FBA];
	_ =	sdelay $0x3  }
0x34: {  	[smem:$0x3FBA] =	sst s10  }
0x35: {  	s10 =	sld [smem:$0x3FB9];
	_ =	sdelay $0x3  }
0x36: {  	p1 =	seq.s32 s10, $0x1;
	s10 =	sld [smem:$0x3FBA];
	_ =	sdelay $0x3  }
0x37: {  	[smem:$0x3FBA] =	sst s10  }
0x38: {  	s10 =	sld [smem:$0x3FBB]  }
0x39: {  	_ = 	snop;
	(pc) =	sbr.ind lr, $3  }
0x3a: {  	_ = 	snop  }
0x3b: {  	_ = 	snop  }
0x3c: {  	p2 =	seq.s32 s10, $0x1;
	s10 =	sld [smem:$0x3FBA]  }
0x3d: {  	_ =	shalt  }
0x3e: {  	_ =	shalt  }
0x3f: {  	_ =	shalt  }
0x40: {  	_ =	shalt  }
0x41: {  	_ =	shalt  }
0x42: {  	_ =	shalt  }
0x43: {  	_ =	shalt  }
0x44: {  	_ =	shalt  }
0x45: {  	_ =	shalt  }
0x46: {  	_ =	shalt  }
0x47: {  	_ =	shalt  }
0x48: {  	_ =	shalt  }
0x49: {  	_ =	shalt  }
0x4a: {  	_ =	shalt  }
0x4b: {  	_ =	shalt  }
0x4c: {  	_ =	shalt  }
0x4d: {  	_ =	shalt  }
0x4e: {  	_ =	shalt  }
0x4f: {  	_ =	shalt  }
0x50: {  	_ =	shalt  }
0x51: {  	_ =	shalt  }
0x52: {  	_ =	shalt  }
0x53: {  	_ =	shalt  }
0x54: {  	_ =	shalt  }
0x55: {  	_ =	shalt  }
0x56: {  	_ =	shalt  }
0x57: {  	_ =	shalt  }
0x58: {  	_ =	shalt  }
0x59: {  	_ =	shalt  }
0x5a: {  	_ =	shalt  }
0x5b: {  	_ =	shalt  }
0x5c: {  	_ =	shalt  }
0x5d: {  	_ =	shalt  }
0x5e: {  	_ =	shalt  }
0x5f: {  	_ =	shalt  }
0x60: {  	_ =	shalt  }
0x61: {  	_ =	shalt  }
0x62: {  	_ =	shalt  }
0x63: {  	_ =	shalt  }
0x64: {  	_ =	shalt  }
0x65: {  	_ =	shalt  }
0x66: {  	_ =	shalt  }
0x67: {  	_ =	shalt  }
0x68: {  	_ =	shalt  }
0x69: {  	_ =	shalt  }
0x6a: {  	_ =	shalt  }
0x6b: {  	_ =	shalt  }
0x6c: {  	_ =	shalt  }
0x6d: {  	_ =	shalt  }
0x6e: {  	_ =	shalt  }
0x6f: {  	_ =	shalt  }
0x70: {  	_ =	shalt  }
0x71: {  	_ =	shalt  }
0x72: {  	_ =	shalt  }
0x73: {  	_ =	shalt  }
0x74: {  	_ =	shalt  }
0x75: {  	_ =	shalt  }
0x76: {  	_ =	shalt  }
0x77: {  	_ =	shalt  }
0x78: {  	_ =	shalt  }
0x79: {  	_ =	shalt  }
0x7a: {  	_ =	shalt  }
0x7b: {  	_ =	shalt  }
0x7c: {  	_ =	shalt  }
0x7d: {  	_ =	shalt  }
0x7e: {  	_ =	shalt  }
0x7f: {  	_ =	shalt  }
0x80: {  	_ =	shalt  }
0x81: {  	_ =	shalt  }
0x82: {  	_ =	shalt  }
0x83: {  	_ =	shalt  }
0x84: {  	_ =	shalt  }
0x85: {  	_ =	shalt  }
0x86: {  	_ =	shalt  }
0x87: {  	_ =	shalt  }
.Lfunc_end0:
.L_simem_size_0:
called_computation_lowered:
.L_overlay_start_0:
0x88: {  	s2 =	sld [smem:$0x3FD9]  }
0x89: {  	s3 =	sld [smem:$0x3FFE];
	_ =	sdelay $0x1  }
0x8a: {  	s1 =	srdreg.scid  }
0x8b: {  	s0 =	sand.u32 $0x1, s1  }
0x8c: {  	s17 =	sshll.u32 s0, $0xA;
	s2 =	sadd.s32 s3, s2  }
0x8d: {  	s2 =	sadd.s32 s2, s17  }
0x8e: {  	[smem:$0x3FC6] =	sst s2  }
0x8f: {  	_ = 	snop  }
0x90: {  	s2 =	sld [smem:$0x3FC8];
	(tm) =	ssettm $0x1  }
0x91: {  	s18 =	sld [smem:$0x3FFB];
	_ =	sdelay $0x3  }
0x92: {  	_ =	strace s18  }
0x93: {  	s3 =	sld [smem:$0x3FFC];
	_ =	sdelay $0x3  }
0x94: {  	_ =	strace s3  }
0x95: {  	s3 =	sld [smem:$0x3FFD];
	_ =	sdelay $0x3  }
0x96: {  	_ =	strace s3  }
0x97: {  	_ =	strace $0x8FFFFFFF  }
0x98: {  	s19 =	sld [smem:$0x3FDB];
	_ =	sdelay $0x1  }
0x99: {  	s4 =	simm.s32 $_scs_section_size  }
0x9a: {  	s5 =	simm.s32 $_size__tile_overlayer_lowered;
	s6 =	simm.s32 $_tile_overlayer_lowered  }
0x9b: {  	s22 =	simm.s32 $0x1BFF;
	s21 =	sshll.u32 s6, $0x1;
	s3 =	sadd.s32 s4, s19  }
0x9c: {  	s7 =	simm.s32 $0x0;
	s20 =	sshll.u32 s5, $0x1;
	s5 =	sadd.s32 s21, s3  }
0x9d: {  	[timem:s7], [sflag:s22] =	dma.local [hbm:s5], s20  }
0x9e: {  	_ =	swait.ge [sflag:s22], s20  }
0x9f: {  	s4 =	ssub.s32 $0x0, s20;
	[sflag:s22] =	ssyncset.done $0x0  }
0xa0: {  	[sflag:s22] =	ssyncadd.s32 s4;
	_ =	sdelay $0x1  }
0xa1: {  	s23 =	simm.s32 $0x1B8B  }
0xa2: {  	_ =	swait.ge [sflag:s23], $0x1  }
0xa3: {  	[sflag:s23] =	ssyncset.done $0x0  }
0xa4: {  	s25 =	simm.s32 $0x1B8E;
	s24 =	sld [smem:$0x3FFE];
	[sflag:s23] =	ssyncadd.s32 $0xFFFFFFFF  }
0xa5: {  	s26 =	simm.s32 $execute0_lowered;
	[smem:$0x3FD2] =	sst s25  }
0xa6: {  	s5 =	sshll.u32 s26, $0x1;
	_ =	strace $0x80000046;
	[dreg:$0x1] =	wrdreg $0xFFFFFFFF  }
0xa7: {  	s28 =	simm.s32 $_size_execute0_lowered;
	s3 =	sadd.s32 s3, s5;
	[dreg:$0x0] =	wrdreg $0x0  }
0xa8: {  	s5 =	sshll.u32 s28, $0x1;
	[dreg:$0x2] =	wrdreg s3  }
0xa9: {  	[dreg:$0x3] =	wrdreg s5  }
0xaa: {  	[dreg:$0x4] =	wrdreg $0xC0  }
0xab: {  	_ =	task [dreg:s7], $0x5FFFF  }
0xac: {  	[dreg:$0x1] =	wrdreg $0xFFFFFFFF  }
0xad: {  	[dreg:$0x0] =	wrdreg $0x60  }
0xae: {  	[dreg:$0x2] =	wrdreg s2  }
0xaf: {  	[dreg:$0x3] =	wrdreg s24  }
0xb0: {  	[dreg:$0x4] =	wrdreg $0x10000  }
0xb1: {  	[dreg:$0x5] =	wrdreg $0x9  }
0xb2: {  	_ =	task.clear_ibuf [dreg:s7], $0x6FFFF;
	_ =	strace $0x90000046  }
0xb3: {  	s29 =	simm.s32 $0x9;
	_ =	strace $0x80000048  }
0xb4: {  	_ =	swait.ge [sflag:s29], $0x1  }
0xb5: {  	[sflag:s29] =	ssyncadd.s32 $0xFFFFFFFF  }
0xb6: {  	_ =	strace $0x90000048  }
0xb7: {  	_ =	sfence  }
0xb8: {  	s30 =	sld [smem:$0x0];
	_ =	sdelay $0x2  }
0xb9: {  	s31 =	sshll.u32 s1, $0xD;
	s1 =	sshrl.u32 s1, $0x2  }
0xba: {  	s3 =	sand.u32 $0x4000, s31;
	s1 =	sadd.s32 s1, s30  }
0xbb: {  	s0 =	sor.u32 s3, s0;
	s1 =	sshll.u32 s1, $0x11  }
0xbc: {  	s0 =	sor.u32 s1, s0  }
0xbd: {  	s0 =	sadd.s32 $0x8F2B, s0  }
0xbe: {  	[sflag:s0] =	ssyncadd.remote.s32 $0x1  }
0xbf: {  	_ =	sfence.sel $0xFFFF  }
0xc0: {  	[dreg:$0x0] =	wrdreg $0xFFFFFFFF;
	(pc) =	sbr.abs _section_cstart, $3  }
0xc1: {  	[dreg:$0x1] =	wrdreg $0xFFFFFFFF  }
0xc2: {  	_ =	task.clear_ibuf [dreg:s7], $0x2FFFF;
	_ =	strace $0x9FFFFFFF  }
0xc3: {  	(tm) =	ssettm $0x7FFFFFFF  }
tec
execute0_lowered:
.L_overlay_start_1:
0x0: {  	(tag) =	ssettag $0x1  }
0x1: {  	s4 =	rddreg [dreg:$0x0]  }
0x2: {  	s0 =	rddreg [dreg:$0x1]  }
0x3: {  	s1 =	rddreg [dreg:$0x2]  }
0x4: {  	s2 =	srdreg.scid;
	s3 =	simm.s32 $0x0;
	s8 =	stileid.u32  }
0x5: {  	s5 =	sand.u32 $0x1, s2;
	[smem:$0x7FF] =	sst s3;
	s7 =	sshll.u32 s8, $0x7  }
0x6: {  	s2 =	ssub.s32 $0x2, s5;
	_ =	strace $0x80000047;
	s0 =	sadd.s32 s7, s0  }
0x7: {  	s7 =	sadd.s32 s4, s7;
	s6 =	sshrl.u32 s2, $0x1;
	[dreg:$0xf] =	wrdreg s0  }
0x8: {  	[dreg:$0x4] =	wrdreg s7;
	s6 =	ssub.s32 s2, s6  }
0x9: {  	p0 =	sne.s32 s5, $0x0;
	[dreg:$0x10] =	wrdreg s6;
	s6 =	sshll.u32 s8, $0xA  }
0xa: {  	v0 =	vlaneseq.u32;
	s9 =	sor.u32 $0x10, s6;
	s24 =	sor.u32 $0x20, s6;
	s2 =	sor.u32 $0x80, s6  }
0xb: {  	s10 =	sor.u32 $0x100, s6;
	s25 =	sor.u32 $0x180, s6;
	s13 =	sor.u32 $0x200, s6;
	v31 =	vor.u32 s6, v0  }
0xc: {  	s12 =	sor.u32 $0x280, s6;
	s11 =	sor.u32 $0x300, s6;
	s8 =	sor.u32 $0x380, s6;
	v1 =	vor.u32 s9, v0;
	[tilespmem:$0x1FDE0] =	vst v31  }
0xd: {  	s5 =	sor.u32 $0x40, s6;
	s30 =	sor.u32 $0xF0, s6;
	[dreg:$0x12] =	wrdreg s13;
	v62 =	vor.u32 s24, v0;
	[tilespmem:$0x1FC00] =	vst v1  }
0xe: {  	s0 =	sor.u32 $0x110, s6;
	s28 =	sor.u32 $0x1A0, s6;
	[dreg:$0x11] =	wrdreg s12;
	v4 =	vor.u32 s5, v0;
	[tilespmem:$0x1FC10] =	vst v62  }
0xf: {  	s29 =	sor.u32 $0x1B0, s6;
	s31 =	sor.u32 $0x1C0, s6;
	[dreg:$0xe] =	wrdreg s11;
	v8 =	vor.u32 s2, v0;
	[tilespmem:$0x1FC30] =	vst v4  }
0x10: {  	s15 =	sshrl.u32 s2, $0x3;
	[dreg:$0xd] =	wrdreg s8;
	s9 =	sor.u32 $0x1D0, s6;
	v15 =	vor.u32 s30, v0;
	[tilespmem:$0x1FC70] =	vst v8  }
0x11: {  	s17 =	sshrl.u32 s25, $0x3;
	v16 =	vor.u32 s10, v0;
	v24 =	vor.u32 s25, v0;
	s25 =	sor.u32 $0x3B0, s6;
	[smem:$0x7F6] =	sst s9;
	[tilespmem:$0x1FCE0] =	vst v15  }
0x12: {  	s16 =	sshrl.u32 s13, $0x3;
	s5 =	sor.u32 $0x240, s6;
	v17 =	vor.u32 s0, v0;
	[tilespmem:$0x1FCF0] =	vst v16;
	[dreg:$0x13] =	wrdreg s25  }
0x13: {  	s21 =	sshrl.u32 s12, $0x3;
	s14 =	sadd.s32 s4, s15;
	[tilespmem:$0x1FD00] =	vst v17;
	v37 =	vor.u32 s5, v0;
	s5 =	rddreg [dreg:$0xe]  }
0x14: {  	s22 =	sshrl.u32 s11, $0x3;
	v26 =	vor.u32 s28, v0;
	s19 =	sadd.s32 s4, s17;
	[tilespmem:$0x1FD70] =	vst v24;
	[dreg:$0x5] =	wrdreg s14  }
0x15: {  	s23 =	sshrl.u32 s8, $0x3;
	v27 =	vor.u32 s29, v0;
	s20 =	sadd.s32 s4, s16;
	[tilespmem:$0x1FD90] =	vst v26;
	[dreg:$0x7] =	wrdreg s19  }
0x16: {  	s11 =	sor.u32 $0x130, s6;
	v28 =	vor.u32 s31, v0;
	s26 =	sadd.s32 s4, s21;
	[tilespmem:$0x1FDA0] =	vst v27;
	[dreg:$0x8] =	wrdreg s20  }
0x17: {  	s12 =	sor.u32 $0x140, s6;
	s7 =	sadd.s32 s4, s22;
	v19 =	vor.u32 s11, v0;
	[tilespmem:$0x1FDB0] =	vst v28;
	[dreg:$0x9] =	wrdreg s26  }
0x18: {  	s13 =	sor.u32 $0x150, s6;
	s8 =	sadd.s32 s4, s23;
	v20 =	vor.u32 s12, v0;
	[dreg:$0xa] =	wrdreg s7;
	[tilespmem:$0x1FD20] =	vst v19  }
0x19: {  	s24 =	sor.u32 $0x230, s6;
	s9 =	sor.u32 $0x1E0, s6;
	v21 =	vor.u32 s13, v0;
	[dreg:$0xb] =	wrdreg s8;
	[tilespmem:$0x1FD30] =	vst v20  }
0x1a: {  	s2 =	sor.u32 $0x270, s6;
	s13 =	sor.u32 $0x3E0, s6;
	v36 =	vor.u32 s24, v0;
	[smem:$0x7F7] =	sst s9;
	[tilespmem:$0x1FD40] =	vst v21  }
0x1b: {  	s15 =	sshrl.u32 s10, $0x3;
	s11 =	sor.u32 $0x350, s6;
	[dreg:$0x15] =	wrdreg s13;
	[tilespmem:$0x1FE30] =	vst v36  }
0x1c: {  	s30 =	sor.u32 $0x2E0, s6;
	v40 =	vor.u32 s2, v0;
	s18 =	sadd.s32 s4, s15;
	[tilespmem:$0x1FE40] =	vst v37;
	v54 =	vor.u32 s11, v0;
	s11 =	rddreg [dreg:$0xd]  }
0x1d: {  	s16 =	sor.u32 $0x70, s6;
	v47 =	vor.u32 s30, v0;
	s9 =	sor.u32 $0x1F0, s6;
	[tilespmem:$0x1FE70] =	vst v40;
	[dreg:$0x6] =	wrdreg s18  }
0x1e: {  	s17 =	sor.u32 $0x90, s6;
	v7 =	vor.u32 s16, v0;
	s16 =	sor.u32 $0x260, s6;
	[tilespmem:$0x1FEE0] =	vst v47;
	[smem:$0x7F8] =	sst s9  }
0x1f: {  	s21 =	sor.u32 $0xD0, s6;
	v9 =	vor.u32 s17, v0;
	s17 =	sor.u32 $0x290, s6;
	[tilespmem:$0x1FC60] =	vst v7;
	[smem:$0x7FA] =	sst s16  }
0x20: {  	s22 =	sor.u32 $0xE0, s6;
	v13 =	vor.u32 s21, v0;
	s21 =	sor.u32 $0x360, s6;
	[tilespmem:$0x1FC80] =	vst v9;
	[dreg:$0x1e] =	wrdreg s17  }
0x21: {  	s23 =	sor.u32 $0x170, s6;
	v14 =	vor.u32 s22, v0;
	s22 =	sor.u32 $0x370, s6;
	[tilespmem:$0x1FCC0] =	vst v13;
	[dreg:$0x1d] =	wrdreg s21  }
0x22: {  	s10 =	sor.u32 $0x2F0, s6;
	v23 =	vor.u32 s23, v0;
	s23 =	sor.u32 $0x390, s6;
	[tilespmem:$0x1FCD0] =	vst v14;
	[dreg:$0x18] =	wrdreg s22  }
0x23: {  	s14 =	sor.u32 $0x160, s6;
	v48 =	vor.u32 s10, v0;
	[tilespmem:$0x1FD60] =	vst v23;
	[dreg:$0x19] =	wrdreg s23  }
0x24: {  	s15 =	sor.u32 $0x60, s6;
	v49 =	vor.u32 s5, v0;
	v22 =	vor.u32 s14, v0;
	s14 =	sld [smem:$0x7F6];
	[tilespmem:$0x1FEF0] =	vst v48  }
0x25: {  	s12 =	sor.u32 $0x3A0, s6;
	v6 =	vor.u32 s15, v0;
	s15 =	sld [smem:$0x7F7];
	[tilespmem:$0x1FF00] =	vst v49  }
0x26: {  	s4 =	sor.u32 $0x30, s6;
	v59 =	vor.u32 s12, v0;
	s23 =	rddreg [dreg:$0x11];
	[tilespmem:$0x1FF50] =	vst v54  }
0x27: {  	s7 =	sor.u32 $0x50, s6;
	v63 =	vor.u32 s4, v0;
	s9 =	sor.u32 $0x220, s6;
	v57 =	vor.u32 s11, v0;
	[tilespmem:$0x1FFA0] =	vst v59;
	s11 =	rddreg [dreg:$0x13]  }
0x28: {  	s19 =	sor.u32 $0xB0, s6;
	v5 =	vor.u32 s7, v0;
	s16 =	sor.u32 $0x2C0, s6;
	[tilespmem:$0x1FC20] =	vst v63;
	[smem:$0x7F9] =	sst s9  }
0x29: {  	s20 =	sor.u32 $0xC0, s6;
	s17 =	sor.u32 $0x2D0, s6;
	[tilespmem:$0x1FC40] =	vst v5;
	[smem:$0x7FC] =	sst s16  }
0x2a: {  	s8 =	sor.u32 $0x120, s6;
	v11 =	vor.u32 s19, v0;
	s19 =	sor.u32 $0x320, s6;
	[tilespmem:$0x1FC50] =	vst v6;
	[smem:$0x7FD] =	sst s17  }
0x2b: {  	s26 =	sor.u32 $0x190, s6;
	v12 =	vor.u32 s20, v0;
	s20 =	sor.u32 $0x340, s6;
	[tilespmem:$0x1FCA0] =	vst v11;
	[dreg:$0x1c] =	wrdreg s19  }
0x2c: {  	v18 =	vor.u32 s8, v0;
	v25 =	vor.u32 s26, v0;
	s26 =	sor.u32 $0x3C0, s6;
	[tilespmem:$0x1FCB0] =	vst v12;
	[dreg:$0x17] =	wrdreg s20  }
0x2d: {  	[tilespmem:$0x1FD10] =	vst v18;
	[dreg:$0x1a] =	wrdreg s26  }
0x2e: {  	[tilespmem:$0x1FD50] =	vst v22;
	s17 =	rddreg [dreg:$0xf]  }
0x2f: {  	s18 =	sor.u32 $0xA0, s6;
	[tilespmem:$0x1FD80] =	vst v25;
	s19 =	sld [smem:$0x7F8]  }
0x30: {  	s4 =	sor.u32 $0x210, s6;
	v10 =	vor.u32 s18, v0;
	s20 =	rddreg [dreg:$0x12];
	[tilespmem:$0x1FF80] =	vst v57  }
0x31: {  	s7 =	sor.u32 $0x250, s6;
	v34 =	vor.u32 s4, v0;
	s22 =	sld [smem:$0x7FA];
	[tilespmem:$0x1FC90] =	vst v10  }
0x32: {  	v38 =	vor.u32 s7, v0;
	s24 =	rddreg [dreg:$0x1e];
	[tilespmem:$0x1FE10] =	vst v34  }
0x33: {  	s8 =	sor.u32 $0x330, s6;
	v41 =	vor.u32 s23, v0;
	s10 =	rddreg [dreg:$0x18];
	[tilespmem:$0x1FE50] =	vst v38  }
0x34: {  	s18 =	sor.u32 $0x2A0, s6;
	v52 =	vor.u32 s8, v0;
	v60 =	vor.u32 s11, v0;
	s11 =	rddreg [dreg:$0x15];
	[tilespmem:$0x1FE80] =	vst v41  }
0x35: {  	s9 =	sor.u32 $0x2B0, s6;
	[dreg:$0x1f] =	wrdreg s18;
	[tilespmem:$0x1FF30] =	vst v52  }
0x36: {  	s16 =	sor.u32 $0x3F0, s6;
	[smem:$0x7FB] =	sst s9;
	v33 =	vor.u32 s20, v0;
	[tilespmem:$0x1FFB0] =	vst v60  }
0x37: {  	[dreg:$0x1b] =	wrdreg s16;
	v42 =	vor.u32 s24, v0;
	[tilespmem:$0x1FE00] =	vst v33  }
0x38: {  	s21 =	sld [smem:$0x7F9];
	v56 =	vor.u32 s10, v0;
	[tilespmem:$0x1FE90] =	vst v42  }
0x39: {  	s2 =	sld [smem:$0x7FC];
	v63 =	vor.u32 s11, v0;
	[tilespmem:$0x1FF70] =	vst v56  }
0x3a: {  	s4 =	sld [smem:$0x7FD];
	v29 =	vor.u32 s14, v0;
	[tilespmem:$0x1FFE0] =	vst v63  }
0x3b: {  	s7 =	rddreg [dreg:$0x1c];
	v30 =	vor.u32 s15, v0;
	[tilespmem:$0x1FDC0] =	vst v29  }
0x3c: {  	s8 =	rddreg [dreg:$0x17];
	v51 =	vor.u32 s7, v0;
	[tilespmem:$0x1FDD0] =	vst v30  }
0x3d: {  	s10 =	rddreg [dreg:$0x19];
	v53 =	vor.u32 s8, v0;
	[tilespmem:$0x1FF20] =	vst v51  }
0x3e: {  	s18 =	sor.u32 $0x310, s6;
	s12 =	rddreg [dreg:$0x1a];
	v58 =	vor.u32 s10, v0;
	[tilespmem:$0x1FF40] =	vst v53  }
0x3f: {  	s28 =	simm.s32 $0x680;
	s9 =	sor.u32 $0x3D0, s6;
	[dreg:$0x16] =	wrdreg s18;
	v61 =	vor.u32 s12, v0;
	[tilespmem:$0x1FF90] =	vst v58  }
0x40: {  	s29 =	simm.s32 $0x700;
	s31 =	simm.s32 $0xC00;
	[dreg:$0x14] =	wrdreg s9;
	v32 =	vor.u32 s19, v0;
	[tilespmem:$0x1FFC0] =	vst v61  }
0x41: {  	s30 =	simm.s32 $0x780;
	s5 =	simm.s32 $0xE00;
	s25 =	rddreg [dreg:$0x1f];
	v39 =	vor.u32 s22, v0;
	[tilespmem:$0x1FDF0] =	vst v32  }
0x42: {  	s23 =	simm.s32 $0x480;
	s0 =	sadd.s32 $0xE00, s17;
	s9 =	rddreg [dreg:$0x1d];
	v43 =	vor.u32 s25, v0;
	[tilespmem:$0x1FE60] =	vst v39  }
0x43: {  	s16 =	simm.s32 $0x180;
	s17 =	simm.s32 $0x200;
	[dreg:$0xc] =	wrdreg s0;
	v55 =	vor.u32 s9, v0;
	[tilespmem:$0x1FEA0] =	vst v43  }
0x44: {  	s20 =	simm.s32 $0x380;
	s24 =	simm.s32 $0x500;
	s18 =	rddreg [dreg:$0x10];
	v35 =	vor.u32 s21, v0;
	[tilespmem:$0x1FF60] =	vst v55  }
0x45: {  	s14 =	simm.s32 $0x80;
	s15 =	simm.s32 $0x100;
	s26 =	sld [smem:$0x7FB];
	v45 =	vor.u32 s2, v0;
	[tilespmem:$0x1FE20] =	vst v35  }
0x46: {  	s0 =	simm.s32 $0xC80;
	s7 =	simm.s32 $0xF00;
	s6 =	rddreg [dreg:$0x16];
	v46 =	vor.u32 s4, v0;
	[tilespmem:$0x1FEC0] =	vst v45  }
.Ltmp0:
0x47: {  	s8 =	simm.s32 $0xF80;
	s10 =	rddreg [dreg:$0x14];
	v50 =	vor.u32 s6, v0;
	[tilespmem:$0x1FED0] =	vst v46;
	(pc) =	sbr.rel .LBB2_1-.Ltmp0, $4  }
0x48: {  	s12 =	rddreg [dreg:$0x1b];
	s13 =	smax.u32 s18, $0x1;
	s18 =	simm.s32 $0x280;
	v62 =	vor.u32 s10, v0;
	[tilespmem:$0x1FF10] =	vst v50  }
0x49: {  	s19 =	simm.s32 $0x300;
	s22 =	simm.s32 $0x400;
	s25 =	simm.s32 $0x580;
	v44 =	vor.u32 s26, v0;
	[tilespmem:$0x1FFD0] =	vst v62  }
0x4a: {  	s21 =	simm.s32 $0x1;
	s2 =	simm.s32 $0xD00;
	s4 =	simm.s32 $0xD80;
	v0 =	vor.u32 s12, v0;
	[tilespmem:$0x1FEB0] =	vst v44  }
0x4b: {  	s6 =	simm.s32 $0xE80;
	s10 =	simm.s32 $0x0;
	s26 =	simm.s32 $0x600;
	[tilespmem:$0x1FFF0] =	vst v0  }
.LBB2_7:
0x4c: {  	s10 =	sadd.s32 $0x1, s10  }
0x4d: {  	p1 =	sne.s32 s10, s13  }
.Ltmp1:
0x4e: {  	_ = 	snop;
	(pc) =	sbr.rel @!p1 .LBB2_8-.Ltmp1, $1  }
0x4f: {  	_ =	sdelay $0x3  }
.LBB2_1:
0x50: {  	v0 =	vld [tilespmem:$0x1FDE0]  }
0x51: {  	v61 =	vld [tilespmem:$0x1FC00]  }
0x52: {  	v62 =	vld [tilespmem:$0x1FC10]  }
0x53: {  	v63 =	vld [tilespmem:$0x1FC20]  }
0x54: {  	v4 =	vld [tilespmem:$0x1FC30]  }
0x55: {  	v5 =	vld [tilespmem:$0x1FC40];
	[tilespmem:$0x400] =	vst v0  }
0x56: {  	v6 =	vld [tilespmem:$0x1FC50];
	[tilespmem:$0x410] =	vst v61  }
0x57: {  	v7 =	vld [tilespmem:$0x1FC60];
	[tilespmem:$0x420] =	vst v62  }
0x58: {  	v8 =	vld [tilespmem:$0x1FC70];
	[tilespmem:$0x430] =	vst v63  }
0x59: {  	v9 =	vld [tilespmem:$0x1FC80];
	[tilespmem:$0x440] =	vst v4  }
0x5a: {  	v10 =	vld [tilespmem:$0x1FC90];
	[tilespmem:$0x450] =	vst v5  }
0x5b: {  	v11 =	vld [tilespmem:$0x1FCA0];
	[tilespmem:$0x460] =	vst v6  }
0x5c: {  	v12 =	vld [tilespmem:$0x1FCB0];
	[tilespmem:$0x470] =	vst v7  }
0x5d: {  	v13 =	vld [tilespmem:$0x1FCC0];
	[tilespmem:$0x480] =	vst v8  }
0x5e: {  	v14 =	vld [tilespmem:$0x1FCD0];
	[tilespmem:$0x490] =	vst v9  }
0x5f: {  	v15 =	vld [tilespmem:$0x1FCE0];
	[tilespmem:$0x4A0] =	vst v10  }
0x60: {  	v16 =	vld [tilespmem:$0x1FCF0];
	[tilespmem:$0x4B0] =	vst v11  }
0x61: {  	v17 =	vld [tilespmem:$0x1FD00];
	[tilespmem:$0x4C0] =	vst v12  }
0x62: {  	v18 =	vld [tilespmem:$0x1FD10];
	[tilespmem:$0x4D0] =	vst v13  }
0x63: {  	v19 =	vld [tilespmem:$0x1FD20];
	[tilespmem:$0x4E0] =	vst v14  }
0x64: {  	v20 =	vld [tilespmem:$0x1FD30];
	[tilespmem:$0x4F0] =	vst v15  }
0x65: {  	v21 =	vld [tilespmem:$0x1FD40];
	[tilespmem:$0x500] =	vst v16  }
0x66: {  	v22 =	vld [tilespmem:$0x1FD50];
	[tilespmem:$0x510] =	vst v17  }
0x67: {  	v23 =	vld [tilespmem:$0x1FD60];
	[tilespmem:$0x520] =	vst v18  }
0x68: {  	v24 =	vld [tilespmem:$0x1FD70];
	[tilespmem:$0x530] =	vst v19  }
0x69: {  	v25 =	vld [tilespmem:$0x1FD80];
	[tilespmem:$0x540] =	vst v20  }
0x6a: {  	v26 =	vld [tilespmem:$0x1FD90];
	[tilespmem:$0x550] =	vst v21  }
0x6b: {  	v27 =	vld [tilespmem:$0x1FDA0];
	[tilespmem:$0x560] =	vst v22  }
0x6c: {  	v28 =	vld [tilespmem:$0x1FDB0];
	[tilespmem:$0x570] =	vst v23  }
0x6d: {  	v29 =	vld [tilespmem:$0x1FDC0];
	[tilespmem:$0x580] =	vst v24  }
0x6e: {  	v30 =	vld [tilespmem:$0x1FDD0];
	[tilespmem:$0x590] =	vst v25  }
0x6f: {  	v31 =	vld [tilespmem:$0x1FDF0];
	[tilespmem:$0x5A0] =	vst v26  }
0x70: {  	v32 =	vld [tilespmem:$0x1FE00];
	[tilespmem:$0x5B0] =	vst v27  }
0x71: {  	v33 =	vld [tilespmem:$0x1FE10];
	[tilespmem:$0x5C0] =	vst v28  }
0x72: {  	v34 =	vld [tilespmem:$0x1FE20];
	[tilespmem:$0x5D0] =	vst v29  }
0x73: {  	v35 =	vld [tilespmem:$0x1FE30];
	[tilespmem:$0x5E0] =	vst v30  }
0x74: {  	v36 =	vld [tilespmem:$0x1FE40];
	[tilespmem:$0x5F0] =	vst v31  }
0x75: {  	v37 =	vld [tilespmem:$0x1FE50];
	[tilespmem:$0x600] =	vst v32  }
0x76: {  	v38 =	vld [tilespmem:$0x1FE60];
	[tilespmem:$0x610] =	vst v33  }
0x77: {  	v39 =	vld [tilespmem:$0x1FE70];
	[tilespmem:$0x620] =	vst v34  }
0x78: {  	v40 =	vld [tilespmem:$0x1FE80];
	[tilespmem:$0x630] =	vst v35  }
0x79: {  	v41 =	vld [tilespmem:$0x1FE90];
	[tilespmem:$0x640] =	vst v36  }
0x7a: {  	v42 =	vld [tilespmem:$0x1FEA0];
	[tilespmem:$0x650] =	vst v37  }
0x7b: {  	v43 =	vld [tilespmem:$0x1FEB0];
	[tilespmem:$0x660] =	vst v38  }
0x7c: {  	v44 =	vld [tilespmem:$0x1FEC0];
	[tilespmem:$0x670] =	vst v39  }
0x7d: {  	v45 =	vld [tilespmem:$0x1FED0];
	[tilespmem:$0x680] =	vst v40  }
0x7e: {  	v46 =	vld [tilespmem:$0x1FEE0];
	[tilespmem:$0x690] =	vst v41  }
0x7f: {  	v47 =	vld [tilespmem:$0x1FEF0];
	[tilespmem:$0x6A0] =	vst v42  }
0x80: {  	v48 =	vld [tilespmem:$0x1FF00];
	[tilespmem:$0x6B0] =	vst v43  }
0x81: {  	v49 =	vld [tilespmem:$0x1FF10];
	[tilespmem:$0x6C0] =	vst v44  }
0x82: {  	v50 =	vld [tilespmem:$0x1FF20];
	[tilespmem:$0x6D0] =	vst v45  }
0x83: {  	v51 =	vld [tilespmem:$0x1FF30];
	[tilespmem:$0x6E0] =	vst v46  }
0x84: {  	v52 =	vld [tilespmem:$0x1FF40];
	[tilespmem:$0x6F0] =	vst v47  }
0x85: {  	v53 =	vld [tilespmem:$0x1FF50];
	[tilespmem:$0x700] =	vst v48  }
0x86: {  	v54 =	vld [tilespmem:$0x1FF60];
	[tilespmem:$0x710] =	vst v49  }
0x87: {  	v55 =	vld [tilespmem:$0x1FF70];
	[tilespmem:$0x720] =	vst v50  }
0x88: {  	v56 =	vld [tilespmem:$0x1FF80];
	[tilespmem:$0x730] =	vst v51  }
0x89: {  	v57 =	vld [tilespmem:$0x1FF90];
	[tilespmem:$0x740] =	vst v52  }
0x8a: {  	v58 =	vld [tilespmem:$0x1FFA0];
	[tilespmem:$0x750] =	vst v53  }
0x8b: {  	v59 =	vld [tilespmem:$0x1FFB0];
	[tilespmem:$0x760] =	vst v54  }
0x8c: {  	v60 =	vld [tilespmem:$0x1FFC0];
	[tilespmem:$0x770] =	vst v55  }
0x8d: {  	[tilespmem:$0x780] =	vst v56;
	v61 =	vld [tilespmem:$0x1FFD0]  }
0x8e: {  	[tilespmem:$0x790] =	vst v57;
	v62 =	vld [tilespmem:$0x1FFE0]  }
0x8f: {  	[tilespmem:$0x7A0] =	vst v58;
	v63 =	vld [tilespmem:$0x1FFF0]  }
.Ltmp2:
0x90: {  	[tilespmem:$0x7B0] =	vst v59;
	(pc) =	sbr.rel @p0 .LBB2_3-.Ltmp2, $4  }
0x91: {  	[tilespmem:$0x7C0] =	vst v60  }
0x92: {  	[tilespmem:$0x7D0] =	vst v61  }
0x93: {  	[tilespmem:$0x7E0] =	vst v62  }
0x94: {  	[tilespmem:$0x7F0] =	vst v63  }
0x95: {  	s9 =	rddreg [dreg:$0x4]  }
0x96: {  	[tilespmem:s3], [sflag:$0x1] =	stream.linear.gather [hbm4b:s9+s3], $0x80, $0x38;
	[tilespmem:$0x10428] =	vst v63  }
0x97: {  	s12 =	rddreg [dreg:$0x5]  }
0x98: {  	[tilespmem:s14], [sflag:$0x1] =	stream.linear.gather [hbm4b:s12+s3], $0x80, $0x38;
	[tilespmem:$0x10428] =	vst v63  }
0x99: {  	s11 =	rddreg [dreg:$0x6]  }
0x9a: {  	[tilespmem:s15], [sflag:$0x1] =	stream.linear.gather [hbm4b:s11+s3], $0x80, $0x38;
	[tilespmem:$0x10428] =	vst v63  }
0x9b: {  	s12 =	rddreg [dreg:$0x7]  }
0x9c: {  	[tilespmem:s16], [sflag:$0x1] =	stream.linear.gather [hbm4b:s12+s3], $0x80, $0x38;
	[tilespmem:$0x10428] =	vst v63  }
0x9d: {  	s11 =	rddreg [dreg:$0x8]  }
0x9e: {  	[tilespmem:s17], [sflag:$0x1] =	stream.linear.gather [hbm4b:s11+s3], $0x80, $0x38;
	[tilespmem:$0x10428] =	vst v63  }
0x9f: {  	s12 =	rddreg [dreg:$0x9]  }
0xa0: {  	[tilespmem:s18], [sflag:$0x1] =	stream.linear.gather [hbm4b:s12+s3], $0x80, $0x38;
	[tilespmem:$0x10428] =	vst v63  }
0xa1: {  	s11 =	rddreg [dreg:$0xa]  }
0xa2: {  	[tilespmem:s19], [sflag:$0x1] =	stream.linear.gather [hbm4b:s11+s3], $0x80, $0x38;
	[tilespmem:$0x10428] =	vst v63  }
0xa3: {  	s12 =	rddreg [dreg:$0xb]  }
0xa4: {  	[tilespmem:s20], [sflag:$0x1] =	stream.linear.gather [hbm4b:s12+s3], $0x80, $0x38;
	[tilespmem:$0x10428] =	vst v63  }
0xa5: {  	_ =	swait.ge [sflag:s21], $0x80  }
0xa6: {  	[sflag:s21] =	ssyncset.done $0x0  }
0xa7: {  	[sflag:s21] =	ssyncadd.s32 $0xFFFFFF80  }
0xa8: {  	_ =	swait.ge [sflag:s21], $0x80  }
0xa9: {  	[sflag:s21] =	ssyncset.done $0x0  }
0xaa: {  	[sflag:s21] =	ssyncadd.s32 $0xFFFFFF80  }
0xab: {  	_ =	swait.ge [sflag:s21], $0x80  }
0xac: {  	[sflag:s21] =	ssyncset.done $0x0  }
0xad: {  	[sflag:s21] =	ssyncadd.s32 $0xFFFFFF80  }
0xae: {  	_ =	swait.ge [sflag:s21], $0x80  }
0xaf: {  	[sflag:s21] =	ssyncset.done $0x0  }
0xb0: {  	[sflag:s21] =	ssyncadd.s32 $0xFFFFFF80  }
0xb1: {  	_ =	swait.ge [sflag:s21], $0x80  }
0xb2: {  	[sflag:s21] =	ssyncset.done $0x0  }
0xb3: {  	[sflag:s21] =	ssyncadd.s32 $0xFFFFFF80  }
0xb4: {  	_ =	swait.ge [sflag:s21], $0x80  }
0xb5: {  	[sflag:s21] =	ssyncset.done $0x0  }
0xb6: {  	[sflag:s21] =	ssyncadd.s32 $0xFFFFFF80  }
0xb7: {  	_ =	swait.ge [sflag:s21], $0x80  }
0xb8: {  	[sflag:s21] =	ssyncset.done $0x0  }
0xb9: {  	[sflag:s21] =	ssyncadd.s32 $0xFFFFFF80  }
0xba: {  	_ =	swait.ge [sflag:s21], $0x80  }
0xbb: {  	[sflag:s21] =	ssyncset.done $0x0  }
0xbc: {  	[sflag:s21] =	ssyncadd.s32 $0xFFFFFF80  }
0xbd: {  	[spmem:s1] =	stream.indirect.scatter [tilespmem:s22], [sflag:$0x1], $0x1, s3, s14, $0xb8;
	[tilespmem:$0x10428] =	vst v63  }
0xbe: {  	_ = 	snop  }
0xbf: {  	[spmem:s1] =	stream.indirect.scatter [tilespmem:s23], [sflag:$0x1], $0x1, s14, s14, $0xb8;
	[tilespmem:$0x10428] =	vst v63  }
0xc0: {  	_ = 	snop  }
0xc1: {  	[spmem:s1] =	stream.indirect.scatter [tilespmem:s24], [sflag:$0x1], $0x1, s15, s14, $0xb8;
	[tilespmem:$0x10428] =	vst v63  }
0xc2: {  	_ = 	snop  }
0xc3: {  	[spmem:s1] =	stream.indirect.scatter [tilespmem:s25], [sflag:$0x1], $0x1, s16, s14, $0xb8;
	[tilespmem:$0x10428] =	vst v63  }
0xc4: {  	_ = 	snop  }
0xc5: {  	[spmem:s1] =	stream.indirect.scatter [tilespmem:s26], [sflag:$0x1], $0x1, s17, s14, $0xb8;
	[tilespmem:$0x10428] =	vst v63  }
0xc6: {  	_ = 	snop  }
0xc7: {  	[spmem:s1] =	stream.indirect.scatter [tilespmem:s28], [sflag:$0x1], $0x1, s18, s14, $0xb8;
	[tilespmem:$0x10428] =	vst v63  }
0xc8: {  	_ = 	snop  }
0xc9: {  	[spmem:s1] =	stream.indirect.scatter [tilespmem:s29], [sflag:$0x1], $0x1, s19, s14, $0xb8;
	[tilespmem:$0x10428] =	vst v63  }
0xca: {  	_ = 	snop  }
0xcb: {  	[spmem:s1] =	stream.indirect.scatter [tilespmem:s30], [sflag:$0x1], $0x1, s20, s14, $0xb8;
	[tilespmem:$0x10428] =	vst v63  }
0xcc: {  	_ =	swait.ge [sflag:s21], $0x80  }
0xcd: {  	[sflag:s21] =	ssyncset.done $0x0  }
0xce: {  	[sflag:s21] =	ssyncadd.s32 $0xFFFFFF80  }
0xcf: {  	_ =	swait.ge [sflag:s21], $0x80  }
0xd0: {  	[sflag:s21] =	ssyncset.done $0x0  }
0xd1: {  	[sflag:s21] =	ssyncadd.s32 $0xFFFFFF80  }
0xd2: {  	_ =	swait.ge [sflag:s21], $0x80  }
0xd3: {  	[sflag:s21] =	ssyncset.done $0x0  }
0xd4: {  	[sflag:s21] =	ssyncadd.s32 $0xFFFFFF80  }
0xd5: {  	_ =	swait.ge [sflag:s21], $0x80  }
0xd6: {  	[sflag:s21] =	ssyncset.done $0x0  }
0xd7: {  	[sflag:s21] =	ssyncadd.s32 $0xFFFFFF80  }
0xd8: {  	_ =	swait.ge [sflag:s21], $0x80  }
0xd9: {  	[sflag:s21] =	ssyncset.done $0x0  }
0xda: {  	[sflag:s21] =	ssyncadd.s32 $0xFFFFFF80  }
0xdb: {  	_ =	swait.ge [sflag:s21], $0x80  }
0xdc: {  	[sflag:s21] =	ssyncset.done $0x0  }
0xdd: {  	[sflag:s21] =	ssyncadd.s32 $0xFFFFFF80  }
0xde: {  	_ =	swait.ge [sflag:s21], $0x80  }
0xdf: {  	[sflag:s21] =	ssyncset.done $0x0  }
0xe0: {  	[sflag:s21] =	ssyncadd.s32 $0xFFFFFF80  }
0xe1: {  	_ =	swait.ge [sflag:s21], $0x80  }
0xe2: {  	[sflag:s21] =	ssyncset.done $0x0  }
0xe3: {  	[sflag:s21] =	ssyncadd.s32 $0xFFFFFF80  }
.LBB2_3:
.Ltmp3:
0xe4: {  	(pc) =	sbr.rel .LBB2_4-.Ltmp3, $3  }
0xe5: {  	_ =	sdelay $0x1  }
0xe6: {  	[bflag:$0x0] =	sbarrier.arrive $0xFFFF  }
0xe7: {  	p1 =	por $0x1, $0x1  }
.LBB2_9:
.Ltmp4:
0xe8: {  	(pc) =	sbr.rel @!p2 .LBB2_7-.Ltmp4, $3  }
0xe9: {  	_ =	sdelay $0x1  }
0xea: {  	[bflag:$0x0] =	sbarrier.arrive $0xFFFF  }
0xeb: {  	p1 =	por $0x0, $0x0  }
.LBB2_4:
0xec: {  	s11 =	simm.s32 @!p0 $0x80;
	s12 =	simm.s32 @!p0 $0x0;
	s9 =	simm.s32 @!p0 $0x800  }
0xed: {  	[tilespmem:s9], [sflag:$0x1] =	stream.indirect.gather @!p0 [spmem:s1], $0x1, s12, s11, $0xb8;
	[tilespmem:$0x10428] =	vst v63  }
0xee: {  	s9 =	simm.s32 @!p0 $0x880  }
0xef: {  	[tilespmem:s9], [sflag:$0x1] =	stream.indirect.gather @!p0 [spmem:s1], $0x1, s11, s11, $0xb8;
	[tilespmem:$0x10428] =	vst v63  }
0xf0: {  	s12 =	simm.s32 @!p0 $0x900;
	s9 =	simm.s32 @!p0 $0x100  }
0xf1: {  	[tilespmem:s12], [sflag:$0x1] =	stream.indirect.gather @!p0 [spmem:s1], $0x1, s9, s11, $0xb8;
	[tilespmem:$0x10428] =	vst v63  }
0xf2: {  	s9 =	simm.s32 @!p0 $0x180;
	s12 =	simm.s32 @!p0 $0x980  }
0xf3: {  	[tilespmem:s12], [sflag:$0x1] =	stream.indirect.gather @!p0 [spmem:s1], $0x1, s9, s11, $0xb8;
	[tilespmem:$0x10428] =	vst v63  }
0xf4: {  	s9 =	simm.s32 @!p0 $0x200;
	s12 =	simm.s32 @!p0 $0xA00  }
0xf5: {  	[tilespmem:s12], [sflag:$0x1] =	stream.indirect.gather @!p0 [spmem:s1], $0x1, s9, s11, $0xb8;
	[tilespmem:$0x10428] =	vst v63  }
0xf6: {  	s9 =	simm.s32 @!p0 $0x280;
	s12 =	simm.s32 @!p0 $0xA80  }
0xf7: {  	[tilespmem:s12], [sflag:$0x1] =	stream.indirect.gather @!p0 [spmem:s1], $0x1, s9, s11, $0xb8;
	[tilespmem:$0x10428] =	vst v63  }
0xf8: {  	s9 =	simm.s32 @!p0 $0x300;
	s12 =	simm.s32 @!p0 $0xB00  }
0xf9: {  	[tilespmem:s12], [sflag:$0x1] =	stream.indirect.gather @!p0 [spmem:s1], $0x1, s9, s11, $0xb8;
	[tilespmem:$0x10428] =	vst v63  }
0xfa: {  	s9 =	simm.s32 @!p0 $0x380;
	s12 =	simm.s32 @!p0 $0xB80  }
0xfb: {  	[tilespmem:s12], [sflag:$0x1] =	stream.indirect.gather @!p0 [spmem:s1], $0x1, s9, s11, $0xb8;
	[tilespmem:$0x10428] =	vst v63  }
0xfc: {  	s9 =	simm.s32 @!p0 $0x1  }
0xfd: {  	_ =	swait.ge @!p0 [sflag:s9], $0x80  }
0xfe: {  	[sflag:s9] =	ssyncset.done @!p0 $0x0  }
0xff: {  	[sflag:s9] =	ssyncadd.s32 @!p0 $0xFFFFFF80  }
0x100: {  	_ =	swait.ge @!p0 [sflag:s9], $0x80  }
0x101: {  	[sflag:s9] =	ssyncset.done @!p0 $0x0  }
0x102: {  	[sflag:s9] =	ssyncadd.s32 @!p0 $0xFFFFFF80  }
0x103: {  	_ =	swait.ge @!p0 [sflag:s9], $0x80  }
0x104: {  	[sflag:s9] =	ssyncset.done @!p0 $0x0  }
0x105: {  	[sflag:s9] =	ssyncadd.s32 @!p0 $0xFFFFFF80  }
0x106: {  	_ =	swait.ge @!p0 [sflag:s9], $0x80  }
0x107: {  	[sflag:s9] =	ssyncset.done @!p0 $0x0  }
0x108: {  	[sflag:s9] =	ssyncadd.s32 @!p0 $0xFFFFFF80  }
0x109: {  	_ =	swait.ge @!p0 [sflag:s9], $0x80  }
0x10a: {  	[sflag:s9] =	ssyncset.done @!p0 $0x0  }
0x10b: {  	[sflag:s9] =	ssyncadd.s32 @!p0 $0xFFFFFF80  }
0x10c: {  	_ =	swait.ge @!p0 [sflag:s9], $0x80  }
0x10d: {  	[sflag:s9] =	ssyncset.done @!p0 $0x0  }
0x10e: {  	[sflag:s9] =	ssyncadd.s32 @!p0 $0xFFFFFF80  }
0x10f: {  	_ =	swait.ge @!p0 [sflag:s9], $0x80  }
0x110: {  	[sflag:s9] =	ssyncset.done @!p0 $0x0  }
0x111: {  	[sflag:s9] =	ssyncadd.s32 @!p0 $0xFFFFFF80  }
0x112: {  	_ =	swait.ge @!p0 [sflag:s9], $0x80  }
0x113: {  	[sflag:s9] =	ssyncset.done @!p0 $0x0  }
0x114: {  	[sflag:s9] =	ssyncadd.s32 @!p0 $0xFFFFFF80  }
0x115: {  	v63 =	vld [tilespmem:$0x560];
	_ =	sdelay $0x4  }
0x116: {  	[tilespmem:$0x1F790] =	vst v63;
	v63 =	vld [tilespmem:$0x160];
	_ =	sdelay $0x4  }
0x117: {  	[tilespmem:$0x1F7D0] =	vst v63;
	v63 =	vld [tilespmem:$0x570];
	_ =	sdelay $0x4  }
0x118: {  	[tilespmem:$0x1F7B0] =	vst v63;
	v63 =	vld [tilespmem:$0x970];
	_ =	sdelay $0x4  }
0x119: {  	[tilespmem:$0x1F7C0] =	vst v63;
	v63 =	vld [tilespmem:$0x170];
	_ =	sdelay $0x4  }
0x11a: {  	[tilespmem:$0x1F800] =	vst v63;
	v63 =	vld [tilespmem:$0x580];
	_ =	sdelay $0x4  }
0x11b: {  	[tilespmem:$0x1F7E0] =	vst v63;
	v63 =	vld [tilespmem:$0x980];
	_ =	sdelay $0x4  }
0x11c: {  	[tilespmem:$0x1F7F0] =	vst v63;
	v63 =	vld [tilespmem:$0x180];
	_ =	sdelay $0x4  }
0x11d: {  	[tilespmem:$0x1F830] =	vst v63;
	v63 =	vld [tilespmem:$0x590];
	_ =	sdelay $0x4  }
0x11e: {  	[tilespmem:$0x1F810] =	vst v63;
	v63 =	vld [tilespmem:$0x990];
	_ =	sdelay $0x4  }
0x11f: {  	[tilespmem:$0x1F820] =	vst v63;
	v63 =	vld [tilespmem:$0x190];
	_ =	sdelay $0x4  }
0x120: {  	[tilespmem:$0x1F860] =	vst v63;
	v63 =	vld [tilespmem:$0x5A0];
	_ =	sdelay $0x4  }
0x121: {  	[tilespmem:$0x1F840] =	vst v63;
	v63 =	vld [tilespmem:$0x9A0];
	_ =	sdelay $0x4  }
0x122: {  	[tilespmem:$0x1F850] =	vst v63;
	v63 =	vld [tilespmem:$0x1A0];
	_ =	sdelay $0x4  }
0x123: {  	[tilespmem:$0x1F890] =	vst v63;
	v63 =	vld [tilespmem:$0x5B0];
	_ =	sdelay $0x4  }
0x124: {  	[tilespmem:$0x1F870] =	vst v63;
	v63 =	vld [tilespmem:$0x9B0];
	_ =	sdelay $0x4  }
0x125: {  	[tilespmem:$0x1F880] =	vst v63;
	v63 =	vld [tilespmem:$0x1B0];
	_ =	sdelay $0x4  }
0x126: {  	[tilespmem:$0x1F8C0] =	vst v63;
	v63 =	vld [tilespmem:$0x5C0];
	_ =	sdelay $0x4  }
0x127: {  	[tilespmem:$0x1F8A0] =	vst v63;
	v63 =	vld [tilespmem:$0x9C0];
	_ =	sdelay $0x4  }
0x128: {  	[tilespmem:$0x1F8B0] =	vst v63;
	v63 =	vld [tilespmem:$0x1C0];
	_ =	sdelay $0x4  }
0x129: {  	[tilespmem:$0x1F8F0] =	vst v63;
	v63 =	vld [tilespmem:$0x5D0];
	_ =	sdelay $0x4  }
0x12a: {  	[tilespmem:$0x1F8D0] =	vst v63;
	v63 =	vld [tilespmem:$0x9D0];
	_ =	sdelay $0x4  }
0x12b: {  	[tilespmem:$0x1F8E0] =	vst v63;
	v63 =	vld [tilespmem:$0x1D0];
	_ =	sdelay $0x4  }
0x12c: {  	[tilespmem:$0x1F920] =	vst v63;
	v63 =	vld [tilespmem:$0x5E0];
	_ =	sdelay $0x4  }
0x12d: {  	[tilespmem:$0x1F900] =	vst v63;
	v63 =	vld [tilespmem:$0x9E0];
	_ =	sdelay $0x4  }
0x12e: {  	[tilespmem:$0x1F910] =	vst v63;
	v63 =	vld [tilespmem:$0x1E0];
	_ =	sdelay $0x4  }
0x12f: {  	[tilespmem:$0x1F950] =	vst v63;
	v63 =	vld [tilespmem:$0x5F0];
	_ =	sdelay $0x4  }
0x130: {  	[tilespmem:$0x1F930] =	vst v63;
	v63 =	vld [tilespmem:$0x9F0];
	_ =	sdelay $0x4  }
0x131: {  	[tilespmem:$0x1F940] =	vst v63;
	v63 =	vld [tilespmem:$0x1F0];
	_ =	sdelay $0x4  }
0x132: {  	[tilespmem:$0x1F980] =	vst v63;
	v63 =	vld [tilespmem:$0x600];
	_ =	sdelay $0x4  }
0x133: {  	[tilespmem:$0x1F960] =	vst v63;
	v63 =	vld [tilespmem:$0xA00];
	_ =	sdelay $0x4  }
0x134: {  	[tilespmem:$0x1F970] =	vst v63;
	v63 =	vld [tilespmem:$0x200];
	_ =	sdelay $0x4  }
0x135: {  	[tilespmem:$0x1F9B0] =	vst v63;
	v63 =	vld [tilespmem:$0x610];
	_ =	sdelay $0x4  }
0x136: {  	[tilespmem:$0x1F990] =	vst v63;
	v63 =	vld [tilespmem:$0xA10];
	_ =	sdelay $0x4  }
0x137: {  	[tilespmem:$0x1F9A0] =	vst v63;
	v63 =	vld [tilespmem:$0x210];
	_ =	sdelay $0x4  }
0x138: {  	[tilespmem:$0x1F9E0] =	vst v63;
	v63 =	vld [tilespmem:$0x620];
	_ =	sdelay $0x4  }
0x139: {  	[tilespmem:$0x1F9C0] =	vst v63;
	v63 =	vld [tilespmem:$0xA20];
	_ =	sdelay $0x4  }
0x13a: {  	[tilespmem:$0x1F9D0] =	vst v63;
	v63 =	vld [tilespmem:$0x220];
	_ =	sdelay $0x4  }
0x13b: {  	[tilespmem:$0x1FA10] =	vst v63;
	v63 =	vld [tilespmem:$0x630];
	_ =	sdelay $0x4  }
0x13c: {  	[tilespmem:$0x1F9F0] =	vst v63;
	v63 =	vld [tilespmem:$0xA30];
	_ =	sdelay $0x4  }
0x13d: {  	[tilespmem:$0x1FA00] =	vst v63;
	v63 =	vld [tilespmem:$0x230];
	_ =	sdelay $0x4  }
0x13e: {  	[tilespmem:$0x1FA20] =	vst v63;
	v63 =	vld [tilespmem:$0x640];
	_ =	sdelay $0x4  }
0x13f: {  	[tilespmem:$0x1FA30] =	vst v63;
	v63 =	vld [tilespmem:$0xA40];
	_ =	sdelay $0x4  }
0x140: {  	[tilespmem:$0x1FA40] =	vst v63;
	v63 =	vld [tilespmem:$0x240];
	_ =	sdelay $0x3  }
0x141: {  	v2 =	vld [tilespmem:$0x400]  }
0x142: {  	[tilespmem:$0x1FA50] =	vst v63;
	v63 =	vld [tilespmem:$0x650]  }
0x143: {  	v0 =	vld [tilespmem:$0x800]  }
0x144: {  	v10 =	vld [tilespmem:$0x0]  }
0x145: {  	v4 =	vld [tilespmem:$0x410]  }
0x146: {  	v1 =	vld [tilespmem:$0x810]  }
0x147: {  	[tilespmem:$0x1FA60] =	vst v63;
	v63 =	vld [tilespmem:$0xA50]  }
0x148: {  	v13 =	vld [tilespmem:$0x10]  }
0x149: {  	v5 =	vld [tilespmem:$0x420]  }
0x14a: {  	v3 =	vld [tilespmem:$0x820]  }
0x14b: {  	v16 =	vld [tilespmem:$0x20]  }
0x14c: {  	[tilespmem:$0x1FA70] =	vst v63;
	v63 =	vld [tilespmem:$0x250]  }
0x14d: {  	v7 =	vld [tilespmem:$0x430]  }
0x14e: {  	v6 =	vld [tilespmem:$0x830]  }
0x14f: {  	v19 =	vld [tilespmem:$0x30]  }
0x150: {  	v11 =	vld [tilespmem:$0x440]  }
0x151: {  	[tilespmem:$0x1FA80] =	vst v63;
	v63 =	vld [tilespmem:$0x660]  }
0x152: {  	v8 =	vld [tilespmem:$0x840]  }
0x153: {  	v60 =	vld [tilespmem:$0x40]  }
0x154: {  	v14 =	vld [tilespmem:$0x450]  }
0x155: {  	v9 =	vld [tilespmem:$0x850]  }
0x156: {  	[tilespmem:$0x1FA90] =	vst v63;
	v63 =	vld [tilespmem:$0xA60]  }
0x157: {  	v44 =	vld [tilespmem:$0x50]  }
0x158: {  	v17 =	vld [tilespmem:$0x460]  }
0x159: {  	v12 =	vld [tilespmem:$0x860]  }
0x15a: {  	v40 =	vld [tilespmem:$0x60]  }
0x15b: {  	[tilespmem:$0x1FAA0] =	vst v63;
	v63 =	vld [tilespmem:$0x260]  }
0x15c: {  	v20 =	vld [tilespmem:$0x470]  }
0x15d: {  	v15 =	vld [tilespmem:$0x870]  }
0x15e: {  	v29 =	vld [tilespmem:$0x70]  }
0x15f: {  	v21 =	vld [tilespmem:$0x480]  }
0x160: {  	[tilespmem:$0x1FAB0] =	vst v63;
	v63 =	vld [tilespmem:$0x670]  }
0x161: {  	v18 =	vld [tilespmem:$0x880]  }
0x162: {  	v30 =	vld [tilespmem:$0x80]  }
0x163: {  	v23 =	vld [tilespmem:$0x490]  }
0x164: {  	v22 =	vld [tilespmem:$0x890]  }
0x165: {  	[tilespmem:$0x1FAC0] =	vst v63;
	v63 =	vld [tilespmem:$0xA70]  }
0x166: {  	v34 =	vld [tilespmem:$0x90]  }
0x167: {  	v25 =	vld [tilespmem:$0x4A0]  }
0x168: {  	v24 =	vld [tilespmem:$0x8A0]  }
0x169: {  	v37 =	vld [tilespmem:$0xA0]  }
0x16a: {  	[tilespmem:$0x1FAD0] =	vst v63;
	v63 =	vld [tilespmem:$0x270]  }
0x16b: {  	v28 =	vld [tilespmem:$0x4B0]  }
0x16c: {  	v26 =	vld [tilespmem:$0x8B0]  }
0x16d: {  	v42 =	vld [tilespmem:$0xB0]  }
0x16e: {  	v31 =	vld [tilespmem:$0x4C0]  }
0x16f: {  	[tilespmem:$0x1FAE0] =	vst v63;
	v63 =	vld [tilespmem:$0x680]  }
0x170: {  	v27 =	vld [tilespmem:$0x8C0]  }
0x171: {  	v46 =	vld [tilespmem:$0xC0]  }
0x172: {  	v33 =	vld [tilespmem:$0x4D0]  }
0x173: {  	v32 =	vld [tilespmem:$0x8D0]  }
0x174: {  	[tilespmem:$0x1FAF0] =	vst v63;
	v63 =	vld [tilespmem:$0xA80]  }
0x175: {  	v49 =	vld [tilespmem:$0xD0]  }
0x176: {  	v36 =	vld [tilespmem:$0x4E0]  }
0x177: {  	v35 =	vld [tilespmem:$0x8E0]  }
0x178: {  	v52 =	vld [tilespmem:$0xE0]  }
0x179: {  	[tilespmem:$0x1FB00] =	vst v63;
	v63 =	vld [tilespmem:$0x280]  }
0x17a: {  	v39 =	vld [tilespmem:$0x4F0]  }
0x17b: {  	v38 =	vld [tilespmem:$0x8F0]  }
0x17c: {  	v55 =	vld [tilespmem:$0xF0]  }
0x17d: {  	v43 =	vld [tilespmem:$0x500]  }
0x17e: {  	[tilespmem:$0x1FB10] =	vst v63;
	v63 =	vld [tilespmem:$0x690]  }
0x17f: {  	v41 =	vld [tilespmem:$0x900]  }
0x180: {  	v57 =	vld [tilespmem:$0x100]  }
0x181: {  	v47 =	vld [tilespmem:$0x510]  }
0x182: {  	v45 =	vld [tilespmem:$0x910]  }
0x183: {  	[tilespmem:$0x1FB20] =	vst v63;
	v63 =	vld [tilespmem:$0xA90]  }
0x184: {  	v61 =	vld [tilespmem:$0x110]  }
0x185: {  	v50 =	vld [tilespmem:$0x520]  }
0x186: {  	v48 =	vld [tilespmem:$0x920]  }
0x187: {  	v51 =	vld [tilespmem:$0x120]  }
0x188: {  	[tilespmem:$0x1FB30] =	vst v63;
	v63 =	vld [tilespmem:$0x290]  }
0x189: {  	v53 =	vld [tilespmem:$0x530]  }
0x18a: {  	v54 =	vld [tilespmem:$0x130]  }
0x18b: {  	v58 =	vld [tilespmem:$0x540]  }
0x18c: {  	v56 =	vld [tilespmem:$0x140]  }
0x18d: {  	[tilespmem:$0x1FB40] =	vst v63;
	v63 =	vld [tilespmem:$0x6A0]  }
0x18e: {  	v62 =	vld [tilespmem:$0x550]  }
0x18f: {  	v59 =	vld [tilespmem:$0x150]  }
0x190: {  	[tilespmem:$0x1F760] =	vst v51;
	v51 =	vld [tilespmem:$0x930]  }
0x191: {  	[tilespmem:$0x1F770] =	vst v54;
	v54 =	vld [tilespmem:$0x940]  }
0x192: {  	[tilespmem:$0x1FB50] =	vst v63;
	v63 =	vld [tilespmem:$0xAA0]  }
0x193: {  	[tilespmem:$0x1F780] =	vst v56;
	v56 =	vld [tilespmem:$0x950]  }
0x194: {  	[tilespmem:$0x1F7A0] =	vst v59;
	v59 =	vld [tilespmem:$0x960]  }
0x195: {  	vm14 =	vgt.s32 v5, v3;
	v5 =	vld [tilespmem:$0x2C0]  }
0x196: {  	vm1 =	vgt.s32 v4, v1;
	v1 =	vld [tilespmem:$0x2F0]  }
0x197: {  	[tilespmem:$0x1FB60] =	vst v63;
	v63 =	vld [tilespmem:$0x2A0]  }
0x198: {  	v3 =	vld [tilespmem:$0xB00]  }
0x199: {  	vm15 =	vgt.s32 v7, v6;
	v6 =	vld [tilespmem:$0x710]  }
0x19a: {  	vm4 =	vgt.s32 v11, v8;
	v8 =	vld [tilespmem:$0xB10]  }
0x19b: {  	vm5 =	vgt.s32 v14, v9;
	v9 =	vld [tilespmem:$0x310]  }
0x19c: {  	[tilespmem:$0x1FB70] =	vst v63;
	v63 =	vld [tilespmem:$0x6B0]  }
0x19d: {  	vm6 =	vgt.s32 v17, v12;
	v12 =	vld [tilespmem:$0xB20]  }
0x19e: {  	vm7 =	vgt.s32 v20, v15;
	v15 =	vld [tilespmem:$0xB30]  }
0x19f: {  	v17 =	vld [tilespmem:$0x740]  }
0x1a0: {  	vm8 =	vgt.s32 v21, v18;
	v18 =	vld [tilespmem:$0xB40]  }
0x1a1: {  	[tilespmem:$0x1FB80] =	vst v63;
	v63 =	vld [tilespmem:$0xAB0]  }
0x1a2: {  	[tilespmem:$0x1FBC0] =	vst v5;
	v5 =	vld [tilespmem:$0xAF0]  }
0x1a3: {  	vm9 =	vgt.s32 v23, v22;
	v22 =	vld [tilespmem:$0x1F820]  }
0x1a4: {  	vm11 =	vgt.s32 v28, v26;
	v26 =	vld [tilespmem:$0x1F860]  }
0x1a5: {  	vm10 =	vgt.s32 v25, v24;
	v24 =	vld [tilespmem:$0x1F840]  }
0x1a6: {  	[tilespmem:$0x1FB90] =	vst v63;
	v63 =	vld [tilespmem:$0x2B0]  }
0x1a7: {  	v25 =	vld [tilespmem:$0x1F850]  }
0x1a8: {  	vm12 =	vgt.s32 v31, v27;
	v27 =	vld [tilespmem:$0x1F870]  }
0x1a9: {  	v28 =	vld [tilespmem:$0x1F880]  }
0x1aa: {  	vm13 =	vgt.s32 v33, v32;
	v32 =	vld [tilespmem:$0x1F8C0]  }
0x1ab: {  	v33 =	vld [tilespmem:$0x1F8D0];
	[tilespmem:$0x1FBA0] =	vst v63;
	v63 =	vlaneseq.u32  }
0x1ac: {  	vm0 =	vgt.s32 v2, v0;
	v2 =	vor.u32 $0xF4240, v63;
	v63 =	vld [tilespmem:$0x6C0]  }
0x1ad: {  	v0 =	vsel vm0, v10, v2;
	v10 =	vld [tilespmem:$0xAC0]  }
0x1ae: {  	v4 =	vsel vm1, v13, v2;
	v13 =	vld [tilespmem:$0xAD0]  }
0x1af: {  	v7 =	vsel vm14, v16, v2;
	v16 =	vld [tilespmem:$0x2D0]  }
0x1b0: {  	v14 =	vsel vm4, v60, v2;
	v60 =	vld [tilespmem:$0x6E0]  }
0x1b1: {  	v11 =	vsel vm15, v19, v2;
	v19 =	vsel vm5, v44, v2;
	v44 =	vld [tilespmem:$0xAE0]  }
0x1b2: {  	v20 =	vsel vm6, v40, v2;
	v40 =	vld [tilespmem:$0x2E0]  }
0x1b3: {  	v21 =	vsel vm7, v29, v2;
	vm7 =	vgt.s32 v53, v51;
	v53 =	vld [tilespmem:$0x1F770]  }
0x1b4: {  	v23 =	vsel vm8, v30, v2;
	vm8 =	vgt.s32 v58, v54;
	v54 =	vld [tilespmem:$0x1F780]  }
0x1b5: {  	v29 =	vsel vm9, v34, v2;
	vm9 =	vgt.s32 v62, v56;
	v56 =	vld [tilespmem:$0x1F7A0]  }
0x1b6: {  	v58 =	vld [tilespmem:$0x1F7C0]  }
0x1b7: {  	v62 =	vld [tilespmem:$0x1F7F0]  }
0x1b8: {  	vm14 =	vgt.s32 v36, v35;
	v35 =	vld [tilespmem:$0x1F8F0]  }
0x1b9: {  	v36 =	vld [tilespmem:$0x1F900]  }
0x1ba: {  	vm15 =	vgt.s32 v39, v38;
	v38 =	vld [tilespmem:$0x1F920]  }
0x1bb: {  	v39 =	vld [tilespmem:$0x1F930]  }
0x1bc: {  	vm4 =	vgt.s32 v43, v41;
	v41 =	vld [tilespmem:$0x1F940]  }
0x1bd: {  	v43 =	vld [tilespmem:$0x1F960]  }
0x1be: {  	vm5 =	vgt.s32 v47, v45;
	v45 =	vld [tilespmem:$0x1F970]  }
0x1bf: {  	v47 =	vld [tilespmem:$0x1F990]  }
0x1c0: {  	vm6 =	vgt.s32 v50, v48;
	v48 =	vld [tilespmem:$0x1F9A0]  }
0x1c1: {  	v51 =	vld [tilespmem:$0x1F9D0]  }
0x1c2: {  	[tilespmem:$0xC20] =	vst v7;
	v7 =	vld [tilespmem:$0x6F0]  }
0x1c3: {  	[tilespmem:$0xC00] =	vst v0;
	v0 =	vld [tilespmem:$0x700]  }
0x1c4: {  	[tilespmem:$0xC10] =	vst v4;
	v4 =	vld [tilespmem:$0x300]  }
0x1c5: {  	[tilespmem:$0xC30] =	vst v11;
	v11 =	vld [tilespmem:$0x720]  }
0x1c6: {  	v31 =	vsel vm11, v42, v2;
	v42 =	vsel vm14, v52, v2;
	v52 =	vld [tilespmem:$0x1F760]  }
0x1c7: {  	[tilespmem:$0xC40] =	vst v14;
	v14 =	vld [tilespmem:$0x730]  }
0x1c8: {  	v34 =	vsel vm12, v46, v2;
	v46 =	vsel vm15, v55, v2;
	v55 =	vld [tilespmem:$0x1F790]  }
0x1c9: {  	v30 =	vsel vm10, v37, v2;
	v37 =	vsel vm13, v49, v2;
	v49 =	vsel vm4, v57, v2;
	v57 =	vld [tilespmem:$0x1F7B0]  }
0x1ca: {  	v50 =	vsel vm5, v61, v2;
	v61 =	vld [tilespmem:$0x1F7E0]  }
0x1cb: {  	[tilespmem:$0xC60] =	vst v20;
	v20 =	vld [tilespmem:$0x1F800]  }
0x1cc: {  	[tilespmem:$0xC70] =	vst v21;
	v21 =	vld [tilespmem:$0x1F810]  }
0x1cd: {  	[tilespmem:$0xC80] =	vst v23;
	v23 =	vld [tilespmem:$0x1F830]  }
0x1ce: {  	[tilespmem:$0xC50] =	vst v19;
	v19 =	vld [tilespmem:$0x340]  }
0x1cf: {  	[tilespmem:$0xC90] =	vst v29;
	v29 =	vld [tilespmem:$0x1F890]  }
0x1d0: {  	[tilespmem:$0xCA0] =	vst v30;
	v30 =	vld [tilespmem:$0x1F8A0]  }
0x1d1: {  	[tilespmem:$0xCB0] =	vst v31;
	v31 =	vld [tilespmem:$0x1F8B0]  }
0x1d2: {  	[tilespmem:$0xCC0] =	vst v34;
	v34 =	vld [tilespmem:$0x1F8E0]  }
0x1d3: {  	[tilespmem:$0xCD0] =	vst v37;
	v37 =	vld [tilespmem:$0x1F910]  }
0x1d4: {  	vm14 =	vgt.s32 v24, v25;
	v24 =	vld [tilespmem:$0xB60]  }
0x1d5: {  	v25 =	vld [tilespmem:$0x360]  }
0x1d6: {  	vm15 =	vgt.s32 v27, v28;
	v27 =	vld [tilespmem:$0xB70]  }
0x1d7: {  	[tilespmem:$0xCE0] =	vst v42;
	v42 =	vld [tilespmem:$0x1F950]  }
0x1d8: {  	[tilespmem:$0xCF0] =	vst v46;
	v46 =	vld [tilespmem:$0x1F980]  }
0x1d9: {  	[tilespmem:$0xD00] =	vst v49;
	v49 =	vld [tilespmem:$0x1F9B0]  }
0x1da: {  	[tilespmem:$0xD10] =	vst v50;
	v50 =	vld [tilespmem:$0x1F9C0]  }
0x1db: {  	[tilespmem:$0x1FBB0] =	vst v10;
	v10 =	vld [tilespmem:$0x6D0]  }
0x1dc: {  	[tilespmem:$0x1FBE0] =	vst v13;
	v13 =	vld [tilespmem:$0x320]  }
0x1dd: {  	[tilespmem:$0x1FBF0] =	vst v16;
	v16 =	vld [tilespmem:$0x330]  }
0x1de: {  	vm10 =	vgt.s32 v55, v59;
	v59 =	vld [tilespmem:$0x1F7D0]  }
0x1df: {  	vm13 =	vgt.s32 v21, v22;
	v21 =	vld [tilespmem:$0xB50]  }
0x1e0: {  	v22 =	vld [tilespmem:$0x350]  }
0x1e1: {  	v55 =	vld [tilespmem:$0x1FA10]  }
0x1e2: {  	vm11 =	vgt.s32 v57, v58;
	v57 =	vld [tilespmem:$0x1FA30]  }
0x1e3: {  	v58 =	vld [tilespmem:$0x1FA40]  }
0x1e4: {  	vm12 =	vgt.s32 v61, v62;
	v61 =	vld [tilespmem:$0x1FA60]  }
0x1e5: {  	v62 =	vld [tilespmem:$0x1FA70]  }
0x1e6: {  	[tilespmem:$0x1FBD0] =	vst v10;
	v10 =	vsel vm6, v52, v2;
	v52 =	vld [tilespmem:$0x1F9E0]  }
0x1e7: {  	vm6 =	vgt.s32 v36, v37;
	v36 =	vld [tilespmem:$0x1FA90]  }
0x1e8: {  	v37 =	vld [tilespmem:$0x1FAA0]  }
0x1e9: {  	[tilespmem:$0xD20] =	vst v10;
	v10 =	vsel vm7, v53, v2;
	v53 =	vld [tilespmem:$0x1F9F0]  }
0x1ea: {  	vm7 =	vgt.s32 v39, v41;
	v39 =	vld [tilespmem:$0x1FAC0]  }
0x1eb: {  	v41 =	vld [tilespmem:$0x1FAD0]  }
0x1ec: {  	[tilespmem:$0xD30] =	vst v10;
	v10 =	vsel vm8, v54, v2;
	v54 =	vld [tilespmem:$0x1FA00]  }
0x1ed: {  	vm8 =	vgt.s32 v43, v45;
	v43 =	vld [tilespmem:$0x1FAF0]  }
0x1ee: {  	v45 =	vld [tilespmem:$0x1FB00]  }
0x1ef: {  	[tilespmem:$0xD40] =	vst v10;
	v10 =	vsel vm9, v56, v2;
	v56 =	vld [tilespmem:$0x1FA20]  }
0x1f0: {  	vm9 =	vgt.s32 v47, v48;
	v47 =	vld [tilespmem:$0x1FB20]  }
0x1f1: {  	v48 =	vld [tilespmem:$0x1FB30]  }
0x1f2: {  	[tilespmem:$0xD50] =	vst v10;
	v10 =	vsel vm10, v59, v2;
	v59 =	vld [tilespmem:$0x1FA50]  }
0x1f3: {  	vm10 =	vgt.s32 v50, v51;
	v50 =	vld [tilespmem:$0x1FB50]  }
0x1f4: {  	v51 =	vld [tilespmem:$0x1FB60]  }
0x1f5: {  	[tilespmem:$0xD60] =	vst v10;
	v10 =	vsel vm11, v20, v2;
	v20 =	vld [tilespmem:$0x750]  }
0x1f6: {  	v28 =	vsel vm10, v55, v2;
	v55 =	vld [tilespmem:$0x1FBA0]  }
0x1f7: {  	vm10 =	vgt.s32 v60, v44;
	v60 =	vld [tilespmem:$0x3F0]  }
0x1f8: {  	[tilespmem:$0xD70] =	vst v10;
	v10 =	vsel vm12, v23, v2;
	v23 =	vld [tilespmem:$0x760]  }
0x1f9: {  	[tilespmem:$0xE20] =	vst v28;
	v28 =	vld [tilespmem:$0x780]  }
0x1fa: {  	vm12 =	vgt.s32 v57, v58;
	v57 =	vld [tilespmem:$0x1FBC0]  }
0x1fb: {  	v58 =	vld [tilespmem:$0x1FBD0]  }
0x1fc: {  	[tilespmem:$0xD80] =	vst v10;
	v10 =	vsel vm13, v26, v2;
	v26 =	vld [tilespmem:$0x770]  }
0x1fd: {  	vm11 =	vgt.s32 v53, v54;
	v53 =	vld [tilespmem:$0x1FB80]  }
0x1fe: {  	v40 =	vsel vm10, v40, v2;
	v54 =	vld [tilespmem:$0x1FB90]  }
0x1ff: {  	vm13 =	vgt.s32 v61, v62;
	v61 =	vld [tilespmem:$0x7B0];
	[tilespmem:$0xEE0] =	vst v40  }
0x200: {  	v62 =	vld [tilespmem:$0x1FBF0];
	[tilespmem:$0xD90] =	vst v10;
	v10 =	vsel vm14, v29, v2  }
0x201: {  	v40 =	vld [tilespmem:$0x7C0];
	v29 =	vsel vm11, v56, v2;
	[tilespmem:$0xDA0] =	vst v10  }
0x202: {  	v56 =	vld [tilespmem:$0x1FBB0];
	v10 =	vsel vm15, v32, v2;
	[tilespmem:$0xE30] =	vst v29  }
0x203: {  	vm4 =	vgt.s32 v30, v31;
	vm11 =	vgt.s32 v7, v5;
	v30 =	vsel vm12, v59, v2;
	v29 =	vld [tilespmem:$0xB80];
	[tilespmem:$0xDB0] =	vst v10  }
0x204: {  	v59 =	vld [tilespmem:$0x1FBE0];
	v1 =	vsel vm11, v1, v2;
	[tilespmem:$0xE40] =	vst v30  }
0x205: {  	vm15 =	vgt.s32 v39, v41;
	vm12 =	vgt.s32 v0, v3;
	v41 =	vld [tilespmem:$0xBC0];
	v10 =	vsel vm4, v35, v2;
	[tilespmem:$0xEF0] =	vst v1  }
0x206: {  	vm5 =	vgt.s32 v33, v34;
	v35 =	vld [tilespmem:$0x1FA80];
	v3 =	vsel vm12, v4, v2;
	[tilespmem:$0xDC0] =	vst v10  }
0x207: {  	v30 =	vld [tilespmem:$0x380];
	v10 =	vsel vm5, v38, v2;
	[tilespmem:$0xF00] =	vst v3  }
0x208: {  	vm4 =	vgt.s32 v43, v45;
	v43 =	vld [tilespmem:$0x3C0];
	[tilespmem:$0xDD0] =	vst v10;
	v10 =	vsel vm6, v42, v2  }
0x209: {  	v45 =	vld [tilespmem:$0x7D0];
	[tilespmem:$0xDE0] =	vst v10;
	v10 =	vsel vm7, v46, v2  }
0x20a: {  	v38 =	vld [tilespmem:$0x1FAB0];
	vm7 =	vgt.s32 v53, v54;
	[tilespmem:$0xDF0] =	vst v10;
	v10 =	vsel vm8, v49, v2  }
0x20b: {  	vm14 =	vgt.s32 v36, v37;
	vm5 =	vgt.s32 v47, v48;
	v47 =	vld [tilespmem:$0xBD0];
	v37 =	vsel vm7, v55, v2;
	[tilespmem:$0xE00] =	vst v10  }
0x20c: {  	v42 =	vld [tilespmem:$0x1FAE0];
	v10 =	vsel vm9, v52, v2;
	[tilespmem:$0xEB0] =	vst v37  }
0x20d: {  	vm6 =	vgt.s32 v50, v51;
	v51 =	vld [tilespmem:$0x7E0];
	vm12 =	vgt.s32 v40, v41;
	v31 =	vsel vm13, v35, v2;
	[tilespmem:$0xE10] =	vst v10  }
0x20e: {  	v46 =	vld [tilespmem:$0x1FB10];
	v0 =	vsel vm12, v43, v2;
	[tilespmem:$0xE50] =	vst v31  }
0x20f: {  	v53 =	vld [tilespmem:$0xBE0];
	vm8 =	vgt.s32 v63, v56;
	v32 =	vsel vm14, v38, v2;
	[tilespmem:$0xFC0] =	vst v0  }
0x210: {  	v54 =	vld [tilespmem:$0x3E0];
	vm9 =	vgt.s32 v58, v59;
	v38 =	vsel vm8, v57, v2;
	[tilespmem:$0xE60] =	vst v32  }
0x211: {  	v49 =	vld [tilespmem:$0x1FB40];
	v39 =	vsel vm9, v62, v2;
	[tilespmem:$0xEC0] =	vst v38  }
0x212: {  	v63 =	vld [tilespmem:$0xBB0];
	vm13 =	vgt.s32 v6, v8;
	v33 =	vsel vm15, v42, v2;
	[tilespmem:$0xED0] =	vst v39  }
0x213: {  	v56 =	vld [tilespmem:$0x7F0];
	vm14 =	vgt.s32 v11, v12;
	v42 =	vsel vm13, v9, v2;
	[tilespmem:$0xE70] =	vst v33  }
0x214: {  	v52 =	vld [tilespmem:$0x1FB70];
	vm8 =	vgt.s32 v28, v29;
	v44 =	vsel vm14, v13, v2;
	[tilespmem:$0xF10] =	vst v42  }
0x215: {  	v58 =	vld [tilespmem:$0xBF0];
	v55 =	vsel vm8, v30, v2;
	[tilespmem:$0xF20] =	vst v44  }
0x216: {  	v10 =	vld [tilespmem:$0x370];
	vm15 =	vgt.s32 v14, v15;
	v34 =	vsel vm4, v46, v2;
	[tilespmem:$0xF80] =	vst v55  }
0x217: {  	v31 =	vld [tilespmem:$0x790];
	v46 =	vsel vm15, v16, v2;
	[tilespmem:$0xE80] =	vst v34  }
0x218: {  	v32 =	vld [tilespmem:$0xB90];
	vm4 =	vgt.s32 v17, v18;
	v35 =	vsel vm5, v49, v2;
	[tilespmem:$0xF30] =	vst v46  }
0x219: {  	v39 =	vld [tilespmem:$0x3B0];
	vm14 =	vgt.s32 v51, v53;
	v48 =	vsel vm4, v19, v2;
	[tilespmem:$0xE90] =	vst v35  }
0x21a: {  	v33 =	vld [tilespmem:$0x390];
	v62 =	vsel vm14, v54, v2;
	[tilespmem:$0xF40] =	vst v48  }
0x21b: {  	v34 =	vld [tilespmem:$0x7A0];
	vm5 =	vgt.s32 v20, v21;
	v36 =	vsel vm6, v52, v2;
	[tilespmem:$0xFE0] =	vst v62  }
0x21c: {  	v49 =	vld [tilespmem:$0x3D0];
	v50 =	vsel vm5, v22, v2;
	vm6 =	vgt.s32 v23, v24;
	[tilespmem:$0xEA0] =	vst v36  }
0x21d: {  	vm7 =	vgt.s32 v26, v27;
	v35 =	vld [tilespmem:$0xBA0];
	v52 =	vsel vm6, v25, v2;
	[tilespmem:$0xF50] =	vst v50  }
0x21e: {  	vm15 =	vgt.s32 v56, v58;
	v36 =	vld [tilespmem:$0x3A0];
	v10 =	vsel vm7, v10, v2;
	[tilespmem:$0xF60] =	vst v52  }
0x21f: {  	vm11 =	vgt.s32 v61, v63;
	v63 =	vsel vm15, v60, v2;
	[tilespmem:$0xF70] =	vst v10  }
.Ltmp5:
0x220: {  	vm9 =	vgt.s32 v31, v32;
	v5 =	vsel vm11, v39, v2;
	[tilespmem:$0xFF0] =	vst v63;
	(pc) =	sbr.rel @p0 .LBB2_9-.Ltmp5, $4  }
0x221: {  	vm13 =	vgt.s32 v45, v47;
	v57 =	vsel vm9, v33, v2;
	[tilespmem:$0xFB0] =	vst v5  }
0x222: {  	[tilespmem:$0xF90] =	vst v57;
	v61 =	vsel vm13, v49, v2;
	vm10 =	vgt.s32 v34, v35  }
0x223: {  	[tilespmem:$0xFD0] =	vst v61;
	v59 =	vsel vm10, v36, v2  }
0x224: {  	p2 =	por p1, p1;
	[tilespmem:$0xFA0] =	vst v59  }
0x225: {  	[spmem:s1] =	stream.indirect.scatter [tilespmem:s22], [sflag:$0x1], $0x1, s31, s14, $0xb8;
	[tilespmem:$0x10428] =	vst v63  }
0x226: {  	_ = 	snop  }
0x227: {  	[spmem:s1] =	stream.indirect.scatter [tilespmem:s23], [sflag:$0x1], $0x1, s0, s14, $0xb8;
	[tilespmem:$0x10428] =	vst v63  }
0x228: {  	_ = 	snop  }
0x229: {  	[spmem:s1] =	stream.indirect.scatter [tilespmem:s24], [sflag:$0x1], $0x1, s2, s14, $0xb8;
	[tilespmem:$0x10428] =	vst v63  }
0x22a: {  	_ = 	snop  }
0x22b: {  	[spmem:s1] =	stream.indirect.scatter [tilespmem:s25], [sflag:$0x1], $0x1, s4, s14, $0xb8;
	[tilespmem:$0x10428] =	vst v63  }
0x22c: {  	_ = 	snop  }
0x22d: {  	[spmem:s1] =	stream.indirect.scatter [tilespmem:s26], [sflag:$0x1], $0x1, s5, s14, $0xb8;
	[tilespmem:$0x10428] =	vst v63  }
0x22e: {  	_ = 	snop  }
0x22f: {  	[spmem:s1] =	stream.indirect.scatter [tilespmem:s28], [sflag:$0x1], $0x1, s6, s14, $0xb8;
	[tilespmem:$0x10428] =	vst v63  }
0x230: {  	_ = 	snop  }
0x231: {  	[spmem:s1] =	stream.indirect.scatter [tilespmem:s29], [sflag:$0x1], $0x1, s7, s14, $0xb8;
	[tilespmem:$0x10428] =	vst v63  }
0x232: {  	_ = 	snop  }
0x233: {  	[spmem:s1] =	stream.indirect.scatter [tilespmem:s30], [sflag:$0x1], $0x1, s8, s14, $0xb8;
	[tilespmem:$0x10428] =	vst v63  }
0x234: {  	_ =	swait.ge [sflag:s21], $0x80  }
0x235: {  	[sflag:s21] =	ssyncset.done $0x0  }
0x236: {  	[sflag:s21] =	ssyncadd.s32 $0xFFFFFF80  }
0x237: {  	_ =	swait.ge [sflag:s21], $0x80  }
0x238: {  	[sflag:s21] =	ssyncset.done $0x0  }
0x239: {  	[sflag:s21] =	ssyncadd.s32 $0xFFFFFF80  }
0x23a: {  	_ =	swait.ge [sflag:s21], $0x80  }
0x23b: {  	[sflag:s21] =	ssyncset.done $0x0  }
0x23c: {  	[sflag:s21] =	ssyncadd.s32 $0xFFFFFF80  }
0x23d: {  	_ =	swait.ge [sflag:s21], $0x80  }
0x23e: {  	[sflag:s21] =	ssyncset.done $0x0  }
0x23f: {  	[sflag:s21] =	ssyncadd.s32 $0xFFFFFF80  }
0x240: {  	_ =	swait.ge [sflag:s21], $0x80  }
0x241: {  	[sflag:s21] =	ssyncset.done $0x0  }
0x242: {  	[sflag:s21] =	ssyncadd.s32 $0xFFFFFF80  }
0x243: {  	_ =	swait.ge [sflag:s21], $0x80  }
0x244: {  	[sflag:s21] =	ssyncset.done $0x0  }
0x245: {  	[sflag:s21] =	ssyncadd.s32 $0xFFFFFF80  }
0x246: {  	_ =	swait.ge [sflag:s21], $0x80  }
0x247: {  	[sflag:s21] =	ssyncset.done $0x0  }
0x248: {  	[sflag:s21] =	ssyncadd.s32 $0xFFFFFF80  }
.Ltmp6:
0x249: {  	_ =	swait.ge [sflag:s21], $0x80;
	(pc) =	sbr.rel @p2 .LBB2_4-.Ltmp6, $4  }
0x24a: {  	[sflag:s21] =	ssyncset.done $0x0  }
0x24b: {  	[sflag:s21] =	ssyncadd.s32 $0xFFFFFF80  }
0x24c: {  	[bflag:$0x0] =	sbarrier.arrive $0xFFFF  }
0x24d: {  	p1 =	por $0x0, $0x0  }
0x24e: {  	s11 =	simm.s32 $0x800  }
0x24f: {  	[tilespmem:s11], [sflag:$0x1] =	stream.indirect.gather [spmem:s1], $0x1, s3, s14, $0xb8;
	[tilespmem:$0x10428] =	vst v63  }
0x250: {  	s9 =	simm.s32 $0x880  }
0x251: {  	[tilespmem:s9], [sflag:$0x1] =	stream.indirect.gather [spmem:s1], $0x1, s14, s14, $0xb8;
	[tilespmem:$0x10428] =	vst v63  }
0x252: {  	s12 =	simm.s32 $0x900  }
0x253: {  	[tilespmem:s12], [sflag:$0x1] =	stream.indirect.gather [spmem:s1], $0x1, s15, s14, $0xb8;
	[tilespmem:$0x10428] =	vst v63  }
0x254: {  	s12 =	simm.s32 $0x980  }
0x255: {  	[tilespmem:s12], [sflag:$0x1] =	stream.indirect.gather [spmem:s1], $0x1, s16, s14, $0xb8;
	[tilespmem:$0x10428] =	vst v63  }
0x256: {  	s12 =	simm.s32 $0xA00  }
0x257: {  	[tilespmem:s12], [sflag:$0x1] =	stream.indirect.gather [spmem:s1], $0x1, s17, s14, $0xb8;
	[tilespmem:$0x10428] =	vst v63  }
0x258: {  	s12 =	simm.s32 $0xA80  }
0x259: {  	[tilespmem:s12], [sflag:$0x1] =	stream.indirect.gather [spmem:s1], $0x1, s18, s14, $0xb8;
	[tilespmem:$0x10428] =	vst v63  }
0x25a: {  	s12 =	simm.s32 $0xB00  }
0x25b: {  	[tilespmem:s12], [sflag:$0x1] =	stream.indirect.gather [spmem:s1], $0x1, s19, s14, $0xb8;
	[tilespmem:$0x10428] =	vst v63  }
0x25c: {  	s12 =	simm.s32 $0xB80  }
0x25d: {  	[tilespmem:s12], [sflag:$0x1] =	stream.indirect.gather [spmem:s1], $0x1, s20, s14, $0xb8;
	[tilespmem:$0x10428] =	vst v63  }
0x25e: {  	_ =	swait.ge [sflag:s21], $0x80  }
0x25f: {  	[sflag:s21] =	ssyncset.done $0x0  }
0x260: {  	[sflag:s21] =	ssyncadd.s32 $0xFFFFFF80  }
0x261: {  	_ =	swait.ge [sflag:s21], $0x80  }
0x262: {  	[sflag:s21] =	ssyncset.done $0x0  }
0x263: {  	[sflag:s21] =	ssyncadd.s32 $0xFFFFFF80  }
0x264: {  	_ =	swait.ge [sflag:s21], $0x80  }
0x265: {  	[sflag:s21] =	ssyncset.done $0x0  }
0x266: {  	[sflag:s21] =	ssyncadd.s32 $0xFFFFFF80  }
0x267: {  	_ =	swait.ge [sflag:s21], $0x80  }
0x268: {  	[sflag:s21] =	ssyncset.done $0x0  }
0x269: {  	[sflag:s21] =	ssyncadd.s32 $0xFFFFFF80  }
0x26a: {  	_ =	swait.ge [sflag:s21], $0x80  }
0x26b: {  	[sflag:s21] =	ssyncset.done $0x0  }
0x26c: {  	[sflag:s21] =	ssyncadd.s32 $0xFFFFFF80  }
0x26d: {  	_ =	swait.ge [sflag:s21], $0x80  }
0x26e: {  	[sflag:s21] =	ssyncset.done $0x0  }
0x26f: {  	[sflag:s21] =	ssyncadd.s32 $0xFFFFFF80  }
0x270: {  	_ =	swait.ge [sflag:s21], $0x80  }
0x271: {  	[sflag:s21] =	ssyncset.done $0x0  }
0x272: {  	[sflag:s21] =	ssyncadd.s32 $0xFFFFFF80  }
0x273: {  	_ =	swait.ge [sflag:s21], $0x80  }
0x274: {  	[sflag:s21] =	ssyncset.done $0x0  }
.Ltmp7:
0x275: {  	s12 =	rddreg [dreg:$0xc];
	[sflag:s21] =	ssyncadd.s32 $0xFFFFFF80;
	(pc) =	sbr.rel .LBB2_7-.Ltmp7, $4  }
0x276: {  	[hbm4b:s12+s3] =	stream.linear.scatter [tilespmem:s11], [sflag:$0x1], $0x400, $0x38;
	[tilespmem:$0x10428] =	vst v63  }
0x277: {  	_ =	swait.ge [sflag:s21], $0x400  }
0x278: {  	[sflag:s21] =	ssyncset.done $0x0  }
0x279: {  	[sflag:s21] =	ssyncadd.s32 $0xFFFFFC00  }
.LBB2_8:
0x27a: {  	_ =	sfence.sel $0x180000  }
0x27b: {  	[bflag:$0x0] =	sbarrier.arrive $0xFFFF  }
0x27c: {  	_ =	strace $0x90000047  }
0x27d: {  	s0 =	stileid.u32;
	[bflag:$0x2] =	sbarrier.arrive $0xFFFF  }
0x27e: {  	p0 =	sne.s32 s0, $0x0;
	s0 =	rddreg [dreg:$0x3]  }
0x27f: {  	s0 =	sadd.s32 @!p0 $0x100000, s0  }
0x280: {  	[sflag:s0] =	ssyncadd.tile.s32 @!p0 $0x1;
	_ =	shalt  }
.Lfunc_end2:
_tile_overlayer_lowered:
.L_overlay_start_2:
0x281: {  	(tag) =	ssettag $0x2  }
0x282: {  	s0 =	rddreg [dreg:$0x0];
	s2 =	stileid.u32  }
0x283: {  	s1 =	rddreg [dreg:$0x1];
	p0 =	sne.s32 s2, $0x0  }
0x284: {  	s3 =	rddreg [dreg:$0x2];
	[bflag:$0x3] =	sbarrier.arrive $0xFFFF;
	s2 =	simm.s32 @!p0 $0x1C02  }
0x285: {  	[timem:s3], [sflag:s2] =	dma.local @!p0 [hbm:s0], s1  }
0x286: {  	s0 =	simm.s32 @!p0 $0x2  }
0x287: {  	_ =	swait.ge @!p0 [sflag:s0], s1  }
0x288: {  	s1 =	ssub.s32 @!p0 $0x0, s1;
	[sflag:s0] =	ssyncset.done @!p0 $0x0  }
0x289: {  	[sflag:s0] =	ssyncadd.s32 @!p0 s1  }
0x28a: {  	[bflag:$0x3] =	sbarrier.arrive $0xFFFF  }
0x28b: {  	_ =	shalt  }

// kernel: kernel.8.cloned.1.call-start
scs
__scs_entry_jumppad:
0x0: {  	(pc) =	sbr.rel $0x88, $3  }
0x1: {  	(tag) =	ssettag $0x0;
	lr =	simm.s32 $0x1  }
0x2: {  	[smem:$0x3F9F] =	sst lr;
	_ =	strace $0xD0000000  }
0x3: {  	_ = 	snop  }
0x4: {  	_ = 	snop  }
0x5: {  	_ = 	snop  }
0x6: {  	_ = 	snop  }
0x7: {  	_ = 	snop  }
__scs_overlays_trampoline_lowered:
0x8: {  	[smem:$0x3FAE] =	sst s0  }
0x9: {  	[smem:$0x3FAF] =	sst s1  }
0xa: {  	[smem:$0x3FB0] =	sst s2  }
0xb: {  	[smem:$0x3FB1] =	sst s3  }
0xc: {  	[smem:$0x3FB2] =	sst s4  }
0xd: {  	[smem:$0x3FB3] =	sst s5  }
0xe: {  	[smem:$0x3FB4] =	sst s6  }
0xf: {  	[smem:$0x3FB5] =	sst s7  }
0x10: {  	[smem:$0x3FB6] =	sst s8  }
0x11: {  	[smem:$0x3FB7] =	sst s9;
	s0 =	simm.s32 @!p0 $0x0  }
0x12: {  	s1 =	sld [smem:$0x3F9D];
	s0 =	simm.s32 @p0 $0x1  }
0x13: {  	[smem:$0x3FB8] =	sst s0;
	s0 =	simm.s32 @!p1 $0x0  }
0x14: {  	s2 =	sld [smem:$0x3F9C];
	s0 =	simm.s32 @p1 $0x1  }
0x15: {  	[smem:$0x3FB9] =	sst s0;
	s0 =	simm.s32 @!p2 $0x0  }
0x16: {  	s3 =	sld [smem:$0x3FDB];
	s0 =	simm.s32 @p2 $0x1  }
0x17: {  	s4 =	simm.s32 $0x1BF5;
	[smem:$0x3FBB] =	sst s0  }
0x18: {  	s0 =	sld [smem:$0x3F9E];
	_ =	swait.ge [sflag:s4], $0x0  }
0x19: {  	s7 =	sld [smem:$0x3F9F]  }
0x1a: {  	s8 =	sadd.s32 $0xFFFFE003, lr  }
0x1b: {  	s9 =	sadd.s32 $0xFFFFFEF7, lr;
	s5 =	simm.s32 $0xFFFFFFFF;
	p2 =	slt.u32 s8, $0xFFFFF086  }
0x1c: {  	p1 =	slt.u32 s9, $0xF7A;
	s5 =	simm.s32 @!p2 $0x0  }
0x1d: {  	s5 =	simm.s32 @p1 $0x1;
	p0 =	seq.s32 s7, s2  }
0x1e: {  	s7 =	smul.u32 @!p0 $0xF7A, s2;
	p2 =	seq.s32 @!p0 s5, $0x0  }
0x1f: {  	s9 =	smul.u32 $0xF7A, s1;
	s8 =	simm.s32 @!p0 $0x1BF5;
	p2 =	por !p2, p0  }
0x20: {  	[sflag:s8] =	ssyncset.s32 @!p0 $0xFFFFF086;
	s6 =	sadd.s32 @!p0 s3, s7;
	s7 =	simm.s32 @!p0 $0x108  }
0x21: {  	s3 =	sadd.s32 s3, s9;
	s6 =	sadd.s32 @!p0 $0x88, s6;
	s7 =	simm.s32 @p2 $0x1082  }
0x22: {  	[simem:s7], [sflag:s8] =	dma.local @!p0 [hbm:s6], $0xF7A  }
0x23: {  	s9 =	sor.u32 $0xD0000000, s2;
	s6 =	simm.s32 $0x108;
	_ =	swait.ge @!p0 [sflag:s8], $0x0  }
0x24: {  	s3 =	sadd.s32 $0x88, s3;
	s6 =	simm.s32 @!p1 $0x1082;
	[sflag:s4] =	ssyncset.s32 $0xFFFFF086  }
0x25: {  	[simem:s6], [sflag:s4] =	dma.local [hbm:s3], $0xF7A  }
0x26: {  	[smem:$0x3F9F] =	sst s1;
	(tag) =	ssettag s2;
	_ =	strace s9  }
0x27: {  	s1 =	sld [smem:$0x3FAF]  }
0x28: {  	s2 =	sld [smem:$0x3FB0]  }
0x29: {  	s4 =	sld [smem:$0x3FB2]  }
0x2a: {  	p0 =	seq.s32 s5, $0x0;
	s5 =	sld [smem:$0x3FB3]  }
0x2b: {  	s6 =	sld [smem:$0x3FB4]  }
0x2c: {  	s7 =	sld [smem:$0x3FB5]  }
0x2d: {  	s3 =	simm.s32 $0x108;
	s8 =	sld [smem:$0x3FB6]  }
0x2e: {  	s3 =	simm.s32 @!p0 $0x1082;
	s9 =	sld [smem:$0x3FB7]  }
0x2f: {  	lr =	sadd.s32 s0, s3;
	s0 =	sld [smem:$0x3FAE]  }
0x30: {  	s3 =	sld [smem:$0x3FB1]  }
0x31: {  	[smem:$0x3FBA] =	sst s10  }
0x32: {  	s10 =	sld [smem:$0x3FB8];
	_ =	sdelay $0x3  }
0x33: {  	p0 =	seq.s32 s10, $0x1;
	s10 =	sld [smem:$0x3FBA];
	_ =	sdelay $0x3  }
0x34: {  	[smem:$0x3FBA] =	sst s10  }
0x35: {  	s10 =	sld [smem:$0x3FB9];
	_ =	sdelay $0x3  }
0x36: {  	p1 =	seq.s32 s10, $0x1;
	s10 =	sld [smem:$0x3FBA];
	_ =	sdelay $0x3  }
0x37: {  	[smem:$0x3FBA] =	sst s10  }
0x38: {  	s10 =	sld [smem:$0x3FBB]  }
0x39: {  	_ = 	snop;
	(pc) =	sbr.ind lr, $3  }
0x3a: {  	_ = 	snop  }
0x3b: {  	_ = 	snop  }
0x3c: {  	p2 =	seq.s32 s10, $0x1;
	s10 =	sld [smem:$0x3FBA]  }
0x3d: {  	_ =	shalt  }
0x3e: {  	_ =	shalt  }
0x3f: {  	_ =	shalt  }
0x40: {  	_ =	shalt  }
0x41: {  	_ =	shalt  }
0x42: {  	_ =	shalt  }
0x43: {  	_ =	shalt  }
0x44: {  	_ =	shalt  }
0x45: {  	_ =	shalt  }
0x46: {  	_ =	shalt  }
0x47: {  	_ =	shalt  }
0x48: {  	_ =	shalt  }
0x49: {  	_ =	shalt  }
0x4a: {  	_ =	shalt  }
0x4b: {  	_ =	shalt  }
0x4c: {  	_ =	shalt  }
0x4d: {  	_ =	shalt  }
0x4e: {  	_ =	shalt  }
0x4f: {  	_ =	shalt  }
0x50: {  	_ =	shalt  }
0x51: {  	_ =	shalt  }
0x52: {  	_ =	shalt  }
0x53: {  	_ =	shalt  }
0x54: {  	_ =	shalt  }
0x55: {  	_ =	shalt  }
0x56: {  	_ =	shalt  }
0x57: {  	_ =	shalt  }
0x58: {  	_ =	shalt  }
0x59: {  	_ =	shalt  }
0x5a: {  	_ =	shalt  }
0x5b: {  	_ =	shalt  }
0x5c: {  	_ =	shalt  }
0x5d: {  	_ =	shalt  }
0x5e: {  	_ =	shalt  }
0x5f: {  	_ =	shalt  }
0x60: {  	_ =	shalt  }
0x61: {  	_ =	shalt  }
0x62: {  	_ =	shalt  }
0x63: {  	_ =	shalt  }
0x64: {  	_ =	shalt  }
0x65: {  	_ =	shalt  }
0x66: {  	_ =	shalt  }
0x67: {  	_ =	shalt  }
0x68: {  	_ =	shalt  }
0x69: {  	_ =	shalt  }
0x6a: {  	_ =	shalt  }
0x6b: {  	_ =	shalt  }
0x6c: {  	_ =	shalt  }
0x6d: {  	_ =	shalt  }
0x6e: {  	_ =	shalt  }
0x6f: {  	_ =	shalt  }
0x70: {  	_ =	shalt  }
0x71: {  	_ =	shalt  }
0x72: {  	_ =	shalt  }
0x73: {  	_ =	shalt  }
0x74: {  	_ =	shalt  }
0x75: {  	_ =	shalt  }
0x76: {  	_ =	shalt  }
0x77: {  	_ =	shalt  }
0x78: {  	_ =	shalt  }
0x79: {  	_ =	shalt  }
0x7a: {  	_ =	shalt  }
0x7b: {  	_ =	shalt  }
0x7c: {  	_ =	shalt  }
0x7d: {  	_ =	shalt  }
0x7e: {  	_ =	shalt  }
0x7f: {  	_ =	shalt  }
0x80: {  	_ =	shalt  }
0x81: {  	_ =	shalt  }
0x82: {  	_ =	shalt  }
0x83: {  	_ =	shalt  }
0x84: {  	_ =	shalt  }
0x85: {  	_ =	shalt  }
0x86: {  	_ =	shalt  }
0x87: {  	_ =	shalt  }
.Lfunc_end0:
.L_simem_size_0:
called_computation.1_lowered:
.L_overlay_start_0:
0x88: {  	s2 =	sld [smem:$0x3FD9]  }
0x89: {  	s3 =	sld [smem:$0x3FFE];
	_ =	sdelay $0x1  }
0x8a: {  	s1 =	srdreg.scid  }
0x8b: {  	s0 =	sand.u32 $0x1, s1  }
0x8c: {  	s14 =	sshll.u32 s0, $0xA;
	s2 =	sadd.s32 s3, s2  }
0x8d: {  	s2 =	sadd.s32 s2, s14  }
0x8e: {  	[smem:$0x3FC6] =	sst s2  }
0x8f: {  	_ = 	snop  }
0x90: {  	s2 =	sld [smem:$0x3FD0];
	_ =	sdelay $0x2  }
0x91: {  	s4 =	simm.s32 $0xA;
	s5 =	simm.s32 $0x10;
	s15 =	sld [smem:$0x3FC8]  }
0x92: {  	[smem:s5], [sflag:s4] =	dma.local [hbm:s2], $0x1  }
0x93: {  	_ =	swait.eq [sflag:s4], $0x1  }
0x94: {  	[sflag:s4] =	ssyncset.done $0x0  }
0x95: {  	[sflag:s4] =	ssyncadd.s32 $0xFFFFFFFF  }
0x96: {  	s16 =	sld [smem:$0x11];
	(tm) =	ssettm $0x1  }
0x97: {  	s17 =	sld [smem:$0x3FFB];
	_ =	sdelay $0x3  }
0x98: {  	_ =	strace s17  }
0x99: {  	s4 =	sld [smem:$0x3FFC];
	_ =	sdelay $0x3  }
0x9a: {  	_ =	strace s4  }
0x9b: {  	s4 =	sld [smem:$0x3FFD];
	_ =	sdelay $0x3  }
0x9c: {  	_ =	strace s4  }
0x9d: {  	_ =	strace $0x8FFFFFFF  }
0x9e: {  	s18 =	sld [smem:$0x3FDB];
	_ =	sdelay $0x1  }
0x9f: {  	s19 =	simm.s32 $_scs_section_size  }
0xa0: {  	s6 =	simm.s32 $_size__tile_overlayer_lowered;
	s7 =	simm.s32 $_tile_overlayer_lowered  }
0xa1: {  	s22 =	simm.s32 $0x1BFF;
	s21 =	sshll.u32 s7, $0x1;
	s4 =	sadd.s32 s19, s18  }
0xa2: {  	s8 =	simm.s32 $0x0;
	s20 =	sshll.u32 s6, $0x1;
	s6 =	sadd.s32 s21, s4  }
0xa3: {  	[timem:s8], [sflag:s22] =	dma.local [hbm:s6], s20  }
0xa4: {  	_ =	swait.ge [sflag:s22], s20  }
0xa5: {  	s5 =	ssub.s32 $0x0, s20;
	[sflag:s22] =	ssyncset.done $0x0  }
0xa6: {  	[sflag:s22] =	ssyncadd.s32 s5;
	_ =	sdelay $0x1  }
0xa7: {  	s23 =	simm.s32 $0x1B8B  }
0xa8: {  	_ =	swait.ge [sflag:s23], $0x1  }
0xa9: {  	[sflag:s23] =	ssyncset.done $0x0  }
0xaa: {  	s25 =	simm.s32 $0x1B8E;
	s24 =	sld [smem:$0x3FFE];
	[sflag:s23] =	ssyncadd.s32 $0xFFFFFFFF  }
0xab: {  	s26 =	simm.s32 $execute0_lowered;
	[smem:$0x3FD2] =	sst s25  }
0xac: {  	s6 =	sshll.u32 s26, $0x1;
	_ =	strace $0x80000049;
	[dreg:$0x1] =	wrdreg $0xFFFFFFFF  }
0xad: {  	s28 =	simm.s32 $_size_execute0_lowered;
	s4 =	sadd.s32 s4, s6;
	[dreg:$0x0] =	wrdreg $0x0  }
0xae: {  	s6 =	sshll.u32 s28, $0x1;
	[dreg:$0x2] =	wrdreg s4  }
0xaf: {  	[dreg:$0x3] =	wrdreg s6  }
0xb0: {  	[dreg:$0x4] =	wrdreg $0xC0  }
0xb1: {  	_ =	task [dreg:s8], $0x5FFFF  }
0xb2: {  	[dreg:$0x1] =	wrdreg $0xFFFFFFFF  }
0xb3: {  	[dreg:$0x0] =	wrdreg $0x60  }
0xb4: {  	[dreg:$0x2] =	wrdreg s15  }
0xb5: {  	[dreg:$0x3] =	wrdreg s24  }
0xb6: {  	[dreg:$0x4] =	wrdreg s16  }
0xb7: {  	[dreg:$0x5] =	wrdreg $0x9  }
0xb8: {  	_ =	task.clear_ibuf [dreg:s8], $0x6FFFF;
	_ =	strace $0x90000049  }
0xb9: {  	s29 =	simm.s32 $0x9;
	_ =	strace $0x8000004B  }
0xba: {  	_ =	swait.ge [sflag:s29], $0x1  }
0xbb: {  	[sflag:s29] =	ssyncadd.s32 $0xFFFFFFFF  }
0xbc: {  	_ =	strace $0x9000004B  }
0xbd: {  	_ =	sfence  }
0xbe: {  	s30 =	sld [smem:$0x0];
	_ =	sdelay $0x2  }
0xbf: {  	s31 =	sshll.u32 s1, $0xD;
	s1 =	sshrl.u32 s1, $0x2  }
0xc0: {  	s3 =	sand.u32 $0x4000, s31;
	s1 =	sadd.s32 s1, s30  }
0xc1: {  	s0 =	sor.u32 s3, s0;
	s1 =	sshll.u32 s1, $0x11  }
0xc2: {  	s0 =	sor.u32 s1, s0  }
0xc3: {  	s0 =	sadd.s32 $0x8F2B, s0  }
0xc4: {  	[sflag:s0] =	ssyncadd.remote.s32 $0x1  }
0xc5: {  	_ =	sfence.sel $0xFFFF  }
0xc6: {  	[dreg:$0x0] =	wrdreg $0xFFFFFFFF;
	(pc) =	sbr.abs _section_cstart, $3  }
0xc7: {  	[dreg:$0x1] =	wrdreg $0xFFFFFFFF  }
0xc8: {  	_ =	task.clear_ibuf [dreg:s8], $0x2FFFF;
	_ =	strace $0x9FFFFFFF  }
0xc9: {  	(tm) =	ssettm $0x7FFFFFFF  }
tec
execute0_lowered:
.L_overlay_start_1:
0x0: {  	(tag) =	ssettag $0x1  }
0x1: {  	s4 =	rddreg [dreg:$0x0]  }
0x2: {  	s23 =	rddreg [dreg:$0x1];
	s3 =	srdreg.scid  }
0x3: {  	s2 =	rddreg [dreg:$0x2];
	s1 =	stileid.u32;
	s25 =	sand.u32 $0x1, s3  }
0x4: {  	s3 =	simm.s32 $0x0;
	s6 =	sshll.u32 s1, $0x6;
	s5 =	sshll.u32 s25, $0xA  }
0x5: {  	[smem:$0x7FF] =	sst s3;
	s9 =	sor.u32 s6, s5  }
0x6: {  	s0 =	rddreg [dreg:$0x3];
	_ =	strace $0x8000004A;
	s4 =	sadd.s32 s4, s9  }
0x7: {  	[tilespmem:s3], [sflag:$0x1] =	stream.linear.gather [hbm4b:s4+s3], $0x80, $0x38;
	[tilespmem:$0x600] =	vst v63  }
0x8: {  	s6 =	simm.s32 $0x80;
	s5 =	sadd.s32 $0x10, s4  }
0x9: {  	[tilespmem:s6], [sflag:$0x1] =	stream.linear.gather [hbm4b:s5+s3], $0x80, $0x38;
	[tilespmem:$0x600] =	vst v63  }
0xa: {  	s8 =	simm.s32 $0x100;
	s7 =	sadd.s32 $0x20, s4  }
0xb: {  	[tilespmem:s8], [sflag:$0x1] =	stream.linear.gather [hbm4b:s7+s3], $0x80, $0x38;
	[tilespmem:$0x600] =	vst v63  }
0xc: {  	s10 =	simm.s32 $0x180;
	s11 =	sadd.s32 s9, s23;
	s9 =	sadd.s32 $0x30, s4  }
0xd: {  	[tilespmem:s10], [sflag:$0x1] =	stream.linear.gather [hbm4b:s9+s3], $0x80, $0x38;
	[tilespmem:$0x600] =	vst v63  }
0xe: {  	s12 =	simm.s32 $0x200;
	s13 =	simm.s32 $0x2;
	s11 =	sadd.s32 $0xE00, s11  }
0xf: {  	[tilespmem:s12], [sflag:$0x2] =	stream.linear.gather [hbm4b:s11+s3], $0x200, $0x38;
	[tilespmem:$0x600] =	vst v63  }
0x10: {  	_ =	swait.ge [sflag:s13], $0x200  }
0x11: {  	[sflag:s13] =	ssyncset.done $0x0  }
0x12: {  	s14 =	simm.s32 $0x400;
	[sflag:s13] =	ssyncadd.s32 $0xFFFFFE00  }
0x13: {  	[tilespmem:s14], [sflag:$0x3] =	stream.indirect.gather [hbm4b:s2+s6], $0x1, s12, s6, $0xb8;
	[tilespmem:$0x600] =	vst v63  }
0x14: {  	s15 =	simm.s32 $0x280;
	s16 =	simm.s32 $0x480  }
0x15: {  	[tilespmem:s16], [sflag:$0x3] =	stream.indirect.gather [hbm4b:s2+s6], $0x1, s15, s6, $0xb8;
	[tilespmem:$0x600] =	vst v63  }
0x16: {  	s17 =	simm.s32 $0x300;
	s18 =	simm.s32 $0x500  }
0x17: {  	[tilespmem:s18], [sflag:$0x3] =	stream.indirect.gather [hbm4b:s2+s6], $0x1, s17, s6, $0xb8;
	[tilespmem:$0x600] =	vst v63  }
0x18: {  	s19 =	simm.s32 $0x380;
	s20 =	simm.s32 $0x580;
	s21 =	simm.s32 $0x1  }
0x19: {  	[tilespmem:s20], [sflag:$0x3] =	stream.indirect.gather [hbm4b:s2+s6], $0x1, s19, s6, $0xb8;
	[tilespmem:$0x600] =	vst v63  }
0x1a: {  	_ =	swait.ge [sflag:s21], $0x80  }
0x1b: {  	[sflag:s21] =	ssyncset.done $0x0  }
0x1c: {  	[sflag:s21] =	ssyncadd.s32 $0xFFFFFF80  }
0x1d: {  	_ =	swait.ge [sflag:s21], $0x80  }
0x1e: {  	[sflag:s21] =	ssyncset.done $0x0  }
0x1f: {  	[sflag:s21] =	ssyncadd.s32 $0xFFFFFF80  }
0x20: {  	_ =	swait.ge [sflag:s21], $0x80  }
0x21: {  	[sflag:s21] =	ssyncset.done $0x0  }
0x22: {  	[sflag:s21] =	ssyncadd.s32 $0xFFFFFF80  }
0x23: {  	_ =	swait.ge [sflag:s21], $0x80  }
0x24: {  	[sflag:s21] =	ssyncset.done $0x0  }
0x25: {  	s22 =	simm.s32 $0x3;
	[sflag:s21] =	ssyncadd.s32 $0xFFFFFF80  }
0x26: {  	_ =	swait.ge [sflag:s22], $0x80  }
0x27: {  	[sflag:s22] =	ssyncset.done $0x0  }
0x28: {  	s23 =	sadd.s32 $0x1600, s23;
	[sflag:s22] =	ssyncadd.s32 $0xFFFFFF80  }
0x29: {  	[hbm4b:s23+s6] =	stream.indirect.scatter [tilespmem:s14], [sflag:$0x4], $0x1, s3, s6, $0xb8;
	[tilespmem:$0x600] =	vst v63  }
0x2a: {  	_ =	swait.ge [sflag:s22], $0x80  }
0x2b: {  	[sflag:s22] =	ssyncset.done $0x0  }
0x2c: {  	[sflag:s22] =	ssyncadd.s32 $0xFFFFFF80  }
0x2d: {  	[hbm4b:s23+s6] =	stream.indirect.scatter [tilespmem:s16], [sflag:$0x4], $0x1, s6, s6, $0xb8;
	[tilespmem:$0x600] =	vst v63  }
0x2e: {  	_ =	swait.ge [sflag:s22], $0x80  }
0x2f: {  	[sflag:s22] =	ssyncset.done $0x0  }
0x30: {  	[sflag:s22] =	ssyncadd.s32 $0xFFFFFF80  }
0x31: {  	[hbm4b:s23+s6] =	stream.indirect.scatter [tilespmem:s18], [sflag:$0x4], $0x1, s8, s6, $0xb8;
	[tilespmem:$0x600] =	vst v63  }
0x32: {  	_ =	swait.ge [sflag:s22], $0x80  }
0x33: {  	[sflag:s22] =	ssyncset.done $0x0  }
0x34: {  	s24 =	simm.s32 $0x4;
	[sflag:s22] =	ssyncadd.s32 $0xFFFFFF80  }
0x35: {  	[hbm4b:s23+s6] =	stream.indirect.scatter [tilespmem:s20], [sflag:$0x4], $0x1, s10, s6, $0xb8;
	[tilespmem:$0x600] =	vst v63  }
0x36: {  	_ =	swait.ge [sflag:s24], $0x80  }
0x37: {  	s25 =	ssub.s32 $0x2, s25;
	[sflag:s24] =	ssyncset.done $0x0  }
0x38: {  	s26 =	sshrl.u32 s25, $0x1;
	[sflag:s24] =	ssyncadd.s32 $0xFFFFFF80  }
0x39: {  	s25 =	ssub.s32 s25, s26;
	_ =	swait.ge [sflag:s24], $0x80  }
0x3a: {  	s25 =	smax.u32 s25, $0x1;
	[sflag:s24] =	ssyncset.done $0x0  }
0x3b: {  	p0 =	sne.s32 s25, $0x1;
	[sflag:s24] =	ssyncadd.s32 $0xFFFFFF80  }
.Ltmp0:
0x3c: {  	_ =	swait.ge [sflag:s24], $0x80;
	(pc) =	sbr.rel @!p0 .LBB2_2-.Ltmp0, $4  }
0x3d: {  	[sflag:s24] =	ssyncset.done $0x0  }
0x3e: {  	[sflag:s24] =	ssyncadd.s32 $0xFFFFFF80  }
0x3f: {  	_ =	swait.ge [sflag:s24], $0x80  }
0x40: {  	s25 =	sadd.s32 $0xFFFFFFFF, s25;
	[sflag:s24] =	ssyncset.done $0x0  }
.LBB2_1:
0x41: {  	p0 =	sne.s32 s25, $0x1;
	s25 =	sadd.s32 $0xFFFFFFFF, s25;
	[sflag:s24] =	ssyncadd.s32 $0xFFFFFF80  }
0x42: {  	[tilespmem:s3], [sflag:$0x1] =	stream.linear.gather [hbm4b:s4+s3], $0x80, $0x38;
	[tilespmem:$0x600] =	vst v63  }
0x43: {  	_ = 	snop  }
0x44: {  	[tilespmem:s6], [sflag:$0x1] =	stream.linear.gather [hbm4b:s5+s3], $0x80, $0x38;
	[tilespmem:$0x600] =	vst v63  }
0x45: {  	_ = 	snop  }
0x46: {  	[tilespmem:s8], [sflag:$0x1] =	stream.linear.gather [hbm4b:s7+s3], $0x80, $0x38;
	[tilespmem:$0x600] =	vst v63  }
0x47: {  	_ = 	snop  }
0x48: {  	[tilespmem:s10], [sflag:$0x1] =	stream.linear.gather [hbm4b:s9+s3], $0x80, $0x38;
	[tilespmem:$0x600] =	vst v63  }
0x49: {  	_ = 	snop  }
0x4a: {  	[tilespmem:s12], [sflag:$0x2] =	stream.linear.gather [hbm4b:s11+s3], $0x200, $0x38;
	[tilespmem:$0x600] =	vst v63  }
0x4b: {  	_ =	swait.ge [sflag:s13], $0x200  }
0x4c: {  	[sflag:s13] =	ssyncset.done $0x0  }
0x4d: {  	[sflag:s13] =	ssyncadd.s32 $0xFFFFFE00  }
0x4e: {  	[tilespmem:s14], [sflag:$0x3] =	stream.indirect.gather [hbm4b:s2+s6], $0x1, s12, s6, $0xb8;
	[tilespmem:$0x600] =	vst v63  }
0x4f: {  	_ = 	snop  }
0x50: {  	[tilespmem:s16], [sflag:$0x3] =	stream.indirect.gather [hbm4b:s2+s6], $0x1, s15, s6, $0xb8;
	[tilespmem:$0x600] =	vst v63  }
0x51: {  	_ = 	snop  }
0x52: {  	[tilespmem:s18], [sflag:$0x3] =	stream.indirect.gather [hbm4b:s2+s6], $0x1, s17, s6, $0xb8;
	[tilespmem:$0x600] =	vst v63  }
0x53: {  	_ = 	snop  }
0x54: {  	[tilespmem:s20], [sflag:$0x3] =	stream.indirect.gather [hbm4b:s2+s6], $0x1, s19, s6, $0xb8;
	[tilespmem:$0x600] =	vst v63  }
0x55: {  	_ =	swait.ge [sflag:s21], $0x80  }
0x56: {  	[sflag:s21] =	ssyncset.done $0x0  }
0x57: {  	[sflag:s21] =	ssyncadd.s32 $0xFFFFFF80  }
0x58: {  	_ =	swait.ge [sflag:s21], $0x80  }
0x59: {  	[sflag:s21] =	ssyncset.done $0x0  }
0x5a: {  	[sflag:s21] =	ssyncadd.s32 $0xFFFFFF80  }
0x5b: {  	_ =	swait.ge [sflag:s21], $0x80  }
0x5c: {  	[sflag:s21] =	ssyncset.done $0x0  }
0x5d: {  	[sflag:s21] =	ssyncadd.s32 $0xFFFFFF80  }
0x5e: {  	_ =	swait.ge [sflag:s21], $0x80  }
0x5f: {  	[sflag:s21] =	ssyncset.done $0x0  }
0x60: {  	[sflag:s21] =	ssyncadd.s32 $0xFFFFFF80  }
0x61: {  	_ =	swait.ge [sflag:s22], $0x80  }
0x62: {  	[sflag:s22] =	ssyncset.done $0x0  }
0x63: {  	[sflag:s22] =	ssyncadd.s32 $0xFFFFFF80  }
0x64: {  	[hbm4b:s23+s6] =	stream.indirect.scatter [tilespmem:s14], [sflag:$0x4], $0x1, s3, s6, $0xb8;
	[tilespmem:$0x600] =	vst v63  }
0x65: {  	_ =	swait.ge [sflag:s22], $0x80  }
0x66: {  	[sflag:s22] =	ssyncset.done $0x0  }
0x67: {  	[sflag:s22] =	ssyncadd.s32 $0xFFFFFF80  }
0x68: {  	[hbm4b:s23+s6] =	stream.indirect.scatter [tilespmem:s16], [sflag:$0x4], $0x1, s6, s6, $0xb8;
	[tilespmem:$0x600] =	vst v63  }
0x69: {  	_ =	swait.ge [sflag:s22], $0x80  }
0x6a: {  	[sflag:s22] =	ssyncset.done $0x0  }
0x6b: {  	[sflag:s22] =	ssyncadd.s32 $0xFFFFFF80  }
0x6c: {  	[hbm4b:s23+s6] =	stream.indirect.scatter [tilespmem:s18], [sflag:$0x4], $0x1, s8, s6, $0xb8;
	[tilespmem:$0x600] =	vst v63  }
0x6d: {  	_ =	swait.ge [sflag:s22], $0x80  }
0x6e: {  	[sflag:s22] =	ssyncset.done $0x0  }
0x6f: {  	[sflag:s22] =	ssyncadd.s32 $0xFFFFFF80  }
0x70: {  	[hbm4b:s23+s6] =	stream.indirect.scatter [tilespmem:s20], [sflag:$0x4], $0x1, s10, s6, $0xb8;
	[tilespmem:$0x600] =	vst v63  }
0x71: {  	_ =	swait.ge [sflag:s24], $0x80  }
0x72: {  	[sflag:s24] =	ssyncset.done $0x0  }
0x73: {  	[sflag:s24] =	ssyncadd.s32 $0xFFFFFF80  }
0x74: {  	_ =	swait.ge [sflag:s24], $0x80  }
0x75: {  	[sflag:s24] =	ssyncset.done $0x0  }
0x76: {  	[sflag:s24] =	ssyncadd.s32 $0xFFFFFF80  }
.Ltmp1:
0x77: {  	_ =	swait.ge [sflag:s24], $0x80;
	(pc) =	sbr.rel @p0 .LBB2_1-.Ltmp1, $4  }
0x78: {  	[sflag:s24] =	ssyncset.done $0x0  }
0x79: {  	[sflag:s24] =	ssyncadd.s32 $0xFFFFFF80  }
0x7a: {  	_ =	swait.ge [sflag:s24], $0x80  }
0x7b: {  	[sflag:s24] =	ssyncset.done $0x0  }
.LBB2_2:
0x7c: {  	[sflag:s24] =	ssyncadd.s32 $0xFFFFFF80  }
0x7d: {  	_ =	sfence.sel $0x180000  }
0x7e: {  	[bflag:$0x0] =	sbarrier.arrive $0xFFFF  }
0x7f: {  	p0 =	sne.s32 s1, $0x0;
	_ =	strace $0x9000004A  }
0x80: {  	s0 =	sadd.s32 @!p0 $0x100000, s0;
	[bflag:$0x2] =	sbarrier.arrive $0xFFFF  }
0x81: {  	[sflag:s0] =	ssyncadd.tile.s32 @!p0 $0x1;
	_ =	shalt  }
.Lfunc_end2:
_tile_overlayer_lowered:
.L_overlay_start_2:
0x82: {  	(tag) =	ssettag $0x2  }
0x83: {  	s0 =	rddreg [dreg:$0x0];
	s2 =	stileid.u32  }
0x84: {  	s1 =	rddreg [dreg:$0x1];
	p0 =	sne.s32 s2, $0x0  }
0x85: {  	s3 =	rddreg [dreg:$0x2];
	[bflag:$0x3] =	sbarrier.arrive $0xFFFF;
	s2 =	simm.s32 @!p0 $0x1C05  }
0x86: {  	[timem:s3], [sflag:s2] =	dma.local @!p0 [hbm:s0], s1  }
0x87: {  	s0 =	simm.s32 @!p0 $0x5  }
0x88: {  	_ =	swait.ge @!p0 [sflag:s0], s1  }
0x89: {  	s1 =	ssub.s32 @!p0 $0x0, s1;
	[sflag:s0] =	ssyncset.done @!p0 $0x0  }
0x8a: {  	[sflag:s0] =	ssyncadd.s32 @!p0 s1  }
0x8b: {  	[bflag:$0x3] =	sbarrier.arrive $0xFFFF  }
0x8c: {  	_ =	shalt  }

</sc_bundles>
